<compile_context>
chip_gen: v7x
topology: tpu7x:2x2x1
jax: 0.10.2.dev20260603
libtpu: 0.0.44.dev20260713+nightly
codegen_flags: <defaults>
</compile_context>

<pallas_src>
import functools

import jax
import jax.numpy as jnp
from jax import lax
from jax.experimental import pallas as pl
from jax.experimental.pallas import tpu as pltpu
from jax.experimental.pallas import tpu_sc as plsc

B = 16
S = 1024
D = 2048
NC = 2
NS = 16
NW = NC * NS
S_PER_W = S // NW
C = 8
SUB = S_PER_W // C
TASKS = B * SUB
L = 16
UNROLL = 8
WQ = 2


def _add_wpe_rows(buf, wpe_v, u, r0, nrows):
  for r in range(r0, r0 + nrows):
    row = u * C + r

    @plsc.parallel_loop(0, D // L, unroll=UNROLL)
    def addbody(j, r=r, row=row):
      off = j * L
      plsc.addupdate(buf.at[r, pl.ds(off, L)], wpe_v[row, pl.ds(off, L)])


def _body(idx_hbm, wte_hbm, wpe_hbm, out_hbm, idx_v, wpe_v, buf0, buf1,
          sg0, sg1, so0, so1):
  wid = lax.axis_index("s") * NC + lax.axis_index("c")
  s0 = wid * S_PER_W

  bufs = (buf0, buf1)
  gsems = (sg0, sg1)
  osems = (so0, so1)

  for bb in range(B):
    pltpu.async_copy(
        idx_hbm.at[pl.ds(bb * S + s0, S_PER_W)], idx_v.at[bb], sg1)
  for bb in range(B):
    pltpu.make_async_copy(
        idx_hbm.at[pl.ds(bb * S + s0, S_PER_W)], idx_v.at[bb], sg1).wait()

  def out_base(t):
    return (t // SUB) * S + s0 + (t % SUB) * C

  pltpu.async_copy(wte_hbm.at[idx_v.at[0, pl.ds(0, C)]], buf0, sg0)
  pltpu.sync_copy(wpe_hbm.at[pl.ds(s0, S_PER_W)], wpe_v)

  def step(b, _):
    for u in range(SUB):
      t = SUB * b + u
      p = u % 2
      buf, sg, so = bufs[p], gsems[p], osems[p]
      nbuf, nsg, nso = bufs[p ^ 1], gsems[p ^ 1], osems[p ^ 1]

      @pl.when(t + 1 < TASKS)
      def _prefetch():
        @pl.when(t >= 1)
        def _drain():
          pltpu.make_async_copy(
              nbuf, out_hbm.at[pl.ds(out_base(t - 1), C)], nso).wait()

        tn = t + 1
        pltpu.async_copy(
            wte_hbm.at[idx_v.at[tn // SUB, pl.ds((tn % SUB) * C, C)]],
            nbuf, nsg)

      pltpu.make_async_copy(
          wte_hbm.at[idx_v.at[t // SUB, pl.ds((t % SUB) * C, C)]],
          buf, sg).wait()
      for h in range(C // WQ):
        _add_wpe_rows(buf, wpe_v, u, h * WQ, WQ)
        pltpu.async_copy(
            buf.at[pl.ds(h * WQ, WQ)],
            out_hbm.at[pl.ds(out_base(t) + h * WQ, WQ)], so)
    return _

  lax.fori_loop(0, B, step, 0)

  for t in (TASKS - 2, TASKS - 1):
    p = t % 2
    pltpu.make_async_copy(
        bufs[p], out_hbm.at[pl.ds(out_base(t), C)], osems[p]).wait()


@functools.partial(
    pl.kernel,
    out_type=jax.ShapeDtypeStruct((B * S, D), jnp.float32),
    mesh=plsc.VectorSubcoreMesh(core_axis_name="c", subcore_axis_name="s"),
    scratch_types=[
        pltpu.VMEM((B, S_PER_W), jnp.int32),
        pltpu.VMEM((S_PER_W, D), jnp.float32),
        pltpu.VMEM((C, D), jnp.float32),
        pltpu.VMEM((C, D), jnp.float32),
        pltpu.SemaphoreType.DMA,
        pltpu.SemaphoreType.DMA,
        pltpu.SemaphoreType.DMA,
        pltpu.SemaphoreType.DMA,
    ],
)
def _embed_kernel(idx_hbm, wte_hbm, wpe_hbm, out_hbm, idx_v, wpe_v, buf0, buf1,
                  sg0, sg1, so0, so1):
  _body(idx_hbm, wte_hbm, wpe_hbm, out_hbm, idx_v, wpe_v, buf0, buf1,
        sg0, sg1, so0, so1)


def kernel(input_ids, wte, wpe):
  ids = input_ids.astype(jnp.int32).reshape(B * S)
  out = _embed_kernel(ids, wte, wpe)
  return out.reshape(B, S, D)

# --- scband reference (transcript-rebuilt; emitter-appended) ---
"""Pipeline reference for scband-gpt2-embeddings-76553497084138 (READ-ONLY COPY).

The authoritative reference and input builder live on the scoring server;
editing this copy changes nothing except your own understanding.
"""

import jax, jax.numpy as jnp
import numpy as np

VOCAB_SIZE = 50257
D_MODEL = 2048
MAX_LEN = 1024
BATCH = 16
SEQ_LEN = 1024


def setup_inputs(seed: int = 0) -> dict:
    key = jax.random.key(seed)
    k_ids, k_wte, k_wpe = jax.random.split(key, 3)
    input_ids = jax.random.randint(k_ids, (BATCH, SEQ_LEN), 0, VOCAB_SIZE, dtype=jnp.int64 if jax.config.jax_enable_x64 else jnp.int32)
    wte = jax.random.normal(k_wte, (VOCAB_SIZE, D_MODEL), dtype=jnp.float32) * 0.02
    wpe = jax.random.normal(k_wpe, (MAX_LEN, D_MODEL), dtype=jnp.float32) * 0.02
    return {"input_ids": input_ids, "wte": wte, "wpe": wpe}


def reference(input_ids, wte, wpe):
    # token embedding gather
    tok_emb = jnp.take(wte, input_ids, axis=0)  # [B, S, D]
    seq_len = input_ids.shape[1]
    positions = jnp.arange(seq_len)  # [S]
    pos_emb = jnp.take(wpe, positions, axis=0)  # [S, D]
    return tok_emb + pos_emb[None, :, :]

if __name__ == "__main__":
    import jax
    _d = setup_inputs()
    print(jax.jit(kernel)(*tuple(_d.values())))

</pallas_src>

<mosaic_0001>
#map = affine_map<(d0, d1) -> (0)>
#map1 = affine_map<(d0, d1) -> (0, 0)>
module attributes {stable_mosaic.version = 14 : i64} {
  func.func @_embed_kernel(%arg0: i32, %arg1: i32, %arg2: memref<16384xi32, #tpu.memory_space<hbm>>, %arg3: memref<50257x2048xf32, #tpu.memory_space<hbm>>, %arg4: memref<1024x2048xf32, #tpu.memory_space<hbm>>, %arg5: memref<16384x2048xf32, #tpu.memory_space<hbm>>, %arg6: memref<16x32xi32, #tpu.memory_space<vmem>>, %arg7: memref<32x2048xf32, #tpu.memory_space<vmem>>, %arg8: memref<8x2048xf32, #tpu.memory_space<vmem>>, %arg9: memref<8x2048xf32, #tpu.memory_space<vmem>>, %arg10: memref<!tpu.dma_semaphore, #tpu.memory_space<semaphore_mem>>, %arg11: memref<!tpu.dma_semaphore, #tpu.memory_space<semaphore_mem>>, %arg12: memref<!tpu.dma_semaphore, #tpu.memory_space<semaphore_mem>>, %arg13: memref<!tpu.dma_semaphore, #tpu.memory_space<semaphore_mem>>) attributes {dimension_semantics = [#tpu.dimension_semantics<core_parallel>, #tpu.dimension_semantics<subcore_parallel>], iteration_bounds = array<i64: 2, 16>, scalar_prefetch = 0 : i64, scratch_operands = 8 : i64, tpu.core_type = #tpu.core_type<sc_vector_subcore>, window_params = [{transform_indices = #map}, {transform_indices = #map1}, {transform_indices = #map1}, {transform_indices = #map1}]} {
    %mul3A = arith.constant 2 : i32
    %mul3A_0 = arith.muli %arg1, %mul3A : i32
    %add3A = arith.addi %mul3A_0, %arg0 : i32
    %mul3A_1 = arith.constant 32 : i32
    %mul3A_2 = arith.muli %add3A, %mul3A_1 : i32
    %add3A_3 = arith.constant 0 : i32
    %add3A_4 = arith.addi %add3A_3, %mul3A_2 : i32
    %dma_start3A = arith.constant 0 : i32
    %dma_start3A_5 = arith.constant 0 : i32
    %dma_start3A_6 = tpu.memref_slice %arg6[%dma_start3A, %dma_start3A_5] : memref<16x32xi32, #tpu.memory_space<vmem>> -> memref<1x32xi32, #tpu.memory_space<vmem>>
    %dma_start3A_7 = tpu.memref_squeeze %dma_start3A_6 : memref<1x32xi32, #tpu.memory_space<vmem>> -> memref<32xi32, #tpu.memory_space<vmem>>
    %dma_start3A_8 = tpu.memref_slice %arg2[%add3A_4] : memref<16384xi32, #tpu.memory_space<hbm>> -> memref<32xi32, #tpu.memory_space<hbm>>
    %dma_start3A_9 = arith.constant 0 : i32
    %dma_start3A_10 = tpu.memref_slice %arg6[%dma_start3A, %dma_start3A_9] : memref<16x32xi32, #tpu.memory_space<vmem>> -> memref<1x32xi32, #tpu.memory_space<vmem>>
    %dma_start3A_11 = tpu.memref_squeeze %dma_start3A_10 : memref<1x32xi32, #tpu.memory_space<vmem>> -> memref<32xi32, #tpu.memory_space<vmem>>
    %dma_start3A_12 = tpu.memref_slice %arg2[%add3A_4] : memref<16384xi32, #tpu.memory_space<hbm>> -> memref<32xi32, #tpu.memory_space<hbm>>
    tpu.enqueue_dma source(%dma_start3A_12 : memref<32xi32, #tpu.memory_space<hbm>>) target(%dma_start3A_11 : memref<32xi32, #tpu.memory_space<vmem>>) target_semaphore(%arg11 : memref<!tpu.dma_semaphore, #tpu.memory_space<semaphore_mem>>)
    %add3A_13 = arith.constant 1024 : i32
    %add3A_14 = arith.addi %add3A_13, %mul3A_2 : i32
    %dma_start3A_15 = arith.constant 1 : i32
    %dma_start3A_16 = arith.constant 0 : i32
    %dma_start3A_17 = tpu.memref_slice %arg6[%dma_start3A_15, %dma_start3A_16] : memref<16x32xi32, #tpu.memory_space<vmem>> -> memref<1x32xi32, #tpu.memory_space<vmem>>
    %dma_start3A_18 = tpu.memref_squeeze %dma_start3A_17 : memref<1x32xi32, #tpu.memory_space<vmem>> -> memref<32xi32, #tpu.memory_space<vmem>>
    %dma_start3A_19 = tpu.memref_slice %arg2[%add3A_14] : memref<16384xi32, #tpu.memory_space<hbm>> -> memref<32xi32, #tpu.memory_space<hbm>>
    %dma_start3A_20 = arith.constant 0 : i32
    %dma_start3A_21 = tpu.memref_slice %arg6[%dma_start3A_15, %dma_start3A_20] : memref<16x32xi32, #tpu.memory_space<vmem>> -> memref<1x32xi32, #tpu.memory_space<vmem>>
    %dma_start3A_22 = tpu.memref_squeeze %dma_start3A_21 : memref<1x32xi32, #tpu.memory_space<vmem>> -> memref<32xi32, #tpu.memory_space<vmem>>
    %dma_start3A_23 = tpu.memref_slice %arg2[%add3A_14] : memref<16384xi32, #tpu.memory_space<hbm>> -> memref<32xi32, #tpu.memory_space<hbm>>
    tpu.enqueue_dma source(%dma_start3A_23 : memref<32xi32, #tpu.memory_space<hbm>>) target(%dma_start3A_22 : memref<32xi32, #tpu.memory_space<vmem>>) target_semaphore(%arg11 : memref<!tpu.dma_semaphore, #tpu.memory_space<semaphore_mem>>)
    %add3A_24 = arith.constant 2048 : i32
    %add3A_25 = arith.addi %add3A_24, %mul3A_2 : i32
    %dma_start3A_26 = arith.constant 2 : i32
    %dma_start3A_27 = arith.constant 0 : i32
    %dma_start3A_28 = tpu.memref_slice %arg6[%dma_start3A_26, %dma_start3A_27] : memref<16x32xi32, #tpu.memory_space<vmem>> -> memref<1x32xi32, #tpu.memory_space<vmem>>
    %dma_start3A_29 = tpu.memref_squeeze %dma_start3A_28 : memref<1x32xi32, #tpu.memory_space<vmem>> -> memref<32xi32, #tpu.memory_space<vmem>>
    %dma_start3A_30 = tpu.memref_slice %arg2[%add3A_25] : memref<16384xi32, #tpu.memory_space<hbm>> -> memref<32xi32, #tpu.memory_space<hbm>>
    %dma_start3A_31 = arith.constant 0 : i32
    %dma_start3A_32 = tpu.memref_slice %arg6[%dma_start3A_26, %dma_start3A_31] : memref<16x32xi32, #tpu.memory_space<vmem>> -> memref<1x32xi32, #tpu.memory_space<vmem>>
    %dma_start3A_33 = tpu.memref_squeeze %dma_start3A_32 : memref<1x32xi32, #tpu.memory_space<vmem>> -> memref<32xi32, #tpu.memory_space<vmem>>
    %dma_start3A_34 = tpu.memref_slice %arg2[%add3A_25] : memref<16384xi32, #tpu.memory_space<hbm>> -> memref<32xi32, #tpu.memory_space<hbm>>
    tpu.enqueue_dma source(%dma_start3A_34 : memref<32xi32, #tpu.memory_space<hbm>>) target(%dma_start3A_33 : memref<32xi32, #tpu.memory_space<vmem>>) target_semaphore(%arg11 : memref<!tpu.dma_semaphore, #tpu.memory_space<semaphore_mem>>)
    %add3A_35 = arith.constant 3072 : i32
    %add3A_36 = arith.addi %add3A_35, %mul3A_2 : i32
    %dma_start3A_37 = arith.constant 3 : i32
    %dma_start3A_38 = arith.constant 0 : i32
    %dma_start3A_39 = tpu.memref_slice %arg6[%dma_start3A_37, %dma_start3A_38] : memref<16x32xi32, #tpu.memory_space<vmem>> -> memref<1x32xi32, #tpu.memory_space<vmem>>
    %dma_start3A_40 = tpu.memref_squeeze %dma_start3A_39 : memref<1x32xi32, #tpu.memory_space<vmem>> -> memref<32xi32, #tpu.memory_space<vmem>>
    %dma_start3A_41 = tpu.memref_slice %arg2[%add3A_36] : memref<16384xi32, #tpu.memory_space<hbm>> -> memref<32xi32, #tpu.memory_space<hbm>>
    %dma_start3A_42 = arith.constant 0 : i32
    %dma_start3A_43 = tpu.memref_slice %arg6[%dma_start3A_37, %dma_start3A_42] : memref<16x32xi32, #tpu.memory_space<vmem>> -> memref<1x32xi32, #tpu.memory_space<vmem>>
    %dma_start3A_44 = tpu.memref_squeeze %dma_start3A_43 : memref<1x32xi32, #tpu.memory_space<vmem>> -> memref<32xi32, #tpu.memory_space<vmem>>
    %dma_start3A_45 = tpu.memref_slice %arg2[%add3A_36] : memref<16384xi32, #tpu.memory_space<hbm>> -> memref<32xi32, #tpu.memory_space<hbm>>
    tpu.enqueue_dma source(%dma_start3A_45 : memref<32xi32, #tpu.memory_space<hbm>>) target(%dma_start3A_44 : memref<32xi32, #tpu.memory_space<vmem>>) target_semaphore(%arg11 : memref<!tpu.dma_semaphore, #tpu.memory_space<semaphore_mem>>)
    %add3A_46 = arith.constant 4096 : i32
    %add3A_47 = arith.addi %add3A_46, %mul3A_2 : i32
    %dma_start3A_48 = arith.constant 4 : i32
    %dma_start3A_49 = arith.constant 0 : i32
    %dma_start3A_50 = tpu.memref_slice %arg6[%dma_start3A_48, %dma_start3A_49] : memref<16x32xi32, #tpu.memory_space<vmem>> -> memref<1x32xi32, #tpu.memory_space<vmem>>
    %dma_start3A_51 = tpu.memref_squeeze %dma_start3A_50 : memref<1x32xi32, #tpu.memory_space<vmem>> -> memref<32xi32, #tpu.memory_space<vmem>>
    %dma_start3A_52 = tpu.memref_slice %arg2[%add3A_47] : memref<16384xi32, #tpu.memory_space<hbm>> -> memref<32xi32, #tpu.memory_space<hbm>>
    %dma_start3A_53 = arith.constant 0 : i32
    %dma_start3A_54 = tpu.memref_slice %arg6[%dma_start3A_48, %dma_start3A_53] : memref<16x32xi32, #tpu.memory_space<vmem>> -> memref<1x32xi32, #tpu.memory_space<vmem>>
    %dma_start3A_55 = tpu.memref_squeeze %dma_start3A_54 : memref<1x32xi32, #tpu.memory_space<vmem>> -> memref<32xi32, #tpu.memory_space<vmem>>
    %dma_start3A_56 = tpu.memref_slice %arg2[%add3A_47] : memref<16384xi32, #tpu.memory_space<hbm>> -> memref<32xi32, #tpu.memory_space<hbm>>
    tpu.enqueue_dma source(%dma_start3A_56 : memref<32xi32, #tpu.memory_space<hbm>>) target(%dma_start3A_55 : memref<32xi32, #tpu.memory_space<vmem>>) target_semaphore(%arg11 : memref<!tpu.dma_semaphore, #tpu.memory_space<semaphore_mem>>)
    %add3A_57 = arith.constant 5120 : i32
    %add3A_58 = arith.addi %add3A_57, %mul3A_2 : i32
    %dma_start3A_59 = arith.constant 5 : i32
    %dma_start3A_60 = arith.constant 0 : i32
    %dma_start3A_61 = tpu.memref_slice %arg6[%dma_start3A_59, %dma_start3A_60] : memref<16x32xi32, #tpu.memory_space<vmem>> -> memref<1x32xi32, #tpu.memory_space<vmem>>
    %dma_start3A_62 = tpu.memref_squeeze %dma_start3A_61 : memref<1x32xi32, #tpu.memory_space<vmem>> -> memref<32xi32, #tpu.memory_space<vmem>>
    %dma_start3A_63 = tpu.memref_slice %arg2[%add3A_58] : memref<16384xi32, #tpu.memory_space<hbm>> -> memref<32xi32, #tpu.memory_space<hbm>>
    %dma_start3A_64 = arith.constant 0 : i32
    %dma_start3A_65 = tpu.memref_slice %arg6[%dma_start3A_59, %dma_start3A_64] : memref<16x32xi32, #tpu.memory_space<vmem>> -> memref<1x32xi32, #tpu.memory_space<vmem>>
    %dma_start3A_66 = tpu.memref_squeeze %dma_start3A_65 : memref<1x32xi32, #tpu.memory_space<vmem>> -> memref<32xi32, #tpu.memory_space<vmem>>
    %dma_start3A_67 = tpu.memref_slice %arg2[%add3A_58] : memref<16384xi32, #tpu.memory_space<hbm>> -> memref<32xi32, #tpu.memory_space<hbm>>
    tpu.enqueue_dma source(%dma_start3A_67 : memref<32xi32, #tpu.memory_space<hbm>>) target(%dma_start3A_66 : memref<32xi32, #tpu.memory_space<vmem>>) target_semaphore(%arg11 : memref<!tpu.dma_semaphore, #tpu.memory_space<semaphore_mem>>)
    %add3A_68 = arith.constant 6144 : i32
    %add3A_69 = arith.addi %add3A_68, %mul3A_2 : i32
    %dma_start3A_70 = arith.constant 6 : i32
    %dma_start3A_71 = arith.constant 0 : i32
    %dma_start3A_72 = tpu.memref_slice %arg6[%dma_start3A_70, %dma_start3A_71] : memref<16x32xi32, #tpu.memory_space<vmem>> -> memref<1x32xi32, #tpu.memory_space<vmem>>
    %dma_start3A_73 = tpu.memref_squeeze %dma_start3A_72 : memref<1x32xi32, #tpu.memory_space<vmem>> -> memref<32xi32, #tpu.memory_space<vmem>>
    %dma_start3A_74 = tpu.memref_slice %arg2[%add3A_69] : memref<16384xi32, #tpu.memory_space<hbm>> -> memref<32xi32, #tpu.memory_space<hbm>>
    %dma_start3A_75 = arith.constant 0 : i32
    %dma_start3A_76 = tpu.memref_slice %arg6[%dma_start3A_70, %dma_start3A_75] : memref<16x32xi32, #tpu.memory_space<vmem>> -> memref<1x32xi32, #tpu.memory_space<vmem>>
    %dma_start3A_77 = tpu.memref_squeeze %dma_start3A_76 : memref<1x32xi32, #tpu.memory_space<vmem>> -> memref<32xi32, #tpu.memory_space<vmem>>
    %dma_start3A_78 = tpu.memref_slice %arg2[%add3A_69] : memref<16384xi32, #tpu.memory_space<hbm>> -> memref<32xi32, #tpu.memory_space<hbm>>
    tpu.enqueue_dma source(%dma_start3A_78 : memref<32xi32, #tpu.memory_space<hbm>>) target(%dma_start3A_77 : memref<32xi32, #tpu.memory_space<vmem>>) target_semaphore(%arg11 : memref<!tpu.dma_semaphore, #tpu.memory_space<semaphore_mem>>)
    %add3A_79 = arith.constant 7168 : i32
    %add3A_80 = arith.addi %add3A_79, %mul3A_2 : i32
    %dma_start3A_81 = arith.constant 7 : i32
    %dma_start3A_82 = arith.constant 0 : i32
    %dma_start3A_83 = tpu.memref_slice %arg6[%dma_start3A_81, %dma_start3A_82] : memref<16x32xi32, #tpu.memory_space<vmem>> -> memref<1x32xi32, #tpu.memory_space<vmem>>
    %dma_start3A_84 = tpu.memref_squeeze %dma_start3A_83 : memref<1x32xi32, #tpu.memory_space<vmem>> -> memref<32xi32, #tpu.memory_space<vmem>>
    %dma_start3A_85 = tpu.memref_slice %arg2[%add3A_80] : memref<16384xi32, #tpu.memory_space<hbm>> -> memref<32xi32, #tpu.memory_space<hbm>>
    %dma_start3A_86 = arith.constant 0 : i32
    %dma_start3A_87 = tpu.memref_slice %arg6[%dma_start3A_81, %dma_start3A_86] : memref<16x32xi32, #tpu.memory_space<vmem>> -> memref<1x32xi32, #tpu.memory_space<vmem>>
    %dma_start3A_88 = tpu.memref_squeeze %dma_start3A_87 : memref<1x32xi32, #tpu.memory_space<vmem>> -> memref<32xi32, #tpu.memory_space<vmem>>
    %dma_start3A_89 = tpu.memref_slice %arg2[%add3A_80] : memref<16384xi32, #tpu.memory_space<hbm>> -> memref<32xi32, #tpu.memory_space<hbm>>
    tpu.enqueue_dma source(%dma_start3A_89 : memref<32xi32, #tpu.memory_space<hbm>>) target(%dma_start3A_88 : memref<32xi32, #tpu.memory_space<vmem>>) target_semaphore(%arg11 : memref<!tpu.dma_semaphore, #tpu.memory_space<semaphore_mem>>)
    %add3A_90 = arith.constant 8192 : i32
    %add3A_91 = arith.addi %add3A_90, %mul3A_2 : i32
    %dma_start3A_92 = arith.constant 8 : i32
    %dma_start3A_93 = arith.constant 0 : i32
    %dma_start3A_94 = tpu.memref_slice %arg6[%dma_start3A_92, %dma_start3A_93] : memref<16x32xi32, #tpu.memory_space<vmem>> -> memref<1x32xi32, #tpu.memory_space<vmem>>
    %dma_start3A_95 = tpu.memref_squeeze %dma_start3A_94 : memref<1x32xi32, #tpu.memory_space<vmem>> -> memref<32xi32, #tpu.memory_space<vmem>>
    %dma_start3A_96 = tpu.memref_slice %arg2[%add3A_91] : memref<16384xi32, #tpu.memory_space<hbm>> -> memref<32xi32, #tpu.memory_space<hbm>>
    %dma_start3A_97 = arith.constant 0 : i32
    %dma_start3A_98 = tpu.memref_slice %arg6[%dma_start3A_92, %dma_start3A_97] : memref<16x32xi32, #tpu.memory_space<vmem>> -> memref<1x32xi32, #tpu.memory_space<vmem>>
    %dma_start3A_99 = tpu.memref_squeeze %dma_start3A_98 : memref<1x32xi32, #tpu.memory_space<vmem>> -> memref<32xi32, #tpu.memory_space<vmem>>
    %dma_start3A_100 = tpu.memref_slice %arg2[%add3A_91] : memref<16384xi32, #tpu.memory_space<hbm>> -> memref<32xi32, #tpu.memory_space<hbm>>
    tpu.enqueue_dma source(%dma_start3A_100 : memref<32xi32, #tpu.memory_space<hbm>>) target(%dma_start3A_99 : memref<32xi32, #tpu.memory_space<vmem>>) target_semaphore(%arg11 : memref<!tpu.dma_semaphore, #tpu.memory_space<semaphore_mem>>)
    %add3A_101 = arith.constant 9216 : i32
    %add3A_102 = arith.addi %add3A_101, %mul3A_2 : i32
    %dma_start3A_103 = arith.constant 9 : i32
    %dma_start3A_104 = arith.constant 0 : i32
    %dma_start3A_105 = tpu.memref_slice %arg6[%dma_start3A_103, %dma_start3A_104] : memref<16x32xi32, #tpu.memory_space<vmem>> -> memref<1x32xi32, #tpu.memory_space<vmem>>
    %dma_start3A_106 = tpu.memref_squeeze %dma_start3A_105 : memref<1x32xi32, #tpu.memory_space<vmem>> -> memref<32xi32, #tpu.memory_space<vmem>>
    %dma_start3A_107 = tpu.memref_slice %arg2[%add3A_102] : memref<16384xi32, #tpu.memory_space<hbm>> -> memref<32xi32, #tpu.memory_space<hbm>>
    %dma_start3A_108 = arith.constant 0 : i32
    %dma_start3A_109 = tpu.memref_slice %arg6[%dma_start3A_103, %dma_start3A_108] : memref<16x32xi32, #tpu.memory_space<vmem>> -> memref<1x32xi32, #tpu.memory_space<vmem>>
    %dma_start3A_110 = tpu.memref_squeeze %dma_start3A_109 : memref<1x32xi32, #tpu.memory_space<vmem>> -> memref<32xi32, #tpu.memory_space<vmem>>
    %dma_start3A_111 = tpu.memref_slice %arg2[%add3A_102] : memref<16384xi32, #tpu.memory_space<hbm>> -> memref<32xi32, #tpu.memory_space<hbm>>
    tpu.enqueue_dma source(%dma_start3A_111 : memref<32xi32, #tpu.memory_space<hbm>>) target(%dma_start3A_110 : memref<32xi32, #tpu.memory_space<vmem>>) target_semaphore(%arg11 : memref<!tpu.dma_semaphore, #tpu.memory_space<semaphore_mem>>)
    %add3A_112 = arith.constant 10240 : i32
    %add3A_113 = arith.addi %add3A_112, %mul3A_2 : i32
    %dma_start3A_114 = arith.constant 10 : i32
    %dma_start3A_115 = arith.constant 0 : i32
    %dma_start3A_116 = tpu.memref_slice %arg6[%dma_start3A_114, %dma_start3A_115] : memref<16x32xi32, #tpu.memory_space<vmem>> -> memref<1x32xi32, #tpu.memory_space<vmem>>
    %dma_start3A_117 = tpu.memref_squeeze %dma_start3A_116 : memref<1x32xi32, #tpu.memory_space<vmem>> -> memref<32xi32, #tpu.memory_space<vmem>>
    %dma_start3A_118 = tpu.memref_slice %arg2[%add3A_113] : memref<16384xi32, #tpu.memory_space<hbm>> -> memref<32xi32, #tpu.memory_space<hbm>>
    %dma_start3A_119 = arith.constant 0 : i32
    %dma_start3A_120 = tpu.memref_slice %arg6[%dma_start3A_114, %dma_start3A_119] : memref<16x32xi32, #tpu.memory_space<vmem>> -> memref<1x32xi32, #tpu.memory_space<vmem>>
    %dma_start3A_121 = tpu.memref_squeeze %dma_start3A_120 : memref<1x32xi32, #tpu.memory_space<vmem>> -> memref<32xi32, #tpu.memory_space<vmem>>
    %dma_start3A_122 = tpu.memref_slice %arg2[%add3A_113] : memref<16384xi32, #tpu.memory_space<hbm>> -> memref<32xi32, #tpu.memory_space<hbm>>
    tpu.enqueue_dma source(%dma_start3A_122 : memref<32xi32, #tpu.memory_space<hbm>>) target(%dma_start3A_121 : memref<32xi32, #tpu.memory_space<vmem>>) target_semaphore(%arg11 : memref<!tpu.dma_semaphore, #tpu.memory_space<semaphore_mem>>)
    %add3A_123 = arith.constant 11264 : i32
    %add3A_124 = arith.addi %add3A_123, %mul3A_2 : i32
    %dma_start3A_125 = arith.constant 11 : i32
    %dma_start3A_126 = arith.constant 0 : i32
    %dma_start3A_127 = tpu.memref_slice %arg6[%dma_start3A_125, %dma_start3A_126] : memref<16x32xi32, #tpu.memory_space<vmem>> -> memref<1x32xi32, #tpu.memory_space<vmem>>
    %dma_start3A_128 = tpu.memref_squeeze %dma_start3A_127 : memref<1x32xi32, #tpu.memory_space<vmem>> -> memref<32xi32, #tpu.memory_space<vmem>>
    %dma_start3A_129 = tpu.memref_slice %arg2[%add3A_124] : memref<16384xi32, #tpu.memory_space<hbm>> -> memref<32xi32, #tpu.memory_space<hbm>>
    %dma_start3A_130 = arith.constant 0 : i32
    %dma_start3A_131 = tpu.memref_slice %arg6[%dma_start3A_125, %dma_start3A_130] : memref<16x32xi32, #tpu.memory_space<vmem>> -> memref<1x32xi32, #tpu.memory_space<vmem>>
    %dma_start3A_132 = tpu.memref_squeeze %dma_start3A_131 : memref<1x32xi32, #tpu.memory_space<vmem>> -> memref<32xi32, #tpu.memory_space<vmem>>
    %dma_start3A_133 = tpu.memref_slice %arg2[%add3A_124] : memref<16384xi32, #tpu.memory_space<hbm>> -> memref<32xi32, #tpu.memory_space<hbm>>
    tpu.enqueue_dma source(%dma_start3A_133 : memref<32xi32, #tpu.memory_space<hbm>>) target(%dma_start3A_132 : memref<32xi32, #tpu.memory_space<vmem>>) target_semaphore(%arg11 : memref<!tpu.dma_semaphore, #tpu.memory_space<semaphore_mem>>)
    %add3A_134 = arith.constant 12288 : i32
    %add3A_135 = arith.addi %add3A_134, %mul3A_2 : i32
    %dma_start3A_136 = arith.constant 12 : i32
    %dma_start3A_137 = arith.constant 0 : i32
    %dma_start3A_138 = tpu.memref_slice %arg6[%dma_start3A_136, %dma_start3A_137] : memref<16x32xi32, #tpu.memory_space<vmem>> -> memref<1x32xi32, #tpu.memory_space<vmem>>
    %dma_start3A_139 = tpu.memref_squeeze %dma_start3A_138 : memref<1x32xi32, #tpu.memory_space<vmem>> -> memref<32xi32, #tpu.memory_space<vmem>>
    %dma_start3A_140 = tpu.memref_slice %arg2[%add3A_135] : memref<16384xi32, #tpu.memory_space<hbm>> -> memref<32xi32, #tpu.memory_space<hbm>>
    %dma_start3A_141 = arith.constant 0 : i32
    %dma_start3A_142 = tpu.memref_slice %arg6[%dma_start3A_136, %dma_start3A_141] : memref<16x32xi32, #tpu.memory_space<vmem>> -> memref<1x32xi32, #tpu.memory_space<vmem>>
    %dma_start3A_143 = tpu.memref_squeeze %dma_start3A_142 : memref<1x32xi32, #tpu.memory_space<vmem>> -> memref<32xi32, #tpu.memory_space<vmem>>
    %dma_start3A_144 = tpu.memref_slice %arg2[%add3A_135] : memref<16384xi32, #tpu.memory_space<hbm>> -> memref<32xi32, #tpu.memory_space<hbm>>
    tpu.enqueue_dma source(%dma_start3A_144 : memref<32xi32, #tpu.memory_space<hbm>>) target(%dma_start3A_143 : memref<32xi32, #tpu.memory_space<vmem>>) target_semaphore(%arg11 : memref<!tpu.dma_semaphore, #tpu.memory_space<semaphore_mem>>)
    %add3A_145 = arith.constant 13312 : i32
    %add3A_146 = arith.addi %add3A_145, %mul3A_2 : i32
    %dma_start3A_147 = arith.constant 13 : i32
    %dma_start3A_148 = arith.constant 0 : i32
    %dma_start3A_149 = tpu.memref_slice %arg6[%dma_start3A_147, %dma_start3A_148] : memref<16x32xi32, #tpu.memory_space<vmem>> -> memref<1x32xi32, #tpu.memory_space<vmem>>
    %dma_start3A_150 = tpu.memref_squeeze %dma_start3A_149 : memref<1x32xi32, #tpu.memory_space<vmem>> -> memref<32xi32, #tpu.memory_space<vmem>>
    %dma_start3A_151 = tpu.memref_slice %arg2[%add3A_146] : memref<16384xi32, #tpu.memory_space<hbm>> -> memref<32xi32, #tpu.memory_space<hbm>>
    %dma_start3A_152 = arith.constant 0 : i32
    %dma_start3A_153 = tpu.memref_slice %arg6[%dma_start3A_147, %dma_start3A_152] : memref<16x32xi32, #tpu.memory_space<vmem>> -> memref<1x32xi32, #tpu.memory_space<vmem>>
    %dma_start3A_154 = tpu.memref_squeeze %dma_start3A_153 : memref<1x32xi32, #tpu.memory_space<vmem>> -> memref<32xi32, #tpu.memory_space<vmem>>
    %dma_start3A_155 = tpu.memref_slice %arg2[%add3A_146] : memref<16384xi32, #tpu.memory_space<hbm>> -> memref<32xi32, #tpu.memory_space<hbm>>
    tpu.enqueue_dma source(%dma_start3A_155 : memref<32xi32, #tpu.memory_space<hbm>>) target(%dma_start3A_154 : memref<32xi32, #tpu.memory_space<vmem>>) target_semaphore(%arg11 : memref<!tpu.dma_semaphore, #tpu.memory_space<semaphore_mem>>)
    %add3A_156 = arith.constant 14336 : i32
    %add3A_157 = arith.addi %add3A_156, %mul3A_2 : i32
    %dma_start3A_158 = arith.constant 14 : i32
    %dma_start3A_159 = arith.constant 0 : i32
    %dma_start3A_160 = tpu.memref_slice %arg6[%dma_start3A_158, %dma_start3A_159] : memref<16x32xi32, #tpu.memory_space<vmem>> -> memref<1x32xi32, #tpu.memory_space<vmem>>
    %dma_start3A_161 = tpu.memref_squeeze %dma_start3A_160 : memref<1x32xi32, #tpu.memory_space<vmem>> -> memref<32xi32, #tpu.memory_space<vmem>>
    %dma_start3A_162 = tpu.memref_slice %arg2[%add3A_157] : memref<16384xi32, #tpu.memory_space<hbm>> -> memref<32xi32, #tpu.memory_space<hbm>>
    %dma_start3A_163 = arith.constant 0 : i32
    %dma_start3A_164 = tpu.memref_slice %arg6[%dma_start3A_158, %dma_start3A_163] : memref<16x32xi32, #tpu.memory_space<vmem>> -> memref<1x32xi32, #tpu.memory_space<vmem>>
    %dma_start3A_165 = tpu.memref_squeeze %dma_start3A_164 : memref<1x32xi32, #tpu.memory_space<vmem>> -> memref<32xi32, #tpu.memory_space<vmem>>
    %dma_start3A_166 = tpu.memref_slice %arg2[%add3A_157] : memref<16384xi32, #tpu.memory_space<hbm>> -> memref<32xi32, #tpu.memory_space<hbm>>
    tpu.enqueue_dma source(%dma_start3A_166 : memref<32xi32, #tpu.memory_space<hbm>>) target(%dma_start3A_165 : memref<32xi32, #tpu.memory_space<vmem>>) target_semaphore(%arg11 : memref<!tpu.dma_semaphore, #tpu.memory_space<semaphore_mem>>)
    %add3A_167 = arith.constant 15360 : i32
    %add3A_168 = arith.addi %add3A_167, %mul3A_2 : i32
    %dma_start3A_169 = arith.constant 15 : i32
    %dma_start3A_170 = arith.constant 0 : i32
    %dma_start3A_171 = tpu.memref_slice %arg6[%dma_start3A_169, %dma_start3A_170] : memref<16x32xi32, #tpu.memory_space<vmem>> -> memref<1x32xi32, #tpu.memory_space<vmem>>
    %dma_start3A_172 = tpu.memref_squeeze %dma_start3A_171 : memref<1x32xi32, #tpu.memory_space<vmem>> -> memref<32xi32, #tpu.memory_space<vmem>>
    %dma_start3A_173 = tpu.memref_slice %arg2[%add3A_168] : memref<16384xi32, #tpu.memory_space<hbm>> -> memref<32xi32, #tpu.memory_space<hbm>>
    %dma_start3A_174 = arith.constant 0 : i32
    %dma_start3A_175 = tpu.memref_slice %arg6[%dma_start3A_169, %dma_start3A_174] : memref<16x32xi32, #tpu.memory_space<vmem>> -> memref<1x32xi32, #tpu.memory_space<vmem>>
    %dma_start3A_176 = tpu.memref_squeeze %dma_start3A_175 : memref<1x32xi32, #tpu.memory_space<vmem>> -> memref<32xi32, #tpu.memory_space<vmem>>
    %dma_start3A_177 = tpu.memref_slice %arg2[%add3A_168] : memref<16384xi32, #tpu.memory_space<hbm>> -> memref<32xi32, #tpu.memory_space<hbm>>
    tpu.enqueue_dma source(%dma_start3A_177 : memref<32xi32, #tpu.memory_space<hbm>>) target(%dma_start3A_176 : memref<32xi32, #tpu.memory_space<vmem>>) target_semaphore(%arg11 : memref<!tpu.dma_semaphore, #tpu.memory_space<semaphore_mem>>)
    %add3A_178 = arith.constant 0 : i32
    %add3A_179 = arith.addi %add3A_178, %mul3A_2 : i32
    %dma_wait3A = arith.constant 0 : i32
    %dma_wait3A_180 = arith.constant 0 : i32
    %dma_wait3A_181 = tpu.memref_slice %arg6[%dma_wait3A, %dma_wait3A_180] : memref<16x32xi32, #tpu.memory_space<vmem>> -> memref<1x32xi32, #tpu.memory_space<vmem>>
    %dma_wait3A_182 = tpu.memref_squeeze %dma_wait3A_181 : memref<1x32xi32, #tpu.memory_space<vmem>> -> memref<32xi32, #tpu.memory_space<vmem>>
    %dma_wait3A_183 = tpu.memref_slice %arg2[%add3A_179] : memref<16384xi32, #tpu.memory_space<hbm>> -> memref<32xi32, #tpu.memory_space<hbm>>
    %dma_wait3A_184 = arith.constant 0 : i32
    %dma_wait3A_185 = tpu.memref_slice %arg6[%dma_wait3A, %dma_wait3A_184] : memref<16x32xi32, #tpu.memory_space<vmem>> -> memref<1x32xi32, #tpu.memory_space<vmem>>
    %dma_wait3A_186 = tpu.memref_squeeze %dma_wait3A_185 : memref<1x32xi32, #tpu.memory_space<vmem>> -> memref<32xi32, #tpu.memory_space<vmem>>
    %dma_wait3A_187 = tpu.memref_slice %arg2[%add3A_179] : memref<16384xi32, #tpu.memory_space<hbm>> -> memref<32xi32, #tpu.memory_space<hbm>>
    tpu.wait_dma2 semaphore(%arg11 : memref<!tpu.dma_semaphore, #tpu.memory_space<semaphore_mem>>) src(%dma_wait3A_187 : memref<32xi32, #tpu.memory_space<hbm>>) dst(%dma_wait3A_186 : memref<32xi32, #tpu.memory_space<vmem>>)
    %add3A_188 = arith.constant 1024 : i32
    %add3A_189 = arith.addi %add3A_188, %mul3A_2 : i32
    %dma_wait3A_190 = arith.constant 1 : i32
    %dma_wait3A_191 = arith.constant 0 : i32
    %dma_wait3A_192 = tpu.memref_slice %arg6[%dma_wait3A_190, %dma_wait3A_191] : memref<16x32xi32, #tpu.memory_space<vmem>> -> memref<1x32xi32, #tpu.memory_space<vmem>>
    %dma_wait3A_193 = tpu.memref_squeeze %dma_wait3A_192 : memref<1x32xi32, #tpu.memory_space<vmem>> -> memref<32xi32, #tpu.memory_space<vmem>>
    %dma_wait3A_194 = tpu.memref_slice %arg2[%add3A_189] : memref<16384xi32, #tpu.memory_space<hbm>> -> memref<32xi32, #tpu.memory_space<hbm>>
    %dma_wait3A_195 = arith.constant 0 : i32
    %dma_wait3A_196 = tpu.memref_slice %arg6[%dma_wait3A_190, %dma_wait3A_195] : memref<16x32xi32, #tpu.memory_space<vmem>> -> memref<1x32xi32, #tpu.memory_space<vmem>>
    %dma_wait3A_197 = tpu.memref_squeeze %dma_wait3A_196 : memref<1x32xi32, #tpu.memory_space<vmem>> -> memref<32xi32, #tpu.memory_space<vmem>>
    %dma_wait3A_198 = tpu.memref_slice %arg2[%add3A_189] : memref<16384xi32, #tpu.memory_space<hbm>> -> memref<32xi32, #tpu.memory_space<hbm>>
    tpu.wait_dma2 semaphore(%arg11 : memref<!tpu.dma_semaphore, #tpu.memory_space<semaphore_mem>>) src(%dma_wait3A_198 : memref<32xi32, #tpu.memory_space<hbm>>) dst(%dma_wait3A_197 : memref<32xi32, #tpu.memory_space<vmem>>)
    %add3A_199 = arith.constant 2048 : i32
    %add3A_200 = arith.addi %add3A_199, %mul3A_2 : i32
    %dma_wait3A_201 = arith.constant 2 : i32
    %dma_wait3A_202 = arith.constant 0 : i32
    %dma_wait3A_203 = tpu.memref_slice %arg6[%dma_wait3A_201, %dma_wait3A_202] : memref<16x32xi32, #tpu.memory_space<vmem>> -> memref<1x32xi32, #tpu.memory_space<vmem>>
    %dma_wait3A_204 = tpu.memref_squeeze %dma_wait3A_203 : memref<1x32xi32, #tpu.memory_space<vmem>> -> memref<32xi32, #tpu.memory_space<vmem>>
    %dma_wait3A_205 = tpu.memref_slice %arg2[%add3A_200] : memref<16384xi32, #tpu.memory_space<hbm>> -> memref<32xi32, #tpu.memory_space<hbm>>
    %dma_wait3A_206 = arith.constant 0 : i32
    %dma_wait3A_207 = tpu.memref_slice %arg6[%dma_wait3A_201, %dma_wait3A_206] : memref<16x32xi32, #tpu.memory_space<vmem>> -> memref<1x32xi32, #tpu.memory_space<vmem>>
    %dma_wait3A_208 = tpu.memref_squeeze %dma_wait3A_207 : memref<1x32xi32, #tpu.memory_space<vmem>> -> memref<32xi32, #tpu.memory_space<vmem>>
    %dma_wait3A_209 = tpu.memref_slice %arg2[%add3A_200] : memref<16384xi32, #tpu.memory_space<hbm>> -> memref<32xi32, #tpu.memory_space<hbm>>
    tpu.wait_dma2 semaphore(%arg11 : memref<!tpu.dma_semaphore, #tpu.memory_space<semaphore_mem>>) src(%dma_wait3A_209 : memref<32xi32, #tpu.memory_space<hbm>>) dst(%dma_wait3A_208 : memref<32xi32, #tpu.memory_space<vmem>>)
    %add3A_210 = arith.constant 3072 : i32
    %add3A_211 = arith.addi %add3A_210, %mul3A_2 : i32
    %dma_wait3A_212 = arith.constant 3 : i32
    %dma_wait3A_213 = arith.constant 0 : i32
    %dma_wait3A_214 = tpu.memref_slice %arg6[%dma_wait3A_212, %dma_wait3A_213] : memref<16x32xi32, #tpu.memory_space<vmem>> -> memref<1x32xi32, #tpu.memory_space<vmem>>
    %dma_wait3A_215 = tpu.memref_squeeze %dma_wait3A_214 : memref<1x32xi32, #tpu.memory_space<vmem>> -> memref<32xi32, #tpu.memory_space<vmem>>
    %dma_wait3A_216 = tpu.memref_slice %arg2[%add3A_211] : memref<16384xi32, #tpu.memory_space<hbm>> -> memref<32xi32, #tpu.memory_space<hbm>>
    %dma_wait3A_217 = arith.constant 0 : i32
    %dma_wait3A_218 = tpu.memref_slice %arg6[%dma_wait3A_212, %dma_wait3A_217] : memref<16x32xi32, #tpu.memory_space<vmem>> -> memref<1x32xi32, #tpu.memory_space<vmem>>
    %dma_wait3A_219 = tpu.memref_squeeze %dma_wait3A_218 : memref<1x32xi32, #tpu.memory_space<vmem>> -> memref<32xi32, #tpu.memory_space<vmem>>
    %dma_wait3A_220 = tpu.memref_slice %arg2[%add3A_211] : memref<16384xi32, #tpu.memory_space<hbm>> -> memref<32xi32, #tpu.memory_space<hbm>>
    tpu.wait_dma2 semaphore(%arg11 : memref<!tpu.dma_semaphore, #tpu.memory_space<semaphore_mem>>) src(%dma_wait3A_220 : memref<32xi32, #tpu.memory_space<hbm>>) dst(%dma_wait3A_219 : memref<32xi32, #tpu.memory_space<vmem>>)
    %add3A_221 = arith.constant 4096 : i32
    %add3A_222 = arith.addi %add3A_221, %mul3A_2 : i32
    %dma_wait3A_223 = arith.constant 4 : i32
    %dma_wait3A_224 = arith.constant 0 : i32
    %dma_wait3A_225 = tpu.memref_slice %arg6[%dma_wait3A_223, %dma_wait3A_224] : memref<16x32xi32, #tpu.memory_space<vmem>> -> memref<1x32xi32, #tpu.memory_space<vmem>>
    %dma_wait3A_226 = tpu.memref_squeeze %dma_wait3A_225 : memref<1x32xi32, #tpu.memory_space<vmem>> -> memref<32xi32, #tpu.memory_space<vmem>>
    %dma_wait3A_227 = tpu.memref_slice %arg2[%add3A_222] : memref<16384xi32, #tpu.memory_space<hbm>> -> memref<32xi32, #tpu.memory_space<hbm>>
    %dma_wait3A_228 = arith.constant 0 : i32
    %dma_wait3A_229 = tpu.memref_slice %arg6[%dma_wait3A_223, %dma_wait3A_228] : memref<16x32xi32, #tpu.memory_space<vmem>> -> memref<1x32xi32, #tpu.memory_space<vmem>>
    %dma_wait3A_230 = tpu.memref_squeeze %dma_wait3A_229 : memref<1x32xi32, #tpu.memory_space<vmem>> -> memref<32xi32, #tpu.memory_space<vmem>>
    %dma_wait3A_231 = tpu.memref_slice %arg2[%add3A_222] : memref<16384xi32, #tpu.memory_space<hbm>> -> memref<32xi32, #tpu.memory_space<hbm>>
    tpu.wait_dma2 semaphore(%arg11 : memref<!tpu.dma_semaphore, #tpu.memory_space<semaphore_mem>>) src(%dma_wait3A_231 : memref<32xi32, #tpu.memory_space<hbm>>) dst(%dma_wait3A_230 : memref<32xi32, #tpu.memory_space<vmem>>)
    %add3A_232 = arith.constant 5120 : i32
    %add3A_233 = arith.addi %add3A_232, %mul3A_2 : i32
    %dma_wait3A_234 = arith.constant 5 : i32
    %dma_wait3A_235 = arith.constant 0 : i32
    %dma_wait3A_236 = tpu.memref_slice %arg6[%dma_wait3A_234, %dma_wait3A_235] : memref<16x32xi32, #tpu.memory_space<vmem>> -> memref<1x32xi32, #tpu.memory_space<vmem>>
    %dma_wait3A_237 = tpu.memref_squeeze %dma_wait3A_236 : memref<1x32xi32, #tpu.memory_space<vmem>> -> memref<32xi32, #tpu.memory_space<vmem>>
    %dma_wait3A_238 = tpu.memref_slice %arg2[%add3A_233] : memref<16384xi32, #tpu.memory_space<hbm>> -> memref<32xi32, #tpu.memory_space<hbm>>
    %dma_wait3A_239 = arith.constant 0 : i32
    %dma_wait3A_240 = tpu.memref_slice %arg6[%dma_wait3A_234, %dma_wait3A_239] : memref<16x32xi32, #tpu.memory_space<vmem>> -> memref<1x32xi32, #tpu.memory_space<vmem>>
    %dma_wait3A_241 = tpu.memref_squeeze %dma_wait3A_240 : memref<1x32xi32, #tpu.memory_space<vmem>> -> memref<32xi32, #tpu.memory_space<vmem>>
    %dma_wait3A_242 = tpu.memref_slice %arg2[%add3A_233] : memref<16384xi32, #tpu.memory_space<hbm>> -> memref<32xi32, #tpu.memory_space<hbm>>
    tpu.wait_dma2 semaphore(%arg11 : memref<!tpu.dma_semaphore, #tpu.memory_space<semaphore_mem>>) src(%dma_wait3A_242 : memref<32xi32, #tpu.memory_space<hbm>>) dst(%dma_wait3A_241 : memref<32xi32, #tpu.memory_space<vmem>>)
    %add3A_243 = arith.constant 6144 : i32
    %add3A_244 = arith.addi %add3A_243, %mul3A_2 : i32
    %dma_wait3A_245 = arith.constant 6 : i32
    %dma_wait3A_246 = arith.constant 0 : i32
    %dma_wait3A_247 = tpu.memref_slice %arg6[%dma_wait3A_245, %dma_wait3A_246] : memref<16x32xi32, #tpu.memory_space<vmem>> -> memref<1x32xi32, #tpu.memory_space<vmem>>
    %dma_wait3A_248 = tpu.memref_squeeze %dma_wait3A_247 : memref<1x32xi32, #tpu.memory_space<vmem>> -> memref<32xi32, #tpu.memory_space<vmem>>
    %dma_wait3A_249 = tpu.memref_slice %arg2[%add3A_244] : memref<16384xi32, #tpu.memory_space<hbm>> -> memref<32xi32, #tpu.memory_space<hbm>>
    %dma_wait3A_250 = arith.constant 0 : i32
    %dma_wait3A_251 = tpu.memref_slice %arg6[%dma_wait3A_245, %dma_wait3A_250] : memref<16x32xi32, #tpu.memory_space<vmem>> -> memref<1x32xi32, #tpu.memory_space<vmem>>
    %dma_wait3A_252 = tpu.memref_squeeze %dma_wait3A_251 : memref<1x32xi32, #tpu.memory_space<vmem>> -> memref<32xi32, #tpu.memory_space<vmem>>
    %dma_wait3A_253 = tpu.memref_slice %arg2[%add3A_244] : memref<16384xi32, #tpu.memory_space<hbm>> -> memref<32xi32, #tpu.memory_space<hbm>>
    tpu.wait_dma2 semaphore(%arg11 : memref<!tpu.dma_semaphore, #tpu.memory_space<semaphore_mem>>) src(%dma_wait3A_253 : memref<32xi32, #tpu.memory_space<hbm>>) dst(%dma_wait3A_252 : memref<32xi32, #tpu.memory_space<vmem>>)
    %add3A_254 = arith.constant 7168 : i32
    %add3A_255 = arith.addi %add3A_254, %mul3A_2 : i32
    %dma_wait3A_256 = arith.constant 7 : i32
    %dma_wait3A_257 = arith.constant 0 : i32
    %dma_wait3A_258 = tpu.memref_slice %arg6[%dma_wait3A_256, %dma_wait3A_257] : memref<16x32xi32, #tpu.memory_space<vmem>> -> memref<1x32xi32, #tpu.memory_space<vmem>>
    %dma_wait3A_259 = tpu.memref_squeeze %dma_wait3A_258 : memref<1x32xi32, #tpu.memory_space<vmem>> -> memref<32xi32, #tpu.memory_space<vmem>>
    %dma_wait3A_260 = tpu.memref_slice %arg2[%add3A_255] : memref<16384xi32, #tpu.memory_space<hbm>> -> memref<32xi32, #tpu.memory_space<hbm>>
    %dma_wait3A_261 = arith.constant 0 : i32
    %dma_wait3A_262 = tpu.memref_slice %arg6[%dma_wait3A_256, %dma_wait3A_261] : memref<16x32xi32, #tpu.memory_space<vmem>> -> memref<1x32xi32, #tpu.memory_space<vmem>>
    %dma_wait3A_263 = tpu.memref_squeeze %dma_wait3A_262 : memref<1x32xi32, #tpu.memory_space<vmem>> -> memref<32xi32, #tpu.memory_space<vmem>>
    %dma_wait3A_264 = tpu.memref_slice %arg2[%add3A_255] : memref<16384xi32, #tpu.memory_space<hbm>> -> memref<32xi32, #tpu.memory_space<hbm>>
    tpu.wait_dma2 semaphore(%arg11 : memref<!tpu.dma_semaphore, #tpu.memory_space<semaphore_mem>>) src(%dma_wait3A_264 : memref<32xi32, #tpu.memory_space<hbm>>) dst(%dma_wait3A_263 : memref<32xi32, #tpu.memory_space<vmem>>)
    %add3A_265 = arith.constant 8192 : i32
    %add3A_266 = arith.addi %add3A_265, %mul3A_2 : i32
    %dma_wait3A_267 = arith.constant 8 : i32
    %dma_wait3A_268 = arith.constant 0 : i32
    %dma_wait3A_269 = tpu.memref_slice %arg6[%dma_wait3A_267, %dma_wait3A_268] : memref<16x32xi32, #tpu.memory_space<vmem>> -> memref<1x32xi32, #tpu.memory_space<vmem>>
    %dma_wait3A_270 = tpu.memref_squeeze %dma_wait3A_269 : memref<1x32xi32, #tpu.memory_space<vmem>> -> memref<32xi32, #tpu.memory_space<vmem>>
    %dma_wait3A_271 = tpu.memref_slice %arg2[%add3A_266] : memref<16384xi32, #tpu.memory_space<hbm>> -> memref<32xi32, #tpu.memory_space<hbm>>
    %dma_wait3A_272 = arith.constant 0 : i32
    %dma_wait3A_273 = tpu.memref_slice %arg6[%dma_wait3A_267, %dma_wait3A_272] : memref<16x32xi32, #tpu.memory_space<vmem>> -> memref<1x32xi32, #tpu.memory_space<vmem>>
    %dma_wait3A_274 = tpu.memref_squeeze %dma_wait3A_273 : memref<1x32xi32, #tpu.memory_space<vmem>> -> memref<32xi32, #tpu.memory_space<vmem>>
    %dma_wait3A_275 = tpu.memref_slice %arg2[%add3A_266] : memref<16384xi32, #tpu.memory_space<hbm>> -> memref<32xi32, #tpu.memory_space<hbm>>
    tpu.wait_dma2 semaphore(%arg11 : memref<!tpu.dma_semaphore, #tpu.memory_space<semaphore_mem>>) src(%dma_wait3A_275 : memref<32xi32, #tpu.memory_space<hbm>>) dst(%dma_wait3A_274 : memref<32xi32, #tpu.memory_space<vmem>>)
    %add3A_276 = arith.constant 9216 : i32
    %add3A_277 = arith.addi %add3A_276, %mul3A_2 : i32
    %dma_wait3A_278 = arith.constant 9 : i32
    %dma_wait3A_279 = arith.constant 0 : i32
    %dma_wait3A_280 = tpu.memref_slice %arg6[%dma_wait3A_278, %dma_wait3A_279] : memref<16x32xi32, #tpu.memory_space<vmem>> -> memref<1x32xi32, #tpu.memory_space<vmem>>
    %dma_wait3A_281 = tpu.memref_squeeze %dma_wait3A_280 : memref<1x32xi32, #tpu.memory_space<vmem>> -> memref<32xi32, #tpu.memory_space<vmem>>
    %dma_wait3A_282 = tpu.memref_slice %arg2[%add3A_277] : memref<16384xi32, #tpu.memory_space<hbm>> -> memref<32xi32, #tpu.memory_space<hbm>>
    %dma_wait3A_283 = arith.constant 0 : i32
    %dma_wait3A_284 = tpu.memref_slice %arg6[%dma_wait3A_278, %dma_wait3A_283] : memref<16x32xi32, #tpu.memory_space<vmem>> -> memref<1x32xi32, #tpu.memory_space<vmem>>
    %dma_wait3A_285 = tpu.memref_squeeze %dma_wait3A_284 : memref<1x32xi32, #tpu.memory_space<vmem>> -> memref<32xi32, #tpu.memory_space<vmem>>
    %dma_wait3A_286 = tpu.memref_slice %arg2[%add3A_277] : memref<16384xi32, #tpu.memory_space<hbm>> -> memref<32xi32, #tpu.memory_space<hbm>>
    tpu.wait_dma2 semaphore(%arg11 : memref<!tpu.dma_semaphore, #tpu.memory_space<semaphore_mem>>) src(%dma_wait3A_286 : memref<32xi32, #tpu.memory_space<hbm>>) dst(%dma_wait3A_285 : memref<32xi32, #tpu.memory_space<vmem>>)
    %add3A_287 = arith.constant 10240 : i32
    %add3A_288 = arith.addi %add3A_287, %mul3A_2 : i32
    %dma_wait3A_289 = arith.constant 10 : i32
    %dma_wait3A_290 = arith.constant 0 : i32
    %dma_wait3A_291 = tpu.memref_slice %arg6[%dma_wait3A_289, %dma_wait3A_290] : memref<16x32xi32, #tpu.memory_space<vmem>> -> memref<1x32xi32, #tpu.memory_space<vmem>>
    %dma_wait3A_292 = tpu.memref_squeeze %dma_wait3A_291 : memref<1x32xi32, #tpu.memory_space<vmem>> -> memref<32xi32, #tpu.memory_space<vmem>>
    %dma_wait3A_293 = tpu.memref_slice %arg2[%add3A_288] : memref<16384xi32, #tpu.memory_space<hbm>> -> memref<32xi32, #tpu.memory_space<hbm>>
    %dma_wait3A_294 = arith.constant 0 : i32
    %dma_wait3A_295 = tpu.memref_slice %arg6[%dma_wait3A_289, %dma_wait3A_294] : memref<16x32xi32, #tpu.memory_space<vmem>> -> memref<1x32xi32, #tpu.memory_space<vmem>>
    %dma_wait3A_296 = tpu.memref_squeeze %dma_wait3A_295 : memref<1x32xi32, #tpu.memory_space<vmem>> -> memref<32xi32, #tpu.memory_space<vmem>>
    %dma_wait3A_297 = tpu.memref_slice %arg2[%add3A_288] : memref<16384xi32, #tpu.memory_space<hbm>> -> memref<32xi32, #tpu.memory_space<hbm>>
    tpu.wait_dma2 semaphore(%arg11 : memref<!tpu.dma_semaphore, #tpu.memory_space<semaphore_mem>>) src(%dma_wait3A_297 : memref<32xi32, #tpu.memory_space<hbm>>) dst(%dma_wait3A_296 : memref<32xi32, #tpu.memory_space<vmem>>)
    %add3A_298 = arith.constant 11264 : i32
    %add3A_299 = arith.addi %add3A_298, %mul3A_2 : i32
    %dma_wait3A_300 = arith.constant 11 : i32
    %dma_wait3A_301 = arith.constant 0 : i32
    %dma_wait3A_302 = tpu.memref_slice %arg6[%dma_wait3A_300, %dma_wait3A_301] : memref<16x32xi32, #tpu.memory_space<vmem>> -> memref<1x32xi32, #tpu.memory_space<vmem>>
    %dma_wait3A_303 = tpu.memref_squeeze %dma_wait3A_302 : memref<1x32xi32, #tpu.memory_space<vmem>> -> memref<32xi32, #tpu.memory_space<vmem>>
    %dma_wait3A_304 = tpu.memref_slice %arg2[%add3A_299] : memref<16384xi32, #tpu.memory_space<hbm>> -> memref<32xi32, #tpu.memory_space<hbm>>
    %dma_wait3A_305 = arith.constant 0 : i32
    %dma_wait3A_306 = tpu.memref_slice %arg6[%dma_wait3A_300, %dma_wait3A_305] : memref<16x32xi32, #tpu.memory_space<vmem>> -> memref<1x32xi32, #tpu.memory_space<vmem>>
    %dma_wait3A_307 = tpu.memref_squeeze %dma_wait3A_306 : memref<1x32xi32, #tpu.memory_space<vmem>> -> memref<32xi32, #tpu.memory_space<vmem>>
    %dma_wait3A_308 = tpu.memref_slice %arg2[%add3A_299] : memref<16384xi32, #tpu.memory_space<hbm>> -> memref<32xi32, #tpu.memory_space<hbm>>
    tpu.wait_dma2 semaphore(%arg11 : memref<!tpu.dma_semaphore, #tpu.memory_space<semaphore_mem>>) src(%dma_wait3A_308 : memref<32xi32, #tpu.memory_space<hbm>>) dst(%dma_wait3A_307 : memref<32xi32, #tpu.memory_space<vmem>>)
    %add3A_309 = arith.constant 12288 : i32
    %add3A_310 = arith.addi %add3A_309, %mul3A_2 : i32
    %dma_wait3A_311 = arith.constant 12 : i32
    %dma_wait3A_312 = arith.constant 0 : i32
    %dma_wait3A_313 = tpu.memref_slice %arg6[%dma_wait3A_311, %dma_wait3A_312] : memref<16x32xi32, #tpu.memory_space<vmem>> -> memref<1x32xi32, #tpu.memory_space<vmem>>
    %dma_wait3A_314 = tpu.memref_squeeze %dma_wait3A_313 : memref<1x32xi32, #tpu.memory_space<vmem>> -> memref<32xi32, #tpu.memory_space<vmem>>
    %dma_wait3A_315 = tpu.memref_slice %arg2[%add3A_310] : memref<16384xi32, #tpu.memory_space<hbm>> -> memref<32xi32, #tpu.memory_space<hbm>>
    %dma_wait3A_316 = arith.constant 0 : i32
    %dma_wait3A_317 = tpu.memref_slice %arg6[%dma_wait3A_311, %dma_wait3A_316] : memref<16x32xi32, #tpu.memory_space<vmem>> -> memref<1x32xi32, #tpu.memory_space<vmem>>
    %dma_wait3A_318 = tpu.memref_squeeze %dma_wait3A_317 : memref<1x32xi32, #tpu.memory_space<vmem>> -> memref<32xi32, #tpu.memory_space<vmem>>
    %dma_wait3A_319 = tpu.memref_slice %arg2[%add3A_310] : memref<16384xi32, #tpu.memory_space<hbm>> -> memref<32xi32, #tpu.memory_space<hbm>>
    tpu.wait_dma2 semaphore(%arg11 : memref<!tpu.dma_semaphore, #tpu.memory_space<semaphore_mem>>) src(%dma_wait3A_319 : memref<32xi32, #tpu.memory_space<hbm>>) dst(%dma_wait3A_318 : memref<32xi32, #tpu.memory_space<vmem>>)
    %add3A_320 = arith.constant 13312 : i32
    %add3A_321 = arith.addi %add3A_320, %mul3A_2 : i32
    %dma_wait3A_322 = arith.constant 13 : i32
    %dma_wait3A_323 = arith.constant 0 : i32
    %dma_wait3A_324 = tpu.memref_slice %arg6[%dma_wait3A_322, %dma_wait3A_323] : memref<16x32xi32, #tpu.memory_space<vmem>> -> memref<1x32xi32, #tpu.memory_space<vmem>>
    %dma_wait3A_325 = tpu.memref_squeeze %dma_wait3A_324 : memref<1x32xi32, #tpu.memory_space<vmem>> -> memref<32xi32, #tpu.memory_space<vmem>>
    %dma_wait3A_326 = tpu.memref_slice %arg2[%add3A_321] : memref<16384xi32, #tpu.memory_space<hbm>> -> memref<32xi32, #tpu.memory_space<hbm>>
    %dma_wait3A_327 = arith.constant 0 : i32
    %dma_wait3A_328 = tpu.memref_slice %arg6[%dma_wait3A_322, %dma_wait3A_327] : memref<16x32xi32, #tpu.memory_space<vmem>> -> memref<1x32xi32, #tpu.memory_space<vmem>>
    %dma_wait3A_329 = tpu.memref_squeeze %dma_wait3A_328 : memref<1x32xi32, #tpu.memory_space<vmem>> -> memref<32xi32, #tpu.memory_space<vmem>>
    %dma_wait3A_330 = tpu.memref_slice %arg2[%add3A_321] : memref<16384xi32, #tpu.memory_space<hbm>> -> memref<32xi32, #tpu.memory_space<hbm>>
    tpu.wait_dma2 semaphore(%arg11 : memref<!tpu.dma_semaphore, #tpu.memory_space<semaphore_mem>>) src(%dma_wait3A_330 : memref<32xi32, #tpu.memory_space<hbm>>) dst(%dma_wait3A_329 : memref<32xi32, #tpu.memory_space<vmem>>)
    %add3A_331 = arith.constant 14336 : i32
    %add3A_332 = arith.addi %add3A_331, %mul3A_2 : i32
    %dma_wait3A_333 = arith.constant 14 : i32
    %dma_wait3A_334 = arith.constant 0 : i32
    %dma_wait3A_335 = tpu.memref_slice %arg6[%dma_wait3A_333, %dma_wait3A_334] : memref<16x32xi32, #tpu.memory_space<vmem>> -> memref<1x32xi32, #tpu.memory_space<vmem>>
    %dma_wait3A_336 = tpu.memref_squeeze %dma_wait3A_335 : memref<1x32xi32, #tpu.memory_space<vmem>> -> memref<32xi32, #tpu.memory_space<vmem>>
    %dma_wait3A_337 = tpu.memref_slice %arg2[%add3A_332] : memref<16384xi32, #tpu.memory_space<hbm>> -> memref<32xi32, #tpu.memory_space<hbm>>
    %dma_wait3A_338 = arith.constant 0 : i32
    %dma_wait3A_339 = tpu.memref_slice %arg6[%dma_wait3A_333, %dma_wait3A_338] : memref<16x32xi32, #tpu.memory_space<vmem>> -> memref<1x32xi32, #tpu.memory_space<vmem>>
    %dma_wait3A_340 = tpu.memref_squeeze %dma_wait3A_339 : memref<1x32xi32, #tpu.memory_space<vmem>> -> memref<32xi32, #tpu.memory_space<vmem>>
    %dma_wait3A_341 = tpu.memref_slice %arg2[%add3A_332] : memref<16384xi32, #tpu.memory_space<hbm>> -> memref<32xi32, #tpu.memory_space<hbm>>
    tpu.wait_dma2 semaphore(%arg11 : memref<!tpu.dma_semaphore, #tpu.memory_space<semaphore_mem>>) src(%dma_wait3A_341 : memref<32xi32, #tpu.memory_space<hbm>>) dst(%dma_wait3A_340 : memref<32xi32, #tpu.memory_space<vmem>>)
    %add3A_342 = arith.constant 15360 : i32
    %add3A_343 = arith.addi %add3A_342, %mul3A_2 : i32
    %dma_wait3A_344 = arith.constant 15 : i32
    %dma_wait3A_345 = arith.constant 0 : i32
    %dma_wait3A_346 = tpu.memref_slice %arg6[%dma_wait3A_344, %dma_wait3A_345] : memref<16x32xi32, #tpu.memory_space<vmem>> -> memref<1x32xi32, #tpu.memory_space<vmem>>
    %dma_wait3A_347 = tpu.memref_squeeze %dma_wait3A_346 : memref<1x32xi32, #tpu.memory_space<vmem>> -> memref<32xi32, #tpu.memory_space<vmem>>
    %dma_wait3A_348 = tpu.memref_slice %arg2[%add3A_343] : memref<16384xi32, #tpu.memory_space<hbm>> -> memref<32xi32, #tpu.memory_space<hbm>>
    %dma_wait3A_349 = arith.constant 0 : i32
    %dma_wait3A_350 = tpu.memref_slice %arg6[%dma_wait3A_344, %dma_wait3A_349] : memref<16x32xi32, #tpu.memory_space<vmem>> -> memref<1x32xi32, #tpu.memory_space<vmem>>
    %dma_wait3A_351 = tpu.memref_squeeze %dma_wait3A_350 : memref<1x32xi32, #tpu.memory_space<vmem>> -> memref<32xi32, #tpu.memory_space<vmem>>
    %dma_wait3A_352 = tpu.memref_slice %arg2[%add3A_343] : memref<16384xi32, #tpu.memory_space<hbm>> -> memref<32xi32, #tpu.memory_space<hbm>>
    tpu.wait_dma2 semaphore(%arg11 : memref<!tpu.dma_semaphore, #tpu.memory_space<semaphore_mem>>) src(%dma_wait3A_352 : memref<32xi32, #tpu.memory_space<hbm>>) dst(%dma_wait3A_351 : memref<32xi32, #tpu.memory_space<vmem>>)
    %dma_start3A_353 = arith.constant 0 : i32
    %dma_start3A_354 = arith.constant 0 : i32
    %dma_start3A_355 = tpu.memref_slice %arg6[%dma_start3A_353, %dma_start3A_354] : memref<16x32xi32, #tpu.memory_space<vmem>> -> memref<1x8xi32, #tpu.memory_space<vmem>>
    %dma_start3A_356 = tpu.memref_squeeze %dma_start3A_355 : memref<1x8xi32, #tpu.memory_space<vmem>> -> memref<8xi32, #tpu.memory_space<vmem>>
    %dma_start3A_357 = arith.constant 0 : i32
    %dma_start3A_358 = arith.constant 0 : i32
    %dma_start3A_359 = tpu.memref_slice %arg3[%dma_start3A_357, %dma_start3A_358] : memref<50257x2048xf32, #tpu.memory_space<hbm>> -> memref<50257x2048xf32, #tpu.memory_space<hbm>>
    tpu.enqueue_indirect_dma source(%dma_start3A_359 : memref<50257x2048xf32, #tpu.memory_space<hbm>>) target(%arg8 : memref<8x2048xf32, #tpu.memory_space<vmem>>) offsets(%dma_start3A_356 : memref<8xi32, #tpu.memory_space<vmem>>) semaphore(%arg10 : memref<!tpu.dma_semaphore, #tpu.memory_space<semaphore_mem>>)
    "tpu.region"() ({
      %run_scoped3A = tpu.sem_alloc : memref<!tpu.dma_semaphore, #tpu.memory_space<semaphore_mem>>
      %dma_start3A_381 = arith.constant 0 : i32
      %dma_start3A_382 = tpu.memref_slice %arg4[%mul3A_2, %dma_start3A_381] : memref<1024x2048xf32, #tpu.memory_space<hbm>> -> memref<32x2048xf32, #tpu.memory_space<hbm>>
      %dma_start3A_383 = arith.constant 0 : i32
      %dma_start3A_384 = tpu.memref_slice %arg4[%mul3A_2, %dma_start3A_383] : memref<1024x2048xf32, #tpu.memory_space<hbm>> -> memref<32x2048xf32, #tpu.memory_space<hbm>>
      tpu.enqueue_dma source(%dma_start3A_384 : memref<32x2048xf32, #tpu.memory_space<hbm>>) target(%arg7 : memref<32x2048xf32, #tpu.memory_space<vmem>>) target_semaphore(%run_scoped3A : memref<!tpu.dma_semaphore, #tpu.memory_space<semaphore_mem>>)
      %dma_wait3A_385 = arith.constant 0 : i32
      %dma_wait3A_386 = tpu.memref_slice %arg4[%mul3A_2, %dma_wait3A_385] : memref<1024x2048xf32, #tpu.memory_space<hbm>> -> memref<32x2048xf32, #tpu.memory_space<hbm>>
      %dma_wait3A_387 = arith.constant 0 : i32
      %dma_wait3A_388 = tpu.memref_slice %arg4[%mul3A_2, %dma_wait3A_387] : memref<1024x2048xf32, #tpu.memory_space<hbm>> -> memref<32x2048xf32, #tpu.memory_space<hbm>>
      tpu.wait_dma2 semaphore(%run_scoped3A : memref<!tpu.dma_semaphore, #tpu.memory_space<semaphore_mem>>) src(%dma_wait3A_388 : memref<32x2048xf32, #tpu.memory_space<hbm>>) dst(%arg7 : memref<32x2048xf32, #tpu.memory_space<vmem>>)
      tpu.yield
    }) : () -> ()
    %scan3A = arith.constant 0 : i32
    %scan3A_360 = arith.constant 0 : i32
    %scan3A_361 = arith.constant 16 : i32
    %scan3A_362 = arith.addi %scan3A_360, %scan3A_361 : i32
    %scan3A_363 = arith.constant 1 : i32
    scf.for %scan3A_381 = %scan3A_360 to %scan3A_362 step %scan3A_363  : i32 {
      %mul3A_382 = arith.constant 4 : i32
      %mul3A_383 = arith.muli %mul3A_382, %scan3A_381 : i32
      %add3A_384 = arith.constant 0 : i32
      %add3A_385 = arith.addi %mul3A_383, %add3A_384 : i32
      %add3A_386 = arith.constant 1 : i32
      %add3A_387 = arith.addi %add3A_385, %add3A_386 : i32
      %lt3A = arith.constant 64 : i32
      %lt3A_388 = arith.cmpi slt, %add3A_387, %lt3A : i32
      %convert_element_type3A = arith.extui %lt3A_388 : i1 to i32
      %cond3A = arith.constant 0 : i32
      %cond3A_389 = arith.cmpi ne, %convert_element_type3A, %cond3A : i32
      scf.if %cond3A_389 {
        %ge3A = arith.constant 1 : i32
        %ge3A_1625 = arith.cmpi sge, %add3A_385, %ge3A : i32
        %convert_element_type3A_1626 = arith.extui %ge3A_1625 : i1 to i32
        %cond3A_1627 = arith.constant 0 : i32
        %cond3A_1628 = arith.cmpi ne, %convert_element_type3A_1626, %cond3A_1627 : i32
        scf.if %cond3A_1628 {
          %sub3A_1678 = arith.constant 1 : i32
          %sub3A_1679 = arith.subi %add3A_385, %sub3A_1678 : i32
          %jit3A_1680 = arith.constant 4 : i32
          %div3A_1681 = arith.divsi %sub3A_1679, %jit3A_1680 : i32
          %sign3A_1682 = arith.constant 0 : i32
          %sign3A_1683 = arith.cmpi sgt, %sub3A_1679, %sign3A_1682 : i32
          %sign3A_1684 = arith.extui %sign3A_1683 : i1 to i32
          %sign3A_1685 = arith.constant 0 : i32
          %sign3A_1686 = arith.cmpi slt, %sub3A_1679, %sign3A_1685 : i32
          %sign3A_1687 = arith.extui %sign3A_1686 : i1 to i32
          %sign3A_1688 = arith.subi %sign3A_1684, %sign3A_1687 : i32
          %sign3A_1689 = arith.constant 0 : i32
          %sign3A_1690 = arith.cmpi sgt, %jit3A_1680, %sign3A_1689 : i32
          %sign3A_1691 = arith.extui %sign3A_1690 : i1 to i32
          %sign3A_1692 = arith.constant 0 : i32
          %sign3A_1693 = arith.cmpi slt, %jit3A_1680, %sign3A_1692 : i32
          %sign3A_1694 = arith.extui %sign3A_1693 : i1 to i32
          %sign3A_1695 = arith.subi %sign3A_1691, %sign3A_1694 : i32
          %ne3A_1696 = arith.cmpi ne, %sign3A_1688, %sign3A_1695 : i32
          %rem3A_1697 = arith.remsi %sub3A_1679, %jit3A_1680 : i32
          %ne3A_1698 = arith.constant 0 : i32
          %ne3A_1699 = arith.cmpi ne, %rem3A_1697, %ne3A_1698 : i32
          %and3A_1700 = arith.andi %ne3A_1696, %ne3A_1699 : i1
          %sub3A_1701 = arith.constant 1 : i32
          %sub3A_1702 = arith.subi %div3A_1681, %sub3A_1701 : i32
          %select_n3A_1703 = arith.select %and3A_1700, %sub3A_1702, %div3A_1681 : i32
          %mul3A_1704 = arith.constant 1024 : i32
          %mul3A_1705 = arith.muli %select_n3A_1703, %mul3A_1704 : i32
          %add3A_1706 = arith.addi %mul3A_1705, %mul3A_2 : i32
          %jit3A_1707 = arith.constant 4 : i32
          %eq3A_1708 = arith.constant 0 : i32
          %eq3A_1709 = arith.cmpi eq, %jit3A_1707, %eq3A_1708 : i32
          %jit3A_1710 = arith.constant 1 : i32
          %select_n3A_1711 = arith.select %eq3A_1709, %jit3A_1710, %jit3A_1707 : i32
          %rem3A_1712 = arith.remsi %sub3A_1679, %select_n3A_1711 : i32
          %ne3A_1713 = arith.constant 0 : i32
          %ne3A_1714 = arith.cmpi ne, %rem3A_1712, %ne3A_1713 : i32
          %lt3A_1715 = arith.constant 0 : i32
          %lt3A_1716 = arith.cmpi slt, %rem3A_1712, %lt3A_1715 : i32
          %lt3A_1717 = arith.constant 0 : i32
          %lt3A_1718 = arith.cmpi slt, %select_n3A_1711, %lt3A_1717 : i32
          %ne3A_1719 = arith.xori %lt3A_1716, %lt3A_1718 : i1
          %and3A_1720 = arith.andi %ne3A_1719, %ne3A_1714 : i1
          %add3A_1721 = arith.addi %rem3A_1712, %select_n3A_1711 : i32
          %select_n3A_1722 = arith.select %and3A_1720, %add3A_1721, %rem3A_1712 : i32
          %mul3A_1723 = arith.constant 8 : i32
          %mul3A_1724 = arith.muli %select_n3A_1722, %mul3A_1723 : i32
          %add3A_1725 = arith.addi %add3A_1706, %mul3A_1724 : i32
          %dma_wait3A_1726 = arith.constant 0 : i32
          %dma_wait3A_1727 = tpu.memref_slice %arg5[%add3A_1725, %dma_wait3A_1726] : memref<16384x2048xf32, #tpu.memory_space<hbm>> -> memref<8x2048xf32, #tpu.memory_space<hbm>>
          %dma_wait3A_1728 = arith.constant 0 : i32
          %dma_wait3A_1729 = tpu.memref_slice %arg5[%add3A_1725, %dma_wait3A_1728] : memref<16384x2048xf32, #tpu.memory_space<hbm>> -> memref<8x2048xf32, #tpu.memory_space<hbm>>
          tpu.wait_dma2 semaphore(%arg13 : memref<!tpu.dma_semaphore, #tpu.memory_space<semaphore_mem>>) src(%arg9 : memref<8x2048xf32, #tpu.memory_space<vmem>>) dst(%dma_wait3A_1729 : memref<8x2048xf32, #tpu.memory_space<hbm>>)
        } else {
        }
        %add3A_1629 = arith.constant 1 : i32
        %add3A_1630 = arith.addi %add3A_385, %add3A_1629 : i32
        %jit3A_1631 = arith.constant 4 : i32
        %div3A_1632 = arith.divsi %add3A_1630, %jit3A_1631 : i32
        %sign3A_1633 = arith.constant 0 : i32
        %sign3A_1634 = arith.cmpi sgt, %add3A_1630, %sign3A_1633 : i32
        %sign3A_1635 = arith.extui %sign3A_1634 : i1 to i32
        %sign3A_1636 = arith.constant 0 : i32
        %sign3A_1637 = arith.cmpi slt, %add3A_1630, %sign3A_1636 : i32
        %sign3A_1638 = arith.extui %sign3A_1637 : i1 to i32
        %sign3A_1639 = arith.subi %sign3A_1635, %sign3A_1638 : i32
        %sign3A_1640 = arith.constant 0 : i32
        %sign3A_1641 = arith.cmpi sgt, %jit3A_1631, %sign3A_1640 : i32
        %sign3A_1642 = arith.extui %sign3A_1641 : i1 to i32
        %sign3A_1643 = arith.constant 0 : i32
        %sign3A_1644 = arith.cmpi slt, %jit3A_1631, %sign3A_1643 : i32
        %sign3A_1645 = arith.extui %sign3A_1644 : i1 to i32
        %sign3A_1646 = arith.subi %sign3A_1642, %sign3A_1645 : i32
        %ne3A_1647 = arith.cmpi ne, %sign3A_1639, %sign3A_1646 : i32
        %rem3A_1648 = arith.remsi %add3A_1630, %jit3A_1631 : i32
        %ne3A_1649 = arith.constant 0 : i32
        %ne3A_1650 = arith.cmpi ne, %rem3A_1648, %ne3A_1649 : i32
        %and3A_1651 = arith.andi %ne3A_1647, %ne3A_1650 : i1
        %sub3A_1652 = arith.constant 1 : i32
        %sub3A_1653 = arith.subi %div3A_1632, %sub3A_1652 : i32
        %select_n3A_1654 = arith.select %and3A_1651, %sub3A_1653, %div3A_1632 : i32
        %jit3A_1655 = arith.constant 4 : i32
        %eq3A_1656 = arith.constant 0 : i32
        %eq3A_1657 = arith.cmpi eq, %jit3A_1655, %eq3A_1656 : i32
        %jit3A_1658 = arith.constant 1 : i32
        %select_n3A_1659 = arith.select %eq3A_1657, %jit3A_1658, %jit3A_1655 : i32
        %rem3A_1660 = arith.remsi %add3A_1630, %select_n3A_1659 : i32
        %ne3A_1661 = arith.constant 0 : i32
        %ne3A_1662 = arith.cmpi ne, %rem3A_1660, %ne3A_1661 : i32
        %lt3A_1663 = arith.constant 0 : i32
        %lt3A_1664 = arith.cmpi slt, %rem3A_1660, %lt3A_1663 : i32
        %lt3A_1665 = arith.constant 0 : i32
        %lt3A_1666 = arith.cmpi slt, %select_n3A_1659, %lt3A_1665 : i32
        %ne3A_1667 = arith.xori %lt3A_1664, %lt3A_1666 : i1
        %and3A_1668 = arith.andi %ne3A_1667, %ne3A_1662 : i1
        %add3A_1669 = arith.addi %rem3A_1660, %select_n3A_1659 : i32
        %select_n3A_1670 = arith.select %and3A_1668, %add3A_1669, %rem3A_1660 : i32
        %mul3A_1671 = arith.constant 8 : i32
        %mul3A_1672 = arith.muli %select_n3A_1670, %mul3A_1671 : i32
        %dma_start3A_1673 = tpu.memref_slice %arg6[%select_n3A_1654, %mul3A_1672] : memref<16x32xi32, #tpu.memory_space<vmem>> -> memref<1x8xi32, #tpu.memory_space<vmem>>
        %dma_start3A_1674 = tpu.memref_squeeze %dma_start3A_1673 : memref<1x8xi32, #tpu.memory_space<vmem>> -> memref<8xi32, #tpu.memory_space<vmem>>
        %dma_start3A_1675 = arith.constant 0 : i32
        %dma_start3A_1676 = arith.constant 0 : i32
        %dma_start3A_1677 = tpu.memref_slice %arg3[%dma_start3A_1675, %dma_start3A_1676] : memref<50257x2048xf32, #tpu.memory_space<hbm>> -> memref<50257x2048xf32, #tpu.memory_space<hbm>>
        tpu.enqueue_indirect_dma source(%dma_start3A_1677 : memref<50257x2048xf32, #tpu.memory_space<hbm>>) target(%arg9 : memref<8x2048xf32, #tpu.memory_space<vmem>>) offsets(%dma_start3A_1674 : memref<8xi32, #tpu.memory_space<vmem>>) semaphore(%arg11 : memref<!tpu.dma_semaphore, #tpu.memory_space<semaphore_mem>>)
      } else {
      }
      %jit3A = arith.constant 4 : i32
      %div3A = arith.divsi %add3A_385, %jit3A : i32
      %sign3A = arith.constant 0 : i32
      %sign3A_390 = arith.cmpi sgt, %add3A_385, %sign3A : i32
      %sign3A_391 = arith.extui %sign3A_390 : i1 to i32
      %sign3A_392 = arith.constant 0 : i32
      %sign3A_393 = arith.cmpi slt, %add3A_385, %sign3A_392 : i32
      %sign3A_394 = arith.extui %sign3A_393 : i1 to i32
      %sign3A_395 = arith.subi %sign3A_391, %sign3A_394 : i32
      %sign3A_396 = arith.constant 0 : i32
      %sign3A_397 = arith.cmpi sgt, %jit3A, %sign3A_396 : i32
      %sign3A_398 = arith.extui %sign3A_397 : i1 to i32
      %sign3A_399 = arith.constant 0 : i32
      %sign3A_400 = arith.cmpi slt, %jit3A, %sign3A_399 : i32
      %sign3A_401 = arith.extui %sign3A_400 : i1 to i32
      %sign3A_402 = arith.subi %sign3A_398, %sign3A_401 : i32
      %ne3A = arith.cmpi ne, %sign3A_395, %sign3A_402 : i32
      %rem3A = arith.remsi %add3A_385, %jit3A : i32
      %ne3A_403 = arith.constant 0 : i32
      %ne3A_404 = arith.cmpi ne, %rem3A, %ne3A_403 : i32
      %and3A = arith.andi %ne3A, %ne3A_404 : i1
      %sub3A = arith.constant 1 : i32
      %sub3A_405 = arith.subi %div3A, %sub3A : i32
      %select_n3A = arith.select %and3A, %sub3A_405, %div3A : i32
      %jit3A_406 = arith.constant 4 : i32
      %eq3A = arith.constant 0 : i32
      %eq3A_407 = arith.cmpi eq, %jit3A_406, %eq3A : i32
      %jit3A_408 = arith.constant 1 : i32
      %select_n3A_409 = arith.select %eq3A_407, %jit3A_408, %jit3A_406 : i32
      %rem3A_410 = arith.remsi %add3A_385, %select_n3A_409 : i32
      %ne3A_411 = arith.constant 0 : i32
      %ne3A_412 = arith.cmpi ne, %rem3A_410, %ne3A_411 : i32
      %lt3A_413 = arith.constant 0 : i32
      %lt3A_414 = arith.cmpi slt, %rem3A_410, %lt3A_413 : i32
      %lt3A_415 = arith.constant 0 : i32
      %lt3A_416 = arith.cmpi slt, %select_n3A_409, %lt3A_415 : i32
      %ne3A_417 = arith.xori %lt3A_414, %lt3A_416 : i1
      %and3A_418 = arith.andi %ne3A_417, %ne3A_412 : i1
      %add3A_419 = arith.addi %rem3A_410, %select_n3A_409 : i32
      %select_n3A_420 = arith.select %and3A_418, %add3A_419, %rem3A_410 : i32
      %mul3A_421 = arith.constant 8 : i32
      %mul3A_422 = arith.muli %select_n3A_420, %mul3A_421 : i32
      %dma_wait3A_423 = tpu.memref_slice %arg6[%select_n3A, %mul3A_422] : memref<16x32xi32, #tpu.memory_space<vmem>> -> memref<1x8xi32, #tpu.memory_space<vmem>>
      %dma_wait3A_424 = tpu.memref_squeeze %dma_wait3A_423 : memref<1x8xi32, #tpu.memory_space<vmem>> -> memref<8xi32, #tpu.memory_space<vmem>>
      %dma_wait3A_425 = arith.constant 0 : i32
      %dma_wait3A_426 = arith.constant 0 : i32
      %dma_wait3A_427 = tpu.memref_slice %arg3[%dma_wait3A_425, %dma_wait3A_426] : memref<50257x2048xf32, #tpu.memory_space<hbm>> -> memref<50257x2048xf32, #tpu.memory_space<hbm>>
      tpu.wait_indirect_dma semaphore(%arg10 : memref<!tpu.dma_semaphore, #tpu.memory_space<semaphore_mem>>) src(%dma_wait3A_427 : memref<50257x2048xf32, #tpu.memory_space<hbm>>) dst(%arg8 : memref<8x2048xf32, #tpu.memory_space<vmem>>)
      %parallel_loop3A = arith.constant 0 : i32
      %parallel_loop3A_428 = arith.constant 128 : i32
      %parallel_loop3A_429 = arith.constant 1 : i32
      scf.for %parallel_loop3A_1625 = %parallel_loop3A to %parallel_loop3A_428 step %parallel_loop3A_429  : i32 {
        %parallel_loop3A_1626 = arith.constant 16 : i32
        %parallel_loop3A_1627 = arith.muli %parallel_loop3A_1625, %parallel_loop3A_1626 : i32
        %parallel_loop3A_1628 = arith.constant 0 : i32
        %parallel_loop3A_1629 = arith.index_cast %parallel_loop3A_1628 : i32 to index
        %parallel_loop3A_1630 = arith.index_cast %parallel_loop3A_1627 : i32 to index
        %parallel_loop3A_1631 = tpu.vector_load %arg7[%parallel_loop3A_1629, %parallel_loop3A_1630] {strides = array<i32>} : memref<32x2048xf32, #tpu.memory_space<vmem>>, vector<1x16xf32>,
        %parallel_loop3A_1632 = vector.shape_cast %parallel_loop3A_1631 : vector<1x16xf32> to vector<16xf32>
        %parallel_loop3A_1633 = arith.constant 0 : i32
        %parallel_loop3A_1634 = arith.index_cast %parallel_loop3A_1633 : i32 to index
        %parallel_loop3A_1635 = arith.index_cast %parallel_loop3A_1627 : i32 to index
        %parallel_loop3A_1636 = tpu.vector_load %arg8[%parallel_loop3A_1634, %parallel_loop3A_1635] {strides = array<i32>} : memref<8x2048xf32, #tpu.memory_space<vmem>>, vector<1x16xf32>,
        %parallel_loop3A_1637 = vector.shape_cast %parallel_loop3A_1636 : vector<1x16xf32> to vector<16xf32>
        %parallel_loop3A_1638 = vector.shape_cast %parallel_loop3A_1632 : vector<16xf32> to vector<1x16xf32>
        tpu.vector_store %arg8[%parallel_loop3A_1634, %parallel_loop3A_1635], %parallel_loop3A_1638 {add = true, strides = array<i32>} : memref<8x2048xf32, #tpu.memory_space<vmem>>, vector<1x16xf32>,
      } {sc.loop_unroll_factor = 8 : i64, sc.parallel_access}
      %parallel_loop3A_430 = arith.constant 0 : i32
      %parallel_loop3A_431 = arith.constant 128 : i32
      %parallel_loop3A_432 = arith.constant 1 : i32
      scf.for %parallel_loop3A_1625 = %parallel_loop3A_430 to %parallel_loop3A_431 step %parallel_loop3A_432  : i32 {
        %parallel_loop3A_1626 = arith.constant 16 : i32
        %parallel_loop3A_1627 = arith.muli %parallel_loop3A_1625, %parallel_loop3A_1626 : i32
        %parallel_loop3A_1628 = arith.constant 1 : i32
        %parallel_loop3A_1629 = arith.index_cast %parallel_loop3A_1628 : i32 to index
        %parallel_loop3A_1630 = arith.index_cast %parallel_loop3A_1627 : i32 to index
        %parallel_loop3A_1631 = tpu.vector_load %arg7[%parallel_loop3A_1629, %parallel_loop3A_1630] {strides = array<i32>} : memref<32x2048xf32, #tpu.memory_space<vmem>>, vector<1x16xf32>,
        %parallel_loop3A_1632 = vector.shape_cast %parallel_loop3A_1631 : vector<1x16xf32> to vector<16xf32>
        %parallel_loop3A_1633 = arith.constant 1 : i32
        %parallel_loop3A_1634 = arith.index_cast %parallel_loop3A_1633 : i32 to index
        %parallel_loop3A_1635 = arith.index_cast %parallel_loop3A_1627 : i32 to index
        %parallel_loop3A_1636 = tpu.vector_load %arg8[%parallel_loop3A_1634, %parallel_loop3A_1635] {strides = array<i32>} : memref<8x2048xf32, #tpu.memory_space<vmem>>, vector<1x16xf32>,
        %parallel_loop3A_1637 = vector.shape_cast %parallel_loop3A_1636 : vector<1x16xf32> to vector<16xf32>
        %parallel_loop3A_1638 = vector.shape_cast %parallel_loop3A_1632 : vector<16xf32> to vector<1x16xf32>
        tpu.vector_store %arg8[%parallel_loop3A_1634, %parallel_loop3A_1635], %parallel_loop3A_1638 {add = true, strides = array<i32>} : memref<8x2048xf32, #tpu.memory_space<vmem>>, vector<1x16xf32>,
      } {sc.loop_unroll_factor = 8 : i64, sc.parallel_access}
      %jit3A_433 = arith.constant 4 : i32
      %div3A_434 = arith.divsi %add3A_385, %jit3A_433 : i32
      %sign3A_435 = arith.constant 0 : i32
      %sign3A_436 = arith.cmpi sgt, %add3A_385, %sign3A_435 : i32
      %sign3A_437 = arith.extui %sign3A_436 : i1 to i32
      %sign3A_438 = arith.constant 0 : i32
      %sign3A_439 = arith.cmpi slt, %add3A_385, %sign3A_438 : i32
      %sign3A_440 = arith.extui %sign3A_439 : i1 to i32
      %sign3A_441 = arith.subi %sign3A_437, %sign3A_440 : i32
      %sign3A_442 = arith.constant 0 : i32
      %sign3A_443 = arith.cmpi sgt, %jit3A_433, %sign3A_442 : i32
      %sign3A_444 = arith.extui %sign3A_443 : i1 to i32
      %sign3A_445 = arith.constant 0 : i32
      %sign3A_446 = arith.cmpi slt, %jit3A_433, %sign3A_445 : i32
      %sign3A_447 = arith.extui %sign3A_446 : i1 to i32
      %sign3A_448 = arith.subi %sign3A_444, %sign3A_447 : i32
      %ne3A_449 = arith.cmpi ne, %sign3A_441, %sign3A_448 : i32
      %rem3A_450 = arith.remsi %add3A_385, %jit3A_433 : i32
      %ne3A_451 = arith.constant 0 : i32
      %ne3A_452 = arith.cmpi ne, %rem3A_450, %ne3A_451 : i32
      %and3A_453 = arith.andi %ne3A_449, %ne3A_452 : i1
      %sub3A_454 = arith.constant 1 : i32
      %sub3A_455 = arith.subi %div3A_434, %sub3A_454 : i32
      %select_n3A_456 = arith.select %and3A_453, %sub3A_455, %div3A_434 : i32
      %mul3A_457 = arith.constant 1024 : i32
      %mul3A_458 = arith.muli %select_n3A_456, %mul3A_457 : i32
      %add3A_459 = arith.addi %mul3A_458, %mul3A_2 : i32
      %jit3A_460 = arith.constant 4 : i32
      %eq3A_461 = arith.constant 0 : i32
      %eq3A_462 = arith.cmpi eq, %jit3A_460, %eq3A_461 : i32
      %jit3A_463 = arith.constant 1 : i32
      %select_n3A_464 = arith.select %eq3A_462, %jit3A_463, %jit3A_460 : i32
      %rem3A_465 = arith.remsi %add3A_385, %select_n3A_464 : i32
      %ne3A_466 = arith.constant 0 : i32
      %ne3A_467 = arith.cmpi ne, %rem3A_465, %ne3A_466 : i32
      %lt3A_468 = arith.constant 0 : i32
      %lt3A_469 = arith.cmpi slt, %rem3A_465, %lt3A_468 : i32
      %lt3A_470 = arith.constant 0 : i32
      %lt3A_471 = arith.cmpi slt, %select_n3A_464, %lt3A_470 : i32
      %ne3A_472 = arith.xori %lt3A_469, %lt3A_471 : i1
      %and3A_473 = arith.andi %ne3A_472, %ne3A_467 : i1
      %add3A_474 = arith.addi %rem3A_465, %select_n3A_464 : i32
      %select_n3A_475 = arith.select %and3A_473, %add3A_474, %rem3A_465 : i32
      %mul3A_476 = arith.constant 8 : i32
      %mul3A_477 = arith.muli %select_n3A_475, %mul3A_476 : i32
      %add3A_478 = arith.addi %add3A_459, %mul3A_477 : i32
      %add3A_479 = arith.constant 0 : i32
      %add3A_480 = arith.addi %add3A_478, %add3A_479 : i32
      %dma_start3A_481 = arith.constant 0 : i32
      %dma_start3A_482 = arith.constant 0 : i32
      %dma_start3A_483 = tpu.memref_slice %arg8[%dma_start3A_481, %dma_start3A_482] : memref<8x2048xf32, #tpu.memory_space<vmem>> -> memref<2x2048xf32, #tpu.memory_space<vmem>>
      %dma_start3A_484 = arith.constant 0 : i32
      %dma_start3A_485 = tpu.memref_slice %arg5[%add3A_480, %dma_start3A_484] : memref<16384x2048xf32, #tpu.memory_space<hbm>> -> memref<2x2048xf32, #tpu.memory_space<hbm>>
      %dma_start3A_486 = arith.constant 0 : i32
      %dma_start3A_487 = tpu.memref_slice %arg5[%add3A_480, %dma_start3A_486] : memref<16384x2048xf32, #tpu.memory_space<hbm>> -> memref<2x2048xf32, #tpu.memory_space<hbm>>
      %dma_start3A_488 = arith.constant 0 : i32
      %dma_start3A_489 = arith.constant 0 : i32
      %dma_start3A_490 = tpu.memref_slice %arg8[%dma_start3A_488, %dma_start3A_489] : memref<8x2048xf32, #tpu.memory_space<vmem>> -> memref<2x2048xf32, #tpu.memory_space<vmem>>
      tpu.enqueue_dma source(%dma_start3A_490 : memref<2x2048xf32, #tpu.memory_space<vmem>>) target(%dma_start3A_487 : memref<2x2048xf32, #tpu.memory_space<hbm>>) target_semaphore(%arg12 : memref<!tpu.dma_semaphore, #tpu.memory_space<semaphore_mem>>)
      %parallel_loop3A_491 = arith.constant 0 : i32
      %parallel_loop3A_492 = arith.constant 128 : i32
      %parallel_loop3A_493 = arith.constant 1 : i32
      scf.for %parallel_loop3A_1625 = %parallel_loop3A_491 to %parallel_loop3A_492 step %parallel_loop3A_493  : i32 {
        %parallel_loop3A_1626 = arith.constant 16 : i32
        %parallel_loop3A_1627 = arith.muli %parallel_loop3A_1625, %parallel_loop3A_1626 : i32
        %parallel_loop3A_1628 = arith.constant 2 : i32
        %parallel_loop3A_1629 = arith.index_cast %parallel_loop3A_1628 : i32 to index
        %parallel_loop3A_1630 = arith.index_cast %parallel_loop3A_1627 : i32 to index
        %parallel_loop3A_1631 = tpu.vector_load %arg7[%parallel_loop3A_1629, %parallel_loop3A_1630] {strides = array<i32>} : memref<32x2048xf32, #tpu.memory_space<vmem>>, vector<1x16xf32>,
        %parallel_loop3A_1632 = vector.shape_cast %parallel_loop3A_1631 : vector<1x16xf32> to vector<16xf32>
        %parallel_loop3A_1633 = arith.constant 2 : i32
        %parallel_loop3A_1634 = arith.index_cast %parallel_loop3A_1633 : i32 to index
        %parallel_loop3A_1635 = arith.index_cast %parallel_loop3A_1627 : i32 to index
        %parallel_loop3A_1636 = tpu.vector_load %arg8[%parallel_loop3A_1634, %parallel_loop3A_1635] {strides = array<i32>} : memref<8x2048xf32, #tpu.memory_space<vmem>>, vector<1x16xf32>,
        %parallel_loop3A_1637 = vector.shape_cast %parallel_loop3A_1636 : vector<1x16xf32> to vector<16xf32>
        %parallel_loop3A_1638 = vector.shape_cast %parallel_loop3A_1632 : vector<16xf32> to vector<1x16xf32>
        tpu.vector_store %arg8[%parallel_loop3A_1634, %parallel_loop3A_1635], %parallel_loop3A_1638 {add = true, strides = array<i32>} : memref<8x2048xf32, #tpu.memory_space<vmem>>, vector<1x16xf32>,
      } {sc.loop_unroll_factor = 8 : i64, sc.parallel_access}
      %parallel_loop3A_494 = arith.constant 0 : i32
      %parallel_loop3A_495 = arith.constant 128 : i32
      %parallel_loop3A_496 = arith.constant 1 : i32
      scf.for %parallel_loop3A_1625 = %parallel_loop3A_494 to %parallel_loop3A_495 step %parallel_loop3A_496  : i32 {
        %parallel_loop3A_1626 = arith.constant 16 : i32
        %parallel_loop3A_1627 = arith.muli %parallel_loop3A_1625, %parallel_loop3A_1626 : i32
        %parallel_loop3A_1628 = arith.constant 3 : i32
        %parallel_loop3A_1629 = arith.index_cast %parallel_loop3A_1628 : i32 to index
        %parallel_loop3A_1630 = arith.index_cast %parallel_loop3A_1627 : i32 to index
        %parallel_loop3A_1631 = tpu.vector_load %arg7[%parallel_loop3A_1629, %parallel_loop3A_1630] {strides = array<i32>} : memref<32x2048xf32, #tpu.memory_space<vmem>>, vector<1x16xf32>,
        %parallel_loop3A_1632 = vector.shape_cast %parallel_loop3A_1631 : vector<1x16xf32> to vector<16xf32>
        %parallel_loop3A_1633 = arith.constant 3 : i32
        %parallel_loop3A_1634 = arith.index_cast %parallel_loop3A_1633 : i32 to index
        %parallel_loop3A_1635 = arith.index_cast %parallel_loop3A_1627 : i32 to index
        %parallel_loop3A_1636 = tpu.vector_load %arg8[%parallel_loop3A_1634, %parallel_loop3A_1635] {strides = array<i32>} : memref<8x2048xf32, #tpu.memory_space<vmem>>, vector<1x16xf32>,
        %parallel_loop3A_1637 = vector.shape_cast %parallel_loop3A_1636 : vector<1x16xf32> to vector<16xf32>
        %parallel_loop3A_1638 = vector.shape_cast %parallel_loop3A_1632 : vector<16xf32> to vector<1x16xf32>
        tpu.vector_store %arg8[%parallel_loop3A_1634, %parallel_loop3A_1635], %parallel_loop3A_1638 {add = true, strides = array<i32>} : memref<8x2048xf32, #tpu.memory_space<vmem>>, vector<1x16xf32>,
      } {sc.loop_unroll_factor = 8 : i64, sc.parallel_access}
      %jit3A_497 = arith.constant 4 : i32
      %div3A_498 = arith.divsi %add3A_385, %jit3A_497 : i32
      %sign3A_499 = arith.constant 0 : i32
      %sign3A_500 = arith.cmpi sgt, %add3A_385, %sign3A_499 : i32
      %sign3A_501 = arith.extui %sign3A_500 : i1 to i32
      %sign3A_502 = arith.constant 0 : i32
      %sign3A_503 = arith.cmpi slt, %add3A_385, %sign3A_502 : i32
      %sign3A_504 = arith.extui %sign3A_503 : i1 to i32
      %sign3A_505 = arith.subi %sign3A_501, %sign3A_504 : i32
      %sign3A_506 = arith.constant 0 : i32
      %sign3A_507 = arith.cmpi sgt, %jit3A_497, %sign3A_506 : i32
      %sign3A_508 = arith.extui %sign3A_507 : i1 to i32
      %sign3A_509 = arith.constant 0 : i32
      %sign3A_510 = arith.cmpi slt, %jit3A_497, %sign3A_509 : i32
      %sign3A_511 = arith.extui %sign3A_510 : i1 to i32
      %sign3A_512 = arith.subi %sign3A_508, %sign3A_511 : i32
      %ne3A_513 = arith.cmpi ne, %sign3A_505, %sign3A_512 : i32
      %rem3A_514 = arith.remsi %add3A_385, %jit3A_497 : i32
      %ne3A_515 = arith.constant 0 : i32
      %ne3A_516 = arith.cmpi ne, %rem3A_514, %ne3A_515 : i32
      %and3A_517 = arith.andi %ne3A_513, %ne3A_516 : i1
      %sub3A_518 = arith.constant 1 : i32
      %sub3A_519 = arith.subi %div3A_498, %sub3A_518 : i32
      %select_n3A_520 = arith.select %and3A_517, %sub3A_519, %div3A_498 : i32
      %mul3A_521 = arith.constant 1024 : i32
      %mul3A_522 = arith.muli %select_n3A_520, %mul3A_521 : i32
      %add3A_523 = arith.addi %mul3A_522, %mul3A_2 : i32
      %jit3A_524 = arith.constant 4 : i32
      %eq3A_525 = arith.constant 0 : i32
      %eq3A_526 = arith.cmpi eq, %jit3A_524, %eq3A_525 : i32
      %jit3A_527 = arith.constant 1 : i32
      %select_n3A_528 = arith.select %eq3A_526, %jit3A_527, %jit3A_524 : i32
      %rem3A_529 = arith.remsi %add3A_385, %select_n3A_528 : i32
      %ne3A_530 = arith.constant 0 : i32
      %ne3A_531 = arith.cmpi ne, %rem3A_529, %ne3A_530 : i32
      %lt3A_532 = arith.constant 0 : i32
      %lt3A_533 = arith.cmpi slt, %rem3A_529, %lt3A_532 : i32
      %lt3A_534 = arith.constant 0 : i32
      %lt3A_535 = arith.cmpi slt, %select_n3A_528, %lt3A_534 : i32
      %ne3A_536 = arith.xori %lt3A_533, %lt3A_535 : i1
      %and3A_537 = arith.andi %ne3A_536, %ne3A_531 : i1
      %add3A_538 = arith.addi %rem3A_529, %select_n3A_528 : i32
      %select_n3A_539 = arith.select %and3A_537, %add3A_538, %rem3A_529 : i32
      %mul3A_540 = arith.constant 8 : i32
      %mul3A_541 = arith.muli %select_n3A_539, %mul3A_540 : i32
      %add3A_542 = arith.addi %add3A_523, %mul3A_541 : i32
      %add3A_543 = arith.constant 2 : i32
      %add3A_544 = arith.addi %add3A_542, %add3A_543 : i32
      %dma_start3A_545 = arith.constant 2 : i32
      %dma_start3A_546 = arith.constant 0 : i32
      %dma_start3A_547 = tpu.memref_slice %arg8[%dma_start3A_545, %dma_start3A_546] : memref<8x2048xf32, #tpu.memory_space<vmem>> -> memref<2x2048xf32, #tpu.memory_space<vmem>>
      %dma_start3A_548 = arith.constant 0 : i32
      %dma_start3A_549 = tpu.memref_slice %arg5[%add3A_544, %dma_start3A_548] : memref<16384x2048xf32, #tpu.memory_space<hbm>> -> memref<2x2048xf32, #tpu.memory_space<hbm>>
      %dma_start3A_550 = arith.constant 0 : i32
      %dma_start3A_551 = tpu.memref_slice %arg5[%add3A_544, %dma_start3A_550] : memref<16384x2048xf32, #tpu.memory_space<hbm>> -> memref<2x2048xf32, #tpu.memory_space<hbm>>
      %dma_start3A_552 = arith.constant 2 : i32
      %dma_start3A_553 = arith.constant 0 : i32
      %dma_start3A_554 = tpu.memref_slice %arg8[%dma_start3A_552, %dma_start3A_553] : memref<8x2048xf32, #tpu.memory_space<vmem>> -> memref<2x2048xf32, #tpu.memory_space<vmem>>
      tpu.enqueue_dma source(%dma_start3A_554 : memref<2x2048xf32, #tpu.memory_space<vmem>>) target(%dma_start3A_551 : memref<2x2048xf32, #tpu.memory_space<hbm>>) target_semaphore(%arg12 : memref<!tpu.dma_semaphore, #tpu.memory_space<semaphore_mem>>)
      %parallel_loop3A_555 = arith.constant 0 : i32
      %parallel_loop3A_556 = arith.constant 128 : i32
      %parallel_loop3A_557 = arith.constant 1 : i32
      scf.for %parallel_loop3A_1625 = %parallel_loop3A_555 to %parallel_loop3A_556 step %parallel_loop3A_557  : i32 {
        %parallel_loop3A_1626 = arith.constant 16 : i32
        %parallel_loop3A_1627 = arith.muli %parallel_loop3A_1625, %parallel_loop3A_1626 : i32
        %parallel_loop3A_1628 = arith.constant 4 : i32
        %parallel_loop3A_1629 = arith.index_cast %parallel_loop3A_1628 : i32 to index
        %parallel_loop3A_1630 = arith.index_cast %parallel_loop3A_1627 : i32 to index
        %parallel_loop3A_1631 = tpu.vector_load %arg7[%parallel_loop3A_1629, %parallel_loop3A_1630] {strides = array<i32>} : memref<32x2048xf32, #tpu.memory_space<vmem>>, vector<1x16xf32>,
        %parallel_loop3A_1632 = vector.shape_cast %parallel_loop3A_1631 : vector<1x16xf32> to vector<16xf32>
        %parallel_loop3A_1633 = arith.constant 4 : i32
        %parallel_loop3A_1634 = arith.index_cast %parallel_loop3A_1633 : i32 to index
        %parallel_loop3A_1635 = arith.index_cast %parallel_loop3A_1627 : i32 to index
        %parallel_loop3A_1636 = tpu.vector_load %arg8[%parallel_loop3A_1634, %parallel_loop3A_1635] {strides = array<i32>} : memref<8x2048xf32, #tpu.memory_space<vmem>>, vector<1x16xf32>,
        %parallel_loop3A_1637 = vector.shape_cast %parallel_loop3A_1636 : vector<1x16xf32> to vector<16xf32>
        %parallel_loop3A_1638 = vector.shape_cast %parallel_loop3A_1632 : vector<16xf32> to vector<1x16xf32>
        tpu.vector_store %arg8[%parallel_loop3A_1634, %parallel_loop3A_1635], %parallel_loop3A_1638 {add = true, strides = array<i32>} : memref<8x2048xf32, #tpu.memory_space<vmem>>, vector<1x16xf32>,
      } {sc.loop_unroll_factor = 8 : i64, sc.parallel_access}
      %parallel_loop3A_558 = arith.constant 0 : i32
      %parallel_loop3A_559 = arith.constant 128 : i32
      %parallel_loop3A_560 = arith.constant 1 : i32
      scf.for %parallel_loop3A_1625 = %parallel_loop3A_558 to %parallel_loop3A_559 step %parallel_loop3A_560  : i32 {
        %parallel_loop3A_1626 = arith.constant 16 : i32
        %parallel_loop3A_1627 = arith.muli %parallel_loop3A_1625, %parallel_loop3A_1626 : i32
        %parallel_loop3A_1628 = arith.constant 5 : i32
        %parallel_loop3A_1629 = arith.index_cast %parallel_loop3A_1628 : i32 to index
        %parallel_loop3A_1630 = arith.index_cast %parallel_loop3A_1627 : i32 to index
        %parallel_loop3A_1631 = tpu.vector_load %arg7[%parallel_loop3A_1629, %parallel_loop3A_1630] {strides = array<i32>} : memref<32x2048xf32, #tpu.memory_space<vmem>>, vector<1x16xf32>,
        %parallel_loop3A_1632 = vector.shape_cast %parallel_loop3A_1631 : vector<1x16xf32> to vector<16xf32>
        %parallel_loop3A_1633 = arith.constant 5 : i32
        %parallel_loop3A_1634 = arith.index_cast %parallel_loop3A_1633 : i32 to index
        %parallel_loop3A_1635 = arith.index_cast %parallel_loop3A_1627 : i32 to index
        %parallel_loop3A_1636 = tpu.vector_load %arg8[%parallel_loop3A_1634, %parallel_loop3A_1635] {strides = array<i32>} : memref<8x2048xf32, #tpu.memory_space<vmem>>, vector<1x16xf32>,
        %parallel_loop3A_1637 = vector.shape_cast %parallel_loop3A_1636 : vector<1x16xf32> to vector<16xf32>
        %parallel_loop3A_1638 = vector.shape_cast %parallel_loop3A_1632 : vector<16xf32> to vector<1x16xf32>
        tpu.vector_store %arg8[%parallel_loop3A_1634, %parallel_loop3A_1635], %parallel_loop3A_1638 {add = true, strides = array<i32>} : memref<8x2048xf32, #tpu.memory_space<vmem>>, vector<1x16xf32>,
      } {sc.loop_unroll_factor = 8 : i64, sc.parallel_access}
      %jit3A_561 = arith.constant 4 : i32
      %div3A_562 = arith.divsi %add3A_385, %jit3A_561 : i32
      %sign3A_563 = arith.constant 0 : i32
      %sign3A_564 = arith.cmpi sgt, %add3A_385, %sign3A_563 : i32
      %sign3A_565 = arith.extui %sign3A_564 : i1 to i32
      %sign3A_566 = arith.constant 0 : i32
      %sign3A_567 = arith.cmpi slt, %add3A_385, %sign3A_566 : i32
      %sign3A_568 = arith.extui %sign3A_567 : i1 to i32
      %sign3A_569 = arith.subi %sign3A_565, %sign3A_568 : i32
      %sign3A_570 = arith.constant 0 : i32
      %sign3A_571 = arith.cmpi sgt, %jit3A_561, %sign3A_570 : i32
      %sign3A_572 = arith.extui %sign3A_571 : i1 to i32
      %sign3A_573 = arith.constant 0 : i32
      %sign3A_574 = arith.cmpi slt, %jit3A_561, %sign3A_573 : i32
      %sign3A_575 = arith.extui %sign3A_574 : i1 to i32
      %sign3A_576 = arith.subi %sign3A_572, %sign3A_575 : i32
      %ne3A_577 = arith.cmpi ne, %sign3A_569, %sign3A_576 : i32
      %rem3A_578 = arith.remsi %add3A_385, %jit3A_561 : i32
      %ne3A_579 = arith.constant 0 : i32
      %ne3A_580 = arith.cmpi ne, %rem3A_578, %ne3A_579 : i32
      %and3A_581 = arith.andi %ne3A_577, %ne3A_580 : i1
      %sub3A_582 = arith.constant 1 : i32
      %sub3A_583 = arith.subi %div3A_562, %sub3A_582 : i32
      %select_n3A_584 = arith.select %and3A_581, %sub3A_583, %div3A_562 : i32
      %mul3A_585 = arith.constant 1024 : i32
      %mul3A_586 = arith.muli %select_n3A_584, %mul3A_585 : i32
      %add3A_587 = arith.addi %mul3A_586, %mul3A_2 : i32
      %jit3A_588 = arith.constant 4 : i32
      %eq3A_589 = arith.constant 0 : i32
      %eq3A_590 = arith.cmpi eq, %jit3A_588, %eq3A_589 : i32
      %jit3A_591 = arith.constant 1 : i32
      %select_n3A_592 = arith.select %eq3A_590, %jit3A_591, %jit3A_588 : i32
      %rem3A_593 = arith.remsi %add3A_385, %select_n3A_592 : i32
      %ne3A_594 = arith.constant 0 : i32
      %ne3A_595 = arith.cmpi ne, %rem3A_593, %ne3A_594 : i32
      %lt3A_596 = arith.constant 0 : i32
      %lt3A_597 = arith.cmpi slt, %rem3A_593, %lt3A_596 : i32
      %lt3A_598 = arith.constant 0 : i32
      %lt3A_599 = arith.cmpi slt, %select_n3A_592, %lt3A_598 : i32
      %ne3A_600 = arith.xori %lt3A_597, %lt3A_599 : i1
      %and3A_601 = arith.andi %ne3A_600, %ne3A_595 : i1
      %add3A_602 = arith.addi %rem3A_593, %select_n3A_592 : i32
      %select_n3A_603 = arith.select %and3A_601, %add3A_602, %rem3A_593 : i32
      %mul3A_604 = arith.constant 8 : i32
      %mul3A_605 = arith.muli %select_n3A_603, %mul3A_604 : i32
      %add3A_606 = arith.addi %add3A_587, %mul3A_605 : i32
      %add3A_607 = arith.constant 4 : i32
      %add3A_608 = arith.addi %add3A_606, %add3A_607 : i32
      %dma_start3A_609 = arith.constant 4 : i32
      %dma_start3A_610 = arith.constant 0 : i32
      %dma_start3A_611 = tpu.memref_slice %arg8[%dma_start3A_609, %dma_start3A_610] : memref<8x2048xf32, #tpu.memory_space<vmem>> -> memref<2x2048xf32, #tpu.memory_space<vmem>>
      %dma_start3A_612 = arith.constant 0 : i32
      %dma_start3A_613 = tpu.memref_slice %arg5[%add3A_608, %dma_start3A_612] : memref<16384x2048xf32, #tpu.memory_space<hbm>> -> memref<2x2048xf32, #tpu.memory_space<hbm>>
      %dma_start3A_614 = arith.constant 0 : i32
      %dma_start3A_615 = tpu.memref_slice %arg5[%add3A_608, %dma_start3A_614] : memref<16384x2048xf32, #tpu.memory_space<hbm>> -> memref<2x2048xf32, #tpu.memory_space<hbm>>
      %dma_start3A_616 = arith.constant 4 : i32
      %dma_start3A_617 = arith.constant 0 : i32
      %dma_start3A_618 = tpu.memref_slice %arg8[%dma_start3A_616, %dma_start3A_617] : memref<8x2048xf32, #tpu.memory_space<vmem>> -> memref<2x2048xf32, #tpu.memory_space<vmem>>
      tpu.enqueue_dma source(%dma_start3A_618 : memref<2x2048xf32, #tpu.memory_space<vmem>>) target(%dma_start3A_615 : memref<2x2048xf32, #tpu.memory_space<hbm>>) target_semaphore(%arg12 : memref<!tpu.dma_semaphore, #tpu.memory_space<semaphore_mem>>)
      %parallel_loop3A_619 = arith.constant 0 : i32
      %parallel_loop3A_620 = arith.constant 128 : i32
      %parallel_loop3A_621 = arith.constant 1 : i32
      scf.for %parallel_loop3A_1625 = %parallel_loop3A_619 to %parallel_loop3A_620 step %parallel_loop3A_621  : i32 {
        %parallel_loop3A_1626 = arith.constant 16 : i32
        %parallel_loop3A_1627 = arith.muli %parallel_loop3A_1625, %parallel_loop3A_1626 : i32
        %parallel_loop3A_1628 = arith.constant 6 : i32
        %parallel_loop3A_1629 = arith.index_cast %parallel_loop3A_1628 : i32 to index
        %parallel_loop3A_1630 = arith.index_cast %parallel_loop3A_1627 : i32 to index
        %parallel_loop3A_1631 = tpu.vector_load %arg7[%parallel_loop3A_1629, %parallel_loop3A_1630] {strides = array<i32>} : memref<32x2048xf32, #tpu.memory_space<vmem>>, vector<1x16xf32>,
        %parallel_loop3A_1632 = vector.shape_cast %parallel_loop3A_1631 : vector<1x16xf32> to vector<16xf32>
        %parallel_loop3A_1633 = arith.constant 6 : i32
        %parallel_loop3A_1634 = arith.index_cast %parallel_loop3A_1633 : i32 to index
        %parallel_loop3A_1635 = arith.index_cast %parallel_loop3A_1627 : i32 to index
        %parallel_loop3A_1636 = tpu.vector_load %arg8[%parallel_loop3A_1634, %parallel_loop3A_1635] {strides = array<i32>} : memref<8x2048xf32, #tpu.memory_space<vmem>>, vector<1x16xf32>,
        %parallel_loop3A_1637 = vector.shape_cast %parallel_loop3A_1636 : vector<1x16xf32> to vector<16xf32>
        %parallel_loop3A_1638 = vector.shape_cast %parallel_loop3A_1632 : vector<16xf32> to vector<1x16xf32>
        tpu.vector_store %arg8[%parallel_loop3A_1634, %parallel_loop3A_1635], %parallel_loop3A_1638 {add = true, strides = array<i32>} : memref<8x2048xf32, #tpu.memory_space<vmem>>, vector<1x16xf32>,
      } {sc.loop_unroll_factor = 8 : i64, sc.parallel_access}
      %parallel_loop3A_622 = arith.constant 0 : i32
      %parallel_loop3A_623 = arith.constant 128 : i32
      %parallel_loop3A_624 = arith.constant 1 : i32
      scf.for %parallel_loop3A_1625 = %parallel_loop3A_622 to %parallel_loop3A_623 step %parallel_loop3A_624  : i32 {
        %parallel_loop3A_1626 = arith.constant 16 : i32
        %parallel_loop3A_1627 = arith.muli %parallel_loop3A_1625, %parallel_loop3A_1626 : i32
        %parallel_loop3A_1628 = arith.constant 7 : i32
        %parallel_loop3A_1629 = arith.index_cast %parallel_loop3A_1628 : i32 to index
        %parallel_loop3A_1630 = arith.index_cast %parallel_loop3A_1627 : i32 to index
        %parallel_loop3A_1631 = tpu.vector_load %arg7[%parallel_loop3A_1629, %parallel_loop3A_1630] {strides = array<i32>} : memref<32x2048xf32, #tpu.memory_space<vmem>>, vector<1x16xf32>,
        %parallel_loop3A_1632 = vector.shape_cast %parallel_loop3A_1631 : vector<1x16xf32> to vector<16xf32>
        %parallel_loop3A_1633 = arith.constant 7 : i32
        %parallel_loop3A_1634 = arith.index_cast %parallel_loop3A_1633 : i32 to index
        %parallel_loop3A_1635 = arith.index_cast %parallel_loop3A_1627 : i32 to index
        %parallel_loop3A_1636 = tpu.vector_load %arg8[%parallel_loop3A_1634, %parallel_loop3A_1635] {strides = array<i32>} : memref<8x2048xf32, #tpu.memory_space<vmem>>, vector<1x16xf32>,
        %parallel_loop3A_1637 = vector.shape_cast %parallel_loop3A_1636 : vector<1x16xf32> to vector<16xf32>
        %parallel_loop3A_1638 = vector.shape_cast %parallel_loop3A_1632 : vector<16xf32> to vector<1x16xf32>
        tpu.vector_store %arg8[%parallel_loop3A_1634, %parallel_loop3A_1635], %parallel_loop3A_1638 {add = true, strides = array<i32>} : memref<8x2048xf32, #tpu.memory_space<vmem>>, vector<1x16xf32>,
      } {sc.loop_unroll_factor = 8 : i64, sc.parallel_access}
      %jit3A_625 = arith.constant 4 : i32
      %div3A_626 = arith.divsi %add3A_385, %jit3A_625 : i32
      %sign3A_627 = arith.constant 0 : i32
      %sign3A_628 = arith.cmpi sgt, %add3A_385, %sign3A_627 : i32
      %sign3A_629 = arith.extui %sign3A_628 : i1 to i32
      %sign3A_630 = arith.constant 0 : i32
      %sign3A_631 = arith.cmpi slt, %add3A_385, %sign3A_630 : i32
      %sign3A_632 = arith.extui %sign3A_631 : i1 to i32
      %sign3A_633 = arith.subi %sign3A_629, %sign3A_632 : i32
      %sign3A_634 = arith.constant 0 : i32
      %sign3A_635 = arith.cmpi sgt, %jit3A_625, %sign3A_634 : i32
      %sign3A_636 = arith.extui %sign3A_635 : i1 to i32
      %sign3A_637 = arith.constant 0 : i32
      %sign3A_638 = arith.cmpi slt, %jit3A_625, %sign3A_637 : i32
      %sign3A_639 = arith.extui %sign3A_638 : i1 to i32
      %sign3A_640 = arith.subi %sign3A_636, %sign3A_639 : i32
      %ne3A_641 = arith.cmpi ne, %sign3A_633, %sign3A_640 : i32
      %rem3A_642 = arith.remsi %add3A_385, %jit3A_625 : i32
      %ne3A_643 = arith.constant 0 : i32
      %ne3A_644 = arith.cmpi ne, %rem3A_642, %ne3A_643 : i32
      %and3A_645 = arith.andi %ne3A_641, %ne3A_644 : i1
      %sub3A_646 = arith.constant 1 : i32
      %sub3A_647 = arith.subi %div3A_626, %sub3A_646 : i32
      %select_n3A_648 = arith.select %and3A_645, %sub3A_647, %div3A_626 : i32
      %mul3A_649 = arith.constant 1024 : i32
      %mul3A_650 = arith.muli %select_n3A_648, %mul3A_649 : i32
      %add3A_651 = arith.addi %mul3A_650, %mul3A_2 : i32
      %jit3A_652 = arith.constant 4 : i32
      %eq3A_653 = arith.constant 0 : i32
      %eq3A_654 = arith.cmpi eq, %jit3A_652, %eq3A_653 : i32
      %jit3A_655 = arith.constant 1 : i32
      %select_n3A_656 = arith.select %eq3A_654, %jit3A_655, %jit3A_652 : i32
      %rem3A_657 = arith.remsi %add3A_385, %select_n3A_656 : i32
      %ne3A_658 = arith.constant 0 : i32
      %ne3A_659 = arith.cmpi ne, %rem3A_657, %ne3A_658 : i32
      %lt3A_660 = arith.constant 0 : i32
      %lt3A_661 = arith.cmpi slt, %rem3A_657, %lt3A_660 : i32
      %lt3A_662 = arith.constant 0 : i32
      %lt3A_663 = arith.cmpi slt, %select_n3A_656, %lt3A_662 : i32
      %ne3A_664 = arith.xori %lt3A_661, %lt3A_663 : i1
      %and3A_665 = arith.andi %ne3A_664, %ne3A_659 : i1
      %add3A_666 = arith.addi %rem3A_657, %select_n3A_656 : i32
      %select_n3A_667 = arith.select %and3A_665, %add3A_666, %rem3A_657 : i32
      %mul3A_668 = arith.constant 8 : i32
      %mul3A_669 = arith.muli %select_n3A_667, %mul3A_668 : i32
      %add3A_670 = arith.addi %add3A_651, %mul3A_669 : i32
      %add3A_671 = arith.constant 6 : i32
      %add3A_672 = arith.addi %add3A_670, %add3A_671 : i32
      %dma_start3A_673 = arith.constant 6 : i32
      %dma_start3A_674 = arith.constant 0 : i32
      %dma_start3A_675 = tpu.memref_slice %arg8[%dma_start3A_673, %dma_start3A_674] : memref<8x2048xf32, #tpu.memory_space<vmem>> -> memref<2x2048xf32, #tpu.memory_space<vmem>>
      %dma_start3A_676 = arith.constant 0 : i32
      %dma_start3A_677 = tpu.memref_slice %arg5[%add3A_672, %dma_start3A_676] : memref<16384x2048xf32, #tpu.memory_space<hbm>> -> memref<2x2048xf32, #tpu.memory_space<hbm>>
      %dma_start3A_678 = arith.constant 0 : i32
      %dma_start3A_679 = tpu.memref_slice %arg5[%add3A_672, %dma_start3A_678] : memref<16384x2048xf32, #tpu.memory_space<hbm>> -> memref<2x2048xf32, #tpu.memory_space<hbm>>
      %dma_start3A_680 = arith.constant 6 : i32
      %dma_start3A_681 = arith.constant 0 : i32
      %dma_start3A_682 = tpu.memref_slice %arg8[%dma_start3A_680, %dma_start3A_681] : memref<8x2048xf32, #tpu.memory_space<vmem>> -> memref<2x2048xf32, #tpu.memory_space<vmem>>
      tpu.enqueue_dma source(%dma_start3A_682 : memref<2x2048xf32, #tpu.memory_space<vmem>>) target(%dma_start3A_679 : memref<2x2048xf32, #tpu.memory_space<hbm>>) target_semaphore(%arg12 : memref<!tpu.dma_semaphore, #tpu.memory_space<semaphore_mem>>)
      %mul3A_683 = arith.constant 4 : i32
      %mul3A_684 = arith.muli %mul3A_683, %scan3A_381 : i32
      %add3A_685 = arith.constant 1 : i32
      %add3A_686 = arith.addi %mul3A_684, %add3A_685 : i32
      %add3A_687 = arith.constant 1 : i32
      %add3A_688 = arith.addi %add3A_686, %add3A_687 : i32
      %lt3A_689 = arith.constant 64 : i32
      %lt3A_690 = arith.cmpi slt, %add3A_688, %lt3A_689 : i32
      %convert_element_type3A_691 = arith.extui %lt3A_690 : i1 to i32
      %cond3A_692 = arith.constant 0 : i32
      %cond3A_693 = arith.cmpi ne, %convert_element_type3A_691, %cond3A_692 : i32
      scf.if %cond3A_693 {
        %ge3A = arith.constant 1 : i32
        %ge3A_1625 = arith.cmpi sge, %add3A_686, %ge3A : i32
        %convert_element_type3A_1626 = arith.extui %ge3A_1625 : i1 to i32
        %cond3A_1627 = arith.constant 0 : i32
        %cond3A_1628 = arith.cmpi ne, %convert_element_type3A_1626, %cond3A_1627 : i32
        scf.if %cond3A_1628 {
          %sub3A_1678 = arith.constant 1 : i32
          %sub3A_1679 = arith.subi %add3A_686, %sub3A_1678 : i32
          %jit3A_1680 = arith.constant 4 : i32
          %div3A_1681 = arith.divsi %sub3A_1679, %jit3A_1680 : i32
          %sign3A_1682 = arith.constant 0 : i32
          %sign3A_1683 = arith.cmpi sgt, %sub3A_1679, %sign3A_1682 : i32
          %sign3A_1684 = arith.extui %sign3A_1683 : i1 to i32
          %sign3A_1685 = arith.constant 0 : i32
          %sign3A_1686 = arith.cmpi slt, %sub3A_1679, %sign3A_1685 : i32
          %sign3A_1687 = arith.extui %sign3A_1686 : i1 to i32
          %sign3A_1688 = arith.subi %sign3A_1684, %sign3A_1687 : i32
          %sign3A_1689 = arith.constant 0 : i32
          %sign3A_1690 = arith.cmpi sgt, %jit3A_1680, %sign3A_1689 : i32
          %sign3A_1691 = arith.extui %sign3A_1690 : i1 to i32
          %sign3A_1692 = arith.constant 0 : i32
          %sign3A_1693 = arith.cmpi slt, %jit3A_1680, %sign3A_1692 : i32
          %sign3A_1694 = arith.extui %sign3A_1693 : i1 to i32
          %sign3A_1695 = arith.subi %sign3A_1691, %sign3A_1694 : i32
          %ne3A_1696 = arith.cmpi ne, %sign3A_1688, %sign3A_1695 : i32
          %rem3A_1697 = arith.remsi %sub3A_1679, %jit3A_1680 : i32
          %ne3A_1698 = arith.constant 0 : i32
          %ne3A_1699 = arith.cmpi ne, %rem3A_1697, %ne3A_1698 : i32
          %and3A_1700 = arith.andi %ne3A_1696, %ne3A_1699 : i1
          %sub3A_1701 = arith.constant 1 : i32
          %sub3A_1702 = arith.subi %div3A_1681, %sub3A_1701 : i32
          %select_n3A_1703 = arith.select %and3A_1700, %sub3A_1702, %div3A_1681 : i32
          %mul3A_1704 = arith.constant 1024 : i32
          %mul3A_1705 = arith.muli %select_n3A_1703, %mul3A_1704 : i32
          %add3A_1706 = arith.addi %mul3A_1705, %mul3A_2 : i32
          %jit3A_1707 = arith.constant 4 : i32
          %eq3A_1708 = arith.constant 0 : i32
          %eq3A_1709 = arith.cmpi eq, %jit3A_1707, %eq3A_1708 : i32
          %jit3A_1710 = arith.constant 1 : i32
          %select_n3A_1711 = arith.select %eq3A_1709, %jit3A_1710, %jit3A_1707 : i32
          %rem3A_1712 = arith.remsi %sub3A_1679, %select_n3A_1711 : i32
          %ne3A_1713 = arith.constant 0 : i32
          %ne3A_1714 = arith.cmpi ne, %rem3A_1712, %ne3A_1713 : i32
          %lt3A_1715 = arith.constant 0 : i32
          %lt3A_1716 = arith.cmpi slt, %rem3A_1712, %lt3A_1715 : i32
          %lt3A_1717 = arith.constant 0 : i32
          %lt3A_1718 = arith.cmpi slt, %select_n3A_1711, %lt3A_1717 : i32
          %ne3A_1719 = arith.xori %lt3A_1716, %lt3A_1718 : i1
          %and3A_1720 = arith.andi %ne3A_1719, %ne3A_1714 : i1
          %add3A_1721 = arith.addi %rem3A_1712, %select_n3A_1711 : i32
          %select_n3A_1722 = arith.select %and3A_1720, %add3A_1721, %rem3A_1712 : i32
          %mul3A_1723 = arith.constant 8 : i32
          %mul3A_1724 = arith.muli %select_n3A_1722, %mul3A_1723 : i32
          %add3A_1725 = arith.addi %add3A_1706, %mul3A_1724 : i32
          %dma_wait3A_1726 = arith.constant 0 : i32
          %dma_wait3A_1727 = tpu.memref_slice %arg5[%add3A_1725, %dma_wait3A_1726] : memref<16384x2048xf32, #tpu.memory_space<hbm>> -> memref<8x2048xf32, #tpu.memory_space<hbm>>
          %dma_wait3A_1728 = arith.constant 0 : i32
          %dma_wait3A_1729 = tpu.memref_slice %arg5[%add3A_1725, %dma_wait3A_1728] : memref<16384x2048xf32, #tpu.memory_space<hbm>> -> memref<8x2048xf32, #tpu.memory_space<hbm>>
          tpu.wait_dma2 semaphore(%arg12 : memref<!tpu.dma_semaphore, #tpu.memory_space<semaphore_mem>>) src(%arg8 : memref<8x2048xf32, #tpu.memory_space<vmem>>) dst(%dma_wait3A_1729 : memref<8x2048xf32, #tpu.memory_space<hbm>>)
        } else {
        }
        %add3A_1629 = arith.constant 1 : i32
        %add3A_1630 = arith.addi %add3A_686, %add3A_1629 : i32
        %jit3A_1631 = arith.constant 4 : i32
        %div3A_1632 = arith.divsi %add3A_1630, %jit3A_1631 : i32
        %sign3A_1633 = arith.constant 0 : i32
        %sign3A_1634 = arith.cmpi sgt, %add3A_1630, %sign3A_1633 : i32
        %sign3A_1635 = arith.extui %sign3A_1634 : i1 to i32
        %sign3A_1636 = arith.constant 0 : i32
        %sign3A_1637 = arith.cmpi slt, %add3A_1630, %sign3A_1636 : i32
        %sign3A_1638 = arith.extui %sign3A_1637 : i1 to i32
        %sign3A_1639 = arith.subi %sign3A_1635, %sign3A_1638 : i32
        %sign3A_1640 = arith.constant 0 : i32
        %sign3A_1641 = arith.cmpi sgt, %jit3A_1631, %sign3A_1640 : i32
        %sign3A_1642 = arith.extui %sign3A_1641 : i1 to i32
        %sign3A_1643 = arith.constant 0 : i32
        %sign3A_1644 = arith.cmpi slt, %jit3A_1631, %sign3A_1643 : i32
        %sign3A_1645 = arith.extui %sign3A_1644 : i1 to i32
        %sign3A_1646 = arith.subi %sign3A_1642, %sign3A_1645 : i32
        %ne3A_1647 = arith.cmpi ne, %sign3A_1639, %sign3A_1646 : i32
        %rem3A_1648 = arith.remsi %add3A_1630, %jit3A_1631 : i32
        %ne3A_1649 = arith.constant 0 : i32
        %ne3A_1650 = arith.cmpi ne, %rem3A_1648, %ne3A_1649 : i32
        %and3A_1651 = arith.andi %ne3A_1647, %ne3A_1650 : i1
        %sub3A_1652 = arith.constant 1 : i32
        %sub3A_1653 = arith.subi %div3A_1632, %sub3A_1652 : i32
        %select_n3A_1654 = arith.select %and3A_1651, %sub3A_1653, %div3A_1632 : i32
        %jit3A_1655 = arith.constant 4 : i32
        %eq3A_1656 = arith.constant 0 : i32
        %eq3A_1657 = arith.cmpi eq, %jit3A_1655, %eq3A_1656 : i32
        %jit3A_1658 = arith.constant 1 : i32
        %select_n3A_1659 = arith.select %eq3A_1657, %jit3A_1658, %jit3A_1655 : i32
        %rem3A_1660 = arith.remsi %add3A_1630, %select_n3A_1659 : i32
        %ne3A_1661 = arith.constant 0 : i32
        %ne3A_1662 = arith.cmpi ne, %rem3A_1660, %ne3A_1661 : i32
        %lt3A_1663 = arith.constant 0 : i32
        %lt3A_1664 = arith.cmpi slt, %rem3A_1660, %lt3A_1663 : i32
        %lt3A_1665 = arith.constant 0 : i32
        %lt3A_1666 = arith.cmpi slt, %select_n3A_1659, %lt3A_1665 : i32
        %ne3A_1667 = arith.xori %lt3A_1664, %lt3A_1666 : i1
        %and3A_1668 = arith.andi %ne3A_1667, %ne3A_1662 : i1
        %add3A_1669 = arith.addi %rem3A_1660, %select_n3A_1659 : i32
        %select_n3A_1670 = arith.select %and3A_1668, %add3A_1669, %rem3A_1660 : i32
        %mul3A_1671 = arith.constant 8 : i32
        %mul3A_1672 = arith.muli %select_n3A_1670, %mul3A_1671 : i32
        %dma_start3A_1673 = tpu.memref_slice %arg6[%select_n3A_1654, %mul3A_1672] : memref<16x32xi32, #tpu.memory_space<vmem>> -> memref<1x8xi32, #tpu.memory_space<vmem>>
        %dma_start3A_1674 = tpu.memref_squeeze %dma_start3A_1673 : memref<1x8xi32, #tpu.memory_space<vmem>> -> memref<8xi32, #tpu.memory_space<vmem>>
        %dma_start3A_1675 = arith.constant 0 : i32
        %dma_start3A_1676 = arith.constant 0 : i32
        %dma_start3A_1677 = tpu.memref_slice %arg3[%dma_start3A_1675, %dma_start3A_1676] : memref<50257x2048xf32, #tpu.memory_space<hbm>> -> memref<50257x2048xf32, #tpu.memory_space<hbm>>
        tpu.enqueue_indirect_dma source(%dma_start3A_1677 : memref<50257x2048xf32, #tpu.memory_space<hbm>>) target(%arg8 : memref<8x2048xf32, #tpu.memory_space<vmem>>) offsets(%dma_start3A_1674 : memref<8xi32, #tpu.memory_space<vmem>>) semaphore(%arg10 : memref<!tpu.dma_semaphore, #tpu.memory_space<semaphore_mem>>)
      } else {
      }
      %jit3A_694 = arith.constant 4 : i32
      %div3A_695 = arith.divsi %add3A_686, %jit3A_694 : i32
      %sign3A_696 = arith.constant 0 : i32
      %sign3A_697 = arith.cmpi sgt, %add3A_686, %sign3A_696 : i32
      %sign3A_698 = arith.extui %sign3A_697 : i1 to i32
      %sign3A_699 = arith.constant 0 : i32
      %sign3A_700 = arith.cmpi slt, %add3A_686, %sign3A_699 : i32
      %sign3A_701 = arith.extui %sign3A_700 : i1 to i32
      %sign3A_702 = arith.subi %sign3A_698, %sign3A_701 : i32
      %sign3A_703 = arith.constant 0 : i32
      %sign3A_704 = arith.cmpi sgt, %jit3A_694, %sign3A_703 : i32
      %sign3A_705 = arith.extui %sign3A_704 : i1 to i32
      %sign3A_706 = arith.constant 0 : i32
      %sign3A_707 = arith.cmpi slt, %jit3A_694, %sign3A_706 : i32
      %sign3A_708 = arith.extui %sign3A_707 : i1 to i32
      %sign3A_709 = arith.subi %sign3A_705, %sign3A_708 : i32
      %ne3A_710 = arith.cmpi ne, %sign3A_702, %sign3A_709 : i32
      %rem3A_711 = arith.remsi %add3A_686, %jit3A_694 : i32
      %ne3A_712 = arith.constant 0 : i32
      %ne3A_713 = arith.cmpi ne, %rem3A_711, %ne3A_712 : i32
      %and3A_714 = arith.andi %ne3A_710, %ne3A_713 : i1
      %sub3A_715 = arith.constant 1 : i32
      %sub3A_716 = arith.subi %div3A_695, %sub3A_715 : i32
      %select_n3A_717 = arith.select %and3A_714, %sub3A_716, %div3A_695 : i32
      %jit3A_718 = arith.constant 4 : i32
      %eq3A_719 = arith.constant 0 : i32
      %eq3A_720 = arith.cmpi eq, %jit3A_718, %eq3A_719 : i32
      %jit3A_721 = arith.constant 1 : i32
      %select_n3A_722 = arith.select %eq3A_720, %jit3A_721, %jit3A_718 : i32
      %rem3A_723 = arith.remsi %add3A_686, %select_n3A_722 : i32
      %ne3A_724 = arith.constant 0 : i32
      %ne3A_725 = arith.cmpi ne, %rem3A_723, %ne3A_724 : i32
      %lt3A_726 = arith.constant 0 : i32
      %lt3A_727 = arith.cmpi slt, %rem3A_723, %lt3A_726 : i32
      %lt3A_728 = arith.constant 0 : i32
      %lt3A_729 = arith.cmpi slt, %select_n3A_722, %lt3A_728 : i32
      %ne3A_730 = arith.xori %lt3A_727, %lt3A_729 : i1
      %and3A_731 = arith.andi %ne3A_730, %ne3A_725 : i1
      %add3A_732 = arith.addi %rem3A_723, %select_n3A_722 : i32
      %select_n3A_733 = arith.select %and3A_731, %add3A_732, %rem3A_723 : i32
      %mul3A_734 = arith.constant 8 : i32
      %mul3A_735 = arith.muli %select_n3A_733, %mul3A_734 : i32
      %dma_wait3A_736 = tpu.memref_slice %arg6[%select_n3A_717, %mul3A_735] : memref<16x32xi32, #tpu.memory_space<vmem>> -> memref<1x8xi32, #tpu.memory_space<vmem>>
      %dma_wait3A_737 = tpu.memref_squeeze %dma_wait3A_736 : memref<1x8xi32, #tpu.memory_space<vmem>> -> memref<8xi32, #tpu.memory_space<vmem>>
      %dma_wait3A_738 = arith.constant 0 : i32
      %dma_wait3A_739 = arith.constant 0 : i32
      %dma_wait3A_740 = tpu.memref_slice %arg3[%dma_wait3A_738, %dma_wait3A_739] : memref<50257x2048xf32, #tpu.memory_space<hbm>> -> memref<50257x2048xf32, #tpu.memory_space<hbm>>
      tpu.wait_indirect_dma semaphore(%arg11 : memref<!tpu.dma_semaphore, #tpu.memory_space<semaphore_mem>>) src(%dma_wait3A_740 : memref<50257x2048xf32, #tpu.memory_space<hbm>>) dst(%arg9 : memref<8x2048xf32, #tpu.memory_space<vmem>>)
      %parallel_loop3A_741 = arith.constant 0 : i32
      %parallel_loop3A_742 = arith.constant 128 : i32
      %parallel_loop3A_743 = arith.constant 1 : i32
      scf.for %parallel_loop3A_1625 = %parallel_loop3A_741 to %parallel_loop3A_742 step %parallel_loop3A_743  : i32 {
        %parallel_loop3A_1626 = arith.constant 16 : i32
        %parallel_loop3A_1627 = arith.muli %parallel_loop3A_1625, %parallel_loop3A_1626 : i32
        %parallel_loop3A_1628 = arith.constant 8 : i32
        %parallel_loop3A_1629 = arith.index_cast %parallel_loop3A_1628 : i32 to index
        %parallel_loop3A_1630 = arith.index_cast %parallel_loop3A_1627 : i32 to index
        %parallel_loop3A_1631 = tpu.vector_load %arg7[%parallel_loop3A_1629, %parallel_loop3A_1630] {strides = array<i32>} : memref<32x2048xf32, #tpu.memory_space<vmem>>, vector<1x16xf32>,
        %parallel_loop3A_1632 = vector.shape_cast %parallel_loop3A_1631 : vector<1x16xf32> to vector<16xf32>
        %parallel_loop3A_1633 = arith.constant 0 : i32
        %parallel_loop3A_1634 = arith.index_cast %parallel_loop3A_1633 : i32 to index
        %parallel_loop3A_1635 = arith.index_cast %parallel_loop3A_1627 : i32 to index
        %parallel_loop3A_1636 = tpu.vector_load %arg9[%parallel_loop3A_1634, %parallel_loop3A_1635] {strides = array<i32>} : memref<8x2048xf32, #tpu.memory_space<vmem>>, vector<1x16xf32>,
        %parallel_loop3A_1637 = vector.shape_cast %parallel_loop3A_1636 : vector<1x16xf32> to vector<16xf32>
        %parallel_loop3A_1638 = vector.shape_cast %parallel_loop3A_1632 : vector<16xf32> to vector<1x16xf32>
        tpu.vector_store %arg9[%parallel_loop3A_1634, %parallel_loop3A_1635], %parallel_loop3A_1638 {add = true, strides = array<i32>} : memref<8x2048xf32, #tpu.memory_space<vmem>>, vector<1x16xf32>,
      } {sc.loop_unroll_factor = 8 : i64, sc.parallel_access}
      %parallel_loop3A_744 = arith.constant 0 : i32
      %parallel_loop3A_745 = arith.constant 128 : i32
      %parallel_loop3A_746 = arith.constant 1 : i32
      scf.for %parallel_loop3A_1625 = %parallel_loop3A_744 to %parallel_loop3A_745 step %parallel_loop3A_746  : i32 {
        %parallel_loop3A_1626 = arith.constant 16 : i32
        %parallel_loop3A_1627 = arith.muli %parallel_loop3A_1625, %parallel_loop3A_1626 : i32
        %parallel_loop3A_1628 = arith.constant 9 : i32
        %parallel_loop3A_1629 = arith.index_cast %parallel_loop3A_1628 : i32 to index
        %parallel_loop3A_1630 = arith.index_cast %parallel_loop3A_1627 : i32 to index
        %parallel_loop3A_1631 = tpu.vector_load %arg7[%parallel_loop3A_1629, %parallel_loop3A_1630] {strides = array<i32>} : memref<32x2048xf32, #tpu.memory_space<vmem>>, vector<1x16xf32>,
        %parallel_loop3A_1632 = vector.shape_cast %parallel_loop3A_1631 : vector<1x16xf32> to vector<16xf32>
        %parallel_loop3A_1633 = arith.constant 1 : i32
        %parallel_loop3A_1634 = arith.index_cast %parallel_loop3A_1633 : i32 to index
        %parallel_loop3A_1635 = arith.index_cast %parallel_loop3A_1627 : i32 to index
        %parallel_loop3A_1636 = tpu.vector_load %arg9[%parallel_loop3A_1634, %parallel_loop3A_1635] {strides = array<i32>} : memref<8x2048xf32, #tpu.memory_space<vmem>>, vector<1x16xf32>,
        %parallel_loop3A_1637 = vector.shape_cast %parallel_loop3A_1636 : vector<1x16xf32> to vector<16xf32>
        %parallel_loop3A_1638 = vector.shape_cast %parallel_loop3A_1632 : vector<16xf32> to vector<1x16xf32>
        tpu.vector_store %arg9[%parallel_loop3A_1634, %parallel_loop3A_1635], %parallel_loop3A_1638 {add = true, strides = array<i32>} : memref<8x2048xf32, #tpu.memory_space<vmem>>, vector<1x16xf32>,
      } {sc.loop_unroll_factor = 8 : i64, sc.parallel_access}
      %jit3A_747 = arith.constant 4 : i32
      %div3A_748 = arith.divsi %add3A_686, %jit3A_747 : i32
      %sign3A_749 = arith.constant 0 : i32
      %sign3A_750 = arith.cmpi sgt, %add3A_686, %sign3A_749 : i32
      %sign3A_751 = arith.extui %sign3A_750 : i1 to i32
      %sign3A_752 = arith.constant 0 : i32
      %sign3A_753 = arith.cmpi slt, %add3A_686, %sign3A_752 : i32
      %sign3A_754 = arith.extui %sign3A_753 : i1 to i32
      %sign3A_755 = arith.subi %sign3A_751, %sign3A_754 : i32
      %sign3A_756 = arith.constant 0 : i32
      %sign3A_757 = arith.cmpi sgt, %jit3A_747, %sign3A_756 : i32
      %sign3A_758 = arith.extui %sign3A_757 : i1 to i32
      %sign3A_759 = arith.constant 0 : i32
      %sign3A_760 = arith.cmpi slt, %jit3A_747, %sign3A_759 : i32
      %sign3A_761 = arith.extui %sign3A_760 : i1 to i32
      %sign3A_762 = arith.subi %sign3A_758, %sign3A_761 : i32
      %ne3A_763 = arith.cmpi ne, %sign3A_755, %sign3A_762 : i32
      %rem3A_764 = arith.remsi %add3A_686, %jit3A_747 : i32
      %ne3A_765 = arith.constant 0 : i32
      %ne3A_766 = arith.cmpi ne, %rem3A_764, %ne3A_765 : i32
      %and3A_767 = arith.andi %ne3A_763, %ne3A_766 : i1
      %sub3A_768 = arith.constant 1 : i32
      %sub3A_769 = arith.subi %div3A_748, %sub3A_768 : i32
      %select_n3A_770 = arith.select %and3A_767, %sub3A_769, %div3A_748 : i32
      %mul3A_771 = arith.constant 1024 : i32
      %mul3A_772 = arith.muli %select_n3A_770, %mul3A_771 : i32
      %add3A_773 = arith.addi %mul3A_772, %mul3A_2 : i32
      %jit3A_774 = arith.constant 4 : i32
      %eq3A_775 = arith.constant 0 : i32
      %eq3A_776 = arith.cmpi eq, %jit3A_774, %eq3A_775 : i32
      %jit3A_777 = arith.constant 1 : i32
      %select_n3A_778 = arith.select %eq3A_776, %jit3A_777, %jit3A_774 : i32
      %rem3A_779 = arith.remsi %add3A_686, %select_n3A_778 : i32
      %ne3A_780 = arith.constant 0 : i32
      %ne3A_781 = arith.cmpi ne, %rem3A_779, %ne3A_780 : i32
      %lt3A_782 = arith.constant 0 : i32
      %lt3A_783 = arith.cmpi slt, %rem3A_779, %lt3A_782 : i32
      %lt3A_784 = arith.constant 0 : i32
      %lt3A_785 = arith.cmpi slt, %select_n3A_778, %lt3A_784 : i32
      %ne3A_786 = arith.xori %lt3A_783, %lt3A_785 : i1
      %and3A_787 = arith.andi %ne3A_786, %ne3A_781 : i1
      %add3A_788 = arith.addi %rem3A_779, %select_n3A_778 : i32
      %select_n3A_789 = arith.select %and3A_787, %add3A_788, %rem3A_779 : i32
      %mul3A_790 = arith.constant 8 : i32
      %mul3A_791 = arith.muli %select_n3A_789, %mul3A_790 : i32
      %add3A_792 = arith.addi %add3A_773, %mul3A_791 : i32
      %add3A_793 = arith.constant 0 : i32
      %add3A_794 = arith.addi %add3A_792, %add3A_793 : i32
      %dma_start3A_795 = arith.constant 0 : i32
      %dma_start3A_796 = arith.constant 0 : i32
      %dma_start3A_797 = tpu.memref_slice %arg9[%dma_start3A_795, %dma_start3A_796] : memref<8x2048xf32, #tpu.memory_space<vmem>> -> memref<2x2048xf32, #tpu.memory_space<vmem>>
      %dma_start3A_798 = arith.constant 0 : i32
      %dma_start3A_799 = tpu.memref_slice %arg5[%add3A_794, %dma_start3A_798] : memref<16384x2048xf32, #tpu.memory_space<hbm>> -> memref<2x2048xf32, #tpu.memory_space<hbm>>
      %dma_start3A_800 = arith.constant 0 : i32
      %dma_start3A_801 = tpu.memref_slice %arg5[%add3A_794, %dma_start3A_800] : memref<16384x2048xf32, #tpu.memory_space<hbm>> -> memref<2x2048xf32, #tpu.memory_space<hbm>>
      %dma_start3A_802 = arith.constant 0 : i32
      %dma_start3A_803 = arith.constant 0 : i32
      %dma_start3A_804 = tpu.memref_slice %arg9[%dma_start3A_802, %dma_start3A_803] : memref<8x2048xf32, #tpu.memory_space<vmem>> -> memref<2x2048xf32, #tpu.memory_space<vmem>>
      tpu.enqueue_dma source(%dma_start3A_804 : memref<2x2048xf32, #tpu.memory_space<vmem>>) target(%dma_start3A_801 : memref<2x2048xf32, #tpu.memory_space<hbm>>) target_semaphore(%arg13 : memref<!tpu.dma_semaphore, #tpu.memory_space<semaphore_mem>>)
      %parallel_loop3A_805 = arith.constant 0 : i32
      %parallel_loop3A_806 = arith.constant 128 : i32
      %parallel_loop3A_807 = arith.constant 1 : i32
      scf.for %parallel_loop3A_1625 = %parallel_loop3A_805 to %parallel_loop3A_806 step %parallel_loop3A_807  : i32 {
        %parallel_loop3A_1626 = arith.constant 16 : i32
        %parallel_loop3A_1627 = arith.muli %parallel_loop3A_1625, %parallel_loop3A_1626 : i32
        %parallel_loop3A_1628 = arith.constant 10 : i32
        %parallel_loop3A_1629 = arith.index_cast %parallel_loop3A_1628 : i32 to index
        %parallel_loop3A_1630 = arith.index_cast %parallel_loop3A_1627 : i32 to index
        %parallel_loop3A_1631 = tpu.vector_load %arg7[%parallel_loop3A_1629, %parallel_loop3A_1630] {strides = array<i32>} : memref<32x2048xf32, #tpu.memory_space<vmem>>, vector<1x16xf32>,
        %parallel_loop3A_1632 = vector.shape_cast %parallel_loop3A_1631 : vector<1x16xf32> to vector<16xf32>
        %parallel_loop3A_1633 = arith.constant 2 : i32
        %parallel_loop3A_1634 = arith.index_cast %parallel_loop3A_1633 : i32 to index
        %parallel_loop3A_1635 = arith.index_cast %parallel_loop3A_1627 : i32 to index
        %parallel_loop3A_1636 = tpu.vector_load %arg9[%parallel_loop3A_1634, %parallel_loop3A_1635] {strides = array<i32>} : memref<8x2048xf32, #tpu.memory_space<vmem>>, vector<1x16xf32>,
        %parallel_loop3A_1637 = vector.shape_cast %parallel_loop3A_1636 : vector<1x16xf32> to vector<16xf32>
        %parallel_loop3A_1638 = vector.shape_cast %parallel_loop3A_1632 : vector<16xf32> to vector<1x16xf32>
        tpu.vector_store %arg9[%parallel_loop3A_1634, %parallel_loop3A_1635], %parallel_loop3A_1638 {add = true, strides = array<i32>} : memref<8x2048xf32, #tpu.memory_space<vmem>>, vector<1x16xf32>,
      } {sc.loop_unroll_factor = 8 : i64, sc.parallel_access}
      %parallel_loop3A_808 = arith.constant 0 : i32
      %parallel_loop3A_809 = arith.constant 128 : i32
      %parallel_loop3A_810 = arith.constant 1 : i32
      scf.for %parallel_loop3A_1625 = %parallel_loop3A_808 to %parallel_loop3A_809 step %parallel_loop3A_810  : i32 {
        %parallel_loop3A_1626 = arith.constant 16 : i32
        %parallel_loop3A_1627 = arith.muli %parallel_loop3A_1625, %parallel_loop3A_1626 : i32
        %parallel_loop3A_1628 = arith.constant 11 : i32
        %parallel_loop3A_1629 = arith.index_cast %parallel_loop3A_1628 : i32 to index
        %parallel_loop3A_1630 = arith.index_cast %parallel_loop3A_1627 : i32 to index
        %parallel_loop3A_1631 = tpu.vector_load %arg7[%parallel_loop3A_1629, %parallel_loop3A_1630] {strides = array<i32>} : memref<32x2048xf32, #tpu.memory_space<vmem>>, vector<1x16xf32>,
        %parallel_loop3A_1632 = vector.shape_cast %parallel_loop3A_1631 : vector<1x16xf32> to vector<16xf32>
        %parallel_loop3A_1633 = arith.constant 3 : i32
        %parallel_loop3A_1634 = arith.index_cast %parallel_loop3A_1633 : i32 to index
        %parallel_loop3A_1635 = arith.index_cast %parallel_loop3A_1627 : i32 to index
        %parallel_loop3A_1636 = tpu.vector_load %arg9[%parallel_loop3A_1634, %parallel_loop3A_1635] {strides = array<i32>} : memref<8x2048xf32, #tpu.memory_space<vmem>>, vector<1x16xf32>,
        %parallel_loop3A_1637 = vector.shape_cast %parallel_loop3A_1636 : vector<1x16xf32> to vector<16xf32>
        %parallel_loop3A_1638 = vector.shape_cast %parallel_loop3A_1632 : vector<16xf32> to vector<1x16xf32>
        tpu.vector_store %arg9[%parallel_loop3A_1634, %parallel_loop3A_1635], %parallel_loop3A_1638 {add = true, strides = array<i32>} : memref<8x2048xf32, #tpu.memory_space<vmem>>, vector<1x16xf32>,
      } {sc.loop_unroll_factor = 8 : i64, sc.parallel_access}
      %jit3A_811 = arith.constant 4 : i32
      %div3A_812 = arith.divsi %add3A_686, %jit3A_811 : i32
      %sign3A_813 = arith.constant 0 : i32
      %sign3A_814 = arith.cmpi sgt, %add3A_686, %sign3A_813 : i32
      %sign3A_815 = arith.extui %sign3A_814 : i1 to i32
      %sign3A_816 = arith.constant 0 : i32
      %sign3A_817 = arith.cmpi slt, %add3A_686, %sign3A_816 : i32
      %sign3A_818 = arith.extui %sign3A_817 : i1 to i32
      %sign3A_819 = arith.subi %sign3A_815, %sign3A_818 : i32
      %sign3A_820 = arith.constant 0 : i32
      %sign3A_821 = arith.cmpi sgt, %jit3A_811, %sign3A_820 : i32
      %sign3A_822 = arith.extui %sign3A_821 : i1 to i32
      %sign3A_823 = arith.constant 0 : i32
      %sign3A_824 = arith.cmpi slt, %jit3A_811, %sign3A_823 : i32
      %sign3A_825 = arith.extui %sign3A_824 : i1 to i32
      %sign3A_826 = arith.subi %sign3A_822, %sign3A_825 : i32
      %ne3A_827 = arith.cmpi ne, %sign3A_819, %sign3A_826 : i32
      %rem3A_828 = arith.remsi %add3A_686, %jit3A_811 : i32
      %ne3A_829 = arith.constant 0 : i32
      %ne3A_830 = arith.cmpi ne, %rem3A_828, %ne3A_829 : i32
      %and3A_831 = arith.andi %ne3A_827, %ne3A_830 : i1
      %sub3A_832 = arith.constant 1 : i32
      %sub3A_833 = arith.subi %div3A_812, %sub3A_832 : i32
      %select_n3A_834 = arith.select %and3A_831, %sub3A_833, %div3A_812 : i32
      %mul3A_835 = arith.constant 1024 : i32
      %mul3A_836 = arith.muli %select_n3A_834, %mul3A_835 : i32
      %add3A_837 = arith.addi %mul3A_836, %mul3A_2 : i32
      %jit3A_838 = arith.constant 4 : i32
      %eq3A_839 = arith.constant 0 : i32
      %eq3A_840 = arith.cmpi eq, %jit3A_838, %eq3A_839 : i32
      %jit3A_841 = arith.constant 1 : i32
      %select_n3A_842 = arith.select %eq3A_840, %jit3A_841, %jit3A_838 : i32
      %rem3A_843 = arith.remsi %add3A_686, %select_n3A_842 : i32
      %ne3A_844 = arith.constant 0 : i32
      %ne3A_845 = arith.cmpi ne, %rem3A_843, %ne3A_844 : i32
      %lt3A_846 = arith.constant 0 : i32
      %lt3A_847 = arith.cmpi slt, %rem3A_843, %lt3A_846 : i32
      %lt3A_848 = arith.constant 0 : i32
      %lt3A_849 = arith.cmpi slt, %select_n3A_842, %lt3A_848 : i32
      %ne3A_850 = arith.xori %lt3A_847, %lt3A_849 : i1
      %and3A_851 = arith.andi %ne3A_850, %ne3A_845 : i1
      %add3A_852 = arith.addi %rem3A_843, %select_n3A_842 : i32
      %select_n3A_853 = arith.select %and3A_851, %add3A_852, %rem3A_843 : i32
      %mul3A_854 = arith.constant 8 : i32
      %mul3A_855 = arith.muli %select_n3A_853, %mul3A_854 : i32
      %add3A_856 = arith.addi %add3A_837, %mul3A_855 : i32
      %add3A_857 = arith.constant 2 : i32
      %add3A_858 = arith.addi %add3A_856, %add3A_857 : i32
      %dma_start3A_859 = arith.constant 2 : i32
      %dma_start3A_860 = arith.constant 0 : i32
      %dma_start3A_861 = tpu.memref_slice %arg9[%dma_start3A_859, %dma_start3A_860] : memref<8x2048xf32, #tpu.memory_space<vmem>> -> memref<2x2048xf32, #tpu.memory_space<vmem>>
      %dma_start3A_862 = arith.constant 0 : i32
      %dma_start3A_863 = tpu.memref_slice %arg5[%add3A_858, %dma_start3A_862] : memref<16384x2048xf32, #tpu.memory_space<hbm>> -> memref<2x2048xf32, #tpu.memory_space<hbm>>
      %dma_start3A_864 = arith.constant 0 : i32
      %dma_start3A_865 = tpu.memref_slice %arg5[%add3A_858, %dma_start3A_864] : memref<16384x2048xf32, #tpu.memory_space<hbm>> -> memref<2x2048xf32, #tpu.memory_space<hbm>>
      %dma_start3A_866 = arith.constant 2 : i32
      %dma_start3A_867 = arith.constant 0 : i32
      %dma_start3A_868 = tpu.memref_slice %arg9[%dma_start3A_866, %dma_start3A_867] : memref<8x2048xf32, #tpu.memory_space<vmem>> -> memref<2x2048xf32, #tpu.memory_space<vmem>>
      tpu.enqueue_dma source(%dma_start3A_868 : memref<2x2048xf32, #tpu.memory_space<vmem>>) target(%dma_start3A_865 : memref<2x2048xf32, #tpu.memory_space<hbm>>) target_semaphore(%arg13 : memref<!tpu.dma_semaphore, #tpu.memory_space<semaphore_mem>>)
      %parallel_loop3A_869 = arith.constant 0 : i32
      %parallel_loop3A_870 = arith.constant 128 : i32
      %parallel_loop3A_871 = arith.constant 1 : i32
      scf.for %parallel_loop3A_1625 = %parallel_loop3A_869 to %parallel_loop3A_870 step %parallel_loop3A_871  : i32 {
        %parallel_loop3A_1626 = arith.constant 16 : i32
        %parallel_loop3A_1627 = arith.muli %parallel_loop3A_1625, %parallel_loop3A_1626 : i32
        %parallel_loop3A_1628 = arith.constant 12 : i32
        %parallel_loop3A_1629 = arith.index_cast %parallel_loop3A_1628 : i32 to index
        %parallel_loop3A_1630 = arith.index_cast %parallel_loop3A_1627 : i32 to index
        %parallel_loop3A_1631 = tpu.vector_load %arg7[%parallel_loop3A_1629, %parallel_loop3A_1630] {strides = array<i32>} : memref<32x2048xf32, #tpu.memory_space<vmem>>, vector<1x16xf32>,
        %parallel_loop3A_1632 = vector.shape_cast %parallel_loop3A_1631 : vector<1x16xf32> to vector<16xf32>
        %parallel_loop3A_1633 = arith.constant 4 : i32
        %parallel_loop3A_1634 = arith.index_cast %parallel_loop3A_1633 : i32 to index
        %parallel_loop3A_1635 = arith.index_cast %parallel_loop3A_1627 : i32 to index
        %parallel_loop3A_1636 = tpu.vector_load %arg9[%parallel_loop3A_1634, %parallel_loop3A_1635] {strides = array<i32>} : memref<8x2048xf32, #tpu.memory_space<vmem>>, vector<1x16xf32>,
        %parallel_loop3A_1637 = vector.shape_cast %parallel_loop3A_1636 : vector<1x16xf32> to vector<16xf32>
        %parallel_loop3A_1638 = vector.shape_cast %parallel_loop3A_1632 : vector<16xf32> to vector<1x16xf32>
        tpu.vector_store %arg9[%parallel_loop3A_1634, %parallel_loop3A_1635], %parallel_loop3A_1638 {add = true, strides = array<i32>} : memref<8x2048xf32, #tpu.memory_space<vmem>>, vector<1x16xf32>,
      } {sc.loop_unroll_factor = 8 : i64, sc.parallel_access}
      %parallel_loop3A_872 = arith.constant 0 : i32
      %parallel_loop3A_873 = arith.constant 128 : i32
      %parallel_loop3A_874 = arith.constant 1 : i32
      scf.for %parallel_loop3A_1625 = %parallel_loop3A_872 to %parallel_loop3A_873 step %parallel_loop3A_874  : i32 {
        %parallel_loop3A_1626 = arith.constant 16 : i32
        %parallel_loop3A_1627 = arith.muli %parallel_loop3A_1625, %parallel_loop3A_1626 : i32
        %parallel_loop3A_1628 = arith.constant 13 : i32
        %parallel_loop3A_1629 = arith.index_cast %parallel_loop3A_1628 : i32 to index
        %parallel_loop3A_1630 = arith.index_cast %parallel_loop3A_1627 : i32 to index
        %parallel_loop3A_1631 = tpu.vector_load %arg7[%parallel_loop3A_1629, %parallel_loop3A_1630] {strides = array<i32>} : memref<32x2048xf32, #tpu.memory_space<vmem>>, vector<1x16xf32>,
        %parallel_loop3A_1632 = vector.shape_cast %parallel_loop3A_1631 : vector<1x16xf32> to vector<16xf32>
        %parallel_loop3A_1633 = arith.constant 5 : i32
        %parallel_loop3A_1634 = arith.index_cast %parallel_loop3A_1633 : i32 to index
        %parallel_loop3A_1635 = arith.index_cast %parallel_loop3A_1627 : i32 to index
        %parallel_loop3A_1636 = tpu.vector_load %arg9[%parallel_loop3A_1634, %parallel_loop3A_1635] {strides = array<i32>} : memref<8x2048xf32, #tpu.memory_space<vmem>>, vector<1x16xf32>,
        %parallel_loop3A_1637 = vector.shape_cast %parallel_loop3A_1636 : vector<1x16xf32> to vector<16xf32>
        %parallel_loop3A_1638 = vector.shape_cast %parallel_loop3A_1632 : vector<16xf32> to vector<1x16xf32>
        tpu.vector_store %arg9[%parallel_loop3A_1634, %parallel_loop3A_1635], %parallel_loop3A_1638 {add = true, strides = array<i32>} : memref<8x2048xf32, #tpu.memory_space<vmem>>, vector<1x16xf32>,
      } {sc.loop_unroll_factor = 8 : i64, sc.parallel_access}
      %jit3A_875 = arith.constant 4 : i32
      %div3A_876 = arith.divsi %add3A_686, %jit3A_875 : i32
      %sign3A_877 = arith.constant 0 : i32
      %sign3A_878 = arith.cmpi sgt, %add3A_686, %sign3A_877 : i32
      %sign3A_879 = arith.extui %sign3A_878 : i1 to i32
      %sign3A_880 = arith.constant 0 : i32
      %sign3A_881 = arith.cmpi slt, %add3A_686, %sign3A_880 : i32
      %sign3A_882 = arith.extui %sign3A_881 : i1 to i32
      %sign3A_883 = arith.subi %sign3A_879, %sign3A_882 : i32
      %sign3A_884 = arith.constant 0 : i32
      %sign3A_885 = arith.cmpi sgt, %jit3A_875, %sign3A_884 : i32
      %sign3A_886 = arith.extui %sign3A_885 : i1 to i32
      %sign3A_887 = arith.constant 0 : i32
      %sign3A_888 = arith.cmpi slt, %jit3A_875, %sign3A_887 : i32
      %sign3A_889 = arith.extui %sign3A_888 : i1 to i32
      %sign3A_890 = arith.subi %sign3A_886, %sign3A_889 : i32
      %ne3A_891 = arith.cmpi ne, %sign3A_883, %sign3A_890 : i32
      %rem3A_892 = arith.remsi %add3A_686, %jit3A_875 : i32
      %ne3A_893 = arith.constant 0 : i32
      %ne3A_894 = arith.cmpi ne, %rem3A_892, %ne3A_893 : i32
      %and3A_895 = arith.andi %ne3A_891, %ne3A_894 : i1
      %sub3A_896 = arith.constant 1 : i32
      %sub3A_897 = arith.subi %div3A_876, %sub3A_896 : i32
      %select_n3A_898 = arith.select %and3A_895, %sub3A_897, %div3A_876 : i32
      %mul3A_899 = arith.constant 1024 : i32
      %mul3A_900 = arith.muli %select_n3A_898, %mul3A_899 : i32
      %add3A_901 = arith.addi %mul3A_900, %mul3A_2 : i32
      %jit3A_902 = arith.constant 4 : i32
      %eq3A_903 = arith.constant 0 : i32
      %eq3A_904 = arith.cmpi eq, %jit3A_902, %eq3A_903 : i32
      %jit3A_905 = arith.constant 1 : i32
      %select_n3A_906 = arith.select %eq3A_904, %jit3A_905, %jit3A_902 : i32
      %rem3A_907 = arith.remsi %add3A_686, %select_n3A_906 : i32
      %ne3A_908 = arith.constant 0 : i32
      %ne3A_909 = arith.cmpi ne, %rem3A_907, %ne3A_908 : i32
      %lt3A_910 = arith.constant 0 : i32
      %lt3A_911 = arith.cmpi slt, %rem3A_907, %lt3A_910 : i32
      %lt3A_912 = arith.constant 0 : i32
      %lt3A_913 = arith.cmpi slt, %select_n3A_906, %lt3A_912 : i32
      %ne3A_914 = arith.xori %lt3A_911, %lt3A_913 : i1
      %and3A_915 = arith.andi %ne3A_914, %ne3A_909 : i1
      %add3A_916 = arith.addi %rem3A_907, %select_n3A_906 : i32
      %select_n3A_917 = arith.select %and3A_915, %add3A_916, %rem3A_907 : i32
      %mul3A_918 = arith.constant 8 : i32
      %mul3A_919 = arith.muli %select_n3A_917, %mul3A_918 : i32
      %add3A_920 = arith.addi %add3A_901, %mul3A_919 : i32
      %add3A_921 = arith.constant 4 : i32
      %add3A_922 = arith.addi %add3A_920, %add3A_921 : i32
      %dma_start3A_923 = arith.constant 4 : i32
      %dma_start3A_924 = arith.constant 0 : i32
      %dma_start3A_925 = tpu.memref_slice %arg9[%dma_start3A_923, %dma_start3A_924] : memref<8x2048xf32, #tpu.memory_space<vmem>> -> memref<2x2048xf32, #tpu.memory_space<vmem>>
      %dma_start3A_926 = arith.constant 0 : i32
      %dma_start3A_927 = tpu.memref_slice %arg5[%add3A_922, %dma_start3A_926] : memref<16384x2048xf32, #tpu.memory_space<hbm>> -> memref<2x2048xf32, #tpu.memory_space<hbm>>
      %dma_start3A_928 = arith.constant 0 : i32
      %dma_start3A_929 = tpu.memref_slice %arg5[%add3A_922, %dma_start3A_928] : memref<16384x2048xf32, #tpu.memory_space<hbm>> -> memref<2x2048xf32, #tpu.memory_space<hbm>>
      %dma_start3A_930 = arith.constant 4 : i32
      %dma_start3A_931 = arith.constant 0 : i32
      %dma_start3A_932 = tpu.memref_slice %arg9[%dma_start3A_930, %dma_start3A_931] : memref<8x2048xf32, #tpu.memory_space<vmem>> -> memref<2x2048xf32, #tpu.memory_space<vmem>>
      tpu.enqueue_dma source(%dma_start3A_932 : memref<2x2048xf32, #tpu.memory_space<vmem>>) target(%dma_start3A_929 : memref<2x2048xf32, #tpu.memory_space<hbm>>) target_semaphore(%arg13 : memref<!tpu.dma_semaphore, #tpu.memory_space<semaphore_mem>>)
      %parallel_loop3A_933 = arith.constant 0 : i32
      %parallel_loop3A_934 = arith.constant 128 : i32
      %parallel_loop3A_935 = arith.constant 1 : i32
      scf.for %parallel_loop3A_1625 = %parallel_loop3A_933 to %parallel_loop3A_934 step %parallel_loop3A_935  : i32 {
        %parallel_loop3A_1626 = arith.constant 16 : i32
        %parallel_loop3A_1627 = arith.muli %parallel_loop3A_1625, %parallel_loop3A_1626 : i32
        %parallel_loop3A_1628 = arith.constant 14 : i32
        %parallel_loop3A_1629 = arith.index_cast %parallel_loop3A_1628 : i32 to index
        %parallel_loop3A_1630 = arith.index_cast %parallel_loop3A_1627 : i32 to index
        %parallel_loop3A_1631 = tpu.vector_load %arg7[%parallel_loop3A_1629, %parallel_loop3A_1630] {strides = array<i32>} : memref<32x2048xf32, #tpu.memory_space<vmem>>, vector<1x16xf32>,
        %parallel_loop3A_1632 = vector.shape_cast %parallel_loop3A_1631 : vector<1x16xf32> to vector<16xf32>
        %parallel_loop3A_1633 = arith.constant 6 : i32
        %parallel_loop3A_1634 = arith.index_cast %parallel_loop3A_1633 : i32 to index
        %parallel_loop3A_1635 = arith.index_cast %parallel_loop3A_1627 : i32 to index
        %parallel_loop3A_1636 = tpu.vector_load %arg9[%parallel_loop3A_1634, %parallel_loop3A_1635] {strides = array<i32>} : memref<8x2048xf32, #tpu.memory_space<vmem>>, vector<1x16xf32>,
        %parallel_loop3A_1637 = vector.shape_cast %parallel_loop3A_1636 : vector<1x16xf32> to vector<16xf32>
        %parallel_loop3A_1638 = vector.shape_cast %parallel_loop3A_1632 : vector<16xf32> to vector<1x16xf32>
        tpu.vector_store %arg9[%parallel_loop3A_1634, %parallel_loop3A_1635], %parallel_loop3A_1638 {add = true, strides = array<i32>} : memref<8x2048xf32, #tpu.memory_space<vmem>>, vector<1x16xf32>,
      } {sc.loop_unroll_factor = 8 : i64, sc.parallel_access}
      %parallel_loop3A_936 = arith.constant 0 : i32
      %parallel_loop3A_937 = arith.constant 128 : i32
      %parallel_loop3A_938 = arith.constant 1 : i32
      scf.for %parallel_loop3A_1625 = %parallel_loop3A_936 to %parallel_loop3A_937 step %parallel_loop3A_938  : i32 {
        %parallel_loop3A_1626 = arith.constant 16 : i32
        %parallel_loop3A_1627 = arith.muli %parallel_loop3A_1625, %parallel_loop3A_1626 : i32
        %parallel_loop3A_1628 = arith.constant 15 : i32
        %parallel_loop3A_1629 = arith.index_cast %parallel_loop3A_1628 : i32 to index
        %parallel_loop3A_1630 = arith.index_cast %parallel_loop3A_1627 : i32 to index
        %parallel_loop3A_1631 = tpu.vector_load %arg7[%parallel_loop3A_1629, %parallel_loop3A_1630] {strides = array<i32>} : memref<32x2048xf32, #tpu.memory_space<vmem>>, vector<1x16xf32>,
        %parallel_loop3A_1632 = vector.shape_cast %parallel_loop3A_1631 : vector<1x16xf32> to vector<16xf32>
        %parallel_loop3A_1633 = arith.constant 7 : i32
        %parallel_loop3A_1634 = arith.index_cast %parallel_loop3A_1633 : i32 to index
        %parallel_loop3A_1635 = arith.index_cast %parallel_loop3A_1627 : i32 to index
        %parallel_loop3A_1636 = tpu.vector_load %arg9[%parallel_loop3A_1634, %parallel_loop3A_1635] {strides = array<i32>} : memref<8x2048xf32, #tpu.memory_space<vmem>>, vector<1x16xf32>,
        %parallel_loop3A_1637 = vector.shape_cast %parallel_loop3A_1636 : vector<1x16xf32> to vector<16xf32>
        %parallel_loop3A_1638 = vector.shape_cast %parallel_loop3A_1632 : vector<16xf32> to vector<1x16xf32>
        tpu.vector_store %arg9[%parallel_loop3A_1634, %parallel_loop3A_1635], %parallel_loop3A_1638 {add = true, strides = array<i32>} : memref<8x2048xf32, #tpu.memory_space<vmem>>, vector<1x16xf32>,
      } {sc.loop_unroll_factor = 8 : i64, sc.parallel_access}
      %jit3A_939 = arith.constant 4 : i32
      %div3A_940 = arith.divsi %add3A_686, %jit3A_939 : i32
      %sign3A_941 = arith.constant 0 : i32
      %sign3A_942 = arith.cmpi sgt, %add3A_686, %sign3A_941 : i32
      %sign3A_943 = arith.extui %sign3A_942 : i1 to i32
      %sign3A_944 = arith.constant 0 : i32
      %sign3A_945 = arith.cmpi slt, %add3A_686, %sign3A_944 : i32
      %sign3A_946 = arith.extui %sign3A_945 : i1 to i32
      %sign3A_947 = arith.subi %sign3A_943, %sign3A_946 : i32
      %sign3A_948 = arith.constant 0 : i32
      %sign3A_949 = arith.cmpi sgt, %jit3A_939, %sign3A_948 : i32
      %sign3A_950 = arith.extui %sign3A_949 : i1 to i32
      %sign3A_951 = arith.constant 0 : i32
      %sign3A_952 = arith.cmpi slt, %jit3A_939, %sign3A_951 : i32
      %sign3A_953 = arith.extui %sign3A_952 : i1 to i32
      %sign3A_954 = arith.subi %sign3A_950, %sign3A_953 : i32
      %ne3A_955 = arith.cmpi ne, %sign3A_947, %sign3A_954 : i32
      %rem3A_956 = arith.remsi %add3A_686, %jit3A_939 : i32
      %ne3A_957 = arith.constant 0 : i32
      %ne3A_958 = arith.cmpi ne, %rem3A_956, %ne3A_957 : i32
      %and3A_959 = arith.andi %ne3A_955, %ne3A_958 : i1
      %sub3A_960 = arith.constant 1 : i32
      %sub3A_961 = arith.subi %div3A_940, %sub3A_960 : i32
      %select_n3A_962 = arith.select %and3A_959, %sub3A_961, %div3A_940 : i32
      %mul3A_963 = arith.constant 1024 : i32
      %mul3A_964 = arith.muli %select_n3A_962, %mul3A_963 : i32
      %add3A_965 = arith.addi %mul3A_964, %mul3A_2 : i32
      %jit3A_966 = arith.constant 4 : i32
      %eq3A_967 = arith.constant 0 : i32
      %eq3A_968 = arith.cmpi eq, %jit3A_966, %eq3A_967 : i32
      %jit3A_969 = arith.constant 1 : i32
      %select_n3A_970 = arith.select %eq3A_968, %jit3A_969, %jit3A_966 : i32
      %rem3A_971 = arith.remsi %add3A_686, %select_n3A_970 : i32
      %ne3A_972 = arith.constant 0 : i32
      %ne3A_973 = arith.cmpi ne, %rem3A_971, %ne3A_972 : i32
      %lt3A_974 = arith.constant 0 : i32
      %lt3A_975 = arith.cmpi slt, %rem3A_971, %lt3A_974 : i32
      %lt3A_976 = arith.constant 0 : i32
      %lt3A_977 = arith.cmpi slt, %select_n3A_970, %lt3A_976 : i32
      %ne3A_978 = arith.xori %lt3A_975, %lt3A_977 : i1
      %and3A_979 = arith.andi %ne3A_978, %ne3A_973 : i1
      %add3A_980 = arith.addi %rem3A_971, %select_n3A_970 : i32
      %select_n3A_981 = arith.select %and3A_979, %add3A_980, %rem3A_971 : i32
      %mul3A_982 = arith.constant 8 : i32
      %mul3A_983 = arith.muli %select_n3A_981, %mul3A_982 : i32
      %add3A_984 = arith.addi %add3A_965, %mul3A_983 : i32
      %add3A_985 = arith.constant 6 : i32
      %add3A_986 = arith.addi %add3A_984, %add3A_985 : i32
      %dma_start3A_987 = arith.constant 6 : i32
      %dma_start3A_988 = arith.constant 0 : i32
      %dma_start3A_989 = tpu.memref_slice %arg9[%dma_start3A_987, %dma_start3A_988] : memref<8x2048xf32, #tpu.memory_space<vmem>> -> memref<2x2048xf32, #tpu.memory_space<vmem>>
      %dma_start3A_990 = arith.constant 0 : i32
      %dma_start3A_991 = tpu.memref_slice %arg5[%add3A_986, %dma_start3A_990] : memref<16384x2048xf32, #tpu.memory_space<hbm>> -> memref<2x2048xf32, #tpu.memory_space<hbm>>
      %dma_start3A_992 = arith.constant 0 : i32
      %dma_start3A_993 = tpu.memref_slice %arg5[%add3A_986, %dma_start3A_992] : memref<16384x2048xf32, #tpu.memory_space<hbm>> -> memref<2x2048xf32, #tpu.memory_space<hbm>>
      %dma_start3A_994 = arith.constant 6 : i32
      %dma_start3A_995 = arith.constant 0 : i32
      %dma_start3A_996 = tpu.memref_slice %arg9[%dma_start3A_994, %dma_start3A_995] : memref<8x2048xf32, #tpu.memory_space<vmem>> -> memref<2x2048xf32, #tpu.memory_space<vmem>>
      tpu.enqueue_dma source(%dma_start3A_996 : memref<2x2048xf32, #tpu.memory_space<vmem>>) target(%dma_start3A_993 : memref<2x2048xf32, #tpu.memory_space<hbm>>) target_semaphore(%arg13 : memref<!tpu.dma_semaphore, #tpu.memory_space<semaphore_mem>>)
      %mul3A_997 = arith.constant 4 : i32
      %mul3A_998 = arith.muli %mul3A_997, %scan3A_381 : i32
      %add3A_999 = arith.constant 2 : i32
      %add3A_1000 = arith.addi %mul3A_998, %add3A_999 : i32
      %add3A_1001 = arith.constant 1 : i32
      %add3A_1002 = arith.addi %add3A_1000, %add3A_1001 : i32
      %lt3A_1003 = arith.constant 64 : i32
      %lt3A_1004 = arith.cmpi slt, %add3A_1002, %lt3A_1003 : i32
      %convert_element_type3A_1005 = arith.extui %lt3A_1004 : i1 to i32
      %cond3A_1006 = arith.constant 0 : i32
      %cond3A_1007 = arith.cmpi ne, %convert_element_type3A_1005, %cond3A_1006 : i32
      scf.if %cond3A_1007 {
        %ge3A = arith.constant 1 : i32
        %ge3A_1625 = arith.cmpi sge, %add3A_1000, %ge3A : i32
        %convert_element_type3A_1626 = arith.extui %ge3A_1625 : i1 to i32
        %cond3A_1627 = arith.constant 0 : i32
        %cond3A_1628 = arith.cmpi ne, %convert_element_type3A_1626, %cond3A_1627 : i32
        scf.if %cond3A_1628 {
          %sub3A_1678 = arith.constant 1 : i32
          %sub3A_1679 = arith.subi %add3A_1000, %sub3A_1678 : i32
          %jit3A_1680 = arith.constant 4 : i32
          %div3A_1681 = arith.divsi %sub3A_1679, %jit3A_1680 : i32
          %sign3A_1682 = arith.constant 0 : i32
          %sign3A_1683 = arith.cmpi sgt, %sub3A_1679, %sign3A_1682 : i32
          %sign3A_1684 = arith.extui %sign3A_1683 : i1 to i32
          %sign3A_1685 = arith.constant 0 : i32
          %sign3A_1686 = arith.cmpi slt, %sub3A_1679, %sign3A_1685 : i32
          %sign3A_1687 = arith.extui %sign3A_1686 : i1 to i32
          %sign3A_1688 = arith.subi %sign3A_1684, %sign3A_1687 : i32
          %sign3A_1689 = arith.constant 0 : i32
          %sign3A_1690 = arith.cmpi sgt, %jit3A_1680, %sign3A_1689 : i32
          %sign3A_1691 = arith.extui %sign3A_1690 : i1 to i32
          %sign3A_1692 = arith.constant 0 : i32
          %sign3A_1693 = arith.cmpi slt, %jit3A_1680, %sign3A_1692 : i32
          %sign3A_1694 = arith.extui %sign3A_1693 : i1 to i32
          %sign3A_1695 = arith.subi %sign3A_1691, %sign3A_1694 : i32
          %ne3A_1696 = arith.cmpi ne, %sign3A_1688, %sign3A_1695 : i32
          %rem3A_1697 = arith.remsi %sub3A_1679, %jit3A_1680 : i32
          %ne3A_1698 = arith.constant 0 : i32
          %ne3A_1699 = arith.cmpi ne, %rem3A_1697, %ne3A_1698 : i32
          %and3A_1700 = arith.andi %ne3A_1696, %ne3A_1699 : i1
          %sub3A_1701 = arith.constant 1 : i32
          %sub3A_1702 = arith.subi %div3A_1681, %sub3A_1701 : i32
          %select_n3A_1703 = arith.select %and3A_1700, %sub3A_1702, %div3A_1681 : i32
          %mul3A_1704 = arith.constant 1024 : i32
          %mul3A_1705 = arith.muli %select_n3A_1703, %mul3A_1704 : i32
          %add3A_1706 = arith.addi %mul3A_1705, %mul3A_2 : i32
          %jit3A_1707 = arith.constant 4 : i32
          %eq3A_1708 = arith.constant 0 : i32
          %eq3A_1709 = arith.cmpi eq, %jit3A_1707, %eq3A_1708 : i32
          %jit3A_1710 = arith.constant 1 : i32
          %select_n3A_1711 = arith.select %eq3A_1709, %jit3A_1710, %jit3A_1707 : i32
          %rem3A_1712 = arith.remsi %sub3A_1679, %select_n3A_1711 : i32
          %ne3A_1713 = arith.constant 0 : i32
          %ne3A_1714 = arith.cmpi ne, %rem3A_1712, %ne3A_1713 : i32
          %lt3A_1715 = arith.constant 0 : i32
          %lt3A_1716 = arith.cmpi slt, %rem3A_1712, %lt3A_1715 : i32
          %lt3A_1717 = arith.constant 0 : i32
          %lt3A_1718 = arith.cmpi slt, %select_n3A_1711, %lt3A_1717 : i32
          %ne3A_1719 = arith.xori %lt3A_1716, %lt3A_1718 : i1
          %and3A_1720 = arith.andi %ne3A_1719, %ne3A_1714 : i1
          %add3A_1721 = arith.addi %rem3A_1712, %select_n3A_1711 : i32
          %select_n3A_1722 = arith.select %and3A_1720, %add3A_1721, %rem3A_1712 : i32
          %mul3A_1723 = arith.constant 8 : i32
          %mul3A_1724 = arith.muli %select_n3A_1722, %mul3A_1723 : i32
          %add3A_1725 = arith.addi %add3A_1706, %mul3A_1724 : i32
          %dma_wait3A_1726 = arith.constant 0 : i32
          %dma_wait3A_1727 = tpu.memref_slice %arg5[%add3A_1725, %dma_wait3A_1726] : memref<16384x2048xf32, #tpu.memory_space<hbm>> -> memref<8x2048xf32, #tpu.memory_space<hbm>>
          %dma_wait3A_1728 = arith.constant 0 : i32
          %dma_wait3A_1729 = tpu.memref_slice %arg5[%add3A_1725, %dma_wait3A_1728] : memref<16384x2048xf32, #tpu.memory_space<hbm>> -> memref<8x2048xf32, #tpu.memory_space<hbm>>
          tpu.wait_dma2 semaphore(%arg13 : memref<!tpu.dma_semaphore, #tpu.memory_space<semaphore_mem>>) src(%arg9 : memref<8x2048xf32, #tpu.memory_space<vmem>>) dst(%dma_wait3A_1729 : memref<8x2048xf32, #tpu.memory_space<hbm>>)
        } else {
        }
        %add3A_1629 = arith.constant 1 : i32
        %add3A_1630 = arith.addi %add3A_1000, %add3A_1629 : i32
        %jit3A_1631 = arith.constant 4 : i32
        %div3A_1632 = arith.divsi %add3A_1630, %jit3A_1631 : i32
        %sign3A_1633 = arith.constant 0 : i32
        %sign3A_1634 = arith.cmpi sgt, %add3A_1630, %sign3A_1633 : i32
        %sign3A_1635 = arith.extui %sign3A_1634 : i1 to i32
        %sign3A_1636 = arith.constant 0 : i32
        %sign3A_1637 = arith.cmpi slt, %add3A_1630, %sign3A_1636 : i32
        %sign3A_1638 = arith.extui %sign3A_1637 : i1 to i32
        %sign3A_1639 = arith.subi %sign3A_1635, %sign3A_1638 : i32
        %sign3A_1640 = arith.constant 0 : i32
        %sign3A_1641 = arith.cmpi sgt, %jit3A_1631, %sign3A_1640 : i32
        %sign3A_1642 = arith.extui %sign3A_1641 : i1 to i32
        %sign3A_1643 = arith.constant 0 : i32
        %sign3A_1644 = arith.cmpi slt, %jit3A_1631, %sign3A_1643 : i32
        %sign3A_1645 = arith.extui %sign3A_1644 : i1 to i32
        %sign3A_1646 = arith.subi %sign3A_1642, %sign3A_1645 : i32
        %ne3A_1647 = arith.cmpi ne, %sign3A_1639, %sign3A_1646 : i32
        %rem3A_1648 = arith.remsi %add3A_1630, %jit3A_1631 : i32
        %ne3A_1649 = arith.constant 0 : i32
        %ne3A_1650 = arith.cmpi ne, %rem3A_1648, %ne3A_1649 : i32
        %and3A_1651 = arith.andi %ne3A_1647, %ne3A_1650 : i1
        %sub3A_1652 = arith.constant 1 : i32
        %sub3A_1653 = arith.subi %div3A_1632, %sub3A_1652 : i32
        %select_n3A_1654 = arith.select %and3A_1651, %sub3A_1653, %div3A_1632 : i32
        %jit3A_1655 = arith.constant 4 : i32
        %eq3A_1656 = arith.constant 0 : i32
        %eq3A_1657 = arith.cmpi eq, %jit3A_1655, %eq3A_1656 : i32
        %jit3A_1658 = arith.constant 1 : i32
        %select_n3A_1659 = arith.select %eq3A_1657, %jit3A_1658, %jit3A_1655 : i32
        %rem3A_1660 = arith.remsi %add3A_1630, %select_n3A_1659 : i32
        %ne3A_1661 = arith.constant 0 : i32
        %ne3A_1662 = arith.cmpi ne, %rem3A_1660, %ne3A_1661 : i32
        %lt3A_1663 = arith.constant 0 : i32
        %lt3A_1664 = arith.cmpi slt, %rem3A_1660, %lt3A_1663 : i32
        %lt3A_1665 = arith.constant 0 : i32
        %lt3A_1666 = arith.cmpi slt, %select_n3A_1659, %lt3A_1665 : i32
        %ne3A_1667 = arith.xori %lt3A_1664, %lt3A_1666 : i1
        %and3A_1668 = arith.andi %ne3A_1667, %ne3A_1662 : i1
        %add3A_1669 = arith.addi %rem3A_1660, %select_n3A_1659 : i32
        %select_n3A_1670 = arith.select %and3A_1668, %add3A_1669, %rem3A_1660 : i32
        %mul3A_1671 = arith.constant 8 : i32
        %mul3A_1672 = arith.muli %select_n3A_1670, %mul3A_1671 : i32
        %dma_start3A_1673 = tpu.memref_slice %arg6[%select_n3A_1654, %mul3A_1672] : memref<16x32xi32, #tpu.memory_space<vmem>> -> memref<1x8xi32, #tpu.memory_space<vmem>>
        %dma_start3A_1674 = tpu.memref_squeeze %dma_start3A_1673 : memref<1x8xi32, #tpu.memory_space<vmem>> -> memref<8xi32, #tpu.memory_space<vmem>>
        %dma_start3A_1675 = arith.constant 0 : i32
        %dma_start3A_1676 = arith.constant 0 : i32
        %dma_start3A_1677 = tpu.memref_slice %arg3[%dma_start3A_1675, %dma_start3A_1676] : memref<50257x2048xf32, #tpu.memory_space<hbm>> -> memref<50257x2048xf32, #tpu.memory_space<hbm>>
        tpu.enqueue_indirect_dma source(%dma_start3A_1677 : memref<50257x2048xf32, #tpu.memory_space<hbm>>) target(%arg9 : memref<8x2048xf32, #tpu.memory_space<vmem>>) offsets(%dma_start3A_1674 : memref<8xi32, #tpu.memory_space<vmem>>) semaphore(%arg11 : memref<!tpu.dma_semaphore, #tpu.memory_space<semaphore_mem>>)
      } else {
      }
      %jit3A_1008 = arith.constant 4 : i32
      %div3A_1009 = arith.divsi %add3A_1000, %jit3A_1008 : i32
      %sign3A_1010 = arith.constant 0 : i32
      %sign3A_1011 = arith.cmpi sgt, %add3A_1000, %sign3A_1010 : i32
      %sign3A_1012 = arith.extui %sign3A_1011 : i1 to i32
      %sign3A_1013 = arith.constant 0 : i32
      %sign3A_1014 = arith.cmpi slt, %add3A_1000, %sign3A_1013 : i32
      %sign3A_1015 = arith.extui %sign3A_1014 : i1 to i32
      %sign3A_1016 = arith.subi %sign3A_1012, %sign3A_1015 : i32
      %sign3A_1017 = arith.constant 0 : i32
      %sign3A_1018 = arith.cmpi sgt, %jit3A_1008, %sign3A_1017 : i32
      %sign3A_1019 = arith.extui %sign3A_1018 : i1 to i32
      %sign3A_1020 = arith.constant 0 : i32
      %sign3A_1021 = arith.cmpi slt, %jit3A_1008, %sign3A_1020 : i32
      %sign3A_1022 = arith.extui %sign3A_1021 : i1 to i32
      %sign3A_1023 = arith.subi %sign3A_1019, %sign3A_1022 : i32
      %ne3A_1024 = arith.cmpi ne, %sign3A_1016, %sign3A_1023 : i32
      %rem3A_1025 = arith.remsi %add3A_1000, %jit3A_1008 : i32
      %ne3A_1026 = arith.constant 0 : i32
      %ne3A_1027 = arith.cmpi ne, %rem3A_1025, %ne3A_1026 : i32
      %and3A_1028 = arith.andi %ne3A_1024, %ne3A_1027 : i1
      %sub3A_1029 = arith.constant 1 : i32
      %sub3A_1030 = arith.subi %div3A_1009, %sub3A_1029 : i32
      %select_n3A_1031 = arith.select %and3A_1028, %sub3A_1030, %div3A_1009 : i32
      %jit3A_1032 = arith.constant 4 : i32
      %eq3A_1033 = arith.constant 0 : i32
      %eq3A_1034 = arith.cmpi eq, %jit3A_1032, %eq3A_1033 : i32
      %jit3A_1035 = arith.constant 1 : i32
      %select_n3A_1036 = arith.select %eq3A_1034, %jit3A_1035, %jit3A_1032 : i32
      %rem3A_1037 = arith.remsi %add3A_1000, %select_n3A_1036 : i32
      %ne3A_1038 = arith.constant 0 : i32
      %ne3A_1039 = arith.cmpi ne, %rem3A_1037, %ne3A_1038 : i32
      %lt3A_1040 = arith.constant 0 : i32
      %lt3A_1041 = arith.cmpi slt, %rem3A_1037, %lt3A_1040 : i32
      %lt3A_1042 = arith.constant 0 : i32
      %lt3A_1043 = arith.cmpi slt, %select_n3A_1036, %lt3A_1042 : i32
      %ne3A_1044 = arith.xori %lt3A_1041, %lt3A_1043 : i1
      %and3A_1045 = arith.andi %ne3A_1044, %ne3A_1039 : i1
      %add3A_1046 = arith.addi %rem3A_1037, %select_n3A_1036 : i32
      %select_n3A_1047 = arith.select %and3A_1045, %add3A_1046, %rem3A_1037 : i32
      %mul3A_1048 = arith.constant 8 : i32
      %mul3A_1049 = arith.muli %select_n3A_1047, %mul3A_1048 : i32
      %dma_wait3A_1050 = tpu.memref_slice %arg6[%select_n3A_1031, %mul3A_1049] : memref<16x32xi32, #tpu.memory_space<vmem>> -> memref<1x8xi32, #tpu.memory_space<vmem>>
      %dma_wait3A_1051 = tpu.memref_squeeze %dma_wait3A_1050 : memref<1x8xi32, #tpu.memory_space<vmem>> -> memref<8xi32, #tpu.memory_space<vmem>>
      %dma_wait3A_1052 = arith.constant 0 : i32
      %dma_wait3A_1053 = arith.constant 0 : i32
      %dma_wait3A_1054 = tpu.memref_slice %arg3[%dma_wait3A_1052, %dma_wait3A_1053] : memref<50257x2048xf32, #tpu.memory_space<hbm>> -> memref<50257x2048xf32, #tpu.memory_space<hbm>>
      tpu.wait_indirect_dma semaphore(%arg10 : memref<!tpu.dma_semaphore, #tpu.memory_space<semaphore_mem>>) src(%dma_wait3A_1054 : memref<50257x2048xf32, #tpu.memory_space<hbm>>) dst(%arg8 : memref<8x2048xf32, #tpu.memory_space<vmem>>)
      %parallel_loop3A_1055 = arith.constant 0 : i32
      %parallel_loop3A_1056 = arith.constant 128 : i32
      %parallel_loop3A_1057 = arith.constant 1 : i32
      scf.for %parallel_loop3A_1625 = %parallel_loop3A_1055 to %parallel_loop3A_1056 step %parallel_loop3A_1057  : i32 {
        %parallel_loop3A_1626 = arith.constant 16 : i32
        %parallel_loop3A_1627 = arith.muli %parallel_loop3A_1625, %parallel_loop3A_1626 : i32
        %parallel_loop3A_1628 = arith.constant 16 : i32
        %parallel_loop3A_1629 = arith.index_cast %parallel_loop3A_1628 : i32 to index
        %parallel_loop3A_1630 = arith.index_cast %parallel_loop3A_1627 : i32 to index
        %parallel_loop3A_1631 = tpu.vector_load %arg7[%parallel_loop3A_1629, %parallel_loop3A_1630] {strides = array<i32>} : memref<32x2048xf32, #tpu.memory_space<vmem>>, vector<1x16xf32>,
        %parallel_loop3A_1632 = vector.shape_cast %parallel_loop3A_1631 : vector<1x16xf32> to vector<16xf32>
        %parallel_loop3A_1633 = arith.constant 0 : i32
        %parallel_loop3A_1634 = arith.index_cast %parallel_loop3A_1633 : i32 to index
        %parallel_loop3A_1635 = arith.index_cast %parallel_loop3A_1627 : i32 to index
        %parallel_loop3A_1636 = tpu.vector_load %arg8[%parallel_loop3A_1634, %parallel_loop3A_1635] {strides = array<i32>} : memref<8x2048xf32, #tpu.memory_space<vmem>>, vector<1x16xf32>,
        %parallel_loop3A_1637 = vector.shape_cast %parallel_loop3A_1636 : vector<1x16xf32> to vector<16xf32>
        %parallel_loop3A_1638 = vector.shape_cast %parallel_loop3A_1632 : vector<16xf32> to vector<1x16xf32>
        tpu.vector_store %arg8[%parallel_loop3A_1634, %parallel_loop3A_1635], %parallel_loop3A_1638 {add = true, strides = array<i32>} : memref<8x2048xf32, #tpu.memory_space<vmem>>, vector<1x16xf32>,
      } {sc.loop_unroll_factor = 8 : i64, sc.parallel_access}
      %parallel_loop3A_1058 = arith.constant 0 : i32
      %parallel_loop3A_1059 = arith.constant 128 : i32
      %parallel_loop3A_1060 = arith.constant 1 : i32
      scf.for %parallel_loop3A_1625 = %parallel_loop3A_1058 to %parallel_loop3A_1059 step %parallel_loop3A_1060  : i32 {
        %parallel_loop3A_1626 = arith.constant 16 : i32
        %parallel_loop3A_1627 = arith.muli %parallel_loop3A_1625, %parallel_loop3A_1626 : i32
        %parallel_loop3A_1628 = arith.constant 17 : i32
        %parallel_loop3A_1629 = arith.index_cast %parallel_loop3A_1628 : i32 to index
        %parallel_loop3A_1630 = arith.index_cast %parallel_loop3A_1627 : i32 to index
        %parallel_loop3A_1631 = tpu.vector_load %arg7[%parallel_loop3A_1629, %parallel_loop3A_1630] {strides = array<i32>} : memref<32x2048xf32, #tpu.memory_space<vmem>>, vector<1x16xf32>,
        %parallel_loop3A_1632 = vector.shape_cast %parallel_loop3A_1631 : vector<1x16xf32> to vector<16xf32>
        %parallel_loop3A_1633 = arith.constant 1 : i32
        %parallel_loop3A_1634 = arith.index_cast %parallel_loop3A_1633 : i32 to index
        %parallel_loop3A_1635 = arith.index_cast %parallel_loop3A_1627 : i32 to index
        %parallel_loop3A_1636 = tpu.vector_load %arg8[%parallel_loop3A_1634, %parallel_loop3A_1635] {strides = array<i32>} : memref<8x2048xf32, #tpu.memory_space<vmem>>, vector<1x16xf32>,
        %parallel_loop3A_1637 = vector.shape_cast %parallel_loop3A_1636 : vector<1x16xf32> to vector<16xf32>
        %parallel_loop3A_1638 = vector.shape_cast %parallel_loop3A_1632 : vector<16xf32> to vector<1x16xf32>
        tpu.vector_store %arg8[%parallel_loop3A_1634, %parallel_loop3A_1635], %parallel_loop3A_1638 {add = true, strides = array<i32>} : memref<8x2048xf32, #tpu.memory_space<vmem>>, vector<1x16xf32>,
      } {sc.loop_unroll_factor = 8 : i64, sc.parallel_access}
      %jit3A_1061 = arith.constant 4 : i32
      %div3A_1062 = arith.divsi %add3A_1000, %jit3A_1061 : i32
      %sign3A_1063 = arith.constant 0 : i32
      %sign3A_1064 = arith.cmpi sgt, %add3A_1000, %sign3A_1063 : i32
      %sign3A_1065 = arith.extui %sign3A_1064 : i1 to i32
      %sign3A_1066 = arith.constant 0 : i32
      %sign3A_1067 = arith.cmpi slt, %add3A_1000, %sign3A_1066 : i32
      %sign3A_1068 = arith.extui %sign3A_1067 : i1 to i32
      %sign3A_1069 = arith.subi %sign3A_1065, %sign3A_1068 : i32
      %sign3A_1070 = arith.constant 0 : i32
      %sign3A_1071 = arith.cmpi sgt, %jit3A_1061, %sign3A_1070 : i32
      %sign3A_1072 = arith.extui %sign3A_1071 : i1 to i32
      %sign3A_1073 = arith.constant 0 : i32
      %sign3A_1074 = arith.cmpi slt, %jit3A_1061, %sign3A_1073 : i32
      %sign3A_1075 = arith.extui %sign3A_1074 : i1 to i32
      %sign3A_1076 = arith.subi %sign3A_1072, %sign3A_1075 : i32
      %ne3A_1077 = arith.cmpi ne, %sign3A_1069, %sign3A_1076 : i32
      %rem3A_1078 = arith.remsi %add3A_1000, %jit3A_1061 : i32
      %ne3A_1079 = arith.constant 0 : i32
      %ne3A_1080 = arith.cmpi ne, %rem3A_1078, %ne3A_1079 : i32
      %and3A_1081 = arith.andi %ne3A_1077, %ne3A_1080 : i1
      %sub3A_1082 = arith.constant 1 : i32
      %sub3A_1083 = arith.subi %div3A_1062, %sub3A_1082 : i32
      %select_n3A_1084 = arith.select %and3A_1081, %sub3A_1083, %div3A_1062 : i32
      %mul3A_1085 = arith.constant 1024 : i32
      %mul3A_1086 = arith.muli %select_n3A_1084, %mul3A_1085 : i32
      %add3A_1087 = arith.addi %mul3A_1086, %mul3A_2 : i32
      %jit3A_1088 = arith.constant 4 : i32
      %eq3A_1089 = arith.constant 0 : i32
      %eq3A_1090 = arith.cmpi eq, %jit3A_1088, %eq3A_1089 : i32
      %jit3A_1091 = arith.constant 1 : i32
      %select_n3A_1092 = arith.select %eq3A_1090, %jit3A_1091, %jit3A_1088 : i32
      %rem3A_1093 = arith.remsi %add3A_1000, %select_n3A_1092 : i32
      %ne3A_1094 = arith.constant 0 : i32
      %ne3A_1095 = arith.cmpi ne, %rem3A_1093, %ne3A_1094 : i32
      %lt3A_1096 = arith.constant 0 : i32
      %lt3A_1097 = arith.cmpi slt, %rem3A_1093, %lt3A_1096 : i32
      %lt3A_1098 = arith.constant 0 : i32
      %lt3A_1099 = arith.cmpi slt, %select_n3A_1092, %lt3A_1098 : i32
      %ne3A_1100 = arith.xori %lt3A_1097, %lt3A_1099 : i1
      %and3A_1101 = arith.andi %ne3A_1100, %ne3A_1095 : i1
      %add3A_1102 = arith.addi %rem3A_1093, %select_n3A_1092 : i32
      %select_n3A_1103 = arith.select %and3A_1101, %add3A_1102, %rem3A_1093 : i32
      %mul3A_1104 = arith.constant 8 : i32
      %mul3A_1105 = arith.muli %select_n3A_1103, %mul3A_1104 : i32
      %add3A_1106 = arith.addi %add3A_1087, %mul3A_1105 : i32
      %add3A_1107 = arith.constant 0 : i32
      %add3A_1108 = arith.addi %add3A_1106, %add3A_1107 : i32
      %dma_start3A_1109 = arith.constant 0 : i32
      %dma_start3A_1110 = arith.constant 0 : i32
      %dma_start3A_1111 = tpu.memref_slice %arg8[%dma_start3A_1109, %dma_start3A_1110] : memref<8x2048xf32, #tpu.memory_space<vmem>> -> memref<2x2048xf32, #tpu.memory_space<vmem>>
      %dma_start3A_1112 = arith.constant 0 : i32
      %dma_start3A_1113 = tpu.memref_slice %arg5[%add3A_1108, %dma_start3A_1112] : memref<16384x2048xf32, #tpu.memory_space<hbm>> -> memref<2x2048xf32, #tpu.memory_space<hbm>>
      %dma_start3A_1114 = arith.constant 0 : i32
      %dma_start3A_1115 = tpu.memref_slice %arg5[%add3A_1108, %dma_start3A_1114] : memref<16384x2048xf32, #tpu.memory_space<hbm>> -> memref<2x2048xf32, #tpu.memory_space<hbm>>
      %dma_start3A_1116 = arith.constant 0 : i32
      %dma_start3A_1117 = arith.constant 0 : i32
      %dma_start3A_1118 = tpu.memref_slice %arg8[%dma_start3A_1116, %dma_start3A_1117] : memref<8x2048xf32, #tpu.memory_space<vmem>> -> memref<2x2048xf32, #tpu.memory_space<vmem>>
      tpu.enqueue_dma source(%dma_start3A_1118 : memref<2x2048xf32, #tpu.memory_space<vmem>>) target(%dma_start3A_1115 : memref<2x2048xf32, #tpu.memory_space<hbm>>) target_semaphore(%arg12 : memref<!tpu.dma_semaphore, #tpu.memory_space<semaphore_mem>>)
      %parallel_loop3A_1119 = arith.constant 0 : i32
      %parallel_loop3A_1120 = arith.constant 128 : i32
      %parallel_loop3A_1121 = arith.constant 1 : i32
      scf.for %parallel_loop3A_1625 = %parallel_loop3A_1119 to %parallel_loop3A_1120 step %parallel_loop3A_1121  : i32 {
        %parallel_loop3A_1626 = arith.constant 16 : i32
        %parallel_loop3A_1627 = arith.muli %parallel_loop3A_1625, %parallel_loop3A_1626 : i32
        %parallel_loop3A_1628 = arith.constant 18 : i32
        %parallel_loop3A_1629 = arith.index_cast %parallel_loop3A_1628 : i32 to index
        %parallel_loop3A_1630 = arith.index_cast %parallel_loop3A_1627 : i32 to index
        %parallel_loop3A_1631 = tpu.vector_load %arg7[%parallel_loop3A_1629, %parallel_loop3A_1630] {strides = array<i32>} : memref<32x2048xf32, #tpu.memory_space<vmem>>, vector<1x16xf32>,
        %parallel_loop3A_1632 = vector.shape_cast %parallel_loop3A_1631 : vector<1x16xf32> to vector<16xf32>
        %parallel_loop3A_1633 = arith.constant 2 : i32
        %parallel_loop3A_1634 = arith.index_cast %parallel_loop3A_1633 : i32 to index
        %parallel_loop3A_1635 = arith.index_cast %parallel_loop3A_1627 : i32 to index
        %parallel_loop3A_1636 = tpu.vector_load %arg8[%parallel_loop3A_1634, %parallel_loop3A_1635] {strides = array<i32>} : memref<8x2048xf32, #tpu.memory_space<vmem>>, vector<1x16xf32>,
        %parallel_loop3A_1637 = vector.shape_cast %parallel_loop3A_1636 : vector<1x16xf32> to vector<16xf32>
        %parallel_loop3A_1638 = vector.shape_cast %parallel_loop3A_1632 : vector<16xf32> to vector<1x16xf32>
        tpu.vector_store %arg8[%parallel_loop3A_1634, %parallel_loop3A_1635], %parallel_loop3A_1638 {add = true, strides = array<i32>} : memref<8x2048xf32, #tpu.memory_space<vmem>>, vector<1x16xf32>,
      } {sc.loop_unroll_factor = 8 : i64, sc.parallel_access}
      %parallel_loop3A_1122 = arith.constant 0 : i32
      %parallel_loop3A_1123 = arith.constant 128 : i32
      %parallel_loop3A_1124 = arith.constant 1 : i32
      scf.for %parallel_loop3A_1625 = %parallel_loop3A_1122 to %parallel_loop3A_1123 step %parallel_loop3A_1124  : i32 {
        %parallel_loop3A_1626 = arith.constant 16 : i32
        %parallel_loop3A_1627 = arith.muli %parallel_loop3A_1625, %parallel_loop3A_1626 : i32
        %parallel_loop3A_1628 = arith.constant 19 : i32
        %parallel_loop3A_1629 = arith.index_cast %parallel_loop3A_1628 : i32 to index
        %parallel_loop3A_1630 = arith.index_cast %parallel_loop3A_1627 : i32 to index
        %parallel_loop3A_1631 = tpu.vector_load %arg7[%parallel_loop3A_1629, %parallel_loop3A_1630] {strides = array<i32>} : memref<32x2048xf32, #tpu.memory_space<vmem>>, vector<1x16xf32>,
        %parallel_loop3A_1632 = vector.shape_cast %parallel_loop3A_1631 : vector<1x16xf32> to vector<16xf32>
        %parallel_loop3A_1633 = arith.constant 3 : i32
        %parallel_loop3A_1634 = arith.index_cast %parallel_loop3A_1633 : i32 to index
        %parallel_loop3A_1635 = arith.index_cast %parallel_loop3A_1627 : i32 to index
        %parallel_loop3A_1636 = tpu.vector_load %arg8[%parallel_loop3A_1634, %parallel_loop3A_1635] {strides = array<i32>} : memref<8x2048xf32, #tpu.memory_space<vmem>>, vector<1x16xf32>,
        %parallel_loop3A_1637 = vector.shape_cast %parallel_loop3A_1636 : vector<1x16xf32> to vector<16xf32>
        %parallel_loop3A_1638 = vector.shape_cast %parallel_loop3A_1632 : vector<16xf32> to vector<1x16xf32>
        tpu.vector_store %arg8[%parallel_loop3A_1634, %parallel_loop3A_1635], %parallel_loop3A_1638 {add = true, strides = array<i32>} : memref<8x2048xf32, #tpu.memory_space<vmem>>, vector<1x16xf32>,
      } {sc.loop_unroll_factor = 8 : i64, sc.parallel_access}
      %jit3A_1125 = arith.constant 4 : i32
      %div3A_1126 = arith.divsi %add3A_1000, %jit3A_1125 : i32
      %sign3A_1127 = arith.constant 0 : i32
      %sign3A_1128 = arith.cmpi sgt, %add3A_1000, %sign3A_1127 : i32
      %sign3A_1129 = arith.extui %sign3A_1128 : i1 to i32
      %sign3A_1130 = arith.constant 0 : i32
      %sign3A_1131 = arith.cmpi slt, %add3A_1000, %sign3A_1130 : i32
      %sign3A_1132 = arith.extui %sign3A_1131 : i1 to i32
      %sign3A_1133 = arith.subi %sign3A_1129, %sign3A_1132 : i32
      %sign3A_1134 = arith.constant 0 : i32
      %sign3A_1135 = arith.cmpi sgt, %jit3A_1125, %sign3A_1134 : i32
      %sign3A_1136 = arith.extui %sign3A_1135 : i1 to i32
      %sign3A_1137 = arith.constant 0 : i32
      %sign3A_1138 = arith.cmpi slt, %jit3A_1125, %sign3A_1137 : i32
      %sign3A_1139 = arith.extui %sign3A_1138 : i1 to i32
      %sign3A_1140 = arith.subi %sign3A_1136, %sign3A_1139 : i32
      %ne3A_1141 = arith.cmpi ne, %sign3A_1133, %sign3A_1140 : i32
      %rem3A_1142 = arith.remsi %add3A_1000, %jit3A_1125 : i32
      %ne3A_1143 = arith.constant 0 : i32
      %ne3A_1144 = arith.cmpi ne, %rem3A_1142, %ne3A_1143 : i32
      %and3A_1145 = arith.andi %ne3A_1141, %ne3A_1144 : i1
      %sub3A_1146 = arith.constant 1 : i32
      %sub3A_1147 = arith.subi %div3A_1126, %sub3A_1146 : i32
      %select_n3A_1148 = arith.select %and3A_1145, %sub3A_1147, %div3A_1126 : i32
      %mul3A_1149 = arith.constant 1024 : i32
      %mul3A_1150 = arith.muli %select_n3A_1148, %mul3A_1149 : i32
      %add3A_1151 = arith.addi %mul3A_1150, %mul3A_2 : i32
      %jit3A_1152 = arith.constant 4 : i32
      %eq3A_1153 = arith.constant 0 : i32
      %eq3A_1154 = arith.cmpi eq, %jit3A_1152, %eq3A_1153 : i32
      %jit3A_1155 = arith.constant 1 : i32
      %select_n3A_1156 = arith.select %eq3A_1154, %jit3A_1155, %jit3A_1152 : i32
      %rem3A_1157 = arith.remsi %add3A_1000, %select_n3A_1156 : i32
      %ne3A_1158 = arith.constant 0 : i32
      %ne3A_1159 = arith.cmpi ne, %rem3A_1157, %ne3A_1158 : i32
      %lt3A_1160 = arith.constant 0 : i32
      %lt3A_1161 = arith.cmpi slt, %rem3A_1157, %lt3A_1160 : i32
      %lt3A_1162 = arith.constant 0 : i32
      %lt3A_1163 = arith.cmpi slt, %select_n3A_1156, %lt3A_1162 : i32
      %ne3A_1164 = arith.xori %lt3A_1161, %lt3A_1163 : i1
      %and3A_1165 = arith.andi %ne3A_1164, %ne3A_1159 : i1
      %add3A_1166 = arith.addi %rem3A_1157, %select_n3A_1156 : i32
      %select_n3A_1167 = arith.select %and3A_1165, %add3A_1166, %rem3A_1157 : i32
      %mul3A_1168 = arith.constant 8 : i32
      %mul3A_1169 = arith.muli %select_n3A_1167, %mul3A_1168 : i32
      %add3A_1170 = arith.addi %add3A_1151, %mul3A_1169 : i32
      %add3A_1171 = arith.constant 2 : i32
      %add3A_1172 = arith.addi %add3A_1170, %add3A_1171 : i32
      %dma_start3A_1173 = arith.constant 2 : i32
      %dma_start3A_1174 = arith.constant 0 : i32
      %dma_start3A_1175 = tpu.memref_slice %arg8[%dma_start3A_1173, %dma_start3A_1174] : memref<8x2048xf32, #tpu.memory_space<vmem>> -> memref<2x2048xf32, #tpu.memory_space<vmem>>
      %dma_start3A_1176 = arith.constant 0 : i32
      %dma_start3A_1177 = tpu.memref_slice %arg5[%add3A_1172, %dma_start3A_1176] : memref<16384x2048xf32, #tpu.memory_space<hbm>> -> memref<2x2048xf32, #tpu.memory_space<hbm>>
      %dma_start3A_1178 = arith.constant 0 : i32
      %dma_start3A_1179 = tpu.memref_slice %arg5[%add3A_1172, %dma_start3A_1178] : memref<16384x2048xf32, #tpu.memory_space<hbm>> -> memref<2x2048xf32, #tpu.memory_space<hbm>>
      %dma_start3A_1180 = arith.constant 2 : i32
      %dma_start3A_1181 = arith.constant 0 : i32
      %dma_start3A_1182 = tpu.memref_slice %arg8[%dma_start3A_1180, %dma_start3A_1181] : memref<8x2048xf32, #tpu.memory_space<vmem>> -> memref<2x2048xf32, #tpu.memory_space<vmem>>
      tpu.enqueue_dma source(%dma_start3A_1182 : memref<2x2048xf32, #tpu.memory_space<vmem>>) target(%dma_start3A_1179 : memref<2x2048xf32, #tpu.memory_space<hbm>>) target_semaphore(%arg12 : memref<!tpu.dma_semaphore, #tpu.memory_space<semaphore_mem>>)
      %parallel_loop3A_1183 = arith.constant 0 : i32
      %parallel_loop3A_1184 = arith.constant 128 : i32
      %parallel_loop3A_1185 = arith.constant 1 : i32
      scf.for %parallel_loop3A_1625 = %parallel_loop3A_1183 to %parallel_loop3A_1184 step %parallel_loop3A_1185  : i32 {
        %parallel_loop3A_1626 = arith.constant 16 : i32
        %parallel_loop3A_1627 = arith.muli %parallel_loop3A_1625, %parallel_loop3A_1626 : i32
        %parallel_loop3A_1628 = arith.constant 20 : i32
        %parallel_loop3A_1629 = arith.index_cast %parallel_loop3A_1628 : i32 to index
        %parallel_loop3A_1630 = arith.index_cast %parallel_loop3A_1627 : i32 to index
        %parallel_loop3A_1631 = tpu.vector_load %arg7[%parallel_loop3A_1629, %parallel_loop3A_1630] {strides = array<i32>} : memref<32x2048xf32, #tpu.memory_space<vmem>>, vector<1x16xf32>,
        %parallel_loop3A_1632 = vector.shape_cast %parallel_loop3A_1631 : vector<1x16xf32> to vector<16xf32>
        %parallel_loop3A_1633 = arith.constant 4 : i32
        %parallel_loop3A_1634 = arith.index_cast %parallel_loop3A_1633 : i32 to index
        %parallel_loop3A_1635 = arith.index_cast %parallel_loop3A_1627 : i32 to index
        %parallel_loop3A_1636 = tpu.vector_load %arg8[%parallel_loop3A_1634, %parallel_loop3A_1635] {strides = array<i32>} : memref<8x2048xf32, #tpu.memory_space<vmem>>, vector<1x16xf32>,
        %parallel_loop3A_1637 = vector.shape_cast %parallel_loop3A_1636 : vector<1x16xf32> to vector<16xf32>
        %parallel_loop3A_1638 = vector.shape_cast %parallel_loop3A_1632 : vector<16xf32> to vector<1x16xf32>
        tpu.vector_store %arg8[%parallel_loop3A_1634, %parallel_loop3A_1635], %parallel_loop3A_1638 {add = true, strides = array<i32>} : memref<8x2048xf32, #tpu.memory_space<vmem>>, vector<1x16xf32>,
      } {sc.loop_unroll_factor = 8 : i64, sc.parallel_access}
      %parallel_loop3A_1186 = arith.constant 0 : i32
      %parallel_loop3A_1187 = arith.constant 128 : i32
      %parallel_loop3A_1188 = arith.constant 1 : i32
      scf.for %parallel_loop3A_1625 = %parallel_loop3A_1186 to %parallel_loop3A_1187 step %parallel_loop3A_1188  : i32 {
        %parallel_loop3A_1626 = arith.constant 16 : i32
        %parallel_loop3A_1627 = arith.muli %parallel_loop3A_1625, %parallel_loop3A_1626 : i32
        %parallel_loop3A_1628 = arith.constant 21 : i32
        %parallel_loop3A_1629 = arith.index_cast %parallel_loop3A_1628 : i32 to index
        %parallel_loop3A_1630 = arith.index_cast %parallel_loop3A_1627 : i32 to index
        %parallel_loop3A_1631 = tpu.vector_load %arg7[%parallel_loop3A_1629, %parallel_loop3A_1630] {strides = array<i32>} : memref<32x2048xf32, #tpu.memory_space<vmem>>, vector<1x16xf32>,
        %parallel_loop3A_1632 = vector.shape_cast %parallel_loop3A_1631 : vector<1x16xf32> to vector<16xf32>
        %parallel_loop3A_1633 = arith.constant 5 : i32
        %parallel_loop3A_1634 = arith.index_cast %parallel_loop3A_1633 : i32 to index
        %parallel_loop3A_1635 = arith.index_cast %parallel_loop3A_1627 : i32 to index
        %parallel_loop3A_1636 = tpu.vector_load %arg8[%parallel_loop3A_1634, %parallel_loop3A_1635] {strides = array<i32>} : memref<8x2048xf32, #tpu.memory_space<vmem>>, vector<1x16xf32>,
        %parallel_loop3A_1637 = vector.shape_cast %parallel_loop3A_1636 : vector<1x16xf32> to vector<16xf32>
        %parallel_loop3A_1638 = vector.shape_cast %parallel_loop3A_1632 : vector<16xf32> to vector<1x16xf32>
        tpu.vector_store %arg8[%parallel_loop3A_1634, %parallel_loop3A_1635], %parallel_loop3A_1638 {add = true, strides = array<i32>} : memref<8x2048xf32, #tpu.memory_space<vmem>>, vector<1x16xf32>,
      } {sc.loop_unroll_factor = 8 : i64, sc.parallel_access}
      %jit3A_1189 = arith.constant 4 : i32
      %div3A_1190 = arith.divsi %add3A_1000, %jit3A_1189 : i32
      %sign3A_1191 = arith.constant 0 : i32
      %sign3A_1192 = arith.cmpi sgt, %add3A_1000, %sign3A_1191 : i32
      %sign3A_1193 = arith.extui %sign3A_1192 : i1 to i32
      %sign3A_1194 = arith.constant 0 : i32
      %sign3A_1195 = arith.cmpi slt, %add3A_1000, %sign3A_1194 : i32
      %sign3A_1196 = arith.extui %sign3A_1195 : i1 to i32
      %sign3A_1197 = arith.subi %sign3A_1193, %sign3A_1196 : i32
      %sign3A_1198 = arith.constant 0 : i32
      %sign3A_1199 = arith.cmpi sgt, %jit3A_1189, %sign3A_1198 : i32
      %sign3A_1200 = arith.extui %sign3A_1199 : i1 to i32
      %sign3A_1201 = arith.constant 0 : i32
      %sign3A_1202 = arith.cmpi slt, %jit3A_1189, %sign3A_1201 : i32
      %sign3A_1203 = arith.extui %sign3A_1202 : i1 to i32
      %sign3A_1204 = arith.subi %sign3A_1200, %sign3A_1203 : i32
      %ne3A_1205 = arith.cmpi ne, %sign3A_1197, %sign3A_1204 : i32
      %rem3A_1206 = arith.remsi %add3A_1000, %jit3A_1189 : i32
      %ne3A_1207 = arith.constant 0 : i32
      %ne3A_1208 = arith.cmpi ne, %rem3A_1206, %ne3A_1207 : i32
      %and3A_1209 = arith.andi %ne3A_1205, %ne3A_1208 : i1
      %sub3A_1210 = arith.constant 1 : i32
      %sub3A_1211 = arith.subi %div3A_1190, %sub3A_1210 : i32
      %select_n3A_1212 = arith.select %and3A_1209, %sub3A_1211, %div3A_1190 : i32
      %mul3A_1213 = arith.constant 1024 : i32
      %mul3A_1214 = arith.muli %select_n3A_1212, %mul3A_1213 : i32
      %add3A_1215 = arith.addi %mul3A_1214, %mul3A_2 : i32
      %jit3A_1216 = arith.constant 4 : i32
      %eq3A_1217 = arith.constant 0 : i32
      %eq3A_1218 = arith.cmpi eq, %jit3A_1216, %eq3A_1217 : i32
      %jit3A_1219 = arith.constant 1 : i32
      %select_n3A_1220 = arith.select %eq3A_1218, %jit3A_1219, %jit3A_1216 : i32
      %rem3A_1221 = arith.remsi %add3A_1000, %select_n3A_1220 : i32
      %ne3A_1222 = arith.constant 0 : i32
      %ne3A_1223 = arith.cmpi ne, %rem3A_1221, %ne3A_1222 : i32
      %lt3A_1224 = arith.constant 0 : i32
      %lt3A_1225 = arith.cmpi slt, %rem3A_1221, %lt3A_1224 : i32
      %lt3A_1226 = arith.constant 0 : i32
      %lt3A_1227 = arith.cmpi slt, %select_n3A_1220, %lt3A_1226 : i32
      %ne3A_1228 = arith.xori %lt3A_1225, %lt3A_1227 : i1
      %and3A_1229 = arith.andi %ne3A_1228, %ne3A_1223 : i1
      %add3A_1230 = arith.addi %rem3A_1221, %select_n3A_1220 : i32
      %select_n3A_1231 = arith.select %and3A_1229, %add3A_1230, %rem3A_1221 : i32
      %mul3A_1232 = arith.constant 8 : i32
      %mul3A_1233 = arith.muli %select_n3A_1231, %mul3A_1232 : i32
      %add3A_1234 = arith.addi %add3A_1215, %mul3A_1233 : i32
      %add3A_1235 = arith.constant 4 : i32
      %add3A_1236 = arith.addi %add3A_1234, %add3A_1235 : i32
      %dma_start3A_1237 = arith.constant 4 : i32
      %dma_start3A_1238 = arith.constant 0 : i32
      %dma_start3A_1239 = tpu.memref_slice %arg8[%dma_start3A_1237, %dma_start3A_1238] : memref<8x2048xf32, #tpu.memory_space<vmem>> -> memref<2x2048xf32, #tpu.memory_space<vmem>>
      %dma_start3A_1240 = arith.constant 0 : i32
      %dma_start3A_1241 = tpu.memref_slice %arg5[%add3A_1236, %dma_start3A_1240] : memref<16384x2048xf32, #tpu.memory_space<hbm>> -> memref<2x2048xf32, #tpu.memory_space<hbm>>
      %dma_start3A_1242 = arith.constant 0 : i32
      %dma_start3A_1243 = tpu.memref_slice %arg5[%add3A_1236, %dma_start3A_1242] : memref<16384x2048xf32, #tpu.memory_space<hbm>> -> memref<2x2048xf32, #tpu.memory_space<hbm>>
      %dma_start3A_1244 = arith.constant 4 : i32
      %dma_start3A_1245 = arith.constant 0 : i32
      %dma_start3A_1246 = tpu.memref_slice %arg8[%dma_start3A_1244, %dma_start3A_1245] : memref<8x2048xf32, #tpu.memory_space<vmem>> -> memref<2x2048xf32, #tpu.memory_space<vmem>>
      tpu.enqueue_dma source(%dma_start3A_1246 : memref<2x2048xf32, #tpu.memory_space<vmem>>) target(%dma_start3A_1243 : memref<2x2048xf32, #tpu.memory_space<hbm>>) target_semaphore(%arg12 : memref<!tpu.dma_semaphore, #tpu.memory_space<semaphore_mem>>)
      %parallel_loop3A_1247 = arith.constant 0 : i32
      %parallel_loop3A_1248 = arith.constant 128 : i32
      %parallel_loop3A_1249 = arith.constant 1 : i32
      scf.for %parallel_loop3A_1625 = %parallel_loop3A_1247 to %parallel_loop3A_1248 step %parallel_loop3A_1249  : i32 {
        %parallel_loop3A_1626 = arith.constant 16 : i32
        %parallel_loop3A_1627 = arith.muli %parallel_loop3A_1625, %parallel_loop3A_1626 : i32
        %parallel_loop3A_1628 = arith.constant 22 : i32
        %parallel_loop3A_1629 = arith.index_cast %parallel_loop3A_1628 : i32 to index
        %parallel_loop3A_1630 = arith.index_cast %parallel_loop3A_1627 : i32 to index
        %parallel_loop3A_1631 = tpu.vector_load %arg7[%parallel_loop3A_1629, %parallel_loop3A_1630] {strides = array<i32>} : memref<32x2048xf32, #tpu.memory_space<vmem>>, vector<1x16xf32>,
        %parallel_loop3A_1632 = vector.shape_cast %parallel_loop3A_1631 : vector<1x16xf32> to vector<16xf32>
        %parallel_loop3A_1633 = arith.constant 6 : i32
        %parallel_loop3A_1634 = arith.index_cast %parallel_loop3A_1633 : i32 to index
        %parallel_loop3A_1635 = arith.index_cast %parallel_loop3A_1627 : i32 to index
        %parallel_loop3A_1636 = tpu.vector_load %arg8[%parallel_loop3A_1634, %parallel_loop3A_1635] {strides = array<i32>} : memref<8x2048xf32, #tpu.memory_space<vmem>>, vector<1x16xf32>,
        %parallel_loop3A_1637 = vector.shape_cast %parallel_loop3A_1636 : vector<1x16xf32> to vector<16xf32>
        %parallel_loop3A_1638 = vector.shape_cast %parallel_loop3A_1632 : vector<16xf32> to vector<1x16xf32>
        tpu.vector_store %arg8[%parallel_loop3A_1634, %parallel_loop3A_1635], %parallel_loop3A_1638 {add = true, strides = array<i32>} : memref<8x2048xf32, #tpu.memory_space<vmem>>, vector<1x16xf32>,
      } {sc.loop_unroll_factor = 8 : i64, sc.parallel_access}
      %parallel_loop3A_1250 = arith.constant 0 : i32
      %parallel_loop3A_1251 = arith.constant 128 : i32
      %parallel_loop3A_1252 = arith.constant 1 : i32
      scf.for %parallel_loop3A_1625 = %parallel_loop3A_1250 to %parallel_loop3A_1251 step %parallel_loop3A_1252  : i32 {
        %parallel_loop3A_1626 = arith.constant 16 : i32
        %parallel_loop3A_1627 = arith.muli %parallel_loop3A_1625, %parallel_loop3A_1626 : i32
        %parallel_loop3A_1628 = arith.constant 23 : i32
        %parallel_loop3A_1629 = arith.index_cast %parallel_loop3A_1628 : i32 to index
        %parallel_loop3A_1630 = arith.index_cast %parallel_loop3A_1627 : i32 to index
        %parallel_loop3A_1631 = tpu.vector_load %arg7[%parallel_loop3A_1629, %parallel_loop3A_1630] {strides = array<i32>} : memref<32x2048xf32, #tpu.memory_space<vmem>>, vector<1x16xf32>,
        %parallel_loop3A_1632 = vector.shape_cast %parallel_loop3A_1631 : vector<1x16xf32> to vector<16xf32>
        %parallel_loop3A_1633 = arith.constant 7 : i32
        %parallel_loop3A_1634 = arith.index_cast %parallel_loop3A_1633 : i32 to index
        %parallel_loop3A_1635 = arith.index_cast %parallel_loop3A_1627 : i32 to index
        %parallel_loop3A_1636 = tpu.vector_load %arg8[%parallel_loop3A_1634, %parallel_loop3A_1635] {strides = array<i32>} : memref<8x2048xf32, #tpu.memory_space<vmem>>, vector<1x16xf32>,
        %parallel_loop3A_1637 = vector.shape_cast %parallel_loop3A_1636 : vector<1x16xf32> to vector<16xf32>
        %parallel_loop3A_1638 = vector.shape_cast %parallel_loop3A_1632 : vector<16xf32> to vector<1x16xf32>
        tpu.vector_store %arg8[%parallel_loop3A_1634, %parallel_loop3A_1635], %parallel_loop3A_1638 {add = true, strides = array<i32>} : memref<8x2048xf32, #tpu.memory_space<vmem>>, vector<1x16xf32>,
      } {sc.loop_unroll_factor = 8 : i64, sc.parallel_access}
      %jit3A_1253 = arith.constant 4 : i32
      %div3A_1254 = arith.divsi %add3A_1000, %jit3A_1253 : i32
      %sign3A_1255 = arith.constant 0 : i32
      %sign3A_1256 = arith.cmpi sgt, %add3A_1000, %sign3A_1255 : i32
      %sign3A_1257 = arith.extui %sign3A_1256 : i1 to i32
      %sign3A_1258 = arith.constant 0 : i32
      %sign3A_1259 = arith.cmpi slt, %add3A_1000, %sign3A_1258 : i32
      %sign3A_1260 = arith.extui %sign3A_1259 : i1 to i32
      %sign3A_1261 = arith.subi %sign3A_1257, %sign3A_1260 : i32
      %sign3A_1262 = arith.constant 0 : i32
      %sign3A_1263 = arith.cmpi sgt, %jit3A_1253, %sign3A_1262 : i32
      %sign3A_1264 = arith.extui %sign3A_1263 : i1 to i32
      %sign3A_1265 = arith.constant 0 : i32
      %sign3A_1266 = arith.cmpi slt, %jit3A_1253, %sign3A_1265 : i32
      %sign3A_1267 = arith.extui %sign3A_1266 : i1 to i32
      %sign3A_1268 = arith.subi %sign3A_1264, %sign3A_1267 : i32
      %ne3A_1269 = arith.cmpi ne, %sign3A_1261, %sign3A_1268 : i32
      %rem3A_1270 = arith.remsi %add3A_1000, %jit3A_1253 : i32
      %ne3A_1271 = arith.constant 0 : i32
      %ne3A_1272 = arith.cmpi ne, %rem3A_1270, %ne3A_1271 : i32
      %and3A_1273 = arith.andi %ne3A_1269, %ne3A_1272 : i1
      %sub3A_1274 = arith.constant 1 : i32
      %sub3A_1275 = arith.subi %div3A_1254, %sub3A_1274 : i32
      %select_n3A_1276 = arith.select %and3A_1273, %sub3A_1275, %div3A_1254 : i32
      %mul3A_1277 = arith.constant 1024 : i32
      %mul3A_1278 = arith.muli %select_n3A_1276, %mul3A_1277 : i32
      %add3A_1279 = arith.addi %mul3A_1278, %mul3A_2 : i32
      %jit3A_1280 = arith.constant 4 : i32
      %eq3A_1281 = arith.constant 0 : i32
      %eq3A_1282 = arith.cmpi eq, %jit3A_1280, %eq3A_1281 : i32
      %jit3A_1283 = arith.constant 1 : i32
      %select_n3A_1284 = arith.select %eq3A_1282, %jit3A_1283, %jit3A_1280 : i32
      %rem3A_1285 = arith.remsi %add3A_1000, %select_n3A_1284 : i32
      %ne3A_1286 = arith.constant 0 : i32
      %ne3A_1287 = arith.cmpi ne, %rem3A_1285, %ne3A_1286 : i32
      %lt3A_1288 = arith.constant 0 : i32
      %lt3A_1289 = arith.cmpi slt, %rem3A_1285, %lt3A_1288 : i32
      %lt3A_1290 = arith.constant 0 : i32
      %lt3A_1291 = arith.cmpi slt, %select_n3A_1284, %lt3A_1290 : i32
      %ne3A_1292 = arith.xori %lt3A_1289, %lt3A_1291 : i1
      %and3A_1293 = arith.andi %ne3A_1292, %ne3A_1287 : i1
      %add3A_1294 = arith.addi %rem3A_1285, %select_n3A_1284 : i32
      %select_n3A_1295 = arith.select %and3A_1293, %add3A_1294, %rem3A_1285 : i32
      %mul3A_1296 = arith.constant 8 : i32
      %mul3A_1297 = arith.muli %select_n3A_1295, %mul3A_1296 : i32
      %add3A_1298 = arith.addi %add3A_1279, %mul3A_1297 : i32
      %add3A_1299 = arith.constant 6 : i32
      %add3A_1300 = arith.addi %add3A_1298, %add3A_1299 : i32
      %dma_start3A_1301 = arith.constant 6 : i32
      %dma_start3A_1302 = arith.constant 0 : i32
      %dma_start3A_1303 = tpu.memref_slice %arg8[%dma_start3A_1301, %dma_start3A_1302] : memref<8x2048xf32, #tpu.memory_space<vmem>> -> memref<2x2048xf32, #tpu.memory_space<vmem>>
      %dma_start3A_1304 = arith.constant 0 : i32
      %dma_start3A_1305 = tpu.memref_slice %arg5[%add3A_1300, %dma_start3A_1304] : memref<16384x2048xf32, #tpu.memory_space<hbm>> -> memref<2x2048xf32, #tpu.memory_space<hbm>>
      %dma_start3A_1306 = arith.constant 0 : i32
      %dma_start3A_1307 = tpu.memref_slice %arg5[%add3A_1300, %dma_start3A_1306] : memref<16384x2048xf32, #tpu.memory_space<hbm>> -> memref<2x2048xf32, #tpu.memory_space<hbm>>
      %dma_start3A_1308 = arith.constant 6 : i32
      %dma_start3A_1309 = arith.constant 0 : i32
      %dma_start3A_1310 = tpu.memref_slice %arg8[%dma_start3A_1308, %dma_start3A_1309] : memref<8x2048xf32, #tpu.memory_space<vmem>> -> memref<2x2048xf32, #tpu.memory_space<vmem>>
      tpu.enqueue_dma source(%dma_start3A_1310 : memref<2x2048xf32, #tpu.memory_space<vmem>>) target(%dma_start3A_1307 : memref<2x2048xf32, #tpu.memory_space<hbm>>) target_semaphore(%arg12 : memref<!tpu.dma_semaphore, #tpu.memory_space<semaphore_mem>>)
      %mul3A_1311 = arith.constant 4 : i32
      %mul3A_1312 = arith.muli %mul3A_1311, %scan3A_381 : i32
      %add3A_1313 = arith.constant 3 : i32
      %add3A_1314 = arith.addi %mul3A_1312, %add3A_1313 : i32
      %add3A_1315 = arith.constant 1 : i32
      %add3A_1316 = arith.addi %add3A_1314, %add3A_1315 : i32
      %lt3A_1317 = arith.constant 64 : i32
      %lt3A_1318 = arith.cmpi slt, %add3A_1316, %lt3A_1317 : i32
      %convert_element_type3A_1319 = arith.extui %lt3A_1318 : i1 to i32
      %cond3A_1320 = arith.constant 0 : i32
      %cond3A_1321 = arith.cmpi ne, %convert_element_type3A_1319, %cond3A_1320 : i32
      scf.if %cond3A_1321 {
        %ge3A = arith.constant 1 : i32
        %ge3A_1625 = arith.cmpi sge, %add3A_1314, %ge3A : i32
        %convert_element_type3A_1626 = arith.extui %ge3A_1625 : i1 to i32
        %cond3A_1627 = arith.constant 0 : i32
        %cond3A_1628 = arith.cmpi ne, %convert_element_type3A_1626, %cond3A_1627 : i32
        scf.if %cond3A_1628 {
          %sub3A_1678 = arith.constant 1 : i32
          %sub3A_1679 = arith.subi %add3A_1314, %sub3A_1678 : i32
          %jit3A_1680 = arith.constant 4 : i32
          %div3A_1681 = arith.divsi %sub3A_1679, %jit3A_1680 : i32
          %sign3A_1682 = arith.constant 0 : i32
          %sign3A_1683 = arith.cmpi sgt, %sub3A_1679, %sign3A_1682 : i32
          %sign3A_1684 = arith.extui %sign3A_1683 : i1 to i32
          %sign3A_1685 = arith.constant 0 : i32
          %sign3A_1686 = arith.cmpi slt, %sub3A_1679, %sign3A_1685 : i32
          %sign3A_1687 = arith.extui %sign3A_1686 : i1 to i32
          %sign3A_1688 = arith.subi %sign3A_1684, %sign3A_1687 : i32
          %sign3A_1689 = arith.constant 0 : i32
          %sign3A_1690 = arith.cmpi sgt, %jit3A_1680, %sign3A_1689 : i32
          %sign3A_1691 = arith.extui %sign3A_1690 : i1 to i32
          %sign3A_1692 = arith.constant 0 : i32
          %sign3A_1693 = arith.cmpi slt, %jit3A_1680, %sign3A_1692 : i32
          %sign3A_1694 = arith.extui %sign3A_1693 : i1 to i32
          %sign3A_1695 = arith.subi %sign3A_1691, %sign3A_1694 : i32
          %ne3A_1696 = arith.cmpi ne, %sign3A_1688, %sign3A_1695 : i32
          %rem3A_1697 = arith.remsi %sub3A_1679, %jit3A_1680 : i32
          %ne3A_1698 = arith.constant 0 : i32
          %ne3A_1699 = arith.cmpi ne, %rem3A_1697, %ne3A_1698 : i32
          %and3A_1700 = arith.andi %ne3A_1696, %ne3A_1699 : i1
          %sub3A_1701 = arith.constant 1 : i32
          %sub3A_1702 = arith.subi %div3A_1681, %sub3A_1701 : i32
          %select_n3A_1703 = arith.select %and3A_1700, %sub3A_1702, %div3A_1681 : i32
          %mul3A_1704 = arith.constant 1024 : i32
          %mul3A_1705 = arith.muli %select_n3A_1703, %mul3A_1704 : i32
          %add3A_1706 = arith.addi %mul3A_1705, %mul3A_2 : i32
          %jit3A_1707 = arith.constant 4 : i32
          %eq3A_1708 = arith.constant 0 : i32
          %eq3A_1709 = arith.cmpi eq, %jit3A_1707, %eq3A_1708 : i32
          %jit3A_1710 = arith.constant 1 : i32
          %select_n3A_1711 = arith.select %eq3A_1709, %jit3A_1710, %jit3A_1707 : i32
          %rem3A_1712 = arith.remsi %sub3A_1679, %select_n3A_1711 : i32
          %ne3A_1713 = arith.constant 0 : i32
          %ne3A_1714 = arith.cmpi ne, %rem3A_1712, %ne3A_1713 : i32
          %lt3A_1715 = arith.constant 0 : i32
          %lt3A_1716 = arith.cmpi slt, %rem3A_1712, %lt3A_1715 : i32
          %lt3A_1717 = arith.constant 0 : i32
          %lt3A_1718 = arith.cmpi slt, %select_n3A_1711, %lt3A_1717 : i32
          %ne3A_1719 = arith.xori %lt3A_1716, %lt3A_1718 : i1
          %and3A_1720 = arith.andi %ne3A_1719, %ne3A_1714 : i1
          %add3A_1721 = arith.addi %rem3A_1712, %select_n3A_1711 : i32
          %select_n3A_1722 = arith.select %and3A_1720, %add3A_1721, %rem3A_1712 : i32
          %mul3A_1723 = arith.constant 8 : i32
          %mul3A_1724 = arith.muli %select_n3A_1722, %mul3A_1723 : i32
          %add3A_1725 = arith.addi %add3A_1706, %mul3A_1724 : i32
          %dma_wait3A_1726 = arith.constant 0 : i32
          %dma_wait3A_1727 = tpu.memref_slice %arg5[%add3A_1725, %dma_wait3A_1726] : memref<16384x2048xf32, #tpu.memory_space<hbm>> -> memref<8x2048xf32, #tpu.memory_space<hbm>>
          %dma_wait3A_1728 = arith.constant 0 : i32
          %dma_wait3A_1729 = tpu.memref_slice %arg5[%add3A_1725, %dma_wait3A_1728] : memref<16384x2048xf32, #tpu.memory_space<hbm>> -> memref<8x2048xf32, #tpu.memory_space<hbm>>
          tpu.wait_dma2 semaphore(%arg12 : memref<!tpu.dma_semaphore, #tpu.memory_space<semaphore_mem>>) src(%arg8 : memref<8x2048xf32, #tpu.memory_space<vmem>>) dst(%dma_wait3A_1729 : memref<8x2048xf32, #tpu.memory_space<hbm>>)
        } else {
        }
        %add3A_1629 = arith.constant 1 : i32
        %add3A_1630 = arith.addi %add3A_1314, %add3A_1629 : i32
        %jit3A_1631 = arith.constant 4 : i32
        %div3A_1632 = arith.divsi %add3A_1630, %jit3A_1631 : i32
        %sign3A_1633 = arith.constant 0 : i32
        %sign3A_1634 = arith.cmpi sgt, %add3A_1630, %sign3A_1633 : i32
        %sign3A_1635 = arith.extui %sign3A_1634 : i1 to i32
        %sign3A_1636 = arith.constant 0 : i32
        %sign3A_1637 = arith.cmpi slt, %add3A_1630, %sign3A_1636 : i32
        %sign3A_1638 = arith.extui %sign3A_1637 : i1 to i32
        %sign3A_1639 = arith.subi %sign3A_1635, %sign3A_1638 : i32
        %sign3A_1640 = arith.constant 0 : i32
        %sign3A_1641 = arith.cmpi sgt, %jit3A_1631, %sign3A_1640 : i32
        %sign3A_1642 = arith.extui %sign3A_1641 : i1 to i32
        %sign3A_1643 = arith.constant 0 : i32
        %sign3A_1644 = arith.cmpi slt, %jit3A_1631, %sign3A_1643 : i32
        %sign3A_1645 = arith.extui %sign3A_1644 : i1 to i32
        %sign3A_1646 = arith.subi %sign3A_1642, %sign3A_1645 : i32
        %ne3A_1647 = arith.cmpi ne, %sign3A_1639, %sign3A_1646 : i32
        %rem3A_1648 = arith.remsi %add3A_1630, %jit3A_1631 : i32
        %ne3A_1649 = arith.constant 0 : i32
        %ne3A_1650 = arith.cmpi ne, %rem3A_1648, %ne3A_1649 : i32
        %and3A_1651 = arith.andi %ne3A_1647, %ne3A_1650 : i1
        %sub3A_1652 = arith.constant 1 : i32
        %sub3A_1653 = arith.subi %div3A_1632, %sub3A_1652 : i32
        %select_n3A_1654 = arith.select %and3A_1651, %sub3A_1653, %div3A_1632 : i32
        %jit3A_1655 = arith.constant 4 : i32
        %eq3A_1656 = arith.constant 0 : i32
        %eq3A_1657 = arith.cmpi eq, %jit3A_1655, %eq3A_1656 : i32
        %jit3A_1658 = arith.constant 1 : i32
        %select_n3A_1659 = arith.select %eq3A_1657, %jit3A_1658, %jit3A_1655 : i32
        %rem3A_1660 = arith.remsi %add3A_1630, %select_n3A_1659 : i32
        %ne3A_1661 = arith.constant 0 : i32
        %ne3A_1662 = arith.cmpi ne, %rem3A_1660, %ne3A_1661 : i32
        %lt3A_1663 = arith.constant 0 : i32
        %lt3A_1664 = arith.cmpi slt, %rem3A_1660, %lt3A_1663 : i32
        %lt3A_1665 = arith.constant 0 : i32
        %lt3A_1666 = arith.cmpi slt, %select_n3A_1659, %lt3A_1665 : i32
        %ne3A_1667 = arith.xori %lt3A_1664, %lt3A_1666 : i1
        %and3A_1668 = arith.andi %ne3A_1667, %ne3A_1662 : i1
        %add3A_1669 = arith.addi %rem3A_1660, %select_n3A_1659 : i32
        %select_n3A_1670 = arith.select %and3A_1668, %add3A_1669, %rem3A_1660 : i32
        %mul3A_1671 = arith.constant 8 : i32
        %mul3A_1672 = arith.muli %select_n3A_1670, %mul3A_1671 : i32
        %dma_start3A_1673 = tpu.memref_slice %arg6[%select_n3A_1654, %mul3A_1672] : memref<16x32xi32, #tpu.memory_space<vmem>> -> memref<1x8xi32, #tpu.memory_space<vmem>>
        %dma_start3A_1674 = tpu.memref_squeeze %dma_start3A_1673 : memref<1x8xi32, #tpu.memory_space<vmem>> -> memref<8xi32, #tpu.memory_space<vmem>>
        %dma_start3A_1675 = arith.constant 0 : i32
        %dma_start3A_1676 = arith.constant 0 : i32
        %dma_start3A_1677 = tpu.memref_slice %arg3[%dma_start3A_1675, %dma_start3A_1676] : memref<50257x2048xf32, #tpu.memory_space<hbm>> -> memref<50257x2048xf32, #tpu.memory_space<hbm>>
        tpu.enqueue_indirect_dma source(%dma_start3A_1677 : memref<50257x2048xf32, #tpu.memory_space<hbm>>) target(%arg8 : memref<8x2048xf32, #tpu.memory_space<vmem>>) offsets(%dma_start3A_1674 : memref<8xi32, #tpu.memory_space<vmem>>) semaphore(%arg10 : memref<!tpu.dma_semaphore, #tpu.memory_space<semaphore_mem>>)
      } else {
      }
      %jit3A_1322 = arith.constant 4 : i32
      %div3A_1323 = arith.divsi %add3A_1314, %jit3A_1322 : i32
      %sign3A_1324 = arith.constant 0 : i32
      %sign3A_1325 = arith.cmpi sgt, %add3A_1314, %sign3A_1324 : i32
      %sign3A_1326 = arith.extui %sign3A_1325 : i1 to i32
      %sign3A_1327 = arith.constant 0 : i32
      %sign3A_1328 = arith.cmpi slt, %add3A_1314, %sign3A_1327 : i32
      %sign3A_1329 = arith.extui %sign3A_1328 : i1 to i32
      %sign3A_1330 = arith.subi %sign3A_1326, %sign3A_1329 : i32
      %sign3A_1331 = arith.constant 0 : i32
      %sign3A_1332 = arith.cmpi sgt, %jit3A_1322, %sign3A_1331 : i32
      %sign3A_1333 = arith.extui %sign3A_1332 : i1 to i32
      %sign3A_1334 = arith.constant 0 : i32
      %sign3A_1335 = arith.cmpi slt, %jit3A_1322, %sign3A_1334 : i32
      %sign3A_1336 = arith.extui %sign3A_1335 : i1 to i32
      %sign3A_1337 = arith.subi %sign3A_1333, %sign3A_1336 : i32
      %ne3A_1338 = arith.cmpi ne, %sign3A_1330, %sign3A_1337 : i32
      %rem3A_1339 = arith.remsi %add3A_1314, %jit3A_1322 : i32
      %ne3A_1340 = arith.constant 0 : i32
      %ne3A_1341 = arith.cmpi ne, %rem3A_1339, %ne3A_1340 : i32
      %and3A_1342 = arith.andi %ne3A_1338, %ne3A_1341 : i1
      %sub3A_1343 = arith.constant 1 : i32
      %sub3A_1344 = arith.subi %div3A_1323, %sub3A_1343 : i32
      %select_n3A_1345 = arith.select %and3A_1342, %sub3A_1344, %div3A_1323 : i32
      %jit3A_1346 = arith.constant 4 : i32
      %eq3A_1347 = arith.constant 0 : i32
      %eq3A_1348 = arith.cmpi eq, %jit3A_1346, %eq3A_1347 : i32
      %jit3A_1349 = arith.constant 1 : i32
      %select_n3A_1350 = arith.select %eq3A_1348, %jit3A_1349, %jit3A_1346 : i32
      %rem3A_1351 = arith.remsi %add3A_1314, %select_n3A_1350 : i32
      %ne3A_1352 = arith.constant 0 : i32
      %ne3A_1353 = arith.cmpi ne, %rem3A_1351, %ne3A_1352 : i32
      %lt3A_1354 = arith.constant 0 : i32
      %lt3A_1355 = arith.cmpi slt, %rem3A_1351, %lt3A_1354 : i32
      %lt3A_1356 = arith.constant 0 : i32
      %lt3A_1357 = arith.cmpi slt, %select_n3A_1350, %lt3A_1356 : i32
      %ne3A_1358 = arith.xori %lt3A_1355, %lt3A_1357 : i1
      %and3A_1359 = arith.andi %ne3A_1358, %ne3A_1353 : i1
      %add3A_1360 = arith.addi %rem3A_1351, %select_n3A_1350 : i32
      %select_n3A_1361 = arith.select %and3A_1359, %add3A_1360, %rem3A_1351 : i32
      %mul3A_1362 = arith.constant 8 : i32
      %mul3A_1363 = arith.muli %select_n3A_1361, %mul3A_1362 : i32
      %dma_wait3A_1364 = tpu.memref_slice %arg6[%select_n3A_1345, %mul3A_1363] : memref<16x32xi32, #tpu.memory_space<vmem>> -> memref<1x8xi32, #tpu.memory_space<vmem>>
      %dma_wait3A_1365 = tpu.memref_squeeze %dma_wait3A_1364 : memref<1x8xi32, #tpu.memory_space<vmem>> -> memref<8xi32, #tpu.memory_space<vmem>>
      %dma_wait3A_1366 = arith.constant 0 : i32
      %dma_wait3A_1367 = arith.constant 0 : i32
      %dma_wait3A_1368 = tpu.memref_slice %arg3[%dma_wait3A_1366, %dma_wait3A_1367] : memref<50257x2048xf32, #tpu.memory_space<hbm>> -> memref<50257x2048xf32, #tpu.memory_space<hbm>>
      tpu.wait_indirect_dma semaphore(%arg11 : memref<!tpu.dma_semaphore, #tpu.memory_space<semaphore_mem>>) src(%dma_wait3A_1368 : memref<50257x2048xf32, #tpu.memory_space<hbm>>) dst(%arg9 : memref<8x2048xf32, #tpu.memory_space<vmem>>)
      %parallel_loop3A_1369 = arith.constant 0 : i32
      %parallel_loop3A_1370 = arith.constant 128 : i32
      %parallel_loop3A_1371 = arith.constant 1 : i32
      scf.for %parallel_loop3A_1625 = %parallel_loop3A_1369 to %parallel_loop3A_1370 step %parallel_loop3A_1371  : i32 {
        %parallel_loop3A_1626 = arith.constant 16 : i32
        %parallel_loop3A_1627 = arith.muli %parallel_loop3A_1625, %parallel_loop3A_1626 : i32
        %parallel_loop3A_1628 = arith.constant 24 : i32
        %parallel_loop3A_1629 = arith.index_cast %parallel_loop3A_1628 : i32 to index
        %parallel_loop3A_1630 = arith.index_cast %parallel_loop3A_1627 : i32 to index
        %parallel_loop3A_1631 = tpu.vector_load %arg7[%parallel_loop3A_1629, %parallel_loop3A_1630] {strides = array<i32>} : memref<32x2048xf32, #tpu.memory_space<vmem>>, vector<1x16xf32>,
        %parallel_loop3A_1632 = vector.shape_cast %parallel_loop3A_1631 : vector<1x16xf32> to vector<16xf32>
        %parallel_loop3A_1633 = arith.constant 0 : i32
        %parallel_loop3A_1634 = arith.index_cast %parallel_loop3A_1633 : i32 to index
        %parallel_loop3A_1635 = arith.index_cast %parallel_loop3A_1627 : i32 to index
        %parallel_loop3A_1636 = tpu.vector_load %arg9[%parallel_loop3A_1634, %parallel_loop3A_1635] {strides = array<i32>} : memref<8x2048xf32, #tpu.memory_space<vmem>>, vector<1x16xf32>,
        %parallel_loop3A_1637 = vector.shape_cast %parallel_loop3A_1636 : vector<1x16xf32> to vector<16xf32>
        %parallel_loop3A_1638 = vector.shape_cast %parallel_loop3A_1632 : vector<16xf32> to vector<1x16xf32>
        tpu.vector_store %arg9[%parallel_loop3A_1634, %parallel_loop3A_1635], %parallel_loop3A_1638 {add = true, strides = array<i32>} : memref<8x2048xf32, #tpu.memory_space<vmem>>, vector<1x16xf32>,
      } {sc.loop_unroll_factor = 8 : i64, sc.parallel_access}
      %parallel_loop3A_1372 = arith.constant 0 : i32
      %parallel_loop3A_1373 = arith.constant 128 : i32
      %parallel_loop3A_1374 = arith.constant 1 : i32
      scf.for %parallel_loop3A_1625 = %parallel_loop3A_1372 to %parallel_loop3A_1373 step %parallel_loop3A_1374  : i32 {
        %parallel_loop3A_1626 = arith.constant 16 : i32
        %parallel_loop3A_1627 = arith.muli %parallel_loop3A_1625, %parallel_loop3A_1626 : i32
        %parallel_loop3A_1628 = arith.constant 25 : i32
        %parallel_loop3A_1629 = arith.index_cast %parallel_loop3A_1628 : i32 to index
        %parallel_loop3A_1630 = arith.index_cast %parallel_loop3A_1627 : i32 to index
        %parallel_loop3A_1631 = tpu.vector_load %arg7[%parallel_loop3A_1629, %parallel_loop3A_1630] {strides = array<i32>} : memref<32x2048xf32, #tpu.memory_space<vmem>>, vector<1x16xf32>,
        %parallel_loop3A_1632 = vector.shape_cast %parallel_loop3A_1631 : vector<1x16xf32> to vector<16xf32>
        %parallel_loop3A_1633 = arith.constant 1 : i32
        %parallel_loop3A_1634 = arith.index_cast %parallel_loop3A_1633 : i32 to index
        %parallel_loop3A_1635 = arith.index_cast %parallel_loop3A_1627 : i32 to index
        %parallel_loop3A_1636 = tpu.vector_load %arg9[%parallel_loop3A_1634, %parallel_loop3A_1635] {strides = array<i32>} : memref<8x2048xf32, #tpu.memory_space<vmem>>, vector<1x16xf32>,
        %parallel_loop3A_1637 = vector.shape_cast %parallel_loop3A_1636 : vector<1x16xf32> to vector<16xf32>
        %parallel_loop3A_1638 = vector.shape_cast %parallel_loop3A_1632 : vector<16xf32> to vector<1x16xf32>
        tpu.vector_store %arg9[%parallel_loop3A_1634, %parallel_loop3A_1635], %parallel_loop3A_1638 {add = true, strides = array<i32>} : memref<8x2048xf32, #tpu.memory_space<vmem>>, vector<1x16xf32>,
      } {sc.loop_unroll_factor = 8 : i64, sc.parallel_access}
      %jit3A_1375 = arith.constant 4 : i32
      %div3A_1376 = arith.divsi %add3A_1314, %jit3A_1375 : i32
      %sign3A_1377 = arith.constant 0 : i32
      %sign3A_1378 = arith.cmpi sgt, %add3A_1314, %sign3A_1377 : i32
      %sign3A_1379 = arith.extui %sign3A_1378 : i1 to i32
      %sign3A_1380 = arith.constant 0 : i32
      %sign3A_1381 = arith.cmpi slt, %add3A_1314, %sign3A_1380 : i32
      %sign3A_1382 = arith.extui %sign3A_1381 : i1 to i32
      %sign3A_1383 = arith.subi %sign3A_1379, %sign3A_1382 : i32
      %sign3A_1384 = arith.constant 0 : i32
      %sign3A_1385 = arith.cmpi sgt, %jit3A_1375, %sign3A_1384 : i32
      %sign3A_1386 = arith.extui %sign3A_1385 : i1 to i32
      %sign3A_1387 = arith.constant 0 : i32
      %sign3A_1388 = arith.cmpi slt, %jit3A_1375, %sign3A_1387 : i32
      %sign3A_1389 = arith.extui %sign3A_1388 : i1 to i32
      %sign3A_1390 = arith.subi %sign3A_1386, %sign3A_1389 : i32
      %ne3A_1391 = arith.cmpi ne, %sign3A_1383, %sign3A_1390 : i32
      %rem3A_1392 = arith.remsi %add3A_1314, %jit3A_1375 : i32
      %ne3A_1393 = arith.constant 0 : i32
      %ne3A_1394 = arith.cmpi ne, %rem3A_1392, %ne3A_1393 : i32
      %and3A_1395 = arith.andi %ne3A_1391, %ne3A_1394 : i1
      %sub3A_1396 = arith.constant 1 : i32
      %sub3A_1397 = arith.subi %div3A_1376, %sub3A_1396 : i32
      %select_n3A_1398 = arith.select %and3A_1395, %sub3A_1397, %div3A_1376 : i32
      %mul3A_1399 = arith.constant 1024 : i32
      %mul3A_1400 = arith.muli %select_n3A_1398, %mul3A_1399 : i32
      %add3A_1401 = arith.addi %mul3A_1400, %mul3A_2 : i32
      %jit3A_1402 = arith.constant 4 : i32
      %eq3A_1403 = arith.constant 0 : i32
      %eq3A_1404 = arith.cmpi eq, %jit3A_1402, %eq3A_1403 : i32
      %jit3A_1405 = arith.constant 1 : i32
      %select_n3A_1406 = arith.select %eq3A_1404, %jit3A_1405, %jit3A_1402 : i32
      %rem3A_1407 = arith.remsi %add3A_1314, %select_n3A_1406 : i32
      %ne3A_1408 = arith.constant 0 : i32
      %ne3A_1409 = arith.cmpi ne, %rem3A_1407, %ne3A_1408 : i32
      %lt3A_1410 = arith.constant 0 : i32
      %lt3A_1411 = arith.cmpi slt, %rem3A_1407, %lt3A_1410 : i32
      %lt3A_1412 = arith.constant 0 : i32
      %lt3A_1413 = arith.cmpi slt, %select_n3A_1406, %lt3A_1412 : i32
      %ne3A_1414 = arith.xori %lt3A_1411, %lt3A_1413 : i1
      %and3A_1415 = arith.andi %ne3A_1414, %ne3A_1409 : i1
      %add3A_1416 = arith.addi %rem3A_1407, %select_n3A_1406 : i32
      %select_n3A_1417 = arith.select %and3A_1415, %add3A_1416, %rem3A_1407 : i32
      %mul3A_1418 = arith.constant 8 : i32
      %mul3A_1419 = arith.muli %select_n3A_1417, %mul3A_1418 : i32
      %add3A_1420 = arith.addi %add3A_1401, %mul3A_1419 : i32
      %add3A_1421 = arith.constant 0 : i32
      %add3A_1422 = arith.addi %add3A_1420, %add3A_1421 : i32
      %dma_start3A_1423 = arith.constant 0 : i32
      %dma_start3A_1424 = arith.constant 0 : i32
      %dma_start3A_1425 = tpu.memref_slice %arg9[%dma_start3A_1423, %dma_start3A_1424] : memref<8x2048xf32, #tpu.memory_space<vmem>> -> memref<2x2048xf32, #tpu.memory_space<vmem>>
      %dma_start3A_1426 = arith.constant 0 : i32
      %dma_start3A_1427 = tpu.memref_slice %arg5[%add3A_1422, %dma_start3A_1426] : memref<16384x2048xf32, #tpu.memory_space<hbm>> -> memref<2x2048xf32, #tpu.memory_space<hbm>>
      %dma_start3A_1428 = arith.constant 0 : i32
      %dma_start3A_1429 = tpu.memref_slice %arg5[%add3A_1422, %dma_start3A_1428] : memref<16384x2048xf32, #tpu.memory_space<hbm>> -> memref<2x2048xf32, #tpu.memory_space<hbm>>
      %dma_start3A_1430 = arith.constant 0 : i32
      %dma_start3A_1431 = arith.constant 0 : i32
      %dma_start3A_1432 = tpu.memref_slice %arg9[%dma_start3A_1430, %dma_start3A_1431] : memref<8x2048xf32, #tpu.memory_space<vmem>> -> memref<2x2048xf32, #tpu.memory_space<vmem>>
      tpu.enqueue_dma source(%dma_start3A_1432 : memref<2x2048xf32, #tpu.memory_space<vmem>>) target(%dma_start3A_1429 : memref<2x2048xf32, #tpu.memory_space<hbm>>) target_semaphore(%arg13 : memref<!tpu.dma_semaphore, #tpu.memory_space<semaphore_mem>>)
      %parallel_loop3A_1433 = arith.constant 0 : i32
      %parallel_loop3A_1434 = arith.constant 128 : i32
      %parallel_loop3A_1435 = arith.constant 1 : i32
      scf.for %parallel_loop3A_1625 = %parallel_loop3A_1433 to %parallel_loop3A_1434 step %parallel_loop3A_1435  : i32 {
        %parallel_loop3A_1626 = arith.constant 16 : i32
        %parallel_loop3A_1627 = arith.muli %parallel_loop3A_1625, %parallel_loop3A_1626 : i32
        %parallel_loop3A_1628 = arith.constant 26 : i32
        %parallel_loop3A_1629 = arith.index_cast %parallel_loop3A_1628 : i32 to index
        %parallel_loop3A_1630 = arith.index_cast %parallel_loop3A_1627 : i32 to index
        %parallel_loop3A_1631 = tpu.vector_load %arg7[%parallel_loop3A_1629, %parallel_loop3A_1630] {strides = array<i32>} : memref<32x2048xf32, #tpu.memory_space<vmem>>, vector<1x16xf32>,
        %parallel_loop3A_1632 = vector.shape_cast %parallel_loop3A_1631 : vector<1x16xf32> to vector<16xf32>
        %parallel_loop3A_1633 = arith.constant 2 : i32
        %parallel_loop3A_1634 = arith.index_cast %parallel_loop3A_1633 : i32 to index
        %parallel_loop3A_1635 = arith.index_cast %parallel_loop3A_1627 : i32 to index
        %parallel_loop3A_1636 = tpu.vector_load %arg9[%parallel_loop3A_1634, %parallel_loop3A_1635] {strides = array<i32>} : memref<8x2048xf32, #tpu.memory_space<vmem>>, vector<1x16xf32>,
        %parallel_loop3A_1637 = vector.shape_cast %parallel_loop3A_1636 : vector<1x16xf32> to vector<16xf32>
        %parallel_loop3A_1638 = vector.shape_cast %parallel_loop3A_1632 : vector<16xf32> to vector<1x16xf32>
        tpu.vector_store %arg9[%parallel_loop3A_1634, %parallel_loop3A_1635], %parallel_loop3A_1638 {add = true, strides = array<i32>} : memref<8x2048xf32, #tpu.memory_space<vmem>>, vector<1x16xf32>,
      } {sc.loop_unroll_factor = 8 : i64, sc.parallel_access}
      %parallel_loop3A_1436 = arith.constant 0 : i32
      %parallel_loop3A_1437 = arith.constant 128 : i32
      %parallel_loop3A_1438 = arith.constant 1 : i32
      scf.for %parallel_loop3A_1625 = %parallel_loop3A_1436 to %parallel_loop3A_1437 step %parallel_loop3A_1438  : i32 {
        %parallel_loop3A_1626 = arith.constant 16 : i32
        %parallel_loop3A_1627 = arith.muli %parallel_loop3A_1625, %parallel_loop3A_1626 : i32
        %parallel_loop3A_1628 = arith.constant 27 : i32
        %parallel_loop3A_1629 = arith.index_cast %parallel_loop3A_1628 : i32 to index
        %parallel_loop3A_1630 = arith.index_cast %parallel_loop3A_1627 : i32 to index
        %parallel_loop3A_1631 = tpu.vector_load %arg7[%parallel_loop3A_1629, %parallel_loop3A_1630] {strides = array<i32>} : memref<32x2048xf32, #tpu.memory_space<vmem>>, vector<1x16xf32>,
        %parallel_loop3A_1632 = vector.shape_cast %parallel_loop3A_1631 : vector<1x16xf32> to vector<16xf32>
        %parallel_loop3A_1633 = arith.constant 3 : i32
        %parallel_loop3A_1634 = arith.index_cast %parallel_loop3A_1633 : i32 to index
        %parallel_loop3A_1635 = arith.index_cast %parallel_loop3A_1627 : i32 to index
        %parallel_loop3A_1636 = tpu.vector_load %arg9[%parallel_loop3A_1634, %parallel_loop3A_1635] {strides = array<i32>} : memref<8x2048xf32, #tpu.memory_space<vmem>>, vector<1x16xf32>,
        %parallel_loop3A_1637 = vector.shape_cast %parallel_loop3A_1636 : vector<1x16xf32> to vector<16xf32>
        %parallel_loop3A_1638 = vector.shape_cast %parallel_loop3A_1632 : vector<16xf32> to vector<1x16xf32>
        tpu.vector_store %arg9[%parallel_loop3A_1634, %parallel_loop3A_1635], %parallel_loop3A_1638 {add = true, strides = array<i32>} : memref<8x2048xf32, #tpu.memory_space<vmem>>, vector<1x16xf32>,
      } {sc.loop_unroll_factor = 8 : i64, sc.parallel_access}
      %jit3A_1439 = arith.constant 4 : i32
      %div3A_1440 = arith.divsi %add3A_1314, %jit3A_1439 : i32
      %sign3A_1441 = arith.constant 0 : i32
      %sign3A_1442 = arith.cmpi sgt, %add3A_1314, %sign3A_1441 : i32
      %sign3A_1443 = arith.extui %sign3A_1442 : i1 to i32
      %sign3A_1444 = arith.constant 0 : i32
      %sign3A_1445 = arith.cmpi slt, %add3A_1314, %sign3A_1444 : i32
      %sign3A_1446 = arith.extui %sign3A_1445 : i1 to i32
      %sign3A_1447 = arith.subi %sign3A_1443, %sign3A_1446 : i32
      %sign3A_1448 = arith.constant 0 : i32
      %sign3A_1449 = arith.cmpi sgt, %jit3A_1439, %sign3A_1448 : i32
      %sign3A_1450 = arith.extui %sign3A_1449 : i1 to i32
      %sign3A_1451 = arith.constant 0 : i32
      %sign3A_1452 = arith.cmpi slt, %jit3A_1439, %sign3A_1451 : i32
      %sign3A_1453 = arith.extui %sign3A_1452 : i1 to i32
      %sign3A_1454 = arith.subi %sign3A_1450, %sign3A_1453 : i32
      %ne3A_1455 = arith.cmpi ne, %sign3A_1447, %sign3A_1454 : i32
      %rem3A_1456 = arith.remsi %add3A_1314, %jit3A_1439 : i32
      %ne3A_1457 = arith.constant 0 : i32
      %ne3A_1458 = arith.cmpi ne, %rem3A_1456, %ne3A_1457 : i32
      %and3A_1459 = arith.andi %ne3A_1455, %ne3A_1458 : i1
      %sub3A_1460 = arith.constant 1 : i32
      %sub3A_1461 = arith.subi %div3A_1440, %sub3A_1460 : i32
      %select_n3A_1462 = arith.select %and3A_1459, %sub3A_1461, %div3A_1440 : i32
      %mul3A_1463 = arith.constant 1024 : i32
      %mul3A_1464 = arith.muli %select_n3A_1462, %mul3A_1463 : i32
      %add3A_1465 = arith.addi %mul3A_1464, %mul3A_2 : i32
      %jit3A_1466 = arith.constant 4 : i32
      %eq3A_1467 = arith.constant 0 : i32
      %eq3A_1468 = arith.cmpi eq, %jit3A_1466, %eq3A_1467 : i32
      %jit3A_1469 = arith.constant 1 : i32
      %select_n3A_1470 = arith.select %eq3A_1468, %jit3A_1469, %jit3A_1466 : i32
      %rem3A_1471 = arith.remsi %add3A_1314, %select_n3A_1470 : i32
      %ne3A_1472 = arith.constant 0 : i32
      %ne3A_1473 = arith.cmpi ne, %rem3A_1471, %ne3A_1472 : i32
      %lt3A_1474 = arith.constant 0 : i32
      %lt3A_1475 = arith.cmpi slt, %rem3A_1471, %lt3A_1474 : i32
      %lt3A_1476 = arith.constant 0 : i32
      %lt3A_1477 = arith.cmpi slt, %select_n3A_1470, %lt3A_1476 : i32
      %ne3A_1478 = arith.xori %lt3A_1475, %lt3A_1477 : i1
      %and3A_1479 = arith.andi %ne3A_1478, %ne3A_1473 : i1
      %add3A_1480 = arith.addi %rem3A_1471, %select_n3A_1470 : i32
      %select_n3A_1481 = arith.select %and3A_1479, %add3A_1480, %rem3A_1471 : i32
      %mul3A_1482 = arith.constant 8 : i32
      %mul3A_1483 = arith.muli %select_n3A_1481, %mul3A_1482 : i32
      %add3A_1484 = arith.addi %add3A_1465, %mul3A_1483 : i32
      %add3A_1485 = arith.constant 2 : i32
      %add3A_1486 = arith.addi %add3A_1484, %add3A_1485 : i32
      %dma_start3A_1487 = arith.constant 2 : i32
      %dma_start3A_1488 = arith.constant 0 : i32
      %dma_start3A_1489 = tpu.memref_slice %arg9[%dma_start3A_1487, %dma_start3A_1488] : memref<8x2048xf32, #tpu.memory_space<vmem>> -> memref<2x2048xf32, #tpu.memory_space<vmem>>
      %dma_start3A_1490 = arith.constant 0 : i32
      %dma_start3A_1491 = tpu.memref_slice %arg5[%add3A_1486, %dma_start3A_1490] : memref<16384x2048xf32, #tpu.memory_space<hbm>> -> memref<2x2048xf32, #tpu.memory_space<hbm>>
      %dma_start3A_1492 = arith.constant 0 : i32
      %dma_start3A_1493 = tpu.memref_slice %arg5[%add3A_1486, %dma_start3A_1492] : memref<16384x2048xf32, #tpu.memory_space<hbm>> -> memref<2x2048xf32, #tpu.memory_space<hbm>>
      %dma_start3A_1494 = arith.constant 2 : i32
      %dma_start3A_1495 = arith.constant 0 : i32
      %dma_start3A_1496 = tpu.memref_slice %arg9[%dma_start3A_1494, %dma_start3A_1495] : memref<8x2048xf32, #tpu.memory_space<vmem>> -> memref<2x2048xf32, #tpu.memory_space<vmem>>
      tpu.enqueue_dma source(%dma_start3A_1496 : memref<2x2048xf32, #tpu.memory_space<vmem>>) target(%dma_start3A_1493 : memref<2x2048xf32, #tpu.memory_space<hbm>>) target_semaphore(%arg13 : memref<!tpu.dma_semaphore, #tpu.memory_space<semaphore_mem>>)
      %parallel_loop3A_1497 = arith.constant 0 : i32
      %parallel_loop3A_1498 = arith.constant 128 : i32
      %parallel_loop3A_1499 = arith.constant 1 : i32
      scf.for %parallel_loop3A_1625 = %parallel_loop3A_1497 to %parallel_loop3A_1498 step %parallel_loop3A_1499  : i32 {
        %parallel_loop3A_1626 = arith.constant 16 : i32
        %parallel_loop3A_1627 = arith.muli %parallel_loop3A_1625, %parallel_loop3A_1626 : i32
        %parallel_loop3A_1628 = arith.constant 28 : i32
        %parallel_loop3A_1629 = arith.index_cast %parallel_loop3A_1628 : i32 to index
        %parallel_loop3A_1630 = arith.index_cast %parallel_loop3A_1627 : i32 to index
        %parallel_loop3A_1631 = tpu.vector_load %arg7[%parallel_loop3A_1629, %parallel_loop3A_1630] {strides = array<i32>} : memref<32x2048xf32, #tpu.memory_space<vmem>>, vector<1x16xf32>,
        %parallel_loop3A_1632 = vector.shape_cast %parallel_loop3A_1631 : vector<1x16xf32> to vector<16xf32>
        %parallel_loop3A_1633 = arith.constant 4 : i32
        %parallel_loop3A_1634 = arith.index_cast %parallel_loop3A_1633 : i32 to index
        %parallel_loop3A_1635 = arith.index_cast %parallel_loop3A_1627 : i32 to index
        %parallel_loop3A_1636 = tpu.vector_load %arg9[%parallel_loop3A_1634, %parallel_loop3A_1635] {strides = array<i32>} : memref<8x2048xf32, #tpu.memory_space<vmem>>, vector<1x16xf32>,
        %parallel_loop3A_1637 = vector.shape_cast %parallel_loop3A_1636 : vector<1x16xf32> to vector<16xf32>
        %parallel_loop3A_1638 = vector.shape_cast %parallel_loop3A_1632 : vector<16xf32> to vector<1x16xf32>
        tpu.vector_store %arg9[%parallel_loop3A_1634, %parallel_loop3A_1635], %parallel_loop3A_1638 {add = true, strides = array<i32>} : memref<8x2048xf32, #tpu.memory_space<vmem>>, vector<1x16xf32>,
      } {sc.loop_unroll_factor = 8 : i64, sc.parallel_access}
      %parallel_loop3A_1500 = arith.constant 0 : i32
      %parallel_loop3A_1501 = arith.constant 128 : i32
      %parallel_loop3A_1502 = arith.constant 1 : i32
      scf.for %parallel_loop3A_1625 = %parallel_loop3A_1500 to %parallel_loop3A_1501 step %parallel_loop3A_1502  : i32 {
        %parallel_loop3A_1626 = arith.constant 16 : i32
        %parallel_loop3A_1627 = arith.muli %parallel_loop3A_1625, %parallel_loop3A_1626 : i32
        %parallel_loop3A_1628 = arith.constant 29 : i32
        %parallel_loop3A_1629 = arith.index_cast %parallel_loop3A_1628 : i32 to index
        %parallel_loop3A_1630 = arith.index_cast %parallel_loop3A_1627 : i32 to index
        %parallel_loop3A_1631 = tpu.vector_load %arg7[%parallel_loop3A_1629, %parallel_loop3A_1630] {strides = array<i32>} : memref<32x2048xf32, #tpu.memory_space<vmem>>, vector<1x16xf32>,
        %parallel_loop3A_1632 = vector.shape_cast %parallel_loop3A_1631 : vector<1x16xf32> to vector<16xf32>
        %parallel_loop3A_1633 = arith.constant 5 : i32
        %parallel_loop3A_1634 = arith.index_cast %parallel_loop3A_1633 : i32 to index
        %parallel_loop3A_1635 = arith.index_cast %parallel_loop3A_1627 : i32 to index
        %parallel_loop3A_1636 = tpu.vector_load %arg9[%parallel_loop3A_1634, %parallel_loop3A_1635] {strides = array<i32>} : memref<8x2048xf32, #tpu.memory_space<vmem>>, vector<1x16xf32>,
        %parallel_loop3A_1637 = vector.shape_cast %parallel_loop3A_1636 : vector<1x16xf32> to vector<16xf32>
        %parallel_loop3A_1638 = vector.shape_cast %parallel_loop3A_1632 : vector<16xf32> to vector<1x16xf32>
        tpu.vector_store %arg9[%parallel_loop3A_1634, %parallel_loop3A_1635], %parallel_loop3A_1638 {add = true, strides = array<i32>} : memref<8x2048xf32, #tpu.memory_space<vmem>>, vector<1x16xf32>,
      } {sc.loop_unroll_factor = 8 : i64, sc.parallel_access}
      %jit3A_1503 = arith.constant 4 : i32
      %div3A_1504 = arith.divsi %add3A_1314, %jit3A_1503 : i32
      %sign3A_1505 = arith.constant 0 : i32
      %sign3A_1506 = arith.cmpi sgt, %add3A_1314, %sign3A_1505 : i32
      %sign3A_1507 = arith.extui %sign3A_1506 : i1 to i32
      %sign3A_1508 = arith.constant 0 : i32
      %sign3A_1509 = arith.cmpi slt, %add3A_1314, %sign3A_1508 : i32
      %sign3A_1510 = arith.extui %sign3A_1509 : i1 to i32
      %sign3A_1511 = arith.subi %sign3A_1507, %sign3A_1510 : i32
      %sign3A_1512 = arith.constant 0 : i32
      %sign3A_1513 = arith.cmpi sgt, %jit3A_1503, %sign3A_1512 : i32
      %sign3A_1514 = arith.extui %sign3A_1513 : i1 to i32
      %sign3A_1515 = arith.constant 0 : i32
      %sign3A_1516 = arith.cmpi slt, %jit3A_1503, %sign3A_1515 : i32
      %sign3A_1517 = arith.extui %sign3A_1516 : i1 to i32
      %sign3A_1518 = arith.subi %sign3A_1514, %sign3A_1517 : i32
      %ne3A_1519 = arith.cmpi ne, %sign3A_1511, %sign3A_1518 : i32
      %rem3A_1520 = arith.remsi %add3A_1314, %jit3A_1503 : i32
      %ne3A_1521 = arith.constant 0 : i32
      %ne3A_1522 = arith.cmpi ne, %rem3A_1520, %ne3A_1521 : i32
      %and3A_1523 = arith.andi %ne3A_1519, %ne3A_1522 : i1
      %sub3A_1524 = arith.constant 1 : i32
      %sub3A_1525 = arith.subi %div3A_1504, %sub3A_1524 : i32
      %select_n3A_1526 = arith.select %and3A_1523, %sub3A_1525, %div3A_1504 : i32
      %mul3A_1527 = arith.constant 1024 : i32
      %mul3A_1528 = arith.muli %select_n3A_1526, %mul3A_1527 : i32
      %add3A_1529 = arith.addi %mul3A_1528, %mul3A_2 : i32
      %jit3A_1530 = arith.constant 4 : i32
      %eq3A_1531 = arith.constant 0 : i32
      %eq3A_1532 = arith.cmpi eq, %jit3A_1530, %eq3A_1531 : i32
      %jit3A_1533 = arith.constant 1 : i32
      %select_n3A_1534 = arith.select %eq3A_1532, %jit3A_1533, %jit3A_1530 : i32
      %rem3A_1535 = arith.remsi %add3A_1314, %select_n3A_1534 : i32
      %ne3A_1536 = arith.constant 0 : i32
      %ne3A_1537 = arith.cmpi ne, %rem3A_1535, %ne3A_1536 : i32
      %lt3A_1538 = arith.constant 0 : i32
      %lt3A_1539 = arith.cmpi slt, %rem3A_1535, %lt3A_1538 : i32
      %lt3A_1540 = arith.constant 0 : i32
      %lt3A_1541 = arith.cmpi slt, %select_n3A_1534, %lt3A_1540 : i32
      %ne3A_1542 = arith.xori %lt3A_1539, %lt3A_1541 : i1
      %and3A_1543 = arith.andi %ne3A_1542, %ne3A_1537 : i1
      %add3A_1544 = arith.addi %rem3A_1535, %select_n3A_1534 : i32
      %select_n3A_1545 = arith.select %and3A_1543, %add3A_1544, %rem3A_1535 : i32
      %mul3A_1546 = arith.constant 8 : i32
      %mul3A_1547 = arith.muli %select_n3A_1545, %mul3A_1546 : i32
      %add3A_1548 = arith.addi %add3A_1529, %mul3A_1547 : i32
      %add3A_1549 = arith.constant 4 : i32
      %add3A_1550 = arith.addi %add3A_1548, %add3A_1549 : i32
      %dma_start3A_1551 = arith.constant 4 : i32
      %dma_start3A_1552 = arith.constant 0 : i32
      %dma_start3A_1553 = tpu.memref_slice %arg9[%dma_start3A_1551, %dma_start3A_1552] : memref<8x2048xf32, #tpu.memory_space<vmem>> -> memref<2x2048xf32, #tpu.memory_space<vmem>>
      %dma_start3A_1554 = arith.constant 0 : i32
      %dma_start3A_1555 = tpu.memref_slice %arg5[%add3A_1550, %dma_start3A_1554] : memref<16384x2048xf32, #tpu.memory_space<hbm>> -> memref<2x2048xf32, #tpu.memory_space<hbm>>
      %dma_start3A_1556 = arith.constant 0 : i32
      %dma_start3A_1557 = tpu.memref_slice %arg5[%add3A_1550, %dma_start3A_1556] : memref<16384x2048xf32, #tpu.memory_space<hbm>> -> memref<2x2048xf32, #tpu.memory_space<hbm>>
      %dma_start3A_1558 = arith.constant 4 : i32
      %dma_start3A_1559 = arith.constant 0 : i32
      %dma_start3A_1560 = tpu.memref_slice %arg9[%dma_start3A_1558, %dma_start3A_1559] : memref<8x2048xf32, #tpu.memory_space<vmem>> -> memref<2x2048xf32, #tpu.memory_space<vmem>>
      tpu.enqueue_dma source(%dma_start3A_1560 : memref<2x2048xf32, #tpu.memory_space<vmem>>) target(%dma_start3A_1557 : memref<2x2048xf32, #tpu.memory_space<hbm>>) target_semaphore(%arg13 : memref<!tpu.dma_semaphore, #tpu.memory_space<semaphore_mem>>)
      %parallel_loop3A_1561 = arith.constant 0 : i32
      %parallel_loop3A_1562 = arith.constant 128 : i32
      %parallel_loop3A_1563 = arith.constant 1 : i32
      scf.for %parallel_loop3A_1625 = %parallel_loop3A_1561 to %parallel_loop3A_1562 step %parallel_loop3A_1563  : i32 {
        %parallel_loop3A_1626 = arith.constant 16 : i32
        %parallel_loop3A_1627 = arith.muli %parallel_loop3A_1625, %parallel_loop3A_1626 : i32
        %parallel_loop3A_1628 = arith.constant 30 : i32
        %parallel_loop3A_1629 = arith.index_cast %parallel_loop3A_1628 : i32 to index
        %parallel_loop3A_1630 = arith.index_cast %parallel_loop3A_1627 : i32 to index
        %parallel_loop3A_1631 = tpu.vector_load %arg7[%parallel_loop3A_1629, %parallel_loop3A_1630] {strides = array<i32>} : memref<32x2048xf32, #tpu.memory_space<vmem>>, vector<1x16xf32>,
        %parallel_loop3A_1632 = vector.shape_cast %parallel_loop3A_1631 : vector<1x16xf32> to vector<16xf32>
        %parallel_loop3A_1633 = arith.constant 6 : i32
        %parallel_loop3A_1634 = arith.index_cast %parallel_loop3A_1633 : i32 to index
        %parallel_loop3A_1635 = arith.index_cast %parallel_loop3A_1627 : i32 to index
        %parallel_loop3A_1636 = tpu.vector_load %arg9[%parallel_loop3A_1634, %parallel_loop3A_1635] {strides = array<i32>} : memref<8x2048xf32, #tpu.memory_space<vmem>>, vector<1x16xf32>,
        %parallel_loop3A_1637 = vector.shape_cast %parallel_loop3A_1636 : vector<1x16xf32> to vector<16xf32>
        %parallel_loop3A_1638 = vector.shape_cast %parallel_loop3A_1632 : vector<16xf32> to vector<1x16xf32>
        tpu.vector_store %arg9[%parallel_loop3A_1634, %parallel_loop3A_1635], %parallel_loop3A_1638 {add = true, strides = array<i32>} : memref<8x2048xf32, #tpu.memory_space<vmem>>, vector<1x16xf32>,
      } {sc.loop_unroll_factor = 8 : i64, sc.parallel_access}
      %parallel_loop3A_1564 = arith.constant 0 : i32
      %parallel_loop3A_1565 = arith.constant 128 : i32
      %parallel_loop3A_1566 = arith.constant 1 : i32
      scf.for %parallel_loop3A_1625 = %parallel_loop3A_1564 to %parallel_loop3A_1565 step %parallel_loop3A_1566  : i32 {
        %parallel_loop3A_1626 = arith.constant 16 : i32
        %parallel_loop3A_1627 = arith.muli %parallel_loop3A_1625, %parallel_loop3A_1626 : i32
        %parallel_loop3A_1628 = arith.constant 31 : i32
        %parallel_loop3A_1629 = arith.index_cast %parallel_loop3A_1628 : i32 to index
        %parallel_loop3A_1630 = arith.index_cast %parallel_loop3A_1627 : i32 to index
        %parallel_loop3A_1631 = tpu.vector_load %arg7[%parallel_loop3A_1629, %parallel_loop3A_1630] {strides = array<i32>} : memref<32x2048xf32, #tpu.memory_space<vmem>>, vector<1x16xf32>,
        %parallel_loop3A_1632 = vector.shape_cast %parallel_loop3A_1631 : vector<1x16xf32> to vector<16xf32>
        %parallel_loop3A_1633 = arith.constant 7 : i32
        %parallel_loop3A_1634 = arith.index_cast %parallel_loop3A_1633 : i32 to index
        %parallel_loop3A_1635 = arith.index_cast %parallel_loop3A_1627 : i32 to index
        %parallel_loop3A_1636 = tpu.vector_load %arg9[%parallel_loop3A_1634, %parallel_loop3A_1635] {strides = array<i32>} : memref<8x2048xf32, #tpu.memory_space<vmem>>, vector<1x16xf32>,
        %parallel_loop3A_1637 = vector.shape_cast %parallel_loop3A_1636 : vector<1x16xf32> to vector<16xf32>
        %parallel_loop3A_1638 = vector.shape_cast %parallel_loop3A_1632 : vector<16xf32> to vector<1x16xf32>
        tpu.vector_store %arg9[%parallel_loop3A_1634, %parallel_loop3A_1635], %parallel_loop3A_1638 {add = true, strides = array<i32>} : memref<8x2048xf32, #tpu.memory_space<vmem>>, vector<1x16xf32>,
      } {sc.loop_unroll_factor = 8 : i64, sc.parallel_access}
      %jit3A_1567 = arith.constant 4 : i32
      %div3A_1568 = arith.divsi %add3A_1314, %jit3A_1567 : i32
      %sign3A_1569 = arith.constant 0 : i32
      %sign3A_1570 = arith.cmpi sgt, %add3A_1314, %sign3A_1569 : i32
      %sign3A_1571 = arith.extui %sign3A_1570 : i1 to i32
      %sign3A_1572 = arith.constant 0 : i32
      %sign3A_1573 = arith.cmpi slt, %add3A_1314, %sign3A_1572 : i32
      %sign3A_1574 = arith.extui %sign3A_1573 : i1 to i32
      %sign3A_1575 = arith.subi %sign3A_1571, %sign3A_1574 : i32
      %sign3A_1576 = arith.constant 0 : i32
      %sign3A_1577 = arith.cmpi sgt, %jit3A_1567, %sign3A_1576 : i32
      %sign3A_1578 = arith.extui %sign3A_1577 : i1 to i32
      %sign3A_1579 = arith.constant 0 : i32
      %sign3A_1580 = arith.cmpi slt, %jit3A_1567, %sign3A_1579 : i32
      %sign3A_1581 = arith.extui %sign3A_1580 : i1 to i32
      %sign3A_1582 = arith.subi %sign3A_1578, %sign3A_1581 : i32
      %ne3A_1583 = arith.cmpi ne, %sign3A_1575, %sign3A_1582 : i32
      %rem3A_1584 = arith.remsi %add3A_1314, %jit3A_1567 : i32
      %ne3A_1585 = arith.constant 0 : i32
      %ne3A_1586 = arith.cmpi ne, %rem3A_1584, %ne3A_1585 : i32
      %and3A_1587 = arith.andi %ne3A_1583, %ne3A_1586 : i1
      %sub3A_1588 = arith.constant 1 : i32
      %sub3A_1589 = arith.subi %div3A_1568, %sub3A_1588 : i32
      %select_n3A_1590 = arith.select %and3A_1587, %sub3A_1589, %div3A_1568 : i32
      %mul3A_1591 = arith.constant 1024 : i32
      %mul3A_1592 = arith.muli %select_n3A_1590, %mul3A_1591 : i32
      %add3A_1593 = arith.addi %mul3A_1592, %mul3A_2 : i32
      %jit3A_1594 = arith.constant 4 : i32
      %eq3A_1595 = arith.constant 0 : i32
      %eq3A_1596 = arith.cmpi eq, %jit3A_1594, %eq3A_1595 : i32
      %jit3A_1597 = arith.constant 1 : i32
      %select_n3A_1598 = arith.select %eq3A_1596, %jit3A_1597, %jit3A_1594 : i32
      %rem3A_1599 = arith.remsi %add3A_1314, %select_n3A_1598 : i32
      %ne3A_1600 = arith.constant 0 : i32
      %ne3A_1601 = arith.cmpi ne, %rem3A_1599, %ne3A_1600 : i32
      %lt3A_1602 = arith.constant 0 : i32
      %lt3A_1603 = arith.cmpi slt, %rem3A_1599, %lt3A_1602 : i32
      %lt3A_1604 = arith.constant 0 : i32
      %lt3A_1605 = arith.cmpi slt, %select_n3A_1598, %lt3A_1604 : i32
      %ne3A_1606 = arith.xori %lt3A_1603, %lt3A_1605 : i1
      %and3A_1607 = arith.andi %ne3A_1606, %ne3A_1601 : i1
      %add3A_1608 = arith.addi %rem3A_1599, %select_n3A_1598 : i32
      %select_n3A_1609 = arith.select %and3A_1607, %add3A_1608, %rem3A_1599 : i32
      %mul3A_1610 = arith.constant 8 : i32
      %mul3A_1611 = arith.muli %select_n3A_1609, %mul3A_1610 : i32
      %add3A_1612 = arith.addi %add3A_1593, %mul3A_1611 : i32
      %add3A_1613 = arith.constant 6 : i32
      %add3A_1614 = arith.addi %add3A_1612, %add3A_1613 : i32
      %dma_start3A_1615 = arith.constant 6 : i32
      %dma_start3A_1616 = arith.constant 0 : i32
      %dma_start3A_1617 = tpu.memref_slice %arg9[%dma_start3A_1615, %dma_start3A_1616] : memref<8x2048xf32, #tpu.memory_space<vmem>> -> memref<2x2048xf32, #tpu.memory_space<vmem>>
      %dma_start3A_1618 = arith.constant 0 : i32
      %dma_start3A_1619 = tpu.memref_slice %arg5[%add3A_1614, %dma_start3A_1618] : memref<16384x2048xf32, #tpu.memory_space<hbm>> -> memref<2x2048xf32, #tpu.memory_space<hbm>>
      %dma_start3A_1620 = arith.constant 0 : i32
      %dma_start3A_1621 = tpu.memref_slice %arg5[%add3A_1614, %dma_start3A_1620] : memref<16384x2048xf32, #tpu.memory_space<hbm>> -> memref<2x2048xf32, #tpu.memory_space<hbm>>
      %dma_start3A_1622 = arith.constant 6 : i32
      %dma_start3A_1623 = arith.constant 0 : i32
      %dma_start3A_1624 = tpu.memref_slice %arg9[%dma_start3A_1622, %dma_start3A_1623] : memref<8x2048xf32, #tpu.memory_space<vmem>> -> memref<2x2048xf32, #tpu.memory_space<vmem>>
      tpu.enqueue_dma source(%dma_start3A_1624 : memref<2x2048xf32, #tpu.memory_space<vmem>>) target(%dma_start3A_1621 : memref<2x2048xf32, #tpu.memory_space<hbm>>) target_semaphore(%arg13 : memref<!tpu.dma_semaphore, #tpu.memory_space<semaphore_mem>>)
    }
    %scan3A_364 = arith.constant 16 : i32
    %add3A_365 = arith.constant 15360 : i32
    %add3A_366 = arith.addi %add3A_365, %mul3A_2 : i32
    %add3A_367 = arith.constant 16 : i32
    %add3A_368 = arith.addi %add3A_366, %add3A_367 : i32
    %dma_wait3A_369 = arith.constant 0 : i32
    %dma_wait3A_370 = tpu.memref_slice %arg5[%add3A_368, %dma_wait3A_369] : memref<16384x2048xf32, #tpu.memory_space<hbm>> -> memref<8x2048xf32, #tpu.memory_space<hbm>>
    %dma_wait3A_371 = arith.constant 0 : i32
    %dma_wait3A_372 = tpu.memref_slice %arg5[%add3A_368, %dma_wait3A_371] : memref<16384x2048xf32, #tpu.memory_space<hbm>> -> memref<8x2048xf32, #tpu.memory_space<hbm>>
    tpu.wait_dma2 semaphore(%arg12 : memref<!tpu.dma_semaphore, #tpu.memory_space<semaphore_mem>>) src(%arg8 : memref<8x2048xf32, #tpu.memory_space<vmem>>) dst(%dma_wait3A_372 : memref<8x2048xf32, #tpu.memory_space<hbm>>)
    %add3A_373 = arith.constant 15360 : i32
    %add3A_374 = arith.addi %add3A_373, %mul3A_2 : i32
    %add3A_375 = arith.constant 24 : i32
    %add3A_376 = arith.addi %add3A_374, %add3A_375 : i32
    %dma_wait3A_377 = arith.constant 0 : i32
    %dma_wait3A_378 = tpu.memref_slice %arg5[%add3A_376, %dma_wait3A_377] : memref<16384x2048xf32, #tpu.memory_space<hbm>> -> memref<8x2048xf32, #tpu.memory_space<hbm>>
    %dma_wait3A_379 = arith.constant 0 : i32
    %dma_wait3A_380 = tpu.memref_slice %arg5[%add3A_376, %dma_wait3A_379] : memref<16384x2048xf32, #tpu.memory_space<hbm>> -> memref<8x2048xf32, #tpu.memory_space<hbm>>
    tpu.wait_dma2 semaphore(%arg13 : memref<!tpu.dma_semaphore, #tpu.memory_space<semaphore_mem>>) src(%arg9 : memref<8x2048xf32, #tpu.memory_space<vmem>>) dst(%dma_wait3A_380 : memref<8x2048xf32, #tpu.memory_space<hbm>>)
    return
  }
}

</mosaic_0001>

<sc_bundles>
// kernel: kernel.3.cloned.1.call-start
scs
__scs_entry_jumppad:
0x0: {  	(pc) =	sbr.rel $0x88, $3  }
0x1: {  	(tag) =	ssettag $0x0;
	lr =	simm.s32 $0x1  }
0x2: {  	[smem:$0x3F9E] =	sst lr;
	_ =	strace $0xD0000000  }
0x3: {  	_ = 	snop  }
0x4: {  	_ = 	snop  }
0x5: {  	_ = 	snop  }
0x6: {  	_ = 	snop  }
0x7: {  	_ = 	snop  }
__scs_overlays_trampoline_lowered:
0x8: {  	[smem:$0x3FAD] =	sst s0  }
0x9: {  	[smem:$0x3FAE] =	sst s1  }
0xa: {  	[smem:$0x3FAF] =	sst s2  }
0xb: {  	[smem:$0x3FB0] =	sst s3  }
0xc: {  	[smem:$0x3FB1] =	sst s4  }
0xd: {  	[smem:$0x3FB2] =	sst s5  }
0xe: {  	[smem:$0x3FB3] =	sst s6  }
0xf: {  	[smem:$0x3FB4] =	sst s7  }
0x10: {  	[smem:$0x3FB5] =	sst s8  }
0x11: {  	[smem:$0x3FB6] =	sst s9;
	s0 =	simm.s32 @!p0 $0x0  }
0x12: {  	s1 =	sld [smem:$0x3F9C];
	s0 =	simm.s32 @p0 $0x1  }
0x13: {  	[smem:$0x3FB7] =	sst s0;
	s0 =	simm.s32 @!p1 $0x0  }
0x14: {  	s2 =	sld [smem:$0x3F9B];
	s0 =	simm.s32 @p1 $0x1  }
0x15: {  	[smem:$0x3FB8] =	sst s0;
	s0 =	simm.s32 @!p2 $0x0  }
0x16: {  	s3 =	sld [smem:$0x3FDB];
	s0 =	simm.s32 @p2 $0x1  }
0x17: {  	s4 =	simm.s32 $0x1BF5;
	[smem:$0x3FBA] =	sst s0  }
0x18: {  	s0 =	sld [smem:$0x3F9D];
	_ =	swait.ge [sflag:s4], $0x0  }
0x19: {  	s7 =	sld [smem:$0x3F9E]  }
0x1a: {  	s8 =	sadd.s32 $0xFFFFE003, lr  }
0x1b: {  	s9 =	sadd.s32 $0xFFFFFEF7, lr;
	s5 =	simm.s32 $0xFFFFFFFF;
	p2 =	slt.u32 s8, $0xFFFFF086  }
0x1c: {  	p1 =	slt.u32 s9, $0xF7A;
	s5 =	simm.s32 @!p2 $0x0  }
0x1d: {  	s5 =	simm.s32 @p1 $0x1;
	p0 =	seq.s32 s7, s2  }
0x1e: {  	s7 =	smul.u32 @!p0 $0xF7A, s2;
	p2 =	seq.s32 @!p0 s5, $0x0  }
0x1f: {  	s9 =	smul.u32 $0xF7A, s1;
	s8 =	simm.s32 @!p0 $0x1BF5;
	p2 =	por !p2, p0  }
0x20: {  	[sflag:s8] =	ssyncset.s32 @!p0 $0xFFFFF086;
	s6 =	sadd.s32 @!p0 s3, s7;
	s7 =	simm.s32 @!p0 $0x108  }
0x21: {  	s3 =	sadd.s32 s3, s9;
	s6 =	sadd.s32 @!p0 $0x88, s6;
	s7 =	simm.s32 @p2 $0x1082  }
0x22: {  	[simem:s7], [sflag:s8] =	dma.local @!p0 [hbm:s6], $0xF7A  }
0x23: {  	s9 =	sor.u32 $0xD0000000, s2;
	s6 =	simm.s32 $0x108;
	_ =	swait.ge @!p0 [sflag:s8], $0x0  }
0x24: {  	s3 =	sadd.s32 $0x88, s3;
	s6 =	simm.s32 @!p1 $0x1082;
	[sflag:s4] =	ssyncset.s32 $0xFFFFF086  }
0x25: {  	[simem:s6], [sflag:s4] =	dma.local [hbm:s3], $0xF7A  }
0x26: {  	[smem:$0x3F9E] =	sst s1;
	(tag) =	ssettag s2;
	_ =	strace s9  }
0x27: {  	s1 =	sld [smem:$0x3FAE]  }
0x28: {  	s2 =	sld [smem:$0x3FAF]  }
0x29: {  	s4 =	sld [smem:$0x3FB1]  }
0x2a: {  	p0 =	seq.s32 s5, $0x0;
	s5 =	sld [smem:$0x3FB2]  }
0x2b: {  	s6 =	sld [smem:$0x3FB3]  }
0x2c: {  	s7 =	sld [smem:$0x3FB4]  }
0x2d: {  	s3 =	simm.s32 $0x108;
	s8 =	sld [smem:$0x3FB5]  }
0x2e: {  	s3 =	simm.s32 @!p0 $0x1082;
	s9 =	sld [smem:$0x3FB6]  }
0x2f: {  	lr =	sadd.s32 s0, s3;
	s0 =	sld [smem:$0x3FAD]  }
0x30: {  	s3 =	sld [smem:$0x3FB0]  }
0x31: {  	[smem:$0x3FB9] =	sst s10  }
0x32: {  	s10 =	sld [smem:$0x3FB7];
	_ =	sdelay $0x3  }
0x33: {  	p0 =	seq.s32 s10, $0x1;
	s10 =	sld [smem:$0x3FB9];
	_ =	sdelay $0x3  }
0x34: {  	[smem:$0x3FB9] =	sst s10  }
0x35: {  	s10 =	sld [smem:$0x3FB8];
	_ =	sdelay $0x3  }
0x36: {  	p1 =	seq.s32 s10, $0x1;
	s10 =	sld [smem:$0x3FB9];
	_ =	sdelay $0x3  }
0x37: {  	[smem:$0x3FB9] =	sst s10  }
0x38: {  	s10 =	sld [smem:$0x3FBA]  }
0x39: {  	_ = 	snop;
	(pc) =	sbr.ind lr, $3  }
0x3a: {  	_ = 	snop  }
0x3b: {  	_ = 	snop  }
0x3c: {  	p2 =	seq.s32 s10, $0x1;
	s10 =	sld [smem:$0x3FB9]  }
0x3d: {  	_ =	shalt  }
0x3e: {  	_ =	shalt  }
0x3f: {  	_ =	shalt  }
0x40: {  	_ =	shalt  }
0x41: {  	_ =	shalt  }
0x42: {  	_ =	shalt  }
0x43: {  	_ =	shalt  }
0x44: {  	_ =	shalt  }
0x45: {  	_ =	shalt  }
0x46: {  	_ =	shalt  }
0x47: {  	_ =	shalt  }
0x48: {  	_ =	shalt  }
0x49: {  	_ =	shalt  }
0x4a: {  	_ =	shalt  }
0x4b: {  	_ =	shalt  }
0x4c: {  	_ =	shalt  }
0x4d: {  	_ =	shalt  }
0x4e: {  	_ =	shalt  }
0x4f: {  	_ =	shalt  }
0x50: {  	_ =	shalt  }
0x51: {  	_ =	shalt  }
0x52: {  	_ =	shalt  }
0x53: {  	_ =	shalt  }
0x54: {  	_ =	shalt  }
0x55: {  	_ =	shalt  }
0x56: {  	_ =	shalt  }
0x57: {  	_ =	shalt  }
0x58: {  	_ =	shalt  }
0x59: {  	_ =	shalt  }
0x5a: {  	_ =	shalt  }
0x5b: {  	_ =	shalt  }
0x5c: {  	_ =	shalt  }
0x5d: {  	_ =	shalt  }
0x5e: {  	_ =	shalt  }
0x5f: {  	_ =	shalt  }
0x60: {  	_ =	shalt  }
0x61: {  	_ =	shalt  }
0x62: {  	_ =	shalt  }
0x63: {  	_ =	shalt  }
0x64: {  	_ =	shalt  }
0x65: {  	_ =	shalt  }
0x66: {  	_ =	shalt  }
0x67: {  	_ =	shalt  }
0x68: {  	_ =	shalt  }
0x69: {  	_ =	shalt  }
0x6a: {  	_ =	shalt  }
0x6b: {  	_ =	shalt  }
0x6c: {  	_ =	shalt  }
0x6d: {  	_ =	shalt  }
0x6e: {  	_ =	shalt  }
0x6f: {  	_ =	shalt  }
0x70: {  	_ =	shalt  }
0x71: {  	_ =	shalt  }
0x72: {  	_ =	shalt  }
0x73: {  	_ =	shalt  }
0x74: {  	_ =	shalt  }
0x75: {  	_ =	shalt  }
0x76: {  	_ =	shalt  }
0x77: {  	_ =	shalt  }
0x78: {  	_ =	shalt  }
0x79: {  	_ =	shalt  }
0x7a: {  	_ =	shalt  }
0x7b: {  	_ =	shalt  }
0x7c: {  	_ =	shalt  }
0x7d: {  	_ =	shalt  }
0x7e: {  	_ =	shalt  }
0x7f: {  	_ =	shalt  }
0x80: {  	_ =	shalt  }
0x81: {  	_ =	shalt  }
0x82: {  	_ =	shalt  }
0x83: {  	_ =	shalt  }
0x84: {  	_ =	shalt  }
0x85: {  	_ =	shalt  }
0x86: {  	_ =	shalt  }
0x87: {  	_ =	shalt  }
.Lfunc_end0:
.L_simem_size_0:
called_computation_lowered:
.L_overlay_start_0:
0x88: {  	s2 =	sld [smem:$0x3FD9]  }
0x89: {  	s3 =	sld [smem:$0x3FFE];
	_ =	sdelay $0x1  }
0x8a: {  	s1 =	srdreg.scid  }
0x8b: {  	s0 =	sand.u32 $0x1, s1  }
0x8c: {  	s17 =	sshll.u32 s0, $0xA;
	s2 =	sadd.s32 s3, s2  }
0x8d: {  	s2 =	sadd.s32 s2, s17  }
0x8e: {  	[smem:$0x3FC5] =	sst s2  }
0x8f: {  	_ = 	snop  }
0x90: {  	s2 =	sld [smem:$0x3FC8]  }
0x91: {  	s18 =	sld [smem:$0x3FC7]  }
0x92: {  	s4 =	sld [smem:$0x3FD0];
	(tm) =	ssettm $0x1  }
0x93: {  	s5 =	sld [smem:$0x3FFB];
	_ =	sdelay $0x3  }
0x94: {  	_ =	strace s5  }
0x95: {  	s5 =	sld [smem:$0x3FFC];
	_ =	sdelay $0x3  }
0x96: {  	_ =	strace s5  }
0x97: {  	s5 =	sld [smem:$0x3FFD];
	_ =	sdelay $0x3  }
0x98: {  	_ =	strace s5  }
0x99: {  	_ =	strace $0x8FFFFFFF  }
0x9a: {  	s19 =	sld [smem:$0x3FDB];
	_ =	sdelay $0x1  }
0x9b: {  	s6 =	simm.s32 $_scs_section_size  }
0x9c: {  	s7 =	simm.s32 $_size__tile_overlayer_lowered;
	s8 =	simm.s32 $_tile_overlayer_lowered  }
0x9d: {  	s22 =	simm.s32 $0x1BFF;
	s21 =	sshll.u32 s8, $0x1;
	s5 =	sadd.s32 s6, s19  }
0x9e: {  	s9 =	simm.s32 $0x0;
	s20 =	sshll.u32 s7, $0x1;
	s7 =	sadd.s32 s21, s5  }
0x9f: {  	[timem:s9], [sflag:s22] =	dma.local [hbm:s7], s20  }
0xa0: {  	_ =	swait.ge [sflag:s22], s20  }
0xa1: {  	s6 =	ssub.s32 $0x0, s20;
	[sflag:s22] =	ssyncset.done $0x0  }
0xa2: {  	[sflag:s22] =	ssyncadd.s32 s6;
	_ =	sdelay $0x1  }
0xa3: {  	s23 =	simm.s32 $0x1B8B  }
0xa4: {  	_ =	swait.ge [sflag:s23], $0x1  }
0xa5: {  	[sflag:s23] =	ssyncset.done $0x0  }
0xa6: {  	s25 =	simm.s32 $0x1B8E;
	s24 =	sld [smem:$0x3FFE];
	[sflag:s23] =	ssyncadd.s32 $0xFFFFFFFF  }
0xa7: {  	s26 =	simm.s32 $execute0_lowered;
	[smem:$0x3FD2] =	sst s25  }
0xa8: {  	s7 =	sshll.u32 s26, $0x1;
	_ =	strace $0x80000046;
	[dreg:$0x1] =	wrdreg $0xFFFFFFFF  }
0xa9: {  	s28 =	simm.s32 $_size_execute0_lowered;
	s5 =	sadd.s32 s5, s7;
	[dreg:$0x0] =	wrdreg $0x0  }
0xaa: {  	s7 =	sshll.u32 s28, $0x1;
	[dreg:$0x2] =	wrdreg s5  }
0xab: {  	[dreg:$0x3] =	wrdreg s7  }
0xac: {  	[dreg:$0x4] =	wrdreg $0xC0  }
0xad: {  	_ =	task [dreg:s9], $0x5FFFF  }
0xae: {  	[dreg:$0x1] =	wrdreg $0xFFFFFFFF  }
0xaf: {  	[dreg:$0x0] =	wrdreg $0x60  }
0xb0: {  	[dreg:$0x2] =	wrdreg s24  }
0xb1: {  	[dreg:$0x3] =	wrdreg s2  }
0xb2: {  	[dreg:$0x4] =	wrdreg s18  }
0xb3: {  	[dreg:$0x5] =	wrdreg s4  }
0xb4: {  	[dreg:$0x6] =	wrdreg $0x9  }
0xb5: {  	_ =	task.clear_ibuf [dreg:s9], $0x7FFFF;
	_ =	strace $0x90000046  }
0xb6: {  	s29 =	simm.s32 $0x9;
	_ =	strace $0x80000048  }
0xb7: {  	_ =	swait.ge [sflag:s29], $0x1  }
0xb8: {  	[sflag:s29] =	ssyncadd.s32 $0xFFFFFFFF  }
0xb9: {  	_ =	strace $0x90000048  }
0xba: {  	_ =	sfence  }
0xbb: {  	s30 =	sld [smem:$0x0];
	_ =	sdelay $0x2  }
0xbc: {  	s31 =	sshll.u32 s1, $0xD;
	s1 =	sshrl.u32 s1, $0x2  }
0xbd: {  	s3 =	sand.u32 $0x4000, s31;
	s1 =	sadd.s32 s1, s30  }
0xbe: {  	s0 =	sor.u32 s3, s0;
	s1 =	sshll.u32 s1, $0x11  }
0xbf: {  	s0 =	sor.u32 s1, s0  }
0xc0: {  	s0 =	sadd.s32 $0x8F2B, s0  }
0xc1: {  	[sflag:s0] =	ssyncadd.remote.s32 $0x1  }
0xc2: {  	_ =	sfence.sel $0xFFFF  }
0xc3: {  	[dreg:$0x0] =	wrdreg $0xFFFFFFFF;
	(pc) =	sbr.abs _section_cstart, $3  }
0xc4: {  	[dreg:$0x1] =	wrdreg $0xFFFFFFFF  }
0xc5: {  	_ =	task.clear_ibuf [dreg:s9], $0x2FFFF;
	_ =	strace $0x9FFFFFFF  }
0xc6: {  	(tm) =	ssettm $0x7FFFFFFF  }
0xc7: {  	_ =	shalt  }
tec
execute0_lowered:
.L_overlay_start_1:
0x0: {  	(tag) =	ssettag $0x1  }
0x1: {  	s0 =	rddreg [dreg:$0x0]  }
0x2: {  	s1 =	rddreg [dreg:$0x1]  }
0x3: {  	s2 =	srdreg.scid;
	s3 =	rddreg [dreg:$0x2]  }
0x4: {  	s4 =	stileid.u32;
	s7 =	rddreg [dreg:$0x3];
	s2 =	sand.u32 $0x1, s2  }
0x5: {  	s5 =	sshll.u32 s4, $0x6;
	s4 =	simm.s32 $0x0;
	s9 =	sadd.s32 $0x20, s7  }
0x6: {  	s10 =	sadd.s32 $0x40, s7;
	s6 =	sshll.u32 s2, $0x5;
	[smem:$0x7FF] =	sst s4  }
0x7: {  	s2 =	ssub.s32 $0x2, s2;
	_ =	strace $0x80000047;
	[dreg:$0x18] =	wrdreg s9  }
0x8: {  	s5 =	sor.u32 s6, s5;
	s11 =	sshrl.u32 s2, $0x1;
	[dreg:$0x19] =	wrdreg s10  }
0x9: {  	s6 =	sshrl.u32 s5, $0x3;
	s2 =	ssub.s32 s2, s11;
	s11 =	sadd.s32 $0x60, s7  }
0xa: {  	s0 =	sadd.s32 s6, s0;
	s6 =	sshll.u32 s5, $0x8;
	[dreg:$0x1a] =	wrdreg s11  }
0xb: {  	s8 =	smax.u32 s2, $0x1;
	[dreg:$0x15] =	wrdreg s6  }
0xc: {  	s12 =	sadd.s32 $0x400, s0;
	[dreg:$0x17] =	wrdreg s8  }
0xd: {  	s13 =	sadd.s32 $0x480, s0;
	[dreg:$0x5] =	wrdreg s12  }
0xe: {  	s14 =	sadd.s32 $0x500, s0;
	[dreg:$0x6] =	wrdreg s13  }
0xf: {  	s15 =	sadd.s32 $0x580, s0;
	[dreg:$0x7] =	wrdreg s14  }
0x10: {  	s16 =	sadd.s32 $0x600, s0;
	[dreg:$0x8] =	wrdreg s15  }
0x11: {  	s17 =	sadd.s32 $0x680, s0;
	[dreg:$0x9] =	wrdreg s16  }
0x12: {  	s18 =	sadd.s32 $0x700, s0;
	[dreg:$0xa] =	wrdreg s17  }
0x13: {  	s19 =	sadd.s32 $0x780, s0;
	[dreg:$0xb] =	wrdreg s18  }
0x14: {  	s20 =	sadd.s32 $0x800, s0;
	[dreg:$0xc] =	wrdreg s19  }
0x15: {  	s21 =	sadd.s32 $0x880, s0;
	[dreg:$0xd] =	wrdreg s20  }
0x16: {  	s22 =	sadd.s32 $0x900, s0;
	[dreg:$0xe] =	wrdreg s21  }
0x17: {  	s23 =	sadd.s32 $0x980, s0;
	[dreg:$0xf] =	wrdreg s22  }
0x18: {  	s24 =	sadd.s32 $0xA00, s0;
	[dreg:$0x10] =	wrdreg s23  }
0x19: {  	s25 =	sadd.s32 $0xA80, s0;
	[dreg:$0x11] =	wrdreg s24  }
0x1a: {  	s28 =	sadd.s32 $0x400, s1;
	s26 =	sadd.s32 $0xB00, s0;
	[dreg:$0x12] =	wrdreg s25  }
0x1b: {  	s29 =	sadd.s32 $0x500, s1;
	s0 =	sadd.s32 $0xB80, s0;
	[dreg:$0x13] =	wrdreg s26  }
0x1c: {  	s30 =	sadd.s32 $0x600, s1;
	[dreg:$0x14] =	wrdreg s0;
	s0 =	sadd.s32 s3, s6  }
0x1d: {  	s31 =	sadd.s32 $0x700, s1;
	s12 =	sadd.s32 $0x800, s7;
	[dreg:$0x16] =	wrdreg s0  }
0x1e: {  	s9 =	simm.s32 $0x16800;
	s13 =	sadd.s32 $0x820, s7;
	[dreg:$0x1b] =	wrdreg s12  }
0x1f: {  	s10 =	simm.s32 $0x17000;
	s14 =	sadd.s32 $0x840, s7;
	[dreg:$0x1c] =	wrdreg s13  }
0x20: {  	s2 =	simm.s32 $0x13800;
	s15 =	sadd.s32 $0x860, s7;
	[dreg:$0x1d] =	wrdreg s14  }
0x21: {  	s5 =	simm.s32 $0x14800;
	s16 =	sadd.s32 $0x1000, s7;
	[dreg:$0x1e] =	wrdreg s15  }
0x22: {  	s11 =	simm.s32 $0x17800;
	s17 =	sadd.s32 $0x1020, s7;
	[dreg:$0x1f] =	wrdreg s16  }
0x23: {  	s8 =	simm.s32 $0x16000;
	s18 =	sadd.s32 $0x1040, s7;
	[smem:$0x7F7] =	sst s17  }
0x24: {  	s22 =	sadd.s32 $0x100, s1;
	s19 =	sadd.s32 $0x1060, s7;
	[smem:$0x7F8] =	sst s18  }
0x25: {  	s23 =	sadd.s32 $0x200, s1;
	s20 =	sadd.s32 $0x1800, s7;
	[smem:$0x7F9] =	sst s19  }
0x26: {  	s26 =	sadd.s32 $0x300, s1;
	s21 =	sadd.s32 $0x1820, s7;
	[smem:$0x7FA] =	sst s20  }
0x27: {  	s24 =	sadd.s32 $0x1840, s7;
	s25 =	sadd.s32 $0x1860, s7;
	[smem:$0x7FB] =	sst s21  }
0x28: {  	s6 =	simm.s32 $0x15000;
	s7 =	simm.s32 $0x15800;
	[smem:$0x7FC] =	sst s24  }
0x29: {  	v0 =	vlaneseq.u32;
	s3 =	simm.s32 $0x0;
	[smem:$0x7FD] =	sst s25;
	s18 =	simm.s32 $0x2  }
0x2a: {  	v1 =	vshrl.u32 v0, $0x3;
	s21 =	simm.s32 $0x13000;
	s0 =	simm.s32 $0x14000;
	s12 =	simm.s32 $0x18000  }
0x2b: {  	vm0 =	vmmov $0xffff;
	v0 =	vand.u32 $0x7, v0;
	v1 =	vmul.u32 $0x8, v1;
	s13 =	simm.s32 $0x1;
	s14 =	simm.s32 $0x3;
	s17 =	simm.s32 $0x4  }
.LBB2_1:
0x2c: {  	[smem:$0x7F6] =	sst s3  }
0x2d: {  	s15 =	rddreg [dreg:$0x5]  }
0x2e: {  	[tilespmem:s4], [sflag:$0x2] =	stream.linear.gather [hbm4b:s15+s4], $0x20, $0x38;
	[tilespmem:$0x18800] =	vst v63  }
0x2f: {  	s3 =	rddreg [dreg:$0x6];
	s16 =	simm.s32 $0x80  }
0x30: {  	[tilespmem:s16], [sflag:$0x2] =	stream.linear.gather [hbm4b:s3+s4], $0x20, $0x38;
	[tilespmem:$0x18800] =	vst v63  }
0x31: {  	s19 =	simm.s32 $0x100;
	s16 =	rddreg [dreg:$0x7]  }
0x32: {  	[tilespmem:s19], [sflag:$0x2] =	stream.linear.gather [hbm4b:s16+s4], $0x20, $0x38;
	[tilespmem:$0x18800] =	vst v63  }
0x33: {  	s20 =	rddreg [dreg:$0x8];
	s24 =	simm.s32 $0x180  }
0x34: {  	[tilespmem:s24], [sflag:$0x2] =	stream.linear.gather [hbm4b:s20+s4], $0x20, $0x38;
	[tilespmem:$0x18800] =	vst v63  }
0x35: {  	s25 =	rddreg [dreg:$0x9];
	s3 =	simm.s32 $0x200  }
0x36: {  	[tilespmem:s3], [sflag:$0x2] =	stream.linear.gather [hbm4b:s25+s4], $0x20, $0x38;
	[tilespmem:$0x18800] =	vst v63  }
0x37: {  	s16 =	rddreg [dreg:$0xa];
	s19 =	simm.s32 $0x280  }
0x38: {  	[tilespmem:s19], [sflag:$0x2] =	stream.linear.gather [hbm4b:s16+s4], $0x20, $0x38;
	[tilespmem:$0x18800] =	vst v63  }
0x39: {  	s20 =	rddreg [dreg:$0xb];
	s24 =	simm.s32 $0x300  }
0x3a: {  	[tilespmem:s24], [sflag:$0x2] =	stream.linear.gather [hbm4b:s20+s4], $0x20, $0x38;
	[tilespmem:$0x18800] =	vst v63  }
0x3b: {  	s25 =	rddreg [dreg:$0xc];
	s3 =	simm.s32 $0x380  }
0x3c: {  	[tilespmem:s3], [sflag:$0x2] =	stream.linear.gather [hbm4b:s25+s4], $0x20, $0x38;
	[tilespmem:$0x18800] =	vst v63  }
0x3d: {  	s16 =	rddreg [dreg:$0xd];
	s19 =	simm.s32 $0x400  }
0x3e: {  	[tilespmem:s19], [sflag:$0x2] =	stream.linear.gather [hbm4b:s16+s4], $0x20, $0x38;
	[tilespmem:$0x18800] =	vst v63  }
0x3f: {  	s20 =	rddreg [dreg:$0xe];
	s24 =	simm.s32 $0x480  }
0x40: {  	[tilespmem:s24], [sflag:$0x2] =	stream.linear.gather [hbm4b:s20+s4], $0x20, $0x38;
	[tilespmem:$0x18800] =	vst v63  }
0x41: {  	s25 =	rddreg [dreg:$0xf];
	s3 =	simm.s32 $0x500  }
0x42: {  	[tilespmem:s3], [sflag:$0x2] =	stream.linear.gather [hbm4b:s25+s4], $0x20, $0x38;
	[tilespmem:$0x18800] =	vst v63  }
0x43: {  	s16 =	rddreg [dreg:$0x10];
	s19 =	simm.s32 $0x580  }
0x44: {  	[tilespmem:s19], [sflag:$0x2] =	stream.linear.gather [hbm4b:s16+s4], $0x20, $0x38;
	[tilespmem:$0x18800] =	vst v63  }
0x45: {  	s20 =	rddreg [dreg:$0x11];
	s24 =	simm.s32 $0x600  }
0x46: {  	[tilespmem:s24], [sflag:$0x2] =	stream.linear.gather [hbm4b:s20+s4], $0x20, $0x38;
	[tilespmem:$0x18800] =	vst v63  }
0x47: {  	s25 =	rddreg [dreg:$0x12];
	s3 =	simm.s32 $0x680  }
0x48: {  	[tilespmem:s3], [sflag:$0x2] =	stream.linear.gather [hbm4b:s25+s4], $0x20, $0x38;
	[tilespmem:$0x18800] =	vst v63  }
0x49: {  	s16 =	rddreg [dreg:$0x13];
	s19 =	simm.s32 $0x700  }
0x4a: {  	[tilespmem:s19], [sflag:$0x2] =	stream.linear.gather [hbm4b:s16+s4], $0x20, $0x38;
	[tilespmem:$0x18800] =	vst v63  }
0x4b: {  	s20 =	rddreg [dreg:$0x14];
	s24 =	simm.s32 $0x780  }
0x4c: {  	[tilespmem:s24], [sflag:$0x2] =	stream.linear.gather [hbm4b:s20+s4], $0x20, $0x38;
	[tilespmem:$0x18800] =	vst v63  }
0x4d: {  	_ =	swait.ge [sflag:s18], $0x20  }
0x4e: {  	[sflag:s18] =	ssyncset.done $0x0  }
0x4f: {  	[sflag:s18] =	ssyncadd.s32 $0xFFFFFFE0  }
0x50: {  	_ =	swait.ge [sflag:s18], $0x20  }
0x51: {  	[sflag:s18] =	ssyncset.done $0x0  }
0x52: {  	[sflag:s18] =	ssyncadd.s32 $0xFFFFFFE0  }
0x53: {  	_ =	swait.ge [sflag:s18], $0x20  }
0x54: {  	[sflag:s18] =	ssyncset.done $0x0  }
0x55: {  	[sflag:s18] =	ssyncadd.s32 $0xFFFFFFE0  }
0x56: {  	_ =	swait.ge [sflag:s18], $0x20  }
0x57: {  	[sflag:s18] =	ssyncset.done $0x0  }
0x58: {  	[sflag:s18] =	ssyncadd.s32 $0xFFFFFFE0  }
0x59: {  	_ =	swait.ge [sflag:s18], $0x20  }
0x5a: {  	[sflag:s18] =	ssyncset.done $0x0  }
0x5b: {  	[sflag:s18] =	ssyncadd.s32 $0xFFFFFFE0  }
0x5c: {  	_ =	swait.ge [sflag:s18], $0x20  }
0x5d: {  	[sflag:s18] =	ssyncset.done $0x0  }
0x5e: {  	[sflag:s18] =	ssyncadd.s32 $0xFFFFFFE0  }
0x5f: {  	_ =	swait.ge [sflag:s18], $0x20  }
0x60: {  	[sflag:s18] =	ssyncset.done $0x0  }
0x61: {  	[sflag:s18] =	ssyncadd.s32 $0xFFFFFFE0  }
0x62: {  	_ =	swait.ge [sflag:s18], $0x20  }
0x63: {  	[sflag:s18] =	ssyncset.done $0x0  }
0x64: {  	[sflag:s18] =	ssyncadd.s32 $0xFFFFFFE0  }
0x65: {  	_ =	swait.ge [sflag:s18], $0x20  }
0x66: {  	[sflag:s18] =	ssyncset.done $0x0  }
0x67: {  	[sflag:s18] =	ssyncadd.s32 $0xFFFFFFE0  }
0x68: {  	_ =	swait.ge [sflag:s18], $0x20  }
0x69: {  	[sflag:s18] =	ssyncset.done $0x0  }
0x6a: {  	[sflag:s18] =	ssyncadd.s32 $0xFFFFFFE0  }
0x6b: {  	_ =	swait.ge [sflag:s18], $0x20  }
0x6c: {  	[sflag:s18] =	ssyncset.done $0x0  }
0x6d: {  	[sflag:s18] =	ssyncadd.s32 $0xFFFFFFE0  }
0x6e: {  	_ =	swait.ge [sflag:s18], $0x20  }
0x6f: {  	[sflag:s18] =	ssyncset.done $0x0  }
0x70: {  	[sflag:s18] =	ssyncadd.s32 $0xFFFFFFE0  }
0x71: {  	_ =	swait.ge [sflag:s18], $0x20  }
0x72: {  	[sflag:s18] =	ssyncset.done $0x0  }
0x73: {  	[sflag:s18] =	ssyncadd.s32 $0xFFFFFFE0  }
0x74: {  	_ =	swait.ge [sflag:s18], $0x20  }
0x75: {  	[sflag:s18] =	ssyncset.done $0x0  }
0x76: {  	[sflag:s18] =	ssyncadd.s32 $0xFFFFFFE0  }
0x77: {  	_ =	swait.ge [sflag:s18], $0x20  }
0x78: {  	[sflag:s18] =	ssyncset.done $0x0  }
0x79: {  	[sflag:s18] =	ssyncadd.s32 $0xFFFFFFE0  }
0x7a: {  	_ =	swait.ge [sflag:s18], $0x20  }
0x7b: {  	[sflag:s18] =	ssyncset.done $0x0  }
0x7c: {  	[sflag:s18] =	ssyncadd.s32 $0xFFFFFFE0  }
0x7d: {  	v2 =	vld.msk [tilespmem:$0x0], $0xff;
	_ =	sdelay $0x4  }
0x7e: {  	v3 =	vshll.u32 v2, $0x4  }
0x7f: {  	v2 =	vand.u32 $0x7, v2;
	v3 =	vand.u32 $0xFFFFFF80, v3  }
0x80: {  	v2 =	vor.u32 v2, v3  }
0x81: {  	v2 =	vperm.xlane v2, v0;
	_ =	sdelay $0x1  }
0x82: {  	v2 =	vadd.s32 v1, v2;
	_ =	sdelay $0x3  }
0x83: {  	s25 =	simm.s32 $0x10800  }
0x84: {  	[tilespmem:s25], [sflag:$0x1] =	stream.indirect_vreg.gather [hbm4b:s1+s4], $0x80, v2, vm0, $0xb8;
	[tilespmem:$0x18800] =	vst v63  }
0x85: {  	s3 =	simm.s32 $0x11000  }
0x86: {  	[tilespmem:s3], [sflag:$0x1] =	stream.indirect_vreg.gather [hbm4b:s22+s4], $0x80, v2, vm0, $0xb8;
	[tilespmem:$0x18800] =	vst v63  }
0x87: {  	s15 =	simm.s32 $0x11800  }
0x88: {  	[tilespmem:s15], [sflag:$0x1] =	stream.indirect_vreg.gather [hbm4b:s23+s4], $0x80, v2, vm0, $0xb8;
	[tilespmem:$0x18800] =	vst v63  }
0x89: {  	s16 =	simm.s32 $0x12000  }
0x8a: {  	[tilespmem:s16], [sflag:$0x1] =	stream.indirect_vreg.gather [hbm4b:s26+s4], $0x80, v2, vm0, $0xb8;
	[tilespmem:$0x18800] =	vst v63  }
0x8b: {  	s19 =	simm.s32 $0x12800  }
0x8c: {  	[tilespmem:s19], [sflag:$0x1] =	stream.indirect_vreg.gather [hbm4b:s28+s4], $0x80, v2, vm0, $0xb8;
	[tilespmem:$0x18800] =	vst v63  }
0x8d: {  	_ = 	snop  }
0x8e: {  	[tilespmem:s21], [sflag:$0x1] =	stream.indirect_vreg.gather [hbm4b:s29+s4], $0x80, v2, vm0, $0xb8;
	[tilespmem:$0x18800] =	vst v63  }
0x8f: {  	_ = 	snop  }
0x90: {  	[tilespmem:s2], [sflag:$0x1] =	stream.indirect_vreg.gather [hbm4b:s30+s4], $0x80, v2, vm0, $0xb8;
	[tilespmem:$0x18800] =	vst v63  }
0x91: {  	_ = 	snop  }
0x92: {  	[tilespmem:s0], [sflag:$0x1] =	stream.indirect_vreg.gather [hbm4b:s31+s4], $0x80, v2, vm0, $0xb8;
	[tilespmem:$0x18800] =	vst v63  }
0x93: {  	s24 =	simm.s32 $0x800;
	s20 =	rddreg [dreg:$0x16];
	s25 =	simm.s32 $0x5  }
0x94: {  	[tilespmem:s24], [sflag:$0x5] =	stream.linear.gather [hbm4b:s20+s4], $0x10000, $0x38;
	[tilespmem:$0x18800] =	vst v63  }
0x95: {  	_ =	swait.ge [sflag:s25], $0x10000  }
0x96: {  	[sflag:s25] =	ssyncset.done $0x0  }
0x97: {  	s15 =	simm.s32 $0x0;
	[sflag:s25] =	ssyncadd.s32 $0xFFFF0000  }
.LBB2_2:
0x98: {  	p0 =	seq.s32 s15, $0x0  }
0x99: {  	s16 =	simm.s32 @!p0 $0x4  }
0x9a: {  	s19 =	sshll.u32 s15, $0x7;
	_ =	swait.ge @!p0 [sflag:s16], $0x4000  }
0x9b: {  	s19 =	sand.u32 $0x3FFFFF80, s19;
	[sflag:s16] =	ssyncset.done @!p0 $0x0  }
0x9c: {  	s24 =	sor.u32 $0x8, s19;
	[sflag:s16] =	ssyncadd.s32 @!p0 $0xFFFFC000  }
0x9d: {  	v2 =	vld.msk [tilespmem:s24+$0x0], $0xff;
	_ =	sdelay $0x4  }
0x9e: {  	v3 =	vshll.u32 v2, $0x4  }
0x9f: {  	v2 =	vand.u32 $0x7, v2;
	v3 =	vand.u32 $0xFFFFFF80, v3  }
0xa0: {  	v2 =	vor.u32 v2, v3  }
0xa1: {  	v2 =	vperm.xlane v2, v0;
	_ =	sdelay $0x1  }
0xa2: {  	v2 =	vadd.s32 v1, v2;
	_ =	sdelay $0x3  }
0xa3: {  	s25 =	simm.s32 $0x0  }
0xa4: {  	[tilespmem:s5], [sflag:$0x2] =	stream.indirect_vreg.gather [hbm4b:s1+s25], $0x80, v2, vm0, $0xb8;
	[tilespmem:$0x18800] =	vst v63  }
0xa5: {  	_ = 	snop  }
0xa6: {  	[tilespmem:s6], [sflag:$0x2] =	stream.indirect_vreg.gather [hbm4b:s22+s25], $0x80, v2, vm0, $0xb8;
	[tilespmem:$0x18800] =	vst v63  }
0xa7: {  	_ = 	snop  }
0xa8: {  	[tilespmem:s7], [sflag:$0x2] =	stream.indirect_vreg.gather [hbm4b:s23+s25], $0x80, v2, vm0, $0xb8;
	[tilespmem:$0x18800] =	vst v63  }
0xa9: {  	_ = 	snop  }
0xaa: {  	[tilespmem:s8], [sflag:$0x2] =	stream.indirect_vreg.gather [hbm4b:s26+s25], $0x80, v2, vm0, $0xb8;
	[tilespmem:$0x18800] =	vst v63  }
0xab: {  	_ = 	snop  }
0xac: {  	[tilespmem:s9], [sflag:$0x2] =	stream.indirect_vreg.gather [hbm4b:s28+s25], $0x80, v2, vm0, $0xb8;
	[tilespmem:$0x18800] =	vst v63  }
0xad: {  	_ = 	snop  }
0xae: {  	[tilespmem:s10], [sflag:$0x2] =	stream.indirect_vreg.gather [hbm4b:s29+s25], $0x80, v2, vm0, $0xb8;
	[tilespmem:$0x18800] =	vst v63  }
0xaf: {  	_ = 	snop  }
0xb0: {  	[tilespmem:s11], [sflag:$0x2] =	stream.indirect_vreg.gather [hbm4b:s30+s25], $0x80, v2, vm0, $0xb8;
	[tilespmem:$0x18800] =	vst v63  }
0xb1: {  	_ = 	snop  }
0xb2: {  	[tilespmem:s12], [sflag:$0x2] =	stream.indirect_vreg.gather [hbm4b:s31+s25], $0x80, v2, vm0, $0xb8;
	[tilespmem:$0x18800] =	vst v63  }
0xb3: {  	_ =	swait.ge [sflag:s13], $0x4000  }
0xb4: {  	[sflag:s13] =	ssyncset.done $0x0  }
0xb5: {  	s16 =	simm.s32 $0x0;
	[sflag:s13] =	ssyncadd.s32 $0xFFFFC000  }
0xb6: {  	v2 =	vld [tilespmem:s16+$0x870]  }
0xb7: {  	v3 =	vld [tilespmem:s16+$0x800]  }
0xb8: {  	v4 =	vld [tilespmem:s16+$0x810]  }
0xb9: {  	v5 =	vld [tilespmem:s16+$0x820]  }
0xba: {  	v6 =	vld [tilespmem:s16+$0x830]  }
0xbb: {  	v7 =	vld [tilespmem:s16+$0x840]  }
0xbc: {  	v8 =	vld [tilespmem:s16+$0x850]  }
0xbd: {  	[tilespmem:s16+$0x10870] =	vst.add.f32.msk $0xffff, v2  }
0xbe: {  	v2 =	vld [tilespmem:s16+$0x860]  }
0xbf: {  	[tilespmem:s16+$0x10800] =	vst.add.f32.msk $0xffff, v3  }
0xc0: {  	[tilespmem:s16+$0x10810] =	vst.add.f32.msk $0xffff, v4  }
0xc1: {  	[tilespmem:s16+$0x10820] =	vst.add.f32.msk $0xffff, v5  }
0xc2: {  	[tilespmem:s16+$0x10830] =	vst.add.f32.msk $0xffff, v6  }
0xc3: {  	[tilespmem:s16+$0x10840] =	vst.add.f32.msk $0xffff, v7  }
0xc4: {  	s20 =	simm.s32 $0x0;
	s24 =	simm.s32 $0x1000;
	[tilespmem:s16+$0x10850] =	vst.add.f32.msk $0xffff, v8  }
.LBB2_3:
0xc5: {  	s20 =	sadd.s32 $0x8, s20;
	[tilespmem:s16+$0x10860] =	vst.add.f32.msk $0xffff, v2;
	s16 =	sshra.s32 s24, $0x2  }
0xc6: {  	v2 =	vld [tilespmem:s16+$0x870];
	p0 =	slt.u32 s20, $0x78  }
0xc7: {  	v3 =	vld [tilespmem:s16+$0x800]  }
0xc8: {  	v4 =	vld [tilespmem:s16+$0x810]  }
0xc9: {  	v5 =	vld [tilespmem:s16+$0x820]  }
0xca: {  	v6 =	vld [tilespmem:s16+$0x830]  }
0xcb: {  	[tilespmem:s16+$0x10870] =	vst.add.f32.msk $0xffff, v2  }
0xcc: {  	v7 =	vld [tilespmem:s16+$0x840]  }
0xcd: {  	v8 =	vld [tilespmem:s16+$0x850]  }
0xce: {  	v2 =	vld [tilespmem:s16+$0x860]  }
0xcf: {  	[tilespmem:s16+$0x10800] =	vst.add.f32.msk $0xffff, v3  }
.Ltmp0:
0xd0: {  	[tilespmem:s16+$0x10810] =	vst.add.f32.msk $0xffff, v4;
	(pc) =	sbr.rel @p0 .LBB2_3-.Ltmp0, $4  }
0xd1: {  	[tilespmem:s16+$0x10820] =	vst.add.f32.msk $0xffff, v5  }
0xd2: {  	[tilespmem:s16+$0x10830] =	vst.add.f32.msk $0xffff, v6  }
0xd3: {  	[tilespmem:s16+$0x10840] =	vst.add.f32.msk $0xffff, v7  }
0xd4: {  	s24 =	sadd.s32 $0x1000, s24;
	[tilespmem:s16+$0x10850] =	vst.add.f32.msk $0xffff, v8  }
0xd5: {  	[tilespmem:s16+$0x10860] =	vst.add.f32.msk $0xffff, v2;
	s20 =	simm.s32 $0x0  }
0xd6: {  	v2 =	vld [tilespmem:s20+$0x8F0]  }
0xd7: {  	v3 =	vld [tilespmem:s20+$0x880]  }
0xd8: {  	v4 =	vld [tilespmem:s20+$0x890]  }
0xd9: {  	v5 =	vld [tilespmem:s20+$0x8A0]  }
0xda: {  	v6 =	vld [tilespmem:s20+$0x8B0]  }
0xdb: {  	v7 =	vld [tilespmem:s20+$0x8C0]  }
0xdc: {  	v8 =	vld [tilespmem:s20+$0x8D0]  }
0xdd: {  	[tilespmem:s20+$0x108F0] =	vst.add.f32.msk $0xffff, v2  }
0xde: {  	v2 =	vld [tilespmem:s20+$0x8E0]  }
0xdf: {  	[tilespmem:s20+$0x10880] =	vst.add.f32.msk $0xffff, v3  }
0xe0: {  	[tilespmem:s20+$0x10890] =	vst.add.f32.msk $0xffff, v4  }
0xe1: {  	[tilespmem:s20+$0x108A0] =	vst.add.f32.msk $0xffff, v5  }
0xe2: {  	[tilespmem:s20+$0x108B0] =	vst.add.f32.msk $0xffff, v6  }
0xe3: {  	[tilespmem:s20+$0x108C0] =	vst.add.f32.msk $0xffff, v7  }
0xe4: {  	s16 =	simm.s32 $0x0;
	s24 =	simm.s32 $0x1000;
	[tilespmem:s20+$0x108D0] =	vst.add.f32.msk $0xffff, v8  }
.LBB2_5:
0xe5: {  	s16 =	sadd.s32 $0x8, s16;
	[tilespmem:s20+$0x108E0] =	vst.add.f32.msk $0xffff, v2;
	s20 =	sshra.s32 s24, $0x2  }
0xe6: {  	v2 =	vld [tilespmem:s20+$0x8F0];
	p0 =	slt.u32 s16, $0x78  }
0xe7: {  	v3 =	vld [tilespmem:s20+$0x880]  }
0xe8: {  	v4 =	vld [tilespmem:s20+$0x890]  }
0xe9: {  	v5 =	vld [tilespmem:s20+$0x8A0]  }
0xea: {  	v6 =	vld [tilespmem:s20+$0x8B0]  }
0xeb: {  	[tilespmem:s20+$0x108F0] =	vst.add.f32.msk $0xffff, v2  }
0xec: {  	v7 =	vld [tilespmem:s20+$0x8C0]  }
0xed: {  	v8 =	vld [tilespmem:s20+$0x8D0]  }
0xee: {  	v2 =	vld [tilespmem:s20+$0x8E0]  }
0xef: {  	[tilespmem:s20+$0x10880] =	vst.add.f32.msk $0xffff, v3  }
.Ltmp1:
0xf0: {  	[tilespmem:s20+$0x10890] =	vst.add.f32.msk $0xffff, v4;
	(pc) =	sbr.rel @p0 .LBB2_5-.Ltmp1, $4  }
0xf1: {  	[tilespmem:s20+$0x108A0] =	vst.add.f32.msk $0xffff, v5  }
0xf2: {  	[tilespmem:s20+$0x108B0] =	vst.add.f32.msk $0xffff, v6  }
0xf3: {  	[tilespmem:s20+$0x108C0] =	vst.add.f32.msk $0xffff, v7  }
0xf4: {  	s24 =	sadd.s32 $0x1000, s24;
	[tilespmem:s20+$0x108D0] =	vst.add.f32.msk $0xffff, v8  }
0xf5: {  	s16 =	sshll.u32 s15, $0x12;
	s24 =	rddreg [dreg:$0x15]  }
0xf6: {  	s25 =	rddreg [dreg:$0x3];
	s16 =	sor.u32 s24, s16  }
0xf7: {  	[tilespmem:s20+$0x108E0] =	vst.add.f32.msk $0xffff, v2;
	s24 =	simm.s32 $0x0;
	s20 =	sadd.s32 s25, s16;
	s25 =	simm.s32 $0x10800  }
0xf8: {  	[hbm4b:s20+s24] =	stream.linear.scatter [tilespmem:s25], [sflag:$0x3], $0x100, $0x38;
	[tilespmem:$0x18800] =	vst v63  }
0xf9: {  	s3 =	simm.s32 $0x10C00;
	s25 =	sadd.s32 $0x80, s20  }
0xfa: {  	[hbm4b:s25+s24] =	stream.linear.scatter [tilespmem:s3], [sflag:$0x3], $0x100, $0x38;
	[tilespmem:$0x18800] =	vst v63  }
0xfb: {  	s25 =	sadd.s32 $0x100, s20;
	s3 =	simm.s32 $0x11000  }
0xfc: {  	[hbm4b:s25+s24] =	stream.linear.scatter [tilespmem:s3], [sflag:$0x3], $0x100, $0x38;
	[tilespmem:$0x18800] =	vst v63  }
0xfd: {  	s25 =	sadd.s32 $0x180, s20;
	s3 =	simm.s32 $0x11400  }
0xfe: {  	[hbm4b:s25+s24] =	stream.linear.scatter [tilespmem:s3], [sflag:$0x3], $0x100, $0x38;
	[tilespmem:$0x18800] =	vst v63  }
0xff: {  	s25 =	sadd.s32 $0x200, s20;
	s3 =	simm.s32 $0x11800  }
0x100: {  	[hbm4b:s25+s24] =	stream.linear.scatter [tilespmem:s3], [sflag:$0x3], $0x100, $0x38;
	[tilespmem:$0x18800] =	vst v63  }
0x101: {  	s25 =	sadd.s32 $0x280, s20;
	s3 =	simm.s32 $0x11C00  }
0x102: {  	[hbm4b:s25+s24] =	stream.linear.scatter [tilespmem:s3], [sflag:$0x3], $0x100, $0x38;
	[tilespmem:$0x18800] =	vst v63  }
0x103: {  	s25 =	sadd.s32 $0x300, s20;
	s3 =	simm.s32 $0x12000  }
0x104: {  	[hbm4b:s25+s24] =	stream.linear.scatter [tilespmem:s3], [sflag:$0x3], $0x100, $0x38;
	[tilespmem:$0x18800] =	vst v63  }
0x105: {  	s25 =	sadd.s32 $0x380, s20;
	s3 =	simm.s32 $0x12400  }
0x106: {  	[hbm4b:s25+s24] =	stream.linear.scatter [tilespmem:s3], [sflag:$0x3], $0x100, $0x38;
	[tilespmem:$0x18800] =	vst v63  }
0x107: {  	s25 =	sadd.s32 $0x400, s20;
	s3 =	simm.s32 $0x12800  }
0x108: {  	[hbm4b:s25+s24] =	stream.linear.scatter [tilespmem:s3], [sflag:$0x3], $0x100, $0x38;
	[tilespmem:$0x18800] =	vst v63  }
0x109: {  	s25 =	sadd.s32 $0x480, s20;
	s3 =	simm.s32 $0x12C00  }
0x10a: {  	[hbm4b:s25+s24] =	stream.linear.scatter [tilespmem:s3], [sflag:$0x3], $0x100, $0x38;
	[tilespmem:$0x18800] =	vst v63  }
0x10b: {  	s3 =	sadd.s32 $0x500, s20  }
0x10c: {  	[hbm4b:s3+s24] =	stream.linear.scatter [tilespmem:s21], [sflag:$0x3], $0x100, $0x38;
	[tilespmem:$0x18800] =	vst v63  }
0x10d: {  	s25 =	sadd.s32 $0x580, s20;
	s3 =	simm.s32 $0x13400  }
0x10e: {  	[hbm4b:s25+s24] =	stream.linear.scatter [tilespmem:s3], [sflag:$0x3], $0x100, $0x38;
	[tilespmem:$0x18800] =	vst v63  }
0x10f: {  	s3 =	sadd.s32 $0x600, s20  }
0x110: {  	[hbm4b:s3+s24] =	stream.linear.scatter [tilespmem:s2], [sflag:$0x3], $0x100, $0x38;
	[tilespmem:$0x18800] =	vst v63  }
0x111: {  	s25 =	sadd.s32 $0x680, s20;
	s3 =	simm.s32 $0x13C00  }
0x112: {  	[hbm4b:s25+s24] =	stream.linear.scatter [tilespmem:s3], [sflag:$0x3], $0x100, $0x38;
	[tilespmem:$0x18800] =	vst v63  }
0x113: {  	s3 =	sadd.s32 $0x700, s20  }
0x114: {  	[hbm4b:s3+s24] =	stream.linear.scatter [tilespmem:s0], [sflag:$0x3], $0x100, $0x38;
	[tilespmem:$0x18800] =	vst v63  }
0x115: {  	s20 =	sadd.s32 $0x780, s20;
	s25 =	simm.s32 $0x14400  }
0x116: {  	[hbm4b:s20+s24] =	stream.linear.scatter [tilespmem:s25], [sflag:$0x3], $0x100, $0x38;
	[tilespmem:$0x18800] =	vst v63  }
0x117: {  	s20 =	simm.s32 $0x0  }
0x118: {  	v2 =	vld [tilespmem:s20+$0x970]  }
0x119: {  	v3 =	vld [tilespmem:s20+$0x900]  }
0x11a: {  	v4 =	vld [tilespmem:s20+$0x910]  }
0x11b: {  	v5 =	vld [tilespmem:s20+$0x920]  }
0x11c: {  	v6 =	vld [tilespmem:s20+$0x930]  }
0x11d: {  	v7 =	vld [tilespmem:s20+$0x940]  }
0x11e: {  	v8 =	vld [tilespmem:s20+$0x950]  }
0x11f: {  	[tilespmem:s20+$0x10970] =	vst.add.f32.msk $0xffff, v2  }
0x120: {  	v2 =	vld [tilespmem:s20+$0x960]  }
0x121: {  	[tilespmem:s20+$0x10900] =	vst.add.f32.msk $0xffff, v3  }
0x122: {  	[tilespmem:s20+$0x10910] =	vst.add.f32.msk $0xffff, v4  }
0x123: {  	[tilespmem:s20+$0x10920] =	vst.add.f32.msk $0xffff, v5  }
0x124: {  	[tilespmem:s20+$0x10930] =	vst.add.f32.msk $0xffff, v6  }
0x125: {  	[tilespmem:s20+$0x10940] =	vst.add.f32.msk $0xffff, v7  }
0x126: {  	s24 =	simm.s32 $0x0;
	s25 =	simm.s32 $0x1000;
	[tilespmem:s20+$0x10950] =	vst.add.f32.msk $0xffff, v8  }
.LBB2_7:
0x127: {  	s24 =	sadd.s32 $0x8, s24;
	[tilespmem:s20+$0x10960] =	vst.add.f32.msk $0xffff, v2;
	s20 =	sshra.s32 s25, $0x2  }
0x128: {  	v2 =	vld [tilespmem:s20+$0x970];
	p0 =	slt.u32 s24, $0x78  }
0x129: {  	v3 =	vld [tilespmem:s20+$0x900]  }
0x12a: {  	v4 =	vld [tilespmem:s20+$0x910]  }
0x12b: {  	v5 =	vld [tilespmem:s20+$0x920]  }
0x12c: {  	v6 =	vld [tilespmem:s20+$0x930]  }
0x12d: {  	[tilespmem:s20+$0x10970] =	vst.add.f32.msk $0xffff, v2  }
0x12e: {  	v7 =	vld [tilespmem:s20+$0x940]  }
0x12f: {  	v8 =	vld [tilespmem:s20+$0x950]  }
0x130: {  	v2 =	vld [tilespmem:s20+$0x960]  }
0x131: {  	[tilespmem:s20+$0x10900] =	vst.add.f32.msk $0xffff, v3  }
.Ltmp2:
0x132: {  	[tilespmem:s20+$0x10910] =	vst.add.f32.msk $0xffff, v4;
	(pc) =	sbr.rel @p0 .LBB2_7-.Ltmp2, $4  }
0x133: {  	[tilespmem:s20+$0x10920] =	vst.add.f32.msk $0xffff, v5  }
0x134: {  	[tilespmem:s20+$0x10930] =	vst.add.f32.msk $0xffff, v6  }
0x135: {  	[tilespmem:s20+$0x10940] =	vst.add.f32.msk $0xffff, v7  }
0x136: {  	s25 =	sadd.s32 $0x1000, s25;
	[tilespmem:s20+$0x10950] =	vst.add.f32.msk $0xffff, v8  }
0x137: {  	[tilespmem:s20+$0x10960] =	vst.add.f32.msk $0xffff, v2;
	s20 =	simm.s32 $0x0  }
0x138: {  	v2 =	vld [tilespmem:s20+$0x9F0]  }
0x139: {  	v3 =	vld [tilespmem:s20+$0x980]  }
0x13a: {  	v4 =	vld [tilespmem:s20+$0x990]  }
0x13b: {  	v5 =	vld [tilespmem:s20+$0x9A0]  }
0x13c: {  	v6 =	vld [tilespmem:s20+$0x9B0]  }
0x13d: {  	v7 =	vld [tilespmem:s20+$0x9C0]  }
0x13e: {  	v8 =	vld [tilespmem:s20+$0x9D0]  }
0x13f: {  	[tilespmem:s20+$0x109F0] =	vst.add.f32.msk $0xffff, v2  }
0x140: {  	v2 =	vld [tilespmem:s20+$0x9E0]  }
0x141: {  	[tilespmem:s20+$0x10980] =	vst.add.f32.msk $0xffff, v3  }
0x142: {  	[tilespmem:s20+$0x10990] =	vst.add.f32.msk $0xffff, v4  }
0x143: {  	[tilespmem:s20+$0x109A0] =	vst.add.f32.msk $0xffff, v5  }
0x144: {  	[tilespmem:s20+$0x109B0] =	vst.add.f32.msk $0xffff, v6  }
0x145: {  	[tilespmem:s20+$0x109C0] =	vst.add.f32.msk $0xffff, v7  }
0x146: {  	s24 =	simm.s32 $0x0;
	s25 =	simm.s32 $0x1000;
	[tilespmem:s20+$0x109D0] =	vst.add.f32.msk $0xffff, v8  }
.LBB2_9:
0x147: {  	s24 =	sadd.s32 $0x8, s24;
	[tilespmem:s20+$0x109E0] =	vst.add.f32.msk $0xffff, v2;
	s20 =	sshra.s32 s25, $0x2  }
0x148: {  	v2 =	vld [tilespmem:s20+$0x9F0];
	p0 =	slt.u32 s24, $0x78  }
0x149: {  	v3 =	vld [tilespmem:s20+$0x980]  }
0x14a: {  	v4 =	vld [tilespmem:s20+$0x990]  }
0x14b: {  	v5 =	vld [tilespmem:s20+$0x9A0]  }
0x14c: {  	v6 =	vld [tilespmem:s20+$0x9B0]  }
0x14d: {  	[tilespmem:s20+$0x109F0] =	vst.add.f32.msk $0xffff, v2  }
0x14e: {  	v7 =	vld [tilespmem:s20+$0x9C0]  }
0x14f: {  	v8 =	vld [tilespmem:s20+$0x9D0]  }
0x150: {  	v2 =	vld [tilespmem:s20+$0x9E0]  }
0x151: {  	[tilespmem:s20+$0x10980] =	vst.add.f32.msk $0xffff, v3  }
.Ltmp3:
0x152: {  	[tilespmem:s20+$0x10990] =	vst.add.f32.msk $0xffff, v4;
	(pc) =	sbr.rel @p0 .LBB2_9-.Ltmp3, $4  }
0x153: {  	[tilespmem:s20+$0x109A0] =	vst.add.f32.msk $0xffff, v5  }
0x154: {  	[tilespmem:s20+$0x109B0] =	vst.add.f32.msk $0xffff, v6  }
0x155: {  	[tilespmem:s20+$0x109C0] =	vst.add.f32.msk $0xffff, v7  }
0x156: {  	s25 =	sadd.s32 $0x1000, s25;
	[tilespmem:s20+$0x109D0] =	vst.add.f32.msk $0xffff, v8  }
0x157: {  	[tilespmem:s20+$0x109E0] =	vst.add.f32.msk $0xffff, v2  }
0x158: {  	s20 =	rddreg [dreg:$0x18]  }
0x159: {  	s24 =	simm.s32 $0x0;
	s3 =	simm.s32 $0x10900;
	s20 =	sadd.s32 s16, s20  }
0x15a: {  	[hbm4b:s20+s24] =	stream.linear.scatter [tilespmem:s3], [sflag:$0x3], $0x100, $0x38;
	[tilespmem:$0x18800] =	vst v63  }
0x15b: {  	s25 =	sadd.s32 $0x80, s20;
	s3 =	simm.s32 $0x10D00  }
0x15c: {  	[hbm4b:s25+s24] =	stream.linear.scatter [tilespmem:s3], [sflag:$0x3], $0x100, $0x38;
	[tilespmem:$0x18800] =	vst v63  }
0x15d: {  	s25 =	sadd.s32 $0x100, s20;
	s3 =	simm.s32 $0x11100  }
0x15e: {  	[hbm4b:s25+s24] =	stream.linear.scatter [tilespmem:s3], [sflag:$0x3], $0x100, $0x38;
	[tilespmem:$0x18800] =	vst v63  }
0x15f: {  	s25 =	sadd.s32 $0x180, s20;
	s3 =	simm.s32 $0x11500  }
0x160: {  	[hbm4b:s25+s24] =	stream.linear.scatter [tilespmem:s3], [sflag:$0x3], $0x100, $0x38;
	[tilespmem:$0x18800] =	vst v63  }
0x161: {  	s25 =	sadd.s32 $0x200, s20;
	s3 =	simm.s32 $0x11900  }
0x162: {  	[hbm4b:s25+s24] =	stream.linear.scatter [tilespmem:s3], [sflag:$0x3], $0x100, $0x38;
	[tilespmem:$0x18800] =	vst v63  }
0x163: {  	s25 =	sadd.s32 $0x280, s20;
	s3 =	simm.s32 $0x11D00  }
0x164: {  	[hbm4b:s25+s24] =	stream.linear.scatter [tilespmem:s3], [sflag:$0x3], $0x100, $0x38;
	[tilespmem:$0x18800] =	vst v63  }
0x165: {  	s25 =	sadd.s32 $0x300, s20;
	s3 =	simm.s32 $0x12100  }
0x166: {  	[hbm4b:s25+s24] =	stream.linear.scatter [tilespmem:s3], [sflag:$0x3], $0x100, $0x38;
	[tilespmem:$0x18800] =	vst v63  }
0x167: {  	s25 =	sadd.s32 $0x380, s20;
	s3 =	simm.s32 $0x12500  }
0x168: {  	[hbm4b:s25+s24] =	stream.linear.scatter [tilespmem:s3], [sflag:$0x3], $0x100, $0x38;
	[tilespmem:$0x18800] =	vst v63  }
0x169: {  	s25 =	sadd.s32 $0x400, s20;
	s3 =	simm.s32 $0x12900  }
0x16a: {  	[hbm4b:s25+s24] =	stream.linear.scatter [tilespmem:s3], [sflag:$0x3], $0x100, $0x38;
	[tilespmem:$0x18800] =	vst v63  }
0x16b: {  	s25 =	sadd.s32 $0x480, s20;
	s3 =	simm.s32 $0x12D00  }
0x16c: {  	[hbm4b:s25+s24] =	stream.linear.scatter [tilespmem:s3], [sflag:$0x3], $0x100, $0x38;
	[tilespmem:$0x18800] =	vst v63  }
0x16d: {  	s25 =	sadd.s32 $0x500, s20;
	s3 =	simm.s32 $0x13100  }
0x16e: {  	[hbm4b:s25+s24] =	stream.linear.scatter [tilespmem:s3], [sflag:$0x3], $0x100, $0x38;
	[tilespmem:$0x18800] =	vst v63  }
0x16f: {  	s25 =	sadd.s32 $0x580, s20;
	s3 =	simm.s32 $0x13500  }
0x170: {  	[hbm4b:s25+s24] =	stream.linear.scatter [tilespmem:s3], [sflag:$0x3], $0x100, $0x38;
	[tilespmem:$0x18800] =	vst v63  }
0x171: {  	s25 =	sadd.s32 $0x600, s20;
	s3 =	simm.s32 $0x13900  }
0x172: {  	[hbm4b:s25+s24] =	stream.linear.scatter [tilespmem:s3], [sflag:$0x3], $0x100, $0x38;
	[tilespmem:$0x18800] =	vst v63  }
0x173: {  	s25 =	sadd.s32 $0x680, s20;
	s3 =	simm.s32 $0x13D00  }
0x174: {  	[hbm4b:s25+s24] =	stream.linear.scatter [tilespmem:s3], [sflag:$0x3], $0x100, $0x38;
	[tilespmem:$0x18800] =	vst v63  }
0x175: {  	s25 =	sadd.s32 $0x700, s20;
	s3 =	simm.s32 $0x14100  }
0x176: {  	[hbm4b:s25+s24] =	stream.linear.scatter [tilespmem:s3], [sflag:$0x3], $0x100, $0x38;
	[tilespmem:$0x18800] =	vst v63  }
0x177: {  	s20 =	sadd.s32 $0x780, s20;
	s25 =	simm.s32 $0x14500  }
0x178: {  	[hbm4b:s20+s24] =	stream.linear.scatter [tilespmem:s25], [sflag:$0x3], $0x100, $0x38;
	[tilespmem:$0x18800] =	vst v63  }
0x179: {  	s20 =	simm.s32 $0x0  }
0x17a: {  	v2 =	vld [tilespmem:s20+$0xA70]  }
0x17b: {  	v3 =	vld [tilespmem:s20+$0xA00]  }
0x17c: {  	v4 =	vld [tilespmem:s20+$0xA10]  }
0x17d: {  	v5 =	vld [tilespmem:s20+$0xA20]  }
0x17e: {  	v6 =	vld [tilespmem:s20+$0xA30]  }
0x17f: {  	v7 =	vld [tilespmem:s20+$0xA40]  }
0x180: {  	v8 =	vld [tilespmem:s20+$0xA50]  }
0x181: {  	[tilespmem:s20+$0x10A70] =	vst.add.f32.msk $0xffff, v2  }
0x182: {  	v2 =	vld [tilespmem:s20+$0xA60]  }
0x183: {  	[tilespmem:s20+$0x10A00] =	vst.add.f32.msk $0xffff, v3  }
0x184: {  	[tilespmem:s20+$0x10A10] =	vst.add.f32.msk $0xffff, v4  }
0x185: {  	[tilespmem:s20+$0x10A20] =	vst.add.f32.msk $0xffff, v5  }
0x186: {  	[tilespmem:s20+$0x10A30] =	vst.add.f32.msk $0xffff, v6  }
0x187: {  	[tilespmem:s20+$0x10A40] =	vst.add.f32.msk $0xffff, v7  }
0x188: {  	s24 =	simm.s32 $0x0;
	s25 =	simm.s32 $0x1000;
	[tilespmem:s20+$0x10A50] =	vst.add.f32.msk $0xffff, v8  }
.LBB2_11:
0x189: {  	s24 =	sadd.s32 $0x8, s24;
	[tilespmem:s20+$0x10A60] =	vst.add.f32.msk $0xffff, v2;
	s20 =	sshra.s32 s25, $0x2  }
0x18a: {  	v2 =	vld [tilespmem:s20+$0xA70];
	p0 =	slt.u32 s24, $0x78  }
0x18b: {  	v3 =	vld [tilespmem:s20+$0xA00]  }
0x18c: {  	v4 =	vld [tilespmem:s20+$0xA10]  }
0x18d: {  	v5 =	vld [tilespmem:s20+$0xA20]  }
0x18e: {  	v6 =	vld [tilespmem:s20+$0xA30]  }
0x18f: {  	[tilespmem:s20+$0x10A70] =	vst.add.f32.msk $0xffff, v2  }
0x190: {  	v7 =	vld [tilespmem:s20+$0xA40]  }
0x191: {  	v8 =	vld [tilespmem:s20+$0xA50]  }
0x192: {  	v2 =	vld [tilespmem:s20+$0xA60]  }
0x193: {  	[tilespmem:s20+$0x10A00] =	vst.add.f32.msk $0xffff, v3  }
.Ltmp4:
0x194: {  	[tilespmem:s20+$0x10A10] =	vst.add.f32.msk $0xffff, v4;
	(pc) =	sbr.rel @p0 .LBB2_11-.Ltmp4, $4  }
0x195: {  	[tilespmem:s20+$0x10A20] =	vst.add.f32.msk $0xffff, v5  }
0x196: {  	[tilespmem:s20+$0x10A30] =	vst.add.f32.msk $0xffff, v6  }
0x197: {  	[tilespmem:s20+$0x10A40] =	vst.add.f32.msk $0xffff, v7  }
0x198: {  	s25 =	sadd.s32 $0x1000, s25;
	[tilespmem:s20+$0x10A50] =	vst.add.f32.msk $0xffff, v8  }
0x199: {  	[tilespmem:s20+$0x10A60] =	vst.add.f32.msk $0xffff, v2;
	s20 =	simm.s32 $0x0  }
0x19a: {  	v2 =	vld [tilespmem:s20+$0xAF0]  }
0x19b: {  	v3 =	vld [tilespmem:s20+$0xA80]  }
0x19c: {  	v4 =	vld [tilespmem:s20+$0xA90]  }
0x19d: {  	v5 =	vld [tilespmem:s20+$0xAA0]  }
0x19e: {  	v6 =	vld [tilespmem:s20+$0xAB0]  }
0x19f: {  	v7 =	vld [tilespmem:s20+$0xAC0]  }
0x1a0: {  	v8 =	vld [tilespmem:s20+$0xAD0]  }
0x1a1: {  	[tilespmem:s20+$0x10AF0] =	vst.add.f32.msk $0xffff, v2  }
0x1a2: {  	v2 =	vld [tilespmem:s20+$0xAE0]  }
0x1a3: {  	[tilespmem:s20+$0x10A80] =	vst.add.f32.msk $0xffff, v3  }
0x1a4: {  	[tilespmem:s20+$0x10A90] =	vst.add.f32.msk $0xffff, v4  }
0x1a5: {  	[tilespmem:s20+$0x10AA0] =	vst.add.f32.msk $0xffff, v5  }
0x1a6: {  	[tilespmem:s20+$0x10AB0] =	vst.add.f32.msk $0xffff, v6  }
0x1a7: {  	[tilespmem:s20+$0x10AC0] =	vst.add.f32.msk $0xffff, v7  }
0x1a8: {  	s24 =	simm.s32 $0x0;
	s25 =	simm.s32 $0x1000;
	[tilespmem:s20+$0x10AD0] =	vst.add.f32.msk $0xffff, v8  }
.LBB2_13:
0x1a9: {  	s24 =	sadd.s32 $0x8, s24;
	[tilespmem:s20+$0x10AE0] =	vst.add.f32.msk $0xffff, v2;
	s20 =	sshra.s32 s25, $0x2  }
0x1aa: {  	v2 =	vld [tilespmem:s20+$0xAF0];
	p0 =	slt.u32 s24, $0x78  }
0x1ab: {  	v3 =	vld [tilespmem:s20+$0xA80]  }
0x1ac: {  	v4 =	vld [tilespmem:s20+$0xA90]  }
0x1ad: {  	v5 =	vld [tilespmem:s20+$0xAA0]  }
0x1ae: {  	v6 =	vld [tilespmem:s20+$0xAB0]  }
0x1af: {  	[tilespmem:s20+$0x10AF0] =	vst.add.f32.msk $0xffff, v2  }
0x1b0: {  	v7 =	vld [tilespmem:s20+$0xAC0]  }
0x1b1: {  	v8 =	vld [tilespmem:s20+$0xAD0]  }
0x1b2: {  	v2 =	vld [tilespmem:s20+$0xAE0]  }
0x1b3: {  	[tilespmem:s20+$0x10A80] =	vst.add.f32.msk $0xffff, v3  }
.Ltmp5:
0x1b4: {  	[tilespmem:s20+$0x10A90] =	vst.add.f32.msk $0xffff, v4;
	(pc) =	sbr.rel @p0 .LBB2_13-.Ltmp5, $4  }
0x1b5: {  	[tilespmem:s20+$0x10AA0] =	vst.add.f32.msk $0xffff, v5  }
0x1b6: {  	[tilespmem:s20+$0x10AB0] =	vst.add.f32.msk $0xffff, v6  }
0x1b7: {  	[tilespmem:s20+$0x10AC0] =	vst.add.f32.msk $0xffff, v7  }
0x1b8: {  	s25 =	sadd.s32 $0x1000, s25;
	[tilespmem:s20+$0x10AD0] =	vst.add.f32.msk $0xffff, v8  }
0x1b9: {  	[tilespmem:s20+$0x10AE0] =	vst.add.f32.msk $0xffff, v2  }
0x1ba: {  	s20 =	rddreg [dreg:$0x19]  }
0x1bb: {  	s24 =	simm.s32 $0x0;
	s3 =	simm.s32 $0x10A00;
	s20 =	sadd.s32 s16, s20  }
0x1bc: {  	[hbm4b:s20+s24] =	stream.linear.scatter [tilespmem:s3], [sflag:$0x3], $0x100, $0x38;
	[tilespmem:$0x18800] =	vst v63  }
0x1bd: {  	s25 =	sadd.s32 $0x80, s20;
	s3 =	simm.s32 $0x10E00  }
0x1be: {  	[hbm4b:s25+s24] =	stream.linear.scatter [tilespmem:s3], [sflag:$0x3], $0x100, $0x38;
	[tilespmem:$0x18800] =	vst v63  }
0x1bf: {  	s25 =	sadd.s32 $0x100, s20;
	s3 =	simm.s32 $0x11200  }
0x1c0: {  	[hbm4b:s25+s24] =	stream.linear.scatter [tilespmem:s3], [sflag:$0x3], $0x100, $0x38;
	[tilespmem:$0x18800] =	vst v63  }
0x1c1: {  	s25 =	sadd.s32 $0x180, s20;
	s3 =	simm.s32 $0x11600  }
0x1c2: {  	[hbm4b:s25+s24] =	stream.linear.scatter [tilespmem:s3], [sflag:$0x3], $0x100, $0x38;
	[tilespmem:$0x18800] =	vst v63  }
0x1c3: {  	s25 =	sadd.s32 $0x200, s20;
	s3 =	simm.s32 $0x11A00  }
0x1c4: {  	[hbm4b:s25+s24] =	stream.linear.scatter [tilespmem:s3], [sflag:$0x3], $0x100, $0x38;
	[tilespmem:$0x18800] =	vst v63  }
0x1c5: {  	s25 =	sadd.s32 $0x280, s20;
	s3 =	simm.s32 $0x11E00  }
0x1c6: {  	[hbm4b:s25+s24] =	stream.linear.scatter [tilespmem:s3], [sflag:$0x3], $0x100, $0x38;
	[tilespmem:$0x18800] =	vst v63  }
0x1c7: {  	s25 =	sadd.s32 $0x300, s20;
	s3 =	simm.s32 $0x12200  }
0x1c8: {  	[hbm4b:s25+s24] =	stream.linear.scatter [tilespmem:s3], [sflag:$0x3], $0x100, $0x38;
	[tilespmem:$0x18800] =	vst v63  }
0x1c9: {  	s25 =	sadd.s32 $0x380, s20;
	s3 =	simm.s32 $0x12600  }
0x1ca: {  	[hbm4b:s25+s24] =	stream.linear.scatter [tilespmem:s3], [sflag:$0x3], $0x100, $0x38;
	[tilespmem:$0x18800] =	vst v63  }
0x1cb: {  	s25 =	sadd.s32 $0x400, s20;
	s3 =	simm.s32 $0x12A00  }
0x1cc: {  	[hbm4b:s25+s24] =	stream.linear.scatter [tilespmem:s3], [sflag:$0x3], $0x100, $0x38;
	[tilespmem:$0x18800] =	vst v63  }
0x1cd: {  	s25 =	sadd.s32 $0x480, s20;
	s3 =	simm.s32 $0x12E00  }
0x1ce: {  	[hbm4b:s25+s24] =	stream.linear.scatter [tilespmem:s3], [sflag:$0x3], $0x100, $0x38;
	[tilespmem:$0x18800] =	vst v63  }
0x1cf: {  	s25 =	sadd.s32 $0x500, s20;
	s3 =	simm.s32 $0x13200  }
0x1d0: {  	[hbm4b:s25+s24] =	stream.linear.scatter [tilespmem:s3], [sflag:$0x3], $0x100, $0x38;
	[tilespmem:$0x18800] =	vst v63  }
0x1d1: {  	s25 =	sadd.s32 $0x580, s20;
	s3 =	simm.s32 $0x13600  }
0x1d2: {  	[hbm4b:s25+s24] =	stream.linear.scatter [tilespmem:s3], [sflag:$0x3], $0x100, $0x38;
	[tilespmem:$0x18800] =	vst v63  }
0x1d3: {  	s25 =	sadd.s32 $0x600, s20;
	s3 =	simm.s32 $0x13A00  }
0x1d4: {  	[hbm4b:s25+s24] =	stream.linear.scatter [tilespmem:s3], [sflag:$0x3], $0x100, $0x38;
	[tilespmem:$0x18800] =	vst v63  }
0x1d5: {  	s25 =	sadd.s32 $0x680, s20;
	s3 =	simm.s32 $0x13E00  }
0x1d6: {  	[hbm4b:s25+s24] =	stream.linear.scatter [tilespmem:s3], [sflag:$0x3], $0x100, $0x38;
	[tilespmem:$0x18800] =	vst v63  }
0x1d7: {  	s25 =	sadd.s32 $0x700, s20;
	s3 =	simm.s32 $0x14200  }
0x1d8: {  	[hbm4b:s25+s24] =	stream.linear.scatter [tilespmem:s3], [sflag:$0x3], $0x100, $0x38;
	[tilespmem:$0x18800] =	vst v63  }
0x1d9: {  	s20 =	sadd.s32 $0x780, s20;
	s25 =	simm.s32 $0x14600  }
0x1da: {  	[hbm4b:s20+s24] =	stream.linear.scatter [tilespmem:s25], [sflag:$0x3], $0x100, $0x38;
	[tilespmem:$0x18800] =	vst v63  }
0x1db: {  	s20 =	simm.s32 $0x0  }
0x1dc: {  	v2 =	vld [tilespmem:s20+$0xB70]  }
0x1dd: {  	v3 =	vld [tilespmem:s20+$0xB00]  }
0x1de: {  	v4 =	vld [tilespmem:s20+$0xB10]  }
0x1df: {  	v5 =	vld [tilespmem:s20+$0xB20]  }
0x1e0: {  	v6 =	vld [tilespmem:s20+$0xB30]  }
0x1e1: {  	v7 =	vld [tilespmem:s20+$0xB40]  }
0x1e2: {  	v8 =	vld [tilespmem:s20+$0xB50]  }
0x1e3: {  	[tilespmem:s20+$0x10B70] =	vst.add.f32.msk $0xffff, v2  }
0x1e4: {  	v2 =	vld [tilespmem:s20+$0xB60]  }
0x1e5: {  	[tilespmem:s20+$0x10B00] =	vst.add.f32.msk $0xffff, v3  }
0x1e6: {  	[tilespmem:s20+$0x10B10] =	vst.add.f32.msk $0xffff, v4  }
0x1e7: {  	[tilespmem:s20+$0x10B20] =	vst.add.f32.msk $0xffff, v5  }
0x1e8: {  	[tilespmem:s20+$0x10B30] =	vst.add.f32.msk $0xffff, v6  }
0x1e9: {  	[tilespmem:s20+$0x10B40] =	vst.add.f32.msk $0xffff, v7  }
0x1ea: {  	s24 =	simm.s32 $0x0;
	s25 =	simm.s32 $0x1000;
	[tilespmem:s20+$0x10B50] =	vst.add.f32.msk $0xffff, v8  }
.LBB2_15:
0x1eb: {  	s24 =	sadd.s32 $0x8, s24;
	[tilespmem:s20+$0x10B60] =	vst.add.f32.msk $0xffff, v2;
	s20 =	sshra.s32 s25, $0x2  }
0x1ec: {  	v2 =	vld [tilespmem:s20+$0xB70];
	p0 =	slt.u32 s24, $0x78  }
0x1ed: {  	v3 =	vld [tilespmem:s20+$0xB00]  }
0x1ee: {  	v4 =	vld [tilespmem:s20+$0xB10]  }
0x1ef: {  	v5 =	vld [tilespmem:s20+$0xB20]  }
0x1f0: {  	v6 =	vld [tilespmem:s20+$0xB30]  }
0x1f1: {  	[tilespmem:s20+$0x10B70] =	vst.add.f32.msk $0xffff, v2  }
0x1f2: {  	v7 =	vld [tilespmem:s20+$0xB40]  }
0x1f3: {  	v8 =	vld [tilespmem:s20+$0xB50]  }
0x1f4: {  	v2 =	vld [tilespmem:s20+$0xB60]  }
0x1f5: {  	[tilespmem:s20+$0x10B00] =	vst.add.f32.msk $0xffff, v3  }
.Ltmp6:
0x1f6: {  	[tilespmem:s20+$0x10B10] =	vst.add.f32.msk $0xffff, v4;
	(pc) =	sbr.rel @p0 .LBB2_15-.Ltmp6, $4  }
0x1f7: {  	[tilespmem:s20+$0x10B20] =	vst.add.f32.msk $0xffff, v5  }
0x1f8: {  	[tilespmem:s20+$0x10B30] =	vst.add.f32.msk $0xffff, v6  }
0x1f9: {  	[tilespmem:s20+$0x10B40] =	vst.add.f32.msk $0xffff, v7  }
0x1fa: {  	s25 =	sadd.s32 $0x1000, s25;
	[tilespmem:s20+$0x10B50] =	vst.add.f32.msk $0xffff, v8  }
0x1fb: {  	[tilespmem:s20+$0x10B60] =	vst.add.f32.msk $0xffff, v2;
	s20 =	simm.s32 $0x0  }
0x1fc: {  	v2 =	vld [tilespmem:s20+$0xBF0]  }
0x1fd: {  	v3 =	vld [tilespmem:s20+$0xB80]  }
0x1fe: {  	v4 =	vld [tilespmem:s20+$0xB90]  }
0x1ff: {  	v5 =	vld [tilespmem:s20+$0xBA0]  }
0x200: {  	v6 =	vld [tilespmem:s20+$0xBB0]  }
0x201: {  	v7 =	vld [tilespmem:s20+$0xBC0]  }
0x202: {  	v8 =	vld [tilespmem:s20+$0xBD0]  }
0x203: {  	[tilespmem:s20+$0x10BF0] =	vst.add.f32.msk $0xffff, v2  }
0x204: {  	v2 =	vld [tilespmem:s20+$0xBE0]  }
0x205: {  	[tilespmem:s20+$0x10B80] =	vst.add.f32.msk $0xffff, v3  }
0x206: {  	[tilespmem:s20+$0x10B90] =	vst.add.f32.msk $0xffff, v4  }
0x207: {  	[tilespmem:s20+$0x10BA0] =	vst.add.f32.msk $0xffff, v5  }
0x208: {  	[tilespmem:s20+$0x10BB0] =	vst.add.f32.msk $0xffff, v6  }
0x209: {  	[tilespmem:s20+$0x10BC0] =	vst.add.f32.msk $0xffff, v7  }
0x20a: {  	s24 =	simm.s32 $0x0;
	s25 =	simm.s32 $0x1000;
	[tilespmem:s20+$0x10BD0] =	vst.add.f32.msk $0xffff, v8  }
.LBB2_17:
0x20b: {  	s24 =	sadd.s32 $0x8, s24;
	[tilespmem:s20+$0x10BE0] =	vst.add.f32.msk $0xffff, v2;
	s20 =	sshra.s32 s25, $0x2  }
0x20c: {  	v2 =	vld [tilespmem:s20+$0xBF0];
	p0 =	slt.u32 s24, $0x78  }
0x20d: {  	v3 =	vld [tilespmem:s20+$0xB80]  }
0x20e: {  	v4 =	vld [tilespmem:s20+$0xB90]  }
0x20f: {  	v5 =	vld [tilespmem:s20+$0xBA0]  }
0x210: {  	v6 =	vld [tilespmem:s20+$0xBB0]  }
0x211: {  	[tilespmem:s20+$0x10BF0] =	vst.add.f32.msk $0xffff, v2  }
0x212: {  	v7 =	vld [tilespmem:s20+$0xBC0]  }
0x213: {  	v8 =	vld [tilespmem:s20+$0xBD0]  }
0x214: {  	v2 =	vld [tilespmem:s20+$0xBE0]  }
0x215: {  	[tilespmem:s20+$0x10B80] =	vst.add.f32.msk $0xffff, v3  }
.Ltmp7:
0x216: {  	[tilespmem:s20+$0x10B90] =	vst.add.f32.msk $0xffff, v4;
	(pc) =	sbr.rel @p0 .LBB2_17-.Ltmp7, $4  }
0x217: {  	[tilespmem:s20+$0x10BA0] =	vst.add.f32.msk $0xffff, v5  }
0x218: {  	[tilespmem:s20+$0x10BB0] =	vst.add.f32.msk $0xffff, v6  }
0x219: {  	[tilespmem:s20+$0x10BC0] =	vst.add.f32.msk $0xffff, v7  }
0x21a: {  	s25 =	sadd.s32 $0x1000, s25;
	[tilespmem:s20+$0x10BD0] =	vst.add.f32.msk $0xffff, v8  }
0x21b: {  	[tilespmem:s20+$0x10BE0] =	vst.add.f32.msk $0xffff, v2  }
0x21c: {  	s20 =	rddreg [dreg:$0x1a]  }
0x21d: {  	s24 =	simm.s32 $0x0;
	s3 =	simm.s32 $0x10B00;
	s20 =	sadd.s32 s16, s20  }
0x21e: {  	[hbm4b:s20+s24] =	stream.linear.scatter [tilespmem:s3], [sflag:$0x3], $0x100, $0x38;
	[tilespmem:$0x18800] =	vst v63  }
0x21f: {  	s25 =	sadd.s32 $0x80, s20;
	s3 =	simm.s32 $0x10F00  }
0x220: {  	[hbm4b:s25+s24] =	stream.linear.scatter [tilespmem:s3], [sflag:$0x3], $0x100, $0x38;
	[tilespmem:$0x18800] =	vst v63  }
0x221: {  	s25 =	sadd.s32 $0x100, s20;
	s3 =	simm.s32 $0x11300  }
0x222: {  	[hbm4b:s25+s24] =	stream.linear.scatter [tilespmem:s3], [sflag:$0x3], $0x100, $0x38;
	[tilespmem:$0x18800] =	vst v63  }
0x223: {  	s25 =	sadd.s32 $0x180, s20;
	s3 =	simm.s32 $0x11700  }
0x224: {  	[hbm4b:s25+s24] =	stream.linear.scatter [tilespmem:s3], [sflag:$0x3], $0x100, $0x38;
	[tilespmem:$0x18800] =	vst v63  }
0x225: {  	s25 =	sadd.s32 $0x200, s20;
	s3 =	simm.s32 $0x11B00  }
0x226: {  	[hbm4b:s25+s24] =	stream.linear.scatter [tilespmem:s3], [sflag:$0x3], $0x100, $0x38;
	[tilespmem:$0x18800] =	vst v63  }
0x227: {  	s25 =	sadd.s32 $0x280, s20;
	s3 =	simm.s32 $0x11F00  }
0x228: {  	[hbm4b:s25+s24] =	stream.linear.scatter [tilespmem:s3], [sflag:$0x3], $0x100, $0x38;
	[tilespmem:$0x18800] =	vst v63  }
0x229: {  	s25 =	sadd.s32 $0x300, s20;
	s3 =	simm.s32 $0x12300  }
0x22a: {  	[hbm4b:s25+s24] =	stream.linear.scatter [tilespmem:s3], [sflag:$0x3], $0x100, $0x38;
	[tilespmem:$0x18800] =	vst v63  }
0x22b: {  	s25 =	sadd.s32 $0x380, s20;
	s3 =	simm.s32 $0x12700  }
0x22c: {  	[hbm4b:s25+s24] =	stream.linear.scatter [tilespmem:s3], [sflag:$0x3], $0x100, $0x38;
	[tilespmem:$0x18800] =	vst v63  }
0x22d: {  	s25 =	sadd.s32 $0x400, s20;
	s3 =	simm.s32 $0x12B00  }
0x22e: {  	[hbm4b:s25+s24] =	stream.linear.scatter [tilespmem:s3], [sflag:$0x3], $0x100, $0x38;
	[tilespmem:$0x18800] =	vst v63  }
0x22f: {  	s25 =	sadd.s32 $0x480, s20;
	s3 =	simm.s32 $0x12F00  }
0x230: {  	[hbm4b:s25+s24] =	stream.linear.scatter [tilespmem:s3], [sflag:$0x3], $0x100, $0x38;
	[tilespmem:$0x18800] =	vst v63  }
0x231: {  	s25 =	sadd.s32 $0x500, s20;
	s3 =	simm.s32 $0x13300  }
0x232: {  	[hbm4b:s25+s24] =	stream.linear.scatter [tilespmem:s3], [sflag:$0x3], $0x100, $0x38;
	[tilespmem:$0x18800] =	vst v63  }
0x233: {  	s25 =	sadd.s32 $0x580, s20;
	s3 =	simm.s32 $0x13700  }
0x234: {  	[hbm4b:s25+s24] =	stream.linear.scatter [tilespmem:s3], [sflag:$0x3], $0x100, $0x38;
	[tilespmem:$0x18800] =	vst v63  }
0x235: {  	s25 =	sadd.s32 $0x600, s20;
	s3 =	simm.s32 $0x13B00  }
0x236: {  	[hbm4b:s25+s24] =	stream.linear.scatter [tilespmem:s3], [sflag:$0x3], $0x100, $0x38;
	[tilespmem:$0x18800] =	vst v63  }
0x237: {  	s25 =	sadd.s32 $0x680, s20;
	s3 =	simm.s32 $0x13F00  }
0x238: {  	[hbm4b:s25+s24] =	stream.linear.scatter [tilespmem:s3], [sflag:$0x3], $0x100, $0x38;
	[tilespmem:$0x18800] =	vst v63  }
0x239: {  	s25 =	sadd.s32 $0x700, s20;
	s3 =	simm.s32 $0x14300  }
0x23a: {  	[hbm4b:s25+s24] =	stream.linear.scatter [tilespmem:s3], [sflag:$0x3], $0x100, $0x38;
	[tilespmem:$0x18800] =	vst v63  }
0x23b: {  	s20 =	sadd.s32 $0x780, s20;
	s25 =	simm.s32 $0x14700  }
0x23c: {  	[hbm4b:s20+s24] =	stream.linear.scatter [tilespmem:s25], [sflag:$0x3], $0x100, $0x38;
	[tilespmem:$0x18800] =	vst v63  }
0x23d: {  	_ =	swait.ge [sflag:s14], $0x4000  }
0x23e: {  	[sflag:s14] =	ssyncset.done $0x0  }
0x23f: {  	[sflag:s14] =	ssyncadd.s32 $0xFFFFC000  }
0x240: {  	v2 =	vld.msk [tilespmem:s19+$0x10], $0xff;
	_ =	sdelay $0x4  }
0x241: {  	v3 =	vshll.u32 v2, $0x4  }
0x242: {  	v2 =	vand.u32 $0x7, v2;
	v3 =	vand.u32 $0xFFFFFF80, v3  }
0x243: {  	v2 =	vor.u32 v2, v3  }
0x244: {  	v2 =	vperm.xlane v2, v0;
	_ =	sdelay $0x1  }
0x245: {  	v2 =	vadd.s32 v1, v2;
	_ =	sdelay $0x3  }
0x246: {  	s3 =	simm.s32 $0x10800  }
0x247: {  	[tilespmem:s3], [sflag:$0x1] =	stream.indirect_vreg.gather [hbm4b:s1+s24], $0x80, v2, vm0, $0xb8;
	[tilespmem:$0x18800] =	vst v63  }
0x248: {  	s20 =	simm.s32 $0x11000  }
0x249: {  	[tilespmem:s20], [sflag:$0x1] =	stream.indirect_vreg.gather [hbm4b:s22+s24], $0x80, v2, vm0, $0xb8;
	[tilespmem:$0x18800] =	vst v63  }
0x24a: {  	s25 =	simm.s32 $0x11800  }
0x24b: {  	[tilespmem:s25], [sflag:$0x1] =	stream.indirect_vreg.gather [hbm4b:s23+s24], $0x80, v2, vm0, $0xb8;
	[tilespmem:$0x18800] =	vst v63  }
0x24c: {  	s20 =	simm.s32 $0x12000  }
0x24d: {  	[tilespmem:s20], [sflag:$0x1] =	stream.indirect_vreg.gather [hbm4b:s26+s24], $0x80, v2, vm0, $0xb8;
	[tilespmem:$0x18800] =	vst v63  }
0x24e: {  	s25 =	simm.s32 $0x12800  }
0x24f: {  	[tilespmem:s25], [sflag:$0x1] =	stream.indirect_vreg.gather [hbm4b:s28+s24], $0x80, v2, vm0, $0xb8;
	[tilespmem:$0x18800] =	vst v63  }
0x250: {  	_ = 	snop  }
0x251: {  	[tilespmem:s21], [sflag:$0x1] =	stream.indirect_vreg.gather [hbm4b:s29+s24], $0x80, v2, vm0, $0xb8;
	[tilespmem:$0x18800] =	vst v63  }
0x252: {  	_ = 	snop  }
0x253: {  	[tilespmem:s2], [sflag:$0x1] =	stream.indirect_vreg.gather [hbm4b:s30+s24], $0x80, v2, vm0, $0xb8;
	[tilespmem:$0x18800] =	vst v63  }
0x254: {  	_ = 	snop  }
0x255: {  	[tilespmem:s0], [sflag:$0x1] =	stream.indirect_vreg.gather [hbm4b:s31+s24], $0x80, v2, vm0, $0xb8;
	[tilespmem:$0x18800] =	vst v63  }
0x256: {  	_ =	swait.ge [sflag:s18], $0x4000  }
0x257: {  	[sflag:s18] =	ssyncset.done $0x0  }
0x258: {  	s20 =	simm.s32 $0x0;
	[sflag:s18] =	ssyncadd.s32 $0xFFFFC000  }
0x259: {  	v2 =	vld [tilespmem:s20+$0x4870]  }
0x25a: {  	v3 =	vld [tilespmem:s20+$0x4800]  }
0x25b: {  	v4 =	vld [tilespmem:s20+$0x4810]  }
0x25c: {  	v5 =	vld [tilespmem:s20+$0x4820]  }
0x25d: {  	v6 =	vld [tilespmem:s20+$0x4830]  }
0x25e: {  	v7 =	vld [tilespmem:s20+$0x4840]  }
0x25f: {  	v8 =	vld [tilespmem:s20+$0x4850]  }
0x260: {  	[tilespmem:s20+$0x14870] =	vst.add.f32.msk $0xffff, v2  }
0x261: {  	v2 =	vld [tilespmem:s20+$0x4860]  }
0x262: {  	[tilespmem:s20+$0x14800] =	vst.add.f32.msk $0xffff, v3  }
0x263: {  	[tilespmem:s20+$0x14810] =	vst.add.f32.msk $0xffff, v4  }
0x264: {  	[tilespmem:s20+$0x14820] =	vst.add.f32.msk $0xffff, v5  }
0x265: {  	[tilespmem:s20+$0x14830] =	vst.add.f32.msk $0xffff, v6  }
0x266: {  	[tilespmem:s20+$0x14840] =	vst.add.f32.msk $0xffff, v7  }
0x267: {  	s25 =	simm.s32 $0x1000;
	s24 =	simm.s32 $0x0;
	[tilespmem:s20+$0x14850] =	vst.add.f32.msk $0xffff, v8  }
.LBB2_19:
0x268: {  	s24 =	sadd.s32 $0x8, s24;
	[tilespmem:s20+$0x14860] =	vst.add.f32.msk $0xffff, v2;
	s20 =	sshra.s32 s25, $0x2  }
0x269: {  	v2 =	vld [tilespmem:s20+$0x4870];
	p0 =	slt.u32 s24, $0x78  }
0x26a: {  	v3 =	vld [tilespmem:s20+$0x4800]  }
0x26b: {  	v4 =	vld [tilespmem:s20+$0x4810]  }
0x26c: {  	v5 =	vld [tilespmem:s20+$0x4820]  }
0x26d: {  	v6 =	vld [tilespmem:s20+$0x4830]  }
0x26e: {  	[tilespmem:s20+$0x14870] =	vst.add.f32.msk $0xffff, v2  }
0x26f: {  	v7 =	vld [tilespmem:s20+$0x4840]  }
0x270: {  	v8 =	vld [tilespmem:s20+$0x4850]  }
0x271: {  	v2 =	vld [tilespmem:s20+$0x4860]  }
0x272: {  	[tilespmem:s20+$0x14800] =	vst.add.f32.msk $0xffff, v3  }
.Ltmp8:
0x273: {  	[tilespmem:s20+$0x14810] =	vst.add.f32.msk $0xffff, v4;
	(pc) =	sbr.rel @p0 .LBB2_19-.Ltmp8, $4  }
0x274: {  	[tilespmem:s20+$0x14820] =	vst.add.f32.msk $0xffff, v5  }
0x275: {  	[tilespmem:s20+$0x14830] =	vst.add.f32.msk $0xffff, v6  }
0x276: {  	[tilespmem:s20+$0x14840] =	vst.add.f32.msk $0xffff, v7  }
0x277: {  	s25 =	sadd.s32 $0x1000, s25;
	[tilespmem:s20+$0x14850] =	vst.add.f32.msk $0xffff, v8  }
0x278: {  	[tilespmem:s20+$0x14860] =	vst.add.f32.msk $0xffff, v2;
	s20 =	simm.s32 $0x0  }
0x279: {  	v2 =	vld [tilespmem:s20+$0x48F0]  }
0x27a: {  	v3 =	vld [tilespmem:s20+$0x4880]  }
0x27b: {  	v4 =	vld [tilespmem:s20+$0x4890]  }
0x27c: {  	v5 =	vld [tilespmem:s20+$0x48A0]  }
0x27d: {  	v6 =	vld [tilespmem:s20+$0x48B0]  }
0x27e: {  	v7 =	vld [tilespmem:s20+$0x48C0]  }
0x27f: {  	v8 =	vld [tilespmem:s20+$0x48D0]  }
0x280: {  	[tilespmem:s20+$0x148F0] =	vst.add.f32.msk $0xffff, v2  }
0x281: {  	v2 =	vld [tilespmem:s20+$0x48E0]  }
0x282: {  	[tilespmem:s20+$0x14880] =	vst.add.f32.msk $0xffff, v3  }
0x283: {  	[tilespmem:s20+$0x14890] =	vst.add.f32.msk $0xffff, v4  }
0x284: {  	[tilespmem:s20+$0x148A0] =	vst.add.f32.msk $0xffff, v5  }
0x285: {  	[tilespmem:s20+$0x148B0] =	vst.add.f32.msk $0xffff, v6  }
0x286: {  	[tilespmem:s20+$0x148C0] =	vst.add.f32.msk $0xffff, v7  }
0x287: {  	s24 =	simm.s32 $0x0;
	s25 =	simm.s32 $0x1000;
	[tilespmem:s20+$0x148D0] =	vst.add.f32.msk $0xffff, v8  }
.LBB2_21:
0x288: {  	s24 =	sadd.s32 $0x8, s24;
	[tilespmem:s20+$0x148E0] =	vst.add.f32.msk $0xffff, v2;
	s20 =	sshra.s32 s25, $0x2  }
0x289: {  	v2 =	vld [tilespmem:s20+$0x48F0];
	p0 =	slt.u32 s24, $0x78  }
0x28a: {  	v3 =	vld [tilespmem:s20+$0x4880]  }
0x28b: {  	v4 =	vld [tilespmem:s20+$0x4890]  }
0x28c: {  	v5 =	vld [tilespmem:s20+$0x48A0]  }
0x28d: {  	v6 =	vld [tilespmem:s20+$0x48B0]  }
0x28e: {  	[tilespmem:s20+$0x148F0] =	vst.add.f32.msk $0xffff, v2  }
0x28f: {  	v7 =	vld [tilespmem:s20+$0x48C0]  }
0x290: {  	v8 =	vld [tilespmem:s20+$0x48D0]  }
0x291: {  	v2 =	vld [tilespmem:s20+$0x48E0]  }
0x292: {  	[tilespmem:s20+$0x14880] =	vst.add.f32.msk $0xffff, v3  }
.Ltmp9:
0x293: {  	[tilespmem:s20+$0x14890] =	vst.add.f32.msk $0xffff, v4;
	(pc) =	sbr.rel @p0 .LBB2_21-.Ltmp9, $4  }
0x294: {  	[tilespmem:s20+$0x148A0] =	vst.add.f32.msk $0xffff, v5  }
0x295: {  	[tilespmem:s20+$0x148B0] =	vst.add.f32.msk $0xffff, v6  }
0x296: {  	[tilespmem:s20+$0x148C0] =	vst.add.f32.msk $0xffff, v7  }
0x297: {  	s25 =	sadd.s32 $0x1000, s25;
	[tilespmem:s20+$0x148D0] =	vst.add.f32.msk $0xffff, v8  }
0x298: {  	[tilespmem:s20+$0x148E0] =	vst.add.f32.msk $0xffff, v2  }
0x299: {  	s20 =	rddreg [dreg:$0x1b]  }
0x29a: {  	s24 =	simm.s32 $0x0;
	s20 =	sadd.s32 s16, s20  }
0x29b: {  	[hbm4b:s20+s24] =	stream.linear.scatter [tilespmem:s5], [sflag:$0x4], $0x100, $0x38;
	[tilespmem:$0x18800] =	vst v63  }
0x29c: {  	s3 =	simm.s32 $0x14C00;
	s25 =	sadd.s32 $0x80, s20  }
0x29d: {  	[hbm4b:s25+s24] =	stream.linear.scatter [tilespmem:s3], [sflag:$0x4], $0x100, $0x38;
	[tilespmem:$0x18800] =	vst v63  }
0x29e: {  	s3 =	sadd.s32 $0x100, s20  }
0x29f: {  	[hbm4b:s3+s24] =	stream.linear.scatter [tilespmem:s6], [sflag:$0x4], $0x100, $0x38;
	[tilespmem:$0x18800] =	vst v63  }
0x2a0: {  	s25 =	sadd.s32 $0x180, s20;
	s3 =	simm.s32 $0x15400  }
0x2a1: {  	[hbm4b:s25+s24] =	stream.linear.scatter [tilespmem:s3], [sflag:$0x4], $0x100, $0x38;
	[tilespmem:$0x18800] =	vst v63  }
0x2a2: {  	s3 =	sadd.s32 $0x200, s20  }
0x2a3: {  	[hbm4b:s3+s24] =	stream.linear.scatter [tilespmem:s7], [sflag:$0x4], $0x100, $0x38;
	[tilespmem:$0x18800] =	vst v63  }
0x2a4: {  	s25 =	sadd.s32 $0x280, s20;
	s3 =	simm.s32 $0x15C00  }
0x2a5: {  	[hbm4b:s25+s24] =	stream.linear.scatter [tilespmem:s3], [sflag:$0x4], $0x100, $0x38;
	[tilespmem:$0x18800] =	vst v63  }
0x2a6: {  	s3 =	sadd.s32 $0x300, s20  }
0x2a7: {  	[hbm4b:s3+s24] =	stream.linear.scatter [tilespmem:s8], [sflag:$0x4], $0x100, $0x38;
	[tilespmem:$0x18800] =	vst v63  }
0x2a8: {  	s25 =	sadd.s32 $0x380, s20;
	s3 =	simm.s32 $0x16400  }
0x2a9: {  	[hbm4b:s25+s24] =	stream.linear.scatter [tilespmem:s3], [sflag:$0x4], $0x100, $0x38;
	[tilespmem:$0x18800] =	vst v63  }
0x2aa: {  	s3 =	sadd.s32 $0x400, s20  }
0x2ab: {  	[hbm4b:s3+s24] =	stream.linear.scatter [tilespmem:s9], [sflag:$0x4], $0x100, $0x38;
	[tilespmem:$0x18800] =	vst v63  }
0x2ac: {  	s25 =	sadd.s32 $0x480, s20;
	s3 =	simm.s32 $0x16C00  }
0x2ad: {  	[hbm4b:s25+s24] =	stream.linear.scatter [tilespmem:s3], [sflag:$0x4], $0x100, $0x38;
	[tilespmem:$0x18800] =	vst v63  }
0x2ae: {  	s3 =	sadd.s32 $0x500, s20  }
0x2af: {  	[hbm4b:s3+s24] =	stream.linear.scatter [tilespmem:s10], [sflag:$0x4], $0x100, $0x38;
	[tilespmem:$0x18800] =	vst v63  }
0x2b0: {  	s25 =	sadd.s32 $0x580, s20;
	s3 =	simm.s32 $0x17400  }
0x2b1: {  	[hbm4b:s25+s24] =	stream.linear.scatter [tilespmem:s3], [sflag:$0x4], $0x100, $0x38;
	[tilespmem:$0x18800] =	vst v63  }
0x2b2: {  	s3 =	sadd.s32 $0x600, s20  }
0x2b3: {  	[hbm4b:s3+s24] =	stream.linear.scatter [tilespmem:s11], [sflag:$0x4], $0x100, $0x38;
	[tilespmem:$0x18800] =	vst v63  }
0x2b4: {  	s25 =	sadd.s32 $0x680, s20;
	s3 =	simm.s32 $0x17C00  }
0x2b5: {  	[hbm4b:s25+s24] =	stream.linear.scatter [tilespmem:s3], [sflag:$0x4], $0x100, $0x38;
	[tilespmem:$0x18800] =	vst v63  }
0x2b6: {  	s3 =	sadd.s32 $0x700, s20  }
0x2b7: {  	[hbm4b:s3+s24] =	stream.linear.scatter [tilespmem:s12], [sflag:$0x4], $0x100, $0x38;
	[tilespmem:$0x18800] =	vst v63  }
0x2b8: {  	s20 =	sadd.s32 $0x780, s20;
	s25 =	simm.s32 $0x18400  }
0x2b9: {  	[hbm4b:s20+s24] =	stream.linear.scatter [tilespmem:s25], [sflag:$0x4], $0x100, $0x38;
	[tilespmem:$0x18800] =	vst v63  }
0x2ba: {  	s20 =	simm.s32 $0x0  }
0x2bb: {  	v2 =	vld [tilespmem:s20+$0x4970]  }
0x2bc: {  	v3 =	vld [tilespmem:s20+$0x4900]  }
0x2bd: {  	v4 =	vld [tilespmem:s20+$0x4910]  }
0x2be: {  	v5 =	vld [tilespmem:s20+$0x4920]  }
0x2bf: {  	v6 =	vld [tilespmem:s20+$0x4930]  }
0x2c0: {  	v7 =	vld [tilespmem:s20+$0x4940]  }
0x2c1: {  	v8 =	vld [tilespmem:s20+$0x4950]  }
0x2c2: {  	[tilespmem:s20+$0x14970] =	vst.add.f32.msk $0xffff, v2  }
0x2c3: {  	v2 =	vld [tilespmem:s20+$0x4960]  }
0x2c4: {  	[tilespmem:s20+$0x14900] =	vst.add.f32.msk $0xffff, v3  }
0x2c5: {  	[tilespmem:s20+$0x14910] =	vst.add.f32.msk $0xffff, v4  }
0x2c6: {  	[tilespmem:s20+$0x14920] =	vst.add.f32.msk $0xffff, v5  }
0x2c7: {  	[tilespmem:s20+$0x14930] =	vst.add.f32.msk $0xffff, v6  }
0x2c8: {  	[tilespmem:s20+$0x14940] =	vst.add.f32.msk $0xffff, v7  }
0x2c9: {  	s24 =	simm.s32 $0x0;
	s25 =	simm.s32 $0x1000;
	[tilespmem:s20+$0x14950] =	vst.add.f32.msk $0xffff, v8  }
.LBB2_23:
0x2ca: {  	s24 =	sadd.s32 $0x8, s24;
	[tilespmem:s20+$0x14960] =	vst.add.f32.msk $0xffff, v2;
	s20 =	sshra.s32 s25, $0x2  }
0x2cb: {  	v2 =	vld [tilespmem:s20+$0x4970];
	p0 =	slt.u32 s24, $0x78  }
0x2cc: {  	v3 =	vld [tilespmem:s20+$0x4900]  }
0x2cd: {  	v4 =	vld [tilespmem:s20+$0x4910]  }
0x2ce: {  	v5 =	vld [tilespmem:s20+$0x4920]  }
0x2cf: {  	v6 =	vld [tilespmem:s20+$0x4930]  }
0x2d0: {  	[tilespmem:s20+$0x14970] =	vst.add.f32.msk $0xffff, v2  }
0x2d1: {  	v7 =	vld [tilespmem:s20+$0x4940]  }
0x2d2: {  	v8 =	vld [tilespmem:s20+$0x4950]  }
0x2d3: {  	v2 =	vld [tilespmem:s20+$0x4960]  }
0x2d4: {  	[tilespmem:s20+$0x14900] =	vst.add.f32.msk $0xffff, v3  }
.Ltmp10:
0x2d5: {  	[tilespmem:s20+$0x14910] =	vst.add.f32.msk $0xffff, v4;
	(pc) =	sbr.rel @p0 .LBB2_23-.Ltmp10, $4  }
0x2d6: {  	[tilespmem:s20+$0x14920] =	vst.add.f32.msk $0xffff, v5  }
0x2d7: {  	[tilespmem:s20+$0x14930] =	vst.add.f32.msk $0xffff, v6  }
0x2d8: {  	[tilespmem:s20+$0x14940] =	vst.add.f32.msk $0xffff, v7  }
0x2d9: {  	s25 =	sadd.s32 $0x1000, s25;
	[tilespmem:s20+$0x14950] =	vst.add.f32.msk $0xffff, v8  }
0x2da: {  	[tilespmem:s20+$0x14960] =	vst.add.f32.msk $0xffff, v2;
	s20 =	simm.s32 $0x0  }
0x2db: {  	v2 =	vld [tilespmem:s20+$0x49F0]  }
0x2dc: {  	v3 =	vld [tilespmem:s20+$0x4980]  }
0x2dd: {  	v4 =	vld [tilespmem:s20+$0x4990]  }
0x2de: {  	v5 =	vld [tilespmem:s20+$0x49A0]  }
0x2df: {  	v6 =	vld [tilespmem:s20+$0x49B0]  }
0x2e0: {  	v7 =	vld [tilespmem:s20+$0x49C0]  }
0x2e1: {  	v8 =	vld [tilespmem:s20+$0x49D0]  }
0x2e2: {  	[tilespmem:s20+$0x149F0] =	vst.add.f32.msk $0xffff, v2  }
0x2e3: {  	v2 =	vld [tilespmem:s20+$0x49E0]  }
0x2e4: {  	[tilespmem:s20+$0x14980] =	vst.add.f32.msk $0xffff, v3  }
0x2e5: {  	[tilespmem:s20+$0x14990] =	vst.add.f32.msk $0xffff, v4  }
0x2e6: {  	[tilespmem:s20+$0x149A0] =	vst.add.f32.msk $0xffff, v5  }
0x2e7: {  	[tilespmem:s20+$0x149B0] =	vst.add.f32.msk $0xffff, v6  }
0x2e8: {  	[tilespmem:s20+$0x149C0] =	vst.add.f32.msk $0xffff, v7  }
0x2e9: {  	s24 =	simm.s32 $0x0;
	s25 =	simm.s32 $0x1000;
	[tilespmem:s20+$0x149D0] =	vst.add.f32.msk $0xffff, v8  }
.LBB2_25:
0x2ea: {  	s24 =	sadd.s32 $0x8, s24;
	[tilespmem:s20+$0x149E0] =	vst.add.f32.msk $0xffff, v2;
	s20 =	sshra.s32 s25, $0x2  }
0x2eb: {  	v2 =	vld [tilespmem:s20+$0x49F0];
	p0 =	slt.u32 s24, $0x78  }
0x2ec: {  	v3 =	vld [tilespmem:s20+$0x4980]  }
0x2ed: {  	v4 =	vld [tilespmem:s20+$0x4990]  }
0x2ee: {  	v5 =	vld [tilespmem:s20+$0x49A0]  }
0x2ef: {  	v6 =	vld [tilespmem:s20+$0x49B0]  }
0x2f0: {  	[tilespmem:s20+$0x149F0] =	vst.add.f32.msk $0xffff, v2  }
0x2f1: {  	v7 =	vld [tilespmem:s20+$0x49C0]  }
0x2f2: {  	v8 =	vld [tilespmem:s20+$0x49D0]  }
0x2f3: {  	v2 =	vld [tilespmem:s20+$0x49E0]  }
0x2f4: {  	[tilespmem:s20+$0x14980] =	vst.add.f32.msk $0xffff, v3  }
.Ltmp11:
0x2f5: {  	[tilespmem:s20+$0x14990] =	vst.add.f32.msk $0xffff, v4;
	(pc) =	sbr.rel @p0 .LBB2_25-.Ltmp11, $4  }
0x2f6: {  	[tilespmem:s20+$0x149A0] =	vst.add.f32.msk $0xffff, v5  }
0x2f7: {  	[tilespmem:s20+$0x149B0] =	vst.add.f32.msk $0xffff, v6  }
0x2f8: {  	[tilespmem:s20+$0x149C0] =	vst.add.f32.msk $0xffff, v7  }
0x2f9: {  	s25 =	sadd.s32 $0x1000, s25;
	[tilespmem:s20+$0x149D0] =	vst.add.f32.msk $0xffff, v8  }
0x2fa: {  	[tilespmem:s20+$0x149E0] =	vst.add.f32.msk $0xffff, v2  }
0x2fb: {  	s20 =	rddreg [dreg:$0x1c]  }
0x2fc: {  	s24 =	simm.s32 $0x0;
	s3 =	simm.s32 $0x14900;
	s20 =	sadd.s32 s16, s20  }
0x2fd: {  	[hbm4b:s20+s24] =	stream.linear.scatter [tilespmem:s3], [sflag:$0x4], $0x100, $0x38;
	[tilespmem:$0x18800] =	vst v63  }
0x2fe: {  	s25 =	sadd.s32 $0x80, s20;
	s3 =	simm.s32 $0x14D00  }
0x2ff: {  	[hbm4b:s25+s24] =	stream.linear.scatter [tilespmem:s3], [sflag:$0x4], $0x100, $0x38;
	[tilespmem:$0x18800] =	vst v63  }
0x300: {  	s25 =	sadd.s32 $0x100, s20;
	s3 =	simm.s32 $0x15100  }
0x301: {  	[hbm4b:s25+s24] =	stream.linear.scatter [tilespmem:s3], [sflag:$0x4], $0x100, $0x38;
	[tilespmem:$0x18800] =	vst v63  }
0x302: {  	s25 =	sadd.s32 $0x180, s20;
	s3 =	simm.s32 $0x15500  }
0x303: {  	[hbm4b:s25+s24] =	stream.linear.scatter [tilespmem:s3], [sflag:$0x4], $0x100, $0x38;
	[tilespmem:$0x18800] =	vst v63  }
0x304: {  	s25 =	sadd.s32 $0x200, s20;
	s3 =	simm.s32 $0x15900  }
0x305: {  	[hbm4b:s25+s24] =	stream.linear.scatter [tilespmem:s3], [sflag:$0x4], $0x100, $0x38;
	[tilespmem:$0x18800] =	vst v63  }
0x306: {  	s25 =	sadd.s32 $0x280, s20;
	s3 =	simm.s32 $0x15D00  }
0x307: {  	[hbm4b:s25+s24] =	stream.linear.scatter [tilespmem:s3], [sflag:$0x4], $0x100, $0x38;
	[tilespmem:$0x18800] =	vst v63  }
0x308: {  	s25 =	sadd.s32 $0x300, s20;
	s3 =	simm.s32 $0x16100  }
0x309: {  	[hbm4b:s25+s24] =	stream.linear.scatter [tilespmem:s3], [sflag:$0x4], $0x100, $0x38;
	[tilespmem:$0x18800] =	vst v63  }
0x30a: {  	s25 =	sadd.s32 $0x380, s20;
	s3 =	simm.s32 $0x16500  }
0x30b: {  	[hbm4b:s25+s24] =	stream.linear.scatter [tilespmem:s3], [sflag:$0x4], $0x100, $0x38;
	[tilespmem:$0x18800] =	vst v63  }
0x30c: {  	s25 =	sadd.s32 $0x400, s20;
	s3 =	simm.s32 $0x16900  }
0x30d: {  	[hbm4b:s25+s24] =	stream.linear.scatter [tilespmem:s3], [sflag:$0x4], $0x100, $0x38;
	[tilespmem:$0x18800] =	vst v63  }
0x30e: {  	s25 =	sadd.s32 $0x480, s20;
	s3 =	simm.s32 $0x16D00  }
0x30f: {  	[hbm4b:s25+s24] =	stream.linear.scatter [tilespmem:s3], [sflag:$0x4], $0x100, $0x38;
	[tilespmem:$0x18800] =	vst v63  }
0x310: {  	s25 =	sadd.s32 $0x500, s20;
	s3 =	simm.s32 $0x17100  }
0x311: {  	[hbm4b:s25+s24] =	stream.linear.scatter [tilespmem:s3], [sflag:$0x4], $0x100, $0x38;
	[tilespmem:$0x18800] =	vst v63  }
0x312: {  	s25 =	sadd.s32 $0x580, s20;
	s3 =	simm.s32 $0x17500  }
0x313: {  	[hbm4b:s25+s24] =	stream.linear.scatter [tilespmem:s3], [sflag:$0x4], $0x100, $0x38;
	[tilespmem:$0x18800] =	vst v63  }
0x314: {  	s25 =	sadd.s32 $0x600, s20;
	s3 =	simm.s32 $0x17900  }
0x315: {  	[hbm4b:s25+s24] =	stream.linear.scatter [tilespmem:s3], [sflag:$0x4], $0x100, $0x38;
	[tilespmem:$0x18800] =	vst v63  }
0x316: {  	s25 =	sadd.s32 $0x680, s20;
	s3 =	simm.s32 $0x17D00  }
0x317: {  	[hbm4b:s25+s24] =	stream.linear.scatter [tilespmem:s3], [sflag:$0x4], $0x100, $0x38;
	[tilespmem:$0x18800] =	vst v63  }
0x318: {  	s25 =	sadd.s32 $0x700, s20;
	s3 =	simm.s32 $0x18100  }
0x319: {  	[hbm4b:s25+s24] =	stream.linear.scatter [tilespmem:s3], [sflag:$0x4], $0x100, $0x38;
	[tilespmem:$0x18800] =	vst v63  }
0x31a: {  	s20 =	sadd.s32 $0x780, s20;
	s25 =	simm.s32 $0x18500  }
0x31b: {  	[hbm4b:s20+s24] =	stream.linear.scatter [tilespmem:s25], [sflag:$0x4], $0x100, $0x38;
	[tilespmem:$0x18800] =	vst v63  }
0x31c: {  	s20 =	simm.s32 $0x0  }
0x31d: {  	v2 =	vld [tilespmem:s20+$0x4A70]  }
0x31e: {  	v3 =	vld [tilespmem:s20+$0x4A00]  }
0x31f: {  	v4 =	vld [tilespmem:s20+$0x4A10]  }
0x320: {  	v5 =	vld [tilespmem:s20+$0x4A20]  }
0x321: {  	v6 =	vld [tilespmem:s20+$0x4A30]  }
0x322: {  	v7 =	vld [tilespmem:s20+$0x4A40]  }
0x323: {  	v8 =	vld [tilespmem:s20+$0x4A50]  }
0x324: {  	[tilespmem:s20+$0x14A70] =	vst.add.f32.msk $0xffff, v2  }
0x325: {  	v2 =	vld [tilespmem:s20+$0x4A60]  }
0x326: {  	[tilespmem:s20+$0x14A00] =	vst.add.f32.msk $0xffff, v3  }
0x327: {  	[tilespmem:s20+$0x14A10] =	vst.add.f32.msk $0xffff, v4  }
0x328: {  	[tilespmem:s20+$0x14A20] =	vst.add.f32.msk $0xffff, v5  }
0x329: {  	[tilespmem:s20+$0x14A30] =	vst.add.f32.msk $0xffff, v6  }
0x32a: {  	[tilespmem:s20+$0x14A40] =	vst.add.f32.msk $0xffff, v7  }
0x32b: {  	s24 =	simm.s32 $0x0;
	s25 =	simm.s32 $0x1000;
	[tilespmem:s20+$0x14A50] =	vst.add.f32.msk $0xffff, v8  }
.LBB2_27:
0x32c: {  	s24 =	sadd.s32 $0x8, s24;
	[tilespmem:s20+$0x14A60] =	vst.add.f32.msk $0xffff, v2;
	s20 =	sshra.s32 s25, $0x2  }
0x32d: {  	v2 =	vld [tilespmem:s20+$0x4A70];
	p0 =	slt.u32 s24, $0x78  }
0x32e: {  	v3 =	vld [tilespmem:s20+$0x4A00]  }
0x32f: {  	v4 =	vld [tilespmem:s20+$0x4A10]  }
0x330: {  	v5 =	vld [tilespmem:s20+$0x4A20]  }
0x331: {  	v6 =	vld [tilespmem:s20+$0x4A30]  }
0x332: {  	[tilespmem:s20+$0x14A70] =	vst.add.f32.msk $0xffff, v2  }
0x333: {  	v7 =	vld [tilespmem:s20+$0x4A40]  }
0x334: {  	v8 =	vld [tilespmem:s20+$0x4A50]  }
0x335: {  	v2 =	vld [tilespmem:s20+$0x4A60]  }
0x336: {  	[tilespmem:s20+$0x14A00] =	vst.add.f32.msk $0xffff, v3  }
.Ltmp12:
0x337: {  	[tilespmem:s20+$0x14A10] =	vst.add.f32.msk $0xffff, v4;
	(pc) =	sbr.rel @p0 .LBB2_27-.Ltmp12, $4  }
0x338: {  	[tilespmem:s20+$0x14A20] =	vst.add.f32.msk $0xffff, v5  }
0x339: {  	[tilespmem:s20+$0x14A30] =	vst.add.f32.msk $0xffff, v6  }
0x33a: {  	[tilespmem:s20+$0x14A40] =	vst.add.f32.msk $0xffff, v7  }
0x33b: {  	s25 =	sadd.s32 $0x1000, s25;
	[tilespmem:s20+$0x14A50] =	vst.add.f32.msk $0xffff, v8  }
0x33c: {  	[tilespmem:s20+$0x14A60] =	vst.add.f32.msk $0xffff, v2;
	s20 =	simm.s32 $0x0  }
0x33d: {  	v2 =	vld [tilespmem:s20+$0x4AF0]  }
0x33e: {  	v3 =	vld [tilespmem:s20+$0x4A80]  }
0x33f: {  	v4 =	vld [tilespmem:s20+$0x4A90]  }
0x340: {  	v5 =	vld [tilespmem:s20+$0x4AA0]  }
0x341: {  	v6 =	vld [tilespmem:s20+$0x4AB0]  }
0x342: {  	v7 =	vld [tilespmem:s20+$0x4AC0]  }
0x343: {  	v8 =	vld [tilespmem:s20+$0x4AD0]  }
0x344: {  	[tilespmem:s20+$0x14AF0] =	vst.add.f32.msk $0xffff, v2  }
0x345: {  	v2 =	vld [tilespmem:s20+$0x4AE0]  }
0x346: {  	[tilespmem:s20+$0x14A80] =	vst.add.f32.msk $0xffff, v3  }
0x347: {  	[tilespmem:s20+$0x14A90] =	vst.add.f32.msk $0xffff, v4  }
0x348: {  	[tilespmem:s20+$0x14AA0] =	vst.add.f32.msk $0xffff, v5  }
0x349: {  	[tilespmem:s20+$0x14AB0] =	vst.add.f32.msk $0xffff, v6  }
0x34a: {  	[tilespmem:s20+$0x14AC0] =	vst.add.f32.msk $0xffff, v7  }
0x34b: {  	s24 =	simm.s32 $0x0;
	s25 =	simm.s32 $0x1000;
	[tilespmem:s20+$0x14AD0] =	vst.add.f32.msk $0xffff, v8  }
.LBB2_29:
0x34c: {  	s24 =	sadd.s32 $0x8, s24;
	[tilespmem:s20+$0x14AE0] =	vst.add.f32.msk $0xffff, v2;
	s20 =	sshra.s32 s25, $0x2  }
0x34d: {  	v2 =	vld [tilespmem:s20+$0x4AF0];
	p0 =	slt.u32 s24, $0x78  }
0x34e: {  	v3 =	vld [tilespmem:s20+$0x4A80]  }
0x34f: {  	v4 =	vld [tilespmem:s20+$0x4A90]  }
0x350: {  	v5 =	vld [tilespmem:s20+$0x4AA0]  }
0x351: {  	v6 =	vld [tilespmem:s20+$0x4AB0]  }
0x352: {  	[tilespmem:s20+$0x14AF0] =	vst.add.f32.msk $0xffff, v2  }
0x353: {  	v7 =	vld [tilespmem:s20+$0x4AC0]  }
0x354: {  	v8 =	vld [tilespmem:s20+$0x4AD0]  }
0x355: {  	v2 =	vld [tilespmem:s20+$0x4AE0]  }
0x356: {  	[tilespmem:s20+$0x14A80] =	vst.add.f32.msk $0xffff, v3  }
.Ltmp13:
0x357: {  	[tilespmem:s20+$0x14A90] =	vst.add.f32.msk $0xffff, v4;
	(pc) =	sbr.rel @p0 .LBB2_29-.Ltmp13, $4  }
0x358: {  	[tilespmem:s20+$0x14AA0] =	vst.add.f32.msk $0xffff, v5  }
0x359: {  	[tilespmem:s20+$0x14AB0] =	vst.add.f32.msk $0xffff, v6  }
0x35a: {  	[tilespmem:s20+$0x14AC0] =	vst.add.f32.msk $0xffff, v7  }
0x35b: {  	s25 =	sadd.s32 $0x1000, s25;
	[tilespmem:s20+$0x14AD0] =	vst.add.f32.msk $0xffff, v8  }
0x35c: {  	[tilespmem:s20+$0x14AE0] =	vst.add.f32.msk $0xffff, v2  }
0x35d: {  	s20 =	rddreg [dreg:$0x1d]  }
0x35e: {  	s24 =	simm.s32 $0x0;
	s3 =	simm.s32 $0x14A00;
	s20 =	sadd.s32 s16, s20  }
0x35f: {  	[hbm4b:s20+s24] =	stream.linear.scatter [tilespmem:s3], [sflag:$0x4], $0x100, $0x38;
	[tilespmem:$0x18800] =	vst v63  }
0x360: {  	s25 =	sadd.s32 $0x80, s20;
	s3 =	simm.s32 $0x14E00  }
0x361: {  	[hbm4b:s25+s24] =	stream.linear.scatter [tilespmem:s3], [sflag:$0x4], $0x100, $0x38;
	[tilespmem:$0x18800] =	vst v63  }
0x362: {  	s25 =	sadd.s32 $0x100, s20;
	s3 =	simm.s32 $0x15200  }
0x363: {  	[hbm4b:s25+s24] =	stream.linear.scatter [tilespmem:s3], [sflag:$0x4], $0x100, $0x38;
	[tilespmem:$0x18800] =	vst v63  }
0x364: {  	s25 =	sadd.s32 $0x180, s20;
	s3 =	simm.s32 $0x15600  }
0x365: {  	[hbm4b:s25+s24] =	stream.linear.scatter [tilespmem:s3], [sflag:$0x4], $0x100, $0x38;
	[tilespmem:$0x18800] =	vst v63  }
0x366: {  	s25 =	sadd.s32 $0x200, s20;
	s3 =	simm.s32 $0x15A00  }
0x367: {  	[hbm4b:s25+s24] =	stream.linear.scatter [tilespmem:s3], [sflag:$0x4], $0x100, $0x38;
	[tilespmem:$0x18800] =	vst v63  }
0x368: {  	s25 =	sadd.s32 $0x280, s20;
	s3 =	simm.s32 $0x15E00  }
0x369: {  	[hbm4b:s25+s24] =	stream.linear.scatter [tilespmem:s3], [sflag:$0x4], $0x100, $0x38;
	[tilespmem:$0x18800] =	vst v63  }
0x36a: {  	s25 =	sadd.s32 $0x300, s20;
	s3 =	simm.s32 $0x16200  }
0x36b: {  	[hbm4b:s25+s24] =	stream.linear.scatter [tilespmem:s3], [sflag:$0x4], $0x100, $0x38;
	[tilespmem:$0x18800] =	vst v63  }
0x36c: {  	s25 =	sadd.s32 $0x380, s20;
	s3 =	simm.s32 $0x16600  }
0x36d: {  	[hbm4b:s25+s24] =	stream.linear.scatter [tilespmem:s3], [sflag:$0x4], $0x100, $0x38;
	[tilespmem:$0x18800] =	vst v63  }
0x36e: {  	s25 =	sadd.s32 $0x400, s20;
	s3 =	simm.s32 $0x16A00  }
0x36f: {  	[hbm4b:s25+s24] =	stream.linear.scatter [tilespmem:s3], [sflag:$0x4], $0x100, $0x38;
	[tilespmem:$0x18800] =	vst v63  }
0x370: {  	s25 =	sadd.s32 $0x480, s20;
	s3 =	simm.s32 $0x16E00  }
0x371: {  	[hbm4b:s25+s24] =	stream.linear.scatter [tilespmem:s3], [sflag:$0x4], $0x100, $0x38;
	[tilespmem:$0x18800] =	vst v63  }
0x372: {  	s25 =	sadd.s32 $0x500, s20;
	s3 =	simm.s32 $0x17200  }
0x373: {  	[hbm4b:s25+s24] =	stream.linear.scatter [tilespmem:s3], [sflag:$0x4], $0x100, $0x38;
	[tilespmem:$0x18800] =	vst v63  }
0x374: {  	s25 =	sadd.s32 $0x580, s20;
	s3 =	simm.s32 $0x17600  }
0x375: {  	[hbm4b:s25+s24] =	stream.linear.scatter [tilespmem:s3], [sflag:$0x4], $0x100, $0x38;
	[tilespmem:$0x18800] =	vst v63  }
0x376: {  	s25 =	sadd.s32 $0x600, s20;
	s3 =	simm.s32 $0x17A00  }
0x377: {  	[hbm4b:s25+s24] =	stream.linear.scatter [tilespmem:s3], [sflag:$0x4], $0x100, $0x38;
	[tilespmem:$0x18800] =	vst v63  }
0x378: {  	s25 =	sadd.s32 $0x680, s20;
	s3 =	simm.s32 $0x17E00  }
0x379: {  	[hbm4b:s25+s24] =	stream.linear.scatter [tilespmem:s3], [sflag:$0x4], $0x100, $0x38;
	[tilespmem:$0x18800] =	vst v63  }
0x37a: {  	s25 =	sadd.s32 $0x700, s20;
	s3 =	simm.s32 $0x18200  }
0x37b: {  	[hbm4b:s25+s24] =	stream.linear.scatter [tilespmem:s3], [sflag:$0x4], $0x100, $0x38;
	[tilespmem:$0x18800] =	vst v63  }
0x37c: {  	s20 =	sadd.s32 $0x780, s20;
	s25 =	simm.s32 $0x18600  }
0x37d: {  	[hbm4b:s20+s24] =	stream.linear.scatter [tilespmem:s25], [sflag:$0x4], $0x100, $0x38;
	[tilespmem:$0x18800] =	vst v63  }
0x37e: {  	s20 =	simm.s32 $0x0  }
0x37f: {  	v2 =	vld [tilespmem:s20+$0x4B70]  }
0x380: {  	v3 =	vld [tilespmem:s20+$0x4B00]  }
0x381: {  	v4 =	vld [tilespmem:s20+$0x4B10]  }
0x382: {  	v5 =	vld [tilespmem:s20+$0x4B20]  }
0x383: {  	v6 =	vld [tilespmem:s20+$0x4B30]  }
0x384: {  	v7 =	vld [tilespmem:s20+$0x4B40]  }
0x385: {  	v8 =	vld [tilespmem:s20+$0x4B50]  }
0x386: {  	[tilespmem:s20+$0x14B70] =	vst.add.f32.msk $0xffff, v2  }
0x387: {  	v2 =	vld [tilespmem:s20+$0x4B60]  }
0x388: {  	[tilespmem:s20+$0x14B00] =	vst.add.f32.msk $0xffff, v3  }
0x389: {  	[tilespmem:s20+$0x14B10] =	vst.add.f32.msk $0xffff, v4  }
0x38a: {  	[tilespmem:s20+$0x14B20] =	vst.add.f32.msk $0xffff, v5  }
0x38b: {  	[tilespmem:s20+$0x14B30] =	vst.add.f32.msk $0xffff, v6  }
0x38c: {  	[tilespmem:s20+$0x14B40] =	vst.add.f32.msk $0xffff, v7  }
0x38d: {  	s24 =	simm.s32 $0x0;
	s25 =	simm.s32 $0x1000;
	[tilespmem:s20+$0x14B50] =	vst.add.f32.msk $0xffff, v8  }
.LBB2_31:
0x38e: {  	s24 =	sadd.s32 $0x8, s24;
	[tilespmem:s20+$0x14B60] =	vst.add.f32.msk $0xffff, v2;
	s20 =	sshra.s32 s25, $0x2  }
0x38f: {  	v2 =	vld [tilespmem:s20+$0x4B70];
	p0 =	slt.u32 s24, $0x78  }
0x390: {  	v3 =	vld [tilespmem:s20+$0x4B00]  }
0x391: {  	v4 =	vld [tilespmem:s20+$0x4B10]  }
0x392: {  	v5 =	vld [tilespmem:s20+$0x4B20]  }
0x393: {  	v6 =	vld [tilespmem:s20+$0x4B30]  }
0x394: {  	[tilespmem:s20+$0x14B70] =	vst.add.f32.msk $0xffff, v2  }
0x395: {  	v7 =	vld [tilespmem:s20+$0x4B40]  }
0x396: {  	v8 =	vld [tilespmem:s20+$0x4B50]  }
0x397: {  	v2 =	vld [tilespmem:s20+$0x4B60]  }
0x398: {  	[tilespmem:s20+$0x14B00] =	vst.add.f32.msk $0xffff, v3  }
.Ltmp14:
0x399: {  	[tilespmem:s20+$0x14B10] =	vst.add.f32.msk $0xffff, v4;
	(pc) =	sbr.rel @p0 .LBB2_31-.Ltmp14, $4  }
0x39a: {  	[tilespmem:s20+$0x14B20] =	vst.add.f32.msk $0xffff, v5  }
0x39b: {  	[tilespmem:s20+$0x14B30] =	vst.add.f32.msk $0xffff, v6  }
0x39c: {  	[tilespmem:s20+$0x14B40] =	vst.add.f32.msk $0xffff, v7  }
0x39d: {  	s25 =	sadd.s32 $0x1000, s25;
	[tilespmem:s20+$0x14B50] =	vst.add.f32.msk $0xffff, v8  }
0x39e: {  	[tilespmem:s20+$0x14B60] =	vst.add.f32.msk $0xffff, v2;
	s20 =	simm.s32 $0x0  }
0x39f: {  	v2 =	vld [tilespmem:s20+$0x4BF0]  }
0x3a0: {  	v3 =	vld [tilespmem:s20+$0x4B80]  }
0x3a1: {  	v4 =	vld [tilespmem:s20+$0x4B90]  }
0x3a2: {  	v5 =	vld [tilespmem:s20+$0x4BA0]  }
0x3a3: {  	v6 =	vld [tilespmem:s20+$0x4BB0]  }
0x3a4: {  	v7 =	vld [tilespmem:s20+$0x4BC0]  }
0x3a5: {  	v8 =	vld [tilespmem:s20+$0x4BD0]  }
0x3a6: {  	[tilespmem:s20+$0x14BF0] =	vst.add.f32.msk $0xffff, v2  }
0x3a7: {  	v2 =	vld [tilespmem:s20+$0x4BE0]  }
0x3a8: {  	[tilespmem:s20+$0x14B80] =	vst.add.f32.msk $0xffff, v3  }
0x3a9: {  	[tilespmem:s20+$0x14B90] =	vst.add.f32.msk $0xffff, v4  }
0x3aa: {  	[tilespmem:s20+$0x14BA0] =	vst.add.f32.msk $0xffff, v5  }
0x3ab: {  	[tilespmem:s20+$0x14BB0] =	vst.add.f32.msk $0xffff, v6  }
0x3ac: {  	[tilespmem:s20+$0x14BC0] =	vst.add.f32.msk $0xffff, v7  }
0x3ad: {  	s24 =	simm.s32 $0x0;
	s25 =	simm.s32 $0x1000;
	[tilespmem:s20+$0x14BD0] =	vst.add.f32.msk $0xffff, v8  }
.LBB2_33:
0x3ae: {  	s24 =	sadd.s32 $0x8, s24;
	[tilespmem:s20+$0x14BE0] =	vst.add.f32.msk $0xffff, v2;
	s20 =	sshra.s32 s25, $0x2  }
0x3af: {  	v2 =	vld [tilespmem:s20+$0x4BF0];
	p0 =	slt.u32 s24, $0x78  }
0x3b0: {  	v3 =	vld [tilespmem:s20+$0x4B80]  }
0x3b1: {  	v4 =	vld [tilespmem:s20+$0x4B90]  }
0x3b2: {  	v5 =	vld [tilespmem:s20+$0x4BA0]  }
0x3b3: {  	v6 =	vld [tilespmem:s20+$0x4BB0]  }
0x3b4: {  	[tilespmem:s20+$0x14BF0] =	vst.add.f32.msk $0xffff, v2  }
0x3b5: {  	v7 =	vld [tilespmem:s20+$0x4BC0]  }
0x3b6: {  	v8 =	vld [tilespmem:s20+$0x4BD0]  }
0x3b7: {  	v2 =	vld [tilespmem:s20+$0x4BE0]  }
0x3b8: {  	[tilespmem:s20+$0x14B80] =	vst.add.f32.msk $0xffff, v3  }
.Ltmp15:
0x3b9: {  	[tilespmem:s20+$0x14B90] =	vst.add.f32.msk $0xffff, v4;
	(pc) =	sbr.rel @p0 .LBB2_33-.Ltmp15, $4  }
0x3ba: {  	[tilespmem:s20+$0x14BA0] =	vst.add.f32.msk $0xffff, v5  }
0x3bb: {  	[tilespmem:s20+$0x14BB0] =	vst.add.f32.msk $0xffff, v6  }
0x3bc: {  	[tilespmem:s20+$0x14BC0] =	vst.add.f32.msk $0xffff, v7  }
0x3bd: {  	s25 =	sadd.s32 $0x1000, s25;
	[tilespmem:s20+$0x14BD0] =	vst.add.f32.msk $0xffff, v8  }
0x3be: {  	[tilespmem:s20+$0x14BE0] =	vst.add.f32.msk $0xffff, v2  }
0x3bf: {  	s20 =	rddreg [dreg:$0x1e]  }
0x3c0: {  	s24 =	simm.s32 $0x0;
	s3 =	simm.s32 $0x14B00;
	s20 =	sadd.s32 s16, s20  }
0x3c1: {  	[hbm4b:s20+s24] =	stream.linear.scatter [tilespmem:s3], [sflag:$0x4], $0x100, $0x38;
	[tilespmem:$0x18800] =	vst v63  }
0x3c2: {  	s25 =	sadd.s32 $0x80, s20;
	s3 =	simm.s32 $0x14F00  }
0x3c3: {  	[hbm4b:s25+s24] =	stream.linear.scatter [tilespmem:s3], [sflag:$0x4], $0x100, $0x38;
	[tilespmem:$0x18800] =	vst v63  }
0x3c4: {  	s25 =	sadd.s32 $0x100, s20;
	s3 =	simm.s32 $0x15300  }
0x3c5: {  	[hbm4b:s25+s24] =	stream.linear.scatter [tilespmem:s3], [sflag:$0x4], $0x100, $0x38;
	[tilespmem:$0x18800] =	vst v63  }
0x3c6: {  	s25 =	sadd.s32 $0x180, s20;
	s3 =	simm.s32 $0x15700  }
0x3c7: {  	[hbm4b:s25+s24] =	stream.linear.scatter [tilespmem:s3], [sflag:$0x4], $0x100, $0x38;
	[tilespmem:$0x18800] =	vst v63  }
0x3c8: {  	s25 =	sadd.s32 $0x200, s20;
	s3 =	simm.s32 $0x15B00  }
0x3c9: {  	[hbm4b:s25+s24] =	stream.linear.scatter [tilespmem:s3], [sflag:$0x4], $0x100, $0x38;
	[tilespmem:$0x18800] =	vst v63  }
0x3ca: {  	s25 =	sadd.s32 $0x280, s20;
	s3 =	simm.s32 $0x15F00  }
0x3cb: {  	[hbm4b:s25+s24] =	stream.linear.scatter [tilespmem:s3], [sflag:$0x4], $0x100, $0x38;
	[tilespmem:$0x18800] =	vst v63  }
0x3cc: {  	s25 =	sadd.s32 $0x300, s20;
	s3 =	simm.s32 $0x16300  }
0x3cd: {  	[hbm4b:s25+s24] =	stream.linear.scatter [tilespmem:s3], [sflag:$0x4], $0x100, $0x38;
	[tilespmem:$0x18800] =	vst v63  }
0x3ce: {  	s25 =	sadd.s32 $0x380, s20;
	s3 =	simm.s32 $0x16700  }
0x3cf: {  	[hbm4b:s25+s24] =	stream.linear.scatter [tilespmem:s3], [sflag:$0x4], $0x100, $0x38;
	[tilespmem:$0x18800] =	vst v63  }
0x3d0: {  	s25 =	sadd.s32 $0x400, s20;
	s3 =	simm.s32 $0x16B00  }
0x3d1: {  	[hbm4b:s25+s24] =	stream.linear.scatter [tilespmem:s3], [sflag:$0x4], $0x100, $0x38;
	[tilespmem:$0x18800] =	vst v63  }
0x3d2: {  	s25 =	sadd.s32 $0x480, s20;
	s3 =	simm.s32 $0x16F00  }
0x3d3: {  	[hbm4b:s25+s24] =	stream.linear.scatter [tilespmem:s3], [sflag:$0x4], $0x100, $0x38;
	[tilespmem:$0x18800] =	vst v63  }
0x3d4: {  	s25 =	sadd.s32 $0x500, s20;
	s3 =	simm.s32 $0x17300  }
0x3d5: {  	[hbm4b:s25+s24] =	stream.linear.scatter [tilespmem:s3], [sflag:$0x4], $0x100, $0x38;
	[tilespmem:$0x18800] =	vst v63  }
0x3d6: {  	s25 =	sadd.s32 $0x580, s20;
	s3 =	simm.s32 $0x17700  }
0x3d7: {  	[hbm4b:s25+s24] =	stream.linear.scatter [tilespmem:s3], [sflag:$0x4], $0x100, $0x38;
	[tilespmem:$0x18800] =	vst v63  }
0x3d8: {  	s25 =	sadd.s32 $0x600, s20;
	s3 =	simm.s32 $0x17B00  }
0x3d9: {  	[hbm4b:s25+s24] =	stream.linear.scatter [tilespmem:s3], [sflag:$0x4], $0x100, $0x38;
	[tilespmem:$0x18800] =	vst v63  }
0x3da: {  	s25 =	sadd.s32 $0x680, s20;
	s3 =	simm.s32 $0x17F00  }
0x3db: {  	[hbm4b:s25+s24] =	stream.linear.scatter [tilespmem:s3], [sflag:$0x4], $0x100, $0x38;
	[tilespmem:$0x18800] =	vst v63  }
0x3dc: {  	s25 =	sadd.s32 $0x700, s20;
	s3 =	simm.s32 $0x18300  }
0x3dd: {  	[hbm4b:s25+s24] =	stream.linear.scatter [tilespmem:s3], [sflag:$0x4], $0x100, $0x38;
	[tilespmem:$0x18800] =	vst v63  }
0x3de: {  	s20 =	sadd.s32 $0x780, s20;
	s25 =	simm.s32 $0x18700  }
0x3df: {  	[hbm4b:s20+s24] =	stream.linear.scatter [tilespmem:s25], [sflag:$0x4], $0x100, $0x38;
	[tilespmem:$0x18800] =	vst v63  }
0x3e0: {  	_ =	swait.ge [sflag:s17], $0x4000  }
0x3e1: {  	[sflag:s17] =	ssyncset.done $0x0  }
0x3e2: {  	[sflag:s17] =	ssyncadd.s32 $0xFFFFC000  }
0x3e3: {  	v2 =	vld.msk [tilespmem:s19+$0x18], $0xff;
	_ =	sdelay $0x4  }
0x3e4: {  	v3 =	vshll.u32 v2, $0x4  }
0x3e5: {  	v2 =	vand.u32 $0x7, v2;
	v3 =	vand.u32 $0xFFFFFF80, v3  }
0x3e6: {  	v2 =	vor.u32 v2, v3  }
0x3e7: {  	v2 =	vperm.xlane v2, v0;
	_ =	sdelay $0x1  }
0x3e8: {  	v2 =	vadd.s32 v1, v2;
	_ =	sdelay $0x4  }
0x3e9: {  	[tilespmem:s5], [sflag:$0x2] =	stream.indirect_vreg.gather [hbm4b:s1+s24], $0x80, v2, vm0, $0xb8;
	[tilespmem:$0x18800] =	vst v63  }
0x3ea: {  	_ = 	snop  }
0x3eb: {  	[tilespmem:s6], [sflag:$0x2] =	stream.indirect_vreg.gather [hbm4b:s22+s24], $0x80, v2, vm0, $0xb8;
	[tilespmem:$0x18800] =	vst v63  }
0x3ec: {  	_ = 	snop  }
0x3ed: {  	[tilespmem:s7], [sflag:$0x2] =	stream.indirect_vreg.gather [hbm4b:s23+s24], $0x80, v2, vm0, $0xb8;
	[tilespmem:$0x18800] =	vst v63  }
0x3ee: {  	_ = 	snop  }
0x3ef: {  	[tilespmem:s8], [sflag:$0x2] =	stream.indirect_vreg.gather [hbm4b:s26+s24], $0x80, v2, vm0, $0xb8;
	[tilespmem:$0x18800] =	vst v63  }
0x3f0: {  	_ = 	snop  }
0x3f1: {  	[tilespmem:s9], [sflag:$0x2] =	stream.indirect_vreg.gather [hbm4b:s28+s24], $0x80, v2, vm0, $0xb8;
	[tilespmem:$0x18800] =	vst v63  }
0x3f2: {  	_ = 	snop  }
0x3f3: {  	[tilespmem:s10], [sflag:$0x2] =	stream.indirect_vreg.gather [hbm4b:s29+s24], $0x80, v2, vm0, $0xb8;
	[tilespmem:$0x18800] =	vst v63  }
0x3f4: {  	_ = 	snop  }
0x3f5: {  	[tilespmem:s11], [sflag:$0x2] =	stream.indirect_vreg.gather [hbm4b:s30+s24], $0x80, v2, vm0, $0xb8;
	[tilespmem:$0x18800] =	vst v63  }
0x3f6: {  	_ = 	snop  }
0x3f7: {  	[tilespmem:s12], [sflag:$0x2] =	stream.indirect_vreg.gather [hbm4b:s31+s24], $0x80, v2, vm0, $0xb8;
	[tilespmem:$0x18800] =	vst v63  }
0x3f8: {  	_ =	swait.ge [sflag:s13], $0x4000  }
0x3f9: {  	[sflag:s13] =	ssyncset.done $0x0  }
0x3fa: {  	s20 =	simm.s32 $0x0;
	[sflag:s13] =	ssyncadd.s32 $0xFFFFC000  }
0x3fb: {  	v2 =	vld [tilespmem:s20+$0x8870]  }
0x3fc: {  	v3 =	vld [tilespmem:s20+$0x8800]  }
0x3fd: {  	v4 =	vld [tilespmem:s20+$0x8810]  }
0x3fe: {  	v5 =	vld [tilespmem:s20+$0x8820]  }
0x3ff: {  	v6 =	vld [tilespmem:s20+$0x8830]  }
0x400: {  	v7 =	vld [tilespmem:s20+$0x8840]  }
0x401: {  	v8 =	vld [tilespmem:s20+$0x8850]  }
0x402: {  	[tilespmem:s20+$0x10870] =	vst.add.f32.msk $0xffff, v2  }
0x403: {  	v2 =	vld [tilespmem:s20+$0x8860]  }
0x404: {  	[tilespmem:s20+$0x10800] =	vst.add.f32.msk $0xffff, v3  }
0x405: {  	[tilespmem:s20+$0x10810] =	vst.add.f32.msk $0xffff, v4  }
0x406: {  	[tilespmem:s20+$0x10820] =	vst.add.f32.msk $0xffff, v5  }
0x407: {  	[tilespmem:s20+$0x10830] =	vst.add.f32.msk $0xffff, v6  }
0x408: {  	[tilespmem:s20+$0x10840] =	vst.add.f32.msk $0xffff, v7  }
0x409: {  	s25 =	simm.s32 $0x1000;
	s24 =	simm.s32 $0x0;
	[tilespmem:s20+$0x10850] =	vst.add.f32.msk $0xffff, v8  }
.LBB2_35:
0x40a: {  	s24 =	sadd.s32 $0x8, s24;
	[tilespmem:s20+$0x10860] =	vst.add.f32.msk $0xffff, v2;
	s20 =	sshra.s32 s25, $0x2  }
0x40b: {  	v2 =	vld [tilespmem:s20+$0x8870];
	p0 =	slt.u32 s24, $0x78  }
0x40c: {  	v3 =	vld [tilespmem:s20+$0x8800]  }
0x40d: {  	v4 =	vld [tilespmem:s20+$0x8810]  }
0x40e: {  	v5 =	vld [tilespmem:s20+$0x8820]  }
0x40f: {  	v6 =	vld [tilespmem:s20+$0x8830]  }
0x410: {  	[tilespmem:s20+$0x10870] =	vst.add.f32.msk $0xffff, v2  }
0x411: {  	v7 =	vld [tilespmem:s20+$0x8840]  }
0x412: {  	v8 =	vld [tilespmem:s20+$0x8850]  }
0x413: {  	v2 =	vld [tilespmem:s20+$0x8860]  }
0x414: {  	[tilespmem:s20+$0x10800] =	vst.add.f32.msk $0xffff, v3  }
.Ltmp16:
0x415: {  	[tilespmem:s20+$0x10810] =	vst.add.f32.msk $0xffff, v4;
	(pc) =	sbr.rel @p0 .LBB2_35-.Ltmp16, $4  }
0x416: {  	[tilespmem:s20+$0x10820] =	vst.add.f32.msk $0xffff, v5  }
0x417: {  	[tilespmem:s20+$0x10830] =	vst.add.f32.msk $0xffff, v6  }
0x418: {  	[tilespmem:s20+$0x10840] =	vst.add.f32.msk $0xffff, v7  }
0x419: {  	s25 =	sadd.s32 $0x1000, s25;
	[tilespmem:s20+$0x10850] =	vst.add.f32.msk $0xffff, v8  }
0x41a: {  	[tilespmem:s20+$0x10860] =	vst.add.f32.msk $0xffff, v2;
	s20 =	simm.s32 $0x0  }
0x41b: {  	v2 =	vld [tilespmem:s20+$0x88F0]  }
0x41c: {  	v3 =	vld [tilespmem:s20+$0x8880]  }
0x41d: {  	v4 =	vld [tilespmem:s20+$0x8890]  }
0x41e: {  	v5 =	vld [tilespmem:s20+$0x88A0]  }
0x41f: {  	v6 =	vld [tilespmem:s20+$0x88B0]  }
0x420: {  	v7 =	vld [tilespmem:s20+$0x88C0]  }
0x421: {  	v8 =	vld [tilespmem:s20+$0x88D0]  }
0x422: {  	[tilespmem:s20+$0x108F0] =	vst.add.f32.msk $0xffff, v2  }
0x423: {  	v2 =	vld [tilespmem:s20+$0x88E0]  }
0x424: {  	[tilespmem:s20+$0x10880] =	vst.add.f32.msk $0xffff, v3  }
0x425: {  	[tilespmem:s20+$0x10890] =	vst.add.f32.msk $0xffff, v4  }
0x426: {  	[tilespmem:s20+$0x108A0] =	vst.add.f32.msk $0xffff, v5  }
0x427: {  	[tilespmem:s20+$0x108B0] =	vst.add.f32.msk $0xffff, v6  }
0x428: {  	[tilespmem:s20+$0x108C0] =	vst.add.f32.msk $0xffff, v7  }
0x429: {  	s24 =	simm.s32 $0x0;
	s25 =	simm.s32 $0x1000;
	[tilespmem:s20+$0x108D0] =	vst.add.f32.msk $0xffff, v8  }
.LBB2_37:
0x42a: {  	s24 =	sadd.s32 $0x8, s24;
	[tilespmem:s20+$0x108E0] =	vst.add.f32.msk $0xffff, v2;
	s20 =	sshra.s32 s25, $0x2  }
0x42b: {  	v2 =	vld [tilespmem:s20+$0x88F0];
	p0 =	slt.u32 s24, $0x78  }
0x42c: {  	v3 =	vld [tilespmem:s20+$0x8880]  }
0x42d: {  	v4 =	vld [tilespmem:s20+$0x8890]  }
0x42e: {  	v5 =	vld [tilespmem:s20+$0x88A0]  }
0x42f: {  	v6 =	vld [tilespmem:s20+$0x88B0]  }
0x430: {  	[tilespmem:s20+$0x108F0] =	vst.add.f32.msk $0xffff, v2  }
0x431: {  	v7 =	vld [tilespmem:s20+$0x88C0]  }
0x432: {  	v8 =	vld [tilespmem:s20+$0x88D0]  }
0x433: {  	v2 =	vld [tilespmem:s20+$0x88E0]  }
0x434: {  	[tilespmem:s20+$0x10880] =	vst.add.f32.msk $0xffff, v3  }
.Ltmp17:
0x435: {  	[tilespmem:s20+$0x10890] =	vst.add.f32.msk $0xffff, v4;
	(pc) =	sbr.rel @p0 .LBB2_37-.Ltmp17, $4  }
0x436: {  	[tilespmem:s20+$0x108A0] =	vst.add.f32.msk $0xffff, v5  }
0x437: {  	[tilespmem:s20+$0x108B0] =	vst.add.f32.msk $0xffff, v6  }
0x438: {  	[tilespmem:s20+$0x108C0] =	vst.add.f32.msk $0xffff, v7  }
0x439: {  	s25 =	sadd.s32 $0x1000, s25;
	[tilespmem:s20+$0x108D0] =	vst.add.f32.msk $0xffff, v8  }
0x43a: {  	[tilespmem:s20+$0x108E0] =	vst.add.f32.msk $0xffff, v2  }
0x43b: {  	s20 =	rddreg [dreg:$0x1f]  }
0x43c: {  	s24 =	simm.s32 $0x0;
	s25 =	simm.s32 $0x10800;
	s20 =	sadd.s32 s16, s20  }
0x43d: {  	[hbm4b:s20+s24] =	stream.linear.scatter [tilespmem:s25], [sflag:$0x3], $0x100, $0x38;
	[tilespmem:$0x18800] =	vst v63  }
0x43e: {  	s3 =	simm.s32 $0x10C00;
	s25 =	sadd.s32 $0x80, s20  }
0x43f: {  	[hbm4b:s25+s24] =	stream.linear.scatter [tilespmem:s3], [sflag:$0x3], $0x100, $0x38;
	[tilespmem:$0x18800] =	vst v63  }
0x440: {  	s25 =	sadd.s32 $0x100, s20;
	s3 =	simm.s32 $0x11000  }
0x441: {  	[hbm4b:s25+s24] =	stream.linear.scatter [tilespmem:s3], [sflag:$0x3], $0x100, $0x38;
	[tilespmem:$0x18800] =	vst v63  }
0x442: {  	s25 =	sadd.s32 $0x180, s20;
	s3 =	simm.s32 $0x11400  }
0x443: {  	[hbm4b:s25+s24] =	stream.linear.scatter [tilespmem:s3], [sflag:$0x3], $0x100, $0x38;
	[tilespmem:$0x18800] =	vst v63  }
0x444: {  	s25 =	sadd.s32 $0x200, s20;
	s3 =	simm.s32 $0x11800  }
0x445: {  	[hbm4b:s25+s24] =	stream.linear.scatter [tilespmem:s3], [sflag:$0x3], $0x100, $0x38;
	[tilespmem:$0x18800] =	vst v63  }
0x446: {  	s25 =	sadd.s32 $0x280, s20;
	s3 =	simm.s32 $0x11C00  }
0x447: {  	[hbm4b:s25+s24] =	stream.linear.scatter [tilespmem:s3], [sflag:$0x3], $0x100, $0x38;
	[tilespmem:$0x18800] =	vst v63  }
0x448: {  	s25 =	sadd.s32 $0x300, s20;
	s3 =	simm.s32 $0x12000  }
0x449: {  	[hbm4b:s25+s24] =	stream.linear.scatter [tilespmem:s3], [sflag:$0x3], $0x100, $0x38;
	[tilespmem:$0x18800] =	vst v63  }
0x44a: {  	s25 =	sadd.s32 $0x380, s20;
	s3 =	simm.s32 $0x12400  }
0x44b: {  	[hbm4b:s25+s24] =	stream.linear.scatter [tilespmem:s3], [sflag:$0x3], $0x100, $0x38;
	[tilespmem:$0x18800] =	vst v63  }
0x44c: {  	s25 =	sadd.s32 $0x400, s20;
	s3 =	simm.s32 $0x12800  }
0x44d: {  	[hbm4b:s25+s24] =	stream.linear.scatter [tilespmem:s3], [sflag:$0x3], $0x100, $0x38;
	[tilespmem:$0x18800] =	vst v63  }
0x44e: {  	s25 =	sadd.s32 $0x480, s20;
	s3 =	simm.s32 $0x12C00  }
0x44f: {  	[hbm4b:s25+s24] =	stream.linear.scatter [tilespmem:s3], [sflag:$0x3], $0x100, $0x38;
	[tilespmem:$0x18800] =	vst v63  }
0x450: {  	s3 =	sadd.s32 $0x500, s20  }
0x451: {  	[hbm4b:s3+s24] =	stream.linear.scatter [tilespmem:s21], [sflag:$0x3], $0x100, $0x38;
	[tilespmem:$0x18800] =	vst v63  }
0x452: {  	s25 =	sadd.s32 $0x580, s20;
	s3 =	simm.s32 $0x13400  }
0x453: {  	[hbm4b:s25+s24] =	stream.linear.scatter [tilespmem:s3], [sflag:$0x3], $0x100, $0x38;
	[tilespmem:$0x18800] =	vst v63  }
0x454: {  	s3 =	sadd.s32 $0x600, s20  }
0x455: {  	[hbm4b:s3+s24] =	stream.linear.scatter [tilespmem:s2], [sflag:$0x3], $0x100, $0x38;
	[tilespmem:$0x18800] =	vst v63  }
0x456: {  	s25 =	sadd.s32 $0x680, s20;
	s3 =	simm.s32 $0x13C00  }
0x457: {  	[hbm4b:s25+s24] =	stream.linear.scatter [tilespmem:s3], [sflag:$0x3], $0x100, $0x38;
	[tilespmem:$0x18800] =	vst v63  }
0x458: {  	s3 =	sadd.s32 $0x700, s20  }
0x459: {  	[hbm4b:s3+s24] =	stream.linear.scatter [tilespmem:s0], [sflag:$0x3], $0x100, $0x38;
	[tilespmem:$0x18800] =	vst v63  }
0x45a: {  	s20 =	sadd.s32 $0x780, s20;
	s25 =	simm.s32 $0x14400  }
0x45b: {  	[hbm4b:s20+s24] =	stream.linear.scatter [tilespmem:s25], [sflag:$0x3], $0x100, $0x38;
	[tilespmem:$0x18800] =	vst v63  }
0x45c: {  	s20 =	simm.s32 $0x0  }
0x45d: {  	v2 =	vld [tilespmem:s20+$0x8970]  }
0x45e: {  	v3 =	vld [tilespmem:s20+$0x8900]  }
0x45f: {  	v4 =	vld [tilespmem:s20+$0x8910]  }
0x460: {  	v5 =	vld [tilespmem:s20+$0x8920]  }
0x461: {  	v6 =	vld [tilespmem:s20+$0x8930]  }
0x462: {  	v7 =	vld [tilespmem:s20+$0x8940]  }
0x463: {  	v8 =	vld [tilespmem:s20+$0x8950]  }
0x464: {  	[tilespmem:s20+$0x10970] =	vst.add.f32.msk $0xffff, v2  }
0x465: {  	v2 =	vld [tilespmem:s20+$0x8960]  }
0x466: {  	[tilespmem:s20+$0x10900] =	vst.add.f32.msk $0xffff, v3  }
0x467: {  	[tilespmem:s20+$0x10910] =	vst.add.f32.msk $0xffff, v4  }
0x468: {  	[tilespmem:s20+$0x10920] =	vst.add.f32.msk $0xffff, v5  }
0x469: {  	[tilespmem:s20+$0x10930] =	vst.add.f32.msk $0xffff, v6  }
0x46a: {  	[tilespmem:s20+$0x10940] =	vst.add.f32.msk $0xffff, v7  }
0x46b: {  	s24 =	simm.s32 $0x0;
	s25 =	simm.s32 $0x1000;
	[tilespmem:s20+$0x10950] =	vst.add.f32.msk $0xffff, v8  }
.LBB2_39:
0x46c: {  	s24 =	sadd.s32 $0x8, s24;
	[tilespmem:s20+$0x10960] =	vst.add.f32.msk $0xffff, v2;
	s20 =	sshra.s32 s25, $0x2  }
0x46d: {  	v2 =	vld [tilespmem:s20+$0x8970];
	p0 =	slt.u32 s24, $0x78  }
0x46e: {  	v3 =	vld [tilespmem:s20+$0x8900]  }
0x46f: {  	v4 =	vld [tilespmem:s20+$0x8910]  }
0x470: {  	v5 =	vld [tilespmem:s20+$0x8920]  }
0x471: {  	v6 =	vld [tilespmem:s20+$0x8930]  }
0x472: {  	[tilespmem:s20+$0x10970] =	vst.add.f32.msk $0xffff, v2  }
0x473: {  	v7 =	vld [tilespmem:s20+$0x8940]  }
0x474: {  	v8 =	vld [tilespmem:s20+$0x8950]  }
0x475: {  	v2 =	vld [tilespmem:s20+$0x8960]  }
0x476: {  	[tilespmem:s20+$0x10900] =	vst.add.f32.msk $0xffff, v3  }
.Ltmp18:
0x477: {  	[tilespmem:s20+$0x10910] =	vst.add.f32.msk $0xffff, v4;
	(pc) =	sbr.rel @p0 .LBB2_39-.Ltmp18, $4  }
0x478: {  	[tilespmem:s20+$0x10920] =	vst.add.f32.msk $0xffff, v5  }
0x479: {  	[tilespmem:s20+$0x10930] =	vst.add.f32.msk $0xffff, v6  }
0x47a: {  	[tilespmem:s20+$0x10940] =	vst.add.f32.msk $0xffff, v7  }
0x47b: {  	s25 =	sadd.s32 $0x1000, s25;
	[tilespmem:s20+$0x10950] =	vst.add.f32.msk $0xffff, v8  }
0x47c: {  	[tilespmem:s20+$0x10960] =	vst.add.f32.msk $0xffff, v2;
	s20 =	simm.s32 $0x0  }
0x47d: {  	v2 =	vld [tilespmem:s20+$0x89F0]  }
0x47e: {  	v3 =	vld [tilespmem:s20+$0x8980]  }
0x47f: {  	v4 =	vld [tilespmem:s20+$0x8990]  }
0x480: {  	v5 =	vld [tilespmem:s20+$0x89A0]  }
0x481: {  	v6 =	vld [tilespmem:s20+$0x89B0]  }
0x482: {  	v7 =	vld [tilespmem:s20+$0x89C0]  }
0x483: {  	v8 =	vld [tilespmem:s20+$0x89D0]  }
0x484: {  	[tilespmem:s20+$0x109F0] =	vst.add.f32.msk $0xffff, v2  }
0x485: {  	v2 =	vld [tilespmem:s20+$0x89E0]  }
0x486: {  	[tilespmem:s20+$0x10980] =	vst.add.f32.msk $0xffff, v3  }
0x487: {  	[tilespmem:s20+$0x10990] =	vst.add.f32.msk $0xffff, v4  }
0x488: {  	[tilespmem:s20+$0x109A0] =	vst.add.f32.msk $0xffff, v5  }
0x489: {  	[tilespmem:s20+$0x109B0] =	vst.add.f32.msk $0xffff, v6  }
0x48a: {  	[tilespmem:s20+$0x109C0] =	vst.add.f32.msk $0xffff, v7  }
0x48b: {  	s24 =	simm.s32 $0x0;
	s25 =	simm.s32 $0x1000;
	[tilespmem:s20+$0x109D0] =	vst.add.f32.msk $0xffff, v8  }
.LBB2_41:
0x48c: {  	s24 =	sadd.s32 $0x8, s24;
	[tilespmem:s20+$0x109E0] =	vst.add.f32.msk $0xffff, v2;
	s20 =	sshra.s32 s25, $0x2  }
0x48d: {  	v2 =	vld [tilespmem:s20+$0x89F0];
	p0 =	slt.u32 s24, $0x78  }
0x48e: {  	v3 =	vld [tilespmem:s20+$0x8980]  }
0x48f: {  	v4 =	vld [tilespmem:s20+$0x8990]  }
0x490: {  	v5 =	vld [tilespmem:s20+$0x89A0]  }
0x491: {  	v6 =	vld [tilespmem:s20+$0x89B0]  }
0x492: {  	[tilespmem:s20+$0x109F0] =	vst.add.f32.msk $0xffff, v2  }
0x493: {  	v7 =	vld [tilespmem:s20+$0x89C0]  }
0x494: {  	v8 =	vld [tilespmem:s20+$0x89D0]  }
0x495: {  	v2 =	vld [tilespmem:s20+$0x89E0]  }
0x496: {  	[tilespmem:s20+$0x10980] =	vst.add.f32.msk $0xffff, v3  }
.Ltmp19:
0x497: {  	[tilespmem:s20+$0x10990] =	vst.add.f32.msk $0xffff, v4;
	(pc) =	sbr.rel @p0 .LBB2_41-.Ltmp19, $4  }
0x498: {  	[tilespmem:s20+$0x109A0] =	vst.add.f32.msk $0xffff, v5  }
0x499: {  	[tilespmem:s20+$0x109B0] =	vst.add.f32.msk $0xffff, v6  }
0x49a: {  	[tilespmem:s20+$0x109C0] =	vst.add.f32.msk $0xffff, v7  }
0x49b: {  	s25 =	sadd.s32 $0x1000, s25;
	[tilespmem:s20+$0x109D0] =	vst.add.f32.msk $0xffff, v8  }
0x49c: {  	[tilespmem:s20+$0x109E0] =	vst.add.f32.msk $0xffff, v2  }
0x49d: {  	s20 =	sld [smem:$0x7F7];
	_ =	sdelay $0x2  }
0x49e: {  	s24 =	simm.s32 $0x0;
	s3 =	simm.s32 $0x10900;
	s20 =	sadd.s32 s16, s20  }
0x49f: {  	[hbm4b:s20+s24] =	stream.linear.scatter [tilespmem:s3], [sflag:$0x3], $0x100, $0x38;
	[tilespmem:$0x18800] =	vst v63  }
0x4a0: {  	s25 =	sadd.s32 $0x80, s20;
	s3 =	simm.s32 $0x10D00  }
0x4a1: {  	[hbm4b:s25+s24] =	stream.linear.scatter [tilespmem:s3], [sflag:$0x3], $0x100, $0x38;
	[tilespmem:$0x18800] =	vst v63  }
0x4a2: {  	s25 =	sadd.s32 $0x100, s20;
	s3 =	simm.s32 $0x11100  }
0x4a3: {  	[hbm4b:s25+s24] =	stream.linear.scatter [tilespmem:s3], [sflag:$0x3], $0x100, $0x38;
	[tilespmem:$0x18800] =	vst v63  }
0x4a4: {  	s25 =	sadd.s32 $0x180, s20;
	s3 =	simm.s32 $0x11500  }
0x4a5: {  	[hbm4b:s25+s24] =	stream.linear.scatter [tilespmem:s3], [sflag:$0x3], $0x100, $0x38;
	[tilespmem:$0x18800] =	vst v63  }
0x4a6: {  	s25 =	sadd.s32 $0x200, s20;
	s3 =	simm.s32 $0x11900  }
0x4a7: {  	[hbm4b:s25+s24] =	stream.linear.scatter [tilespmem:s3], [sflag:$0x3], $0x100, $0x38;
	[tilespmem:$0x18800] =	vst v63  }
0x4a8: {  	s25 =	sadd.s32 $0x280, s20;
	s3 =	simm.s32 $0x11D00  }
0x4a9: {  	[hbm4b:s25+s24] =	stream.linear.scatter [tilespmem:s3], [sflag:$0x3], $0x100, $0x38;
	[tilespmem:$0x18800] =	vst v63  }
0x4aa: {  	s25 =	sadd.s32 $0x300, s20;
	s3 =	simm.s32 $0x12100  }
0x4ab: {  	[hbm4b:s25+s24] =	stream.linear.scatter [tilespmem:s3], [sflag:$0x3], $0x100, $0x38;
	[tilespmem:$0x18800] =	vst v63  }
0x4ac: {  	s25 =	sadd.s32 $0x380, s20;
	s3 =	simm.s32 $0x12500  }
0x4ad: {  	[hbm4b:s25+s24] =	stream.linear.scatter [tilespmem:s3], [sflag:$0x3], $0x100, $0x38;
	[tilespmem:$0x18800] =	vst v63  }
0x4ae: {  	s25 =	sadd.s32 $0x400, s20;
	s3 =	simm.s32 $0x12900  }
0x4af: {  	[hbm4b:s25+s24] =	stream.linear.scatter [tilespmem:s3], [sflag:$0x3], $0x100, $0x38;
	[tilespmem:$0x18800] =	vst v63  }
0x4b0: {  	s25 =	sadd.s32 $0x480, s20;
	s3 =	simm.s32 $0x12D00  }
0x4b1: {  	[hbm4b:s25+s24] =	stream.linear.scatter [tilespmem:s3], [sflag:$0x3], $0x100, $0x38;
	[tilespmem:$0x18800] =	vst v63  }
0x4b2: {  	s25 =	sadd.s32 $0x500, s20;
	s3 =	simm.s32 $0x13100  }
0x4b3: {  	[hbm4b:s25+s24] =	stream.linear.scatter [tilespmem:s3], [sflag:$0x3], $0x100, $0x38;
	[tilespmem:$0x18800] =	vst v63  }
0x4b4: {  	s25 =	sadd.s32 $0x580, s20;
	s3 =	simm.s32 $0x13500  }
0x4b5: {  	[hbm4b:s25+s24] =	stream.linear.scatter [tilespmem:s3], [sflag:$0x3], $0x100, $0x38;
	[tilespmem:$0x18800] =	vst v63  }
0x4b6: {  	s25 =	sadd.s32 $0x600, s20;
	s3 =	simm.s32 $0x13900  }
0x4b7: {  	[hbm4b:s25+s24] =	stream.linear.scatter [tilespmem:s3], [sflag:$0x3], $0x100, $0x38;
	[tilespmem:$0x18800] =	vst v63  }
0x4b8: {  	s25 =	sadd.s32 $0x680, s20;
	s3 =	simm.s32 $0x13D00  }
0x4b9: {  	[hbm4b:s25+s24] =	stream.linear.scatter [tilespmem:s3], [sflag:$0x3], $0x100, $0x38;
	[tilespmem:$0x18800] =	vst v63  }
0x4ba: {  	s25 =	sadd.s32 $0x700, s20;
	s3 =	simm.s32 $0x14100  }
0x4bb: {  	[hbm4b:s25+s24] =	stream.linear.scatter [tilespmem:s3], [sflag:$0x3], $0x100, $0x38;
	[tilespmem:$0x18800] =	vst v63  }
0x4bc: {  	s20 =	sadd.s32 $0x780, s20;
	s25 =	simm.s32 $0x14500  }
0x4bd: {  	[hbm4b:s20+s24] =	stream.linear.scatter [tilespmem:s25], [sflag:$0x3], $0x100, $0x38;
	[tilespmem:$0x18800] =	vst v63  }
0x4be: {  	s20 =	simm.s32 $0x0  }
0x4bf: {  	v2 =	vld [tilespmem:s20+$0x8A70]  }
0x4c0: {  	v3 =	vld [tilespmem:s20+$0x8A00]  }
0x4c1: {  	v4 =	vld [tilespmem:s20+$0x8A10]  }
0x4c2: {  	v5 =	vld [tilespmem:s20+$0x8A20]  }
0x4c3: {  	v6 =	vld [tilespmem:s20+$0x8A30]  }
0x4c4: {  	v7 =	vld [tilespmem:s20+$0x8A40]  }
0x4c5: {  	v8 =	vld [tilespmem:s20+$0x8A50]  }
0x4c6: {  	[tilespmem:s20+$0x10A70] =	vst.add.f32.msk $0xffff, v2  }
0x4c7: {  	v2 =	vld [tilespmem:s20+$0x8A60]  }
0x4c8: {  	[tilespmem:s20+$0x10A00] =	vst.add.f32.msk $0xffff, v3  }
0x4c9: {  	[tilespmem:s20+$0x10A10] =	vst.add.f32.msk $0xffff, v4  }
0x4ca: {  	[tilespmem:s20+$0x10A20] =	vst.add.f32.msk $0xffff, v5  }
0x4cb: {  	[tilespmem:s20+$0x10A30] =	vst.add.f32.msk $0xffff, v6  }
0x4cc: {  	[tilespmem:s20+$0x10A40] =	vst.add.f32.msk $0xffff, v7  }
0x4cd: {  	s24 =	simm.s32 $0x0;
	s25 =	simm.s32 $0x1000;
	[tilespmem:s20+$0x10A50] =	vst.add.f32.msk $0xffff, v8  }
.LBB2_43:
0x4ce: {  	s24 =	sadd.s32 $0x8, s24;
	[tilespmem:s20+$0x10A60] =	vst.add.f32.msk $0xffff, v2;
	s20 =	sshra.s32 s25, $0x2  }
0x4cf: {  	v2 =	vld [tilespmem:s20+$0x8A70];
	p0 =	slt.u32 s24, $0x78  }
0x4d0: {  	v3 =	vld [tilespmem:s20+$0x8A00]  }
0x4d1: {  	v4 =	vld [tilespmem:s20+$0x8A10]  }
0x4d2: {  	v5 =	vld [tilespmem:s20+$0x8A20]  }
0x4d3: {  	v6 =	vld [tilespmem:s20+$0x8A30]  }
0x4d4: {  	[tilespmem:s20+$0x10A70] =	vst.add.f32.msk $0xffff, v2  }
0x4d5: {  	v7 =	vld [tilespmem:s20+$0x8A40]  }
0x4d6: {  	v8 =	vld [tilespmem:s20+$0x8A50]  }
0x4d7: {  	v2 =	vld [tilespmem:s20+$0x8A60]  }
0x4d8: {  	[tilespmem:s20+$0x10A00] =	vst.add.f32.msk $0xffff, v3  }
.Ltmp20:
0x4d9: {  	[tilespmem:s20+$0x10A10] =	vst.add.f32.msk $0xffff, v4;
	(pc) =	sbr.rel @p0 .LBB2_43-.Ltmp20, $4  }
0x4da: {  	[tilespmem:s20+$0x10A20] =	vst.add.f32.msk $0xffff, v5  }
0x4db: {  	[tilespmem:s20+$0x10A30] =	vst.add.f32.msk $0xffff, v6  }
0x4dc: {  	[tilespmem:s20+$0x10A40] =	vst.add.f32.msk $0xffff, v7  }
0x4dd: {  	s25 =	sadd.s32 $0x1000, s25;
	[tilespmem:s20+$0x10A50] =	vst.add.f32.msk $0xffff, v8  }
0x4de: {  	[tilespmem:s20+$0x10A60] =	vst.add.f32.msk $0xffff, v2;
	s20 =	simm.s32 $0x0  }
0x4df: {  	v2 =	vld [tilespmem:s20+$0x8AF0]  }
0x4e0: {  	v3 =	vld [tilespmem:s20+$0x8A80]  }
0x4e1: {  	v4 =	vld [tilespmem:s20+$0x8A90]  }
0x4e2: {  	v5 =	vld [tilespmem:s20+$0x8AA0]  }
0x4e3: {  	v6 =	vld [tilespmem:s20+$0x8AB0]  }
0x4e4: {  	v7 =	vld [tilespmem:s20+$0x8AC0]  }
0x4e5: {  	v8 =	vld [tilespmem:s20+$0x8AD0]  }
0x4e6: {  	[tilespmem:s20+$0x10AF0] =	vst.add.f32.msk $0xffff, v2  }
0x4e7: {  	v2 =	vld [tilespmem:s20+$0x8AE0]  }
0x4e8: {  	[tilespmem:s20+$0x10A80] =	vst.add.f32.msk $0xffff, v3  }
0x4e9: {  	[tilespmem:s20+$0x10A90] =	vst.add.f32.msk $0xffff, v4  }
0x4ea: {  	[tilespmem:s20+$0x10AA0] =	vst.add.f32.msk $0xffff, v5  }
0x4eb: {  	[tilespmem:s20+$0x10AB0] =	vst.add.f32.msk $0xffff, v6  }
0x4ec: {  	[tilespmem:s20+$0x10AC0] =	vst.add.f32.msk $0xffff, v7  }
0x4ed: {  	s24 =	simm.s32 $0x0;
	s25 =	simm.s32 $0x1000;
	[tilespmem:s20+$0x10AD0] =	vst.add.f32.msk $0xffff, v8  }
.LBB2_45:
0x4ee: {  	s24 =	sadd.s32 $0x8, s24;
	[tilespmem:s20+$0x10AE0] =	vst.add.f32.msk $0xffff, v2;
	s20 =	sshra.s32 s25, $0x2  }
0x4ef: {  	v2 =	vld [tilespmem:s20+$0x8AF0];
	p0 =	slt.u32 s24, $0x78  }
0x4f0: {  	v3 =	vld [tilespmem:s20+$0x8A80]  }
0x4f1: {  	v4 =	vld [tilespmem:s20+$0x8A90]  }
0x4f2: {  	v5 =	vld [tilespmem:s20+$0x8AA0]  }
0x4f3: {  	v6 =	vld [tilespmem:s20+$0x8AB0]  }
0x4f4: {  	[tilespmem:s20+$0x10AF0] =	vst.add.f32.msk $0xffff, v2  }
0x4f5: {  	v7 =	vld [tilespmem:s20+$0x8AC0]  }
0x4f6: {  	v8 =	vld [tilespmem:s20+$0x8AD0]  }
0x4f7: {  	v2 =	vld [tilespmem:s20+$0x8AE0]  }
0x4f8: {  	[tilespmem:s20+$0x10A80] =	vst.add.f32.msk $0xffff, v3  }
.Ltmp21:
0x4f9: {  	[tilespmem:s20+$0x10A90] =	vst.add.f32.msk $0xffff, v4;
	(pc) =	sbr.rel @p0 .LBB2_45-.Ltmp21, $4  }
0x4fa: {  	[tilespmem:s20+$0x10AA0] =	vst.add.f32.msk $0xffff, v5  }
0x4fb: {  	[tilespmem:s20+$0x10AB0] =	vst.add.f32.msk $0xffff, v6  }
0x4fc: {  	[tilespmem:s20+$0x10AC0] =	vst.add.f32.msk $0xffff, v7  }
0x4fd: {  	s25 =	sadd.s32 $0x1000, s25;
	[tilespmem:s20+$0x10AD0] =	vst.add.f32.msk $0xffff, v8  }
0x4fe: {  	[tilespmem:s20+$0x10AE0] =	vst.add.f32.msk $0xffff, v2  }
0x4ff: {  	s20 =	sld [smem:$0x7F8];
	_ =	sdelay $0x2  }
0x500: {  	s24 =	simm.s32 $0x0;
	s3 =	simm.s32 $0x10A00;
	s20 =	sadd.s32 s16, s20  }
0x501: {  	[hbm4b:s20+s24] =	stream.linear.scatter [tilespmem:s3], [sflag:$0x3], $0x100, $0x38;
	[tilespmem:$0x18800] =	vst v63  }
0x502: {  	s25 =	sadd.s32 $0x80, s20;
	s3 =	simm.s32 $0x10E00  }
0x503: {  	[hbm4b:s25+s24] =	stream.linear.scatter [tilespmem:s3], [sflag:$0x3], $0x100, $0x38;
	[tilespmem:$0x18800] =	vst v63  }
0x504: {  	s25 =	sadd.s32 $0x100, s20;
	s3 =	simm.s32 $0x11200  }
0x505: {  	[hbm4b:s25+s24] =	stream.linear.scatter [tilespmem:s3], [sflag:$0x3], $0x100, $0x38;
	[tilespmem:$0x18800] =	vst v63  }
0x506: {  	s25 =	sadd.s32 $0x180, s20;
	s3 =	simm.s32 $0x11600  }
0x507: {  	[hbm4b:s25+s24] =	stream.linear.scatter [tilespmem:s3], [sflag:$0x3], $0x100, $0x38;
	[tilespmem:$0x18800] =	vst v63  }
0x508: {  	s25 =	sadd.s32 $0x200, s20;
	s3 =	simm.s32 $0x11A00  }
0x509: {  	[hbm4b:s25+s24] =	stream.linear.scatter [tilespmem:s3], [sflag:$0x3], $0x100, $0x38;
	[tilespmem:$0x18800] =	vst v63  }
0x50a: {  	s25 =	sadd.s32 $0x280, s20;
	s3 =	simm.s32 $0x11E00  }
0x50b: {  	[hbm4b:s25+s24] =	stream.linear.scatter [tilespmem:s3], [sflag:$0x3], $0x100, $0x38;
	[tilespmem:$0x18800] =	vst v63  }
0x50c: {  	s25 =	sadd.s32 $0x300, s20;
	s3 =	simm.s32 $0x12200  }
0x50d: {  	[hbm4b:s25+s24] =	stream.linear.scatter [tilespmem:s3], [sflag:$0x3], $0x100, $0x38;
	[tilespmem:$0x18800] =	vst v63  }
0x50e: {  	s25 =	sadd.s32 $0x380, s20;
	s3 =	simm.s32 $0x12600  }
0x50f: {  	[hbm4b:s25+s24] =	stream.linear.scatter [tilespmem:s3], [sflag:$0x3], $0x100, $0x38;
	[tilespmem:$0x18800] =	vst v63  }
0x510: {  	s25 =	sadd.s32 $0x400, s20;
	s3 =	simm.s32 $0x12A00  }
0x511: {  	[hbm4b:s25+s24] =	stream.linear.scatter [tilespmem:s3], [sflag:$0x3], $0x100, $0x38;
	[tilespmem:$0x18800] =	vst v63  }
0x512: {  	s25 =	sadd.s32 $0x480, s20;
	s3 =	simm.s32 $0x12E00  }
0x513: {  	[hbm4b:s25+s24] =	stream.linear.scatter [tilespmem:s3], [sflag:$0x3], $0x100, $0x38;
	[tilespmem:$0x18800] =	vst v63  }
0x514: {  	s25 =	sadd.s32 $0x500, s20;
	s3 =	simm.s32 $0x13200  }
0x515: {  	[hbm4b:s25+s24] =	stream.linear.scatter [tilespmem:s3], [sflag:$0x3], $0x100, $0x38;
	[tilespmem:$0x18800] =	vst v63  }
0x516: {  	s25 =	sadd.s32 $0x580, s20;
	s3 =	simm.s32 $0x13600  }
0x517: {  	[hbm4b:s25+s24] =	stream.linear.scatter [tilespmem:s3], [sflag:$0x3], $0x100, $0x38;
	[tilespmem:$0x18800] =	vst v63  }
0x518: {  	s25 =	sadd.s32 $0x600, s20;
	s3 =	simm.s32 $0x13A00  }
0x519: {  	[hbm4b:s25+s24] =	stream.linear.scatter [tilespmem:s3], [sflag:$0x3], $0x100, $0x38;
	[tilespmem:$0x18800] =	vst v63  }
0x51a: {  	s25 =	sadd.s32 $0x680, s20;
	s3 =	simm.s32 $0x13E00  }
0x51b: {  	[hbm4b:s25+s24] =	stream.linear.scatter [tilespmem:s3], [sflag:$0x3], $0x100, $0x38;
	[tilespmem:$0x18800] =	vst v63  }
0x51c: {  	s25 =	sadd.s32 $0x700, s20;
	s3 =	simm.s32 $0x14200  }
0x51d: {  	[hbm4b:s25+s24] =	stream.linear.scatter [tilespmem:s3], [sflag:$0x3], $0x100, $0x38;
	[tilespmem:$0x18800] =	vst v63  }
0x51e: {  	s20 =	sadd.s32 $0x780, s20;
	s25 =	simm.s32 $0x14600  }
0x51f: {  	[hbm4b:s20+s24] =	stream.linear.scatter [tilespmem:s25], [sflag:$0x3], $0x100, $0x38;
	[tilespmem:$0x18800] =	vst v63  }
0x520: {  	s20 =	simm.s32 $0x0  }
0x521: {  	v2 =	vld [tilespmem:s20+$0x8B70]  }
0x522: {  	v3 =	vld [tilespmem:s20+$0x8B00]  }
0x523: {  	v4 =	vld [tilespmem:s20+$0x8B10]  }
0x524: {  	v5 =	vld [tilespmem:s20+$0x8B20]  }
0x525: {  	v6 =	vld [tilespmem:s20+$0x8B30]  }
0x526: {  	v7 =	vld [tilespmem:s20+$0x8B40]  }
0x527: {  	v8 =	vld [tilespmem:s20+$0x8B50]  }
0x528: {  	[tilespmem:s20+$0x10B70] =	vst.add.f32.msk $0xffff, v2  }
0x529: {  	v2 =	vld [tilespmem:s20+$0x8B60]  }
0x52a: {  	[tilespmem:s20+$0x10B00] =	vst.add.f32.msk $0xffff, v3  }
0x52b: {  	[tilespmem:s20+$0x10B10] =	vst.add.f32.msk $0xffff, v4  }
0x52c: {  	[tilespmem:s20+$0x10B20] =	vst.add.f32.msk $0xffff, v5  }
0x52d: {  	[tilespmem:s20+$0x10B30] =	vst.add.f32.msk $0xffff, v6  }
0x52e: {  	[tilespmem:s20+$0x10B40] =	vst.add.f32.msk $0xffff, v7  }
0x52f: {  	s24 =	simm.s32 $0x0;
	s25 =	simm.s32 $0x1000;
	[tilespmem:s20+$0x10B50] =	vst.add.f32.msk $0xffff, v8  }
.LBB2_47:
0x530: {  	s24 =	sadd.s32 $0x8, s24;
	[tilespmem:s20+$0x10B60] =	vst.add.f32.msk $0xffff, v2;
	s20 =	sshra.s32 s25, $0x2  }
0x531: {  	v2 =	vld [tilespmem:s20+$0x8B70];
	p0 =	slt.u32 s24, $0x78  }
0x532: {  	v3 =	vld [tilespmem:s20+$0x8B00]  }
0x533: {  	v4 =	vld [tilespmem:s20+$0x8B10]  }
0x534: {  	v5 =	vld [tilespmem:s20+$0x8B20]  }
0x535: {  	v6 =	vld [tilespmem:s20+$0x8B30]  }
0x536: {  	[tilespmem:s20+$0x10B70] =	vst.add.f32.msk $0xffff, v2  }
0x537: {  	v7 =	vld [tilespmem:s20+$0x8B40]  }
0x538: {  	v8 =	vld [tilespmem:s20+$0x8B50]  }
0x539: {  	v2 =	vld [tilespmem:s20+$0x8B60]  }
0x53a: {  	[tilespmem:s20+$0x10B00] =	vst.add.f32.msk $0xffff, v3  }
.Ltmp22:
0x53b: {  	[tilespmem:s20+$0x10B10] =	vst.add.f32.msk $0xffff, v4;
	(pc) =	sbr.rel @p0 .LBB2_47-.Ltmp22, $4  }
0x53c: {  	[tilespmem:s20+$0x10B20] =	vst.add.f32.msk $0xffff, v5  }
0x53d: {  	[tilespmem:s20+$0x10B30] =	vst.add.f32.msk $0xffff, v6  }
0x53e: {  	[tilespmem:s20+$0x10B40] =	vst.add.f32.msk $0xffff, v7  }
0x53f: {  	s25 =	sadd.s32 $0x1000, s25;
	[tilespmem:s20+$0x10B50] =	vst.add.f32.msk $0xffff, v8  }
0x540: {  	[tilespmem:s20+$0x10B60] =	vst.add.f32.msk $0xffff, v2;
	s20 =	simm.s32 $0x0  }
0x541: {  	v2 =	vld [tilespmem:s20+$0x8BF0]  }
0x542: {  	v3 =	vld [tilespmem:s20+$0x8B80]  }
0x543: {  	v4 =	vld [tilespmem:s20+$0x8B90]  }
0x544: {  	v5 =	vld [tilespmem:s20+$0x8BA0]  }
0x545: {  	v6 =	vld [tilespmem:s20+$0x8BB0]  }
0x546: {  	v7 =	vld [tilespmem:s20+$0x8BC0]  }
0x547: {  	v8 =	vld [tilespmem:s20+$0x8BD0]  }
0x548: {  	[tilespmem:s20+$0x10BF0] =	vst.add.f32.msk $0xffff, v2  }
0x549: {  	v2 =	vld [tilespmem:s20+$0x8BE0]  }
0x54a: {  	[tilespmem:s20+$0x10B80] =	vst.add.f32.msk $0xffff, v3  }
0x54b: {  	[tilespmem:s20+$0x10B90] =	vst.add.f32.msk $0xffff, v4  }
0x54c: {  	[tilespmem:s20+$0x10BA0] =	vst.add.f32.msk $0xffff, v5  }
0x54d: {  	[tilespmem:s20+$0x10BB0] =	vst.add.f32.msk $0xffff, v6  }
0x54e: {  	[tilespmem:s20+$0x10BC0] =	vst.add.f32.msk $0xffff, v7  }
0x54f: {  	s24 =	simm.s32 $0x0;
	s25 =	simm.s32 $0x1000;
	[tilespmem:s20+$0x10BD0] =	vst.add.f32.msk $0xffff, v8  }
.LBB2_49:
0x550: {  	s24 =	sadd.s32 $0x8, s24;
	[tilespmem:s20+$0x10BE0] =	vst.add.f32.msk $0xffff, v2;
	s20 =	sshra.s32 s25, $0x2  }
0x551: {  	v2 =	vld [tilespmem:s20+$0x8BF0];
	p0 =	slt.u32 s24, $0x78  }
0x552: {  	v3 =	vld [tilespmem:s20+$0x8B80]  }
0x553: {  	v4 =	vld [tilespmem:s20+$0x8B90]  }
0x554: {  	v5 =	vld [tilespmem:s20+$0x8BA0]  }
0x555: {  	v6 =	vld [tilespmem:s20+$0x8BB0]  }
0x556: {  	[tilespmem:s20+$0x10BF0] =	vst.add.f32.msk $0xffff, v2  }
0x557: {  	v7 =	vld [tilespmem:s20+$0x8BC0]  }
0x558: {  	v8 =	vld [tilespmem:s20+$0x8BD0]  }
0x559: {  	v2 =	vld [tilespmem:s20+$0x8BE0]  }
0x55a: {  	[tilespmem:s20+$0x10B80] =	vst.add.f32.msk $0xffff, v3  }
.Ltmp23:
0x55b: {  	[tilespmem:s20+$0x10B90] =	vst.add.f32.msk $0xffff, v4;
	(pc) =	sbr.rel @p0 .LBB2_49-.Ltmp23, $4  }
0x55c: {  	[tilespmem:s20+$0x10BA0] =	vst.add.f32.msk $0xffff, v5  }
0x55d: {  	[tilespmem:s20+$0x10BB0] =	vst.add.f32.msk $0xffff, v6  }
0x55e: {  	[tilespmem:s20+$0x10BC0] =	vst.add.f32.msk $0xffff, v7  }
0x55f: {  	s25 =	sadd.s32 $0x1000, s25;
	[tilespmem:s20+$0x10BD0] =	vst.add.f32.msk $0xffff, v8  }
0x560: {  	[tilespmem:s20+$0x10BE0] =	vst.add.f32.msk $0xffff, v2  }
0x561: {  	s20 =	sld [smem:$0x7F9];
	_ =	sdelay $0x2  }
0x562: {  	s3 =	simm.s32 $0x10B00;
	s20 =	sadd.s32 s16, s20  }
0x563: {  	[hbm4b:s20+s4] =	stream.linear.scatter [tilespmem:s3], [sflag:$0x3], $0x100, $0x38;
	[tilespmem:$0x18800] =	vst v63  }
0x564: {  	s25 =	simm.s32 $0x10F00;
	s24 =	sadd.s32 $0x80, s20  }
0x565: {  	[hbm4b:s24+s4] =	stream.linear.scatter [tilespmem:s25], [sflag:$0x3], $0x100, $0x38;
	[tilespmem:$0x18800] =	vst v63  }
0x566: {  	s3 =	sadd.s32 $0x100, s20;
	s25 =	simm.s32 $0x11300  }
0x567: {  	[hbm4b:s3+s4] =	stream.linear.scatter [tilespmem:s25], [sflag:$0x3], $0x100, $0x38;
	[tilespmem:$0x18800] =	vst v63  }
0x568: {  	s3 =	sadd.s32 $0x180, s20;
	s25 =	simm.s32 $0x11700  }
0x569: {  	[hbm4b:s3+s4] =	stream.linear.scatter [tilespmem:s25], [sflag:$0x3], $0x100, $0x38;
	[tilespmem:$0x18800] =	vst v63  }
0x56a: {  	s3 =	sadd.s32 $0x200, s20;
	s25 =	simm.s32 $0x11B00  }
0x56b: {  	[hbm4b:s3+s4] =	stream.linear.scatter [tilespmem:s25], [sflag:$0x3], $0x100, $0x38;
	[tilespmem:$0x18800] =	vst v63  }
0x56c: {  	s3 =	sadd.s32 $0x280, s20;
	s25 =	simm.s32 $0x11F00  }
0x56d: {  	[hbm4b:s3+s4] =	stream.linear.scatter [tilespmem:s25], [sflag:$0x3], $0x100, $0x38;
	[tilespmem:$0x18800] =	vst v63  }
0x56e: {  	s3 =	sadd.s32 $0x300, s20;
	s25 =	simm.s32 $0x12300  }
0x56f: {  	[hbm4b:s3+s4] =	stream.linear.scatter [tilespmem:s25], [sflag:$0x3], $0x100, $0x38;
	[tilespmem:$0x18800] =	vst v63  }
0x570: {  	s3 =	sadd.s32 $0x380, s20;
	s25 =	simm.s32 $0x12700  }
0x571: {  	[hbm4b:s3+s4] =	stream.linear.scatter [tilespmem:s25], [sflag:$0x3], $0x100, $0x38;
	[tilespmem:$0x18800] =	vst v63  }
0x572: {  	s3 =	sadd.s32 $0x400, s20;
	s25 =	simm.s32 $0x12B00  }
0x573: {  	[hbm4b:s3+s4] =	stream.linear.scatter [tilespmem:s25], [sflag:$0x3], $0x100, $0x38;
	[tilespmem:$0x18800] =	vst v63  }
0x574: {  	s3 =	sadd.s32 $0x480, s20;
	s25 =	simm.s32 $0x12F00  }
0x575: {  	[hbm4b:s3+s4] =	stream.linear.scatter [tilespmem:s25], [sflag:$0x3], $0x100, $0x38;
	[tilespmem:$0x18800] =	vst v63  }
0x576: {  	s3 =	sadd.s32 $0x500, s20;
	s25 =	simm.s32 $0x13300  }
0x577: {  	[hbm4b:s3+s4] =	stream.linear.scatter [tilespmem:s25], [sflag:$0x3], $0x100, $0x38;
	[tilespmem:$0x18800] =	vst v63  }
0x578: {  	s3 =	sadd.s32 $0x580, s20;
	s25 =	simm.s32 $0x13700  }
0x579: {  	[hbm4b:s3+s4] =	stream.linear.scatter [tilespmem:s25], [sflag:$0x3], $0x100, $0x38;
	[tilespmem:$0x18800] =	vst v63  }
0x57a: {  	s3 =	sadd.s32 $0x600, s20;
	s25 =	simm.s32 $0x13B00  }
0x57b: {  	[hbm4b:s3+s4] =	stream.linear.scatter [tilespmem:s25], [sflag:$0x3], $0x100, $0x38;
	[tilespmem:$0x18800] =	vst v63  }
0x57c: {  	s3 =	sadd.s32 $0x680, s20;
	s25 =	simm.s32 $0x13F00  }
0x57d: {  	[hbm4b:s3+s4] =	stream.linear.scatter [tilespmem:s25], [sflag:$0x3], $0x100, $0x38;
	[tilespmem:$0x18800] =	vst v63  }
0x57e: {  	s3 =	sadd.s32 $0x700, s20;
	s25 =	simm.s32 $0x14300  }
0x57f: {  	[hbm4b:s3+s4] =	stream.linear.scatter [tilespmem:s25], [sflag:$0x3], $0x100, $0x38;
	[tilespmem:$0x18800] =	vst v63  }
0x580: {  	p0 =	seq.s32 s15, $0xF;
	s20 =	sadd.s32 $0x780, s20;
	s25 =	simm.s32 $0x14700  }
0x581: {  	[hbm4b:s20+s4] =	stream.linear.scatter [tilespmem:s25], [sflag:$0x3], $0x100, $0x38;
	[tilespmem:$0x18800] =	vst v63  }
0x582: {  	s20 =	simm.s32 @!p0 $0x3  }
0x583: {  	_ =	swait.ge @!p0 [sflag:s20], $0x4000  }
0x584: {  	[sflag:s20] =	ssyncset.done @!p0 $0x0  }
0x585: {  	[sflag:s20] =	ssyncadd.s32 @!p0 $0xFFFFC000  }
0x586: {  	v2 =	vld.msk @!p0 [tilespmem:s19+$0x80], $0xff;
	_ =	sdelay $0x4  }
0x587: {  	v3 =	vshll.u32 @!p0 v2, $0x4  }
0x588: {  	v4 =	vlaneseq.u32 @!p0;
	v2 =	vand.u32 @!p0 $0x7, v2;
	v3 =	vand.u32 @!p0 $0xFFFFFF80, v3  }
0x589: {  	v2 =	vor.u32 @!p0 v2, v3;
	v3 =	vand.u32 @!p0 $0x7, v4;
	v4 =	vshrl.u32 @!p0 v4, $0x3  }
0x58a: {  	v2 =	vperm.xlane @!p0 v2, v3;
	v3 =	vmul.u32 @!p0 $0x8, v4;
	_ =	sdelay $0x1  }
0x58b: {  	v2 =	vadd.s32 @!p0 v3, v2;
	_ =	sdelay $0x3  }
0x58c: {  	vm1 =	vmmov @!p0 $0xffff;
	s20 =	simm.s32 @!p0 $0x10800;
	s19 =	simm.s32 @!p0 $0x0  }
0x58d: {  	[tilespmem:s20], [sflag:$0x1] =	stream.indirect_vreg.gather @!p0 [hbm4b:s1+s19], $0x80, v2, vm1, $0xb8;
	[tilespmem:$0x18800] =	vst v63  }
0x58e: {  	s20 =	simm.s32 @!p0 $0x11000  }
0x58f: {  	[tilespmem:s20], [sflag:$0x1] =	stream.indirect_vreg.gather @!p0 [hbm4b:s22+s19], $0x80, v2, vm1, $0xb8;
	[tilespmem:$0x18800] =	vst v63  }
0x590: {  	s20 =	simm.s32 @!p0 $0x11800  }
0x591: {  	[tilespmem:s20], [sflag:$0x1] =	stream.indirect_vreg.gather @!p0 [hbm4b:s23+s19], $0x80, v2, vm1, $0xb8;
	[tilespmem:$0x18800] =	vst v63  }
0x592: {  	s20 =	simm.s32 @!p0 $0x12000  }
0x593: {  	[tilespmem:s20], [sflag:$0x1] =	stream.indirect_vreg.gather @!p0 [hbm4b:s26+s19], $0x80, v2, vm1, $0xb8;
	[tilespmem:$0x18800] =	vst v63  }
0x594: {  	s20 =	simm.s32 @!p0 $0x12800  }
0x595: {  	[tilespmem:s20], [sflag:$0x1] =	stream.indirect_vreg.gather @!p0 [hbm4b:s28+s19], $0x80, v2, vm1, $0xb8;
	[tilespmem:$0x18800] =	vst v63  }
0x596: {  	s20 =	simm.s32 @!p0 $0x13000  }
0x597: {  	[tilespmem:s20], [sflag:$0x1] =	stream.indirect_vreg.gather @!p0 [hbm4b:s29+s19], $0x80, v2, vm1, $0xb8;
	[tilespmem:$0x18800] =	vst v63  }
0x598: {  	s20 =	simm.s32 @!p0 $0x13800  }
0x599: {  	[tilespmem:s20], [sflag:$0x1] =	stream.indirect_vreg.gather @!p0 [hbm4b:s30+s19], $0x80, v2, vm1, $0xb8;
	[tilespmem:$0x18800] =	vst v63  }
0x59a: {  	s20 =	simm.s32 @!p0 $0x14000  }
0x59b: {  	[tilespmem:s20], [sflag:$0x1] =	stream.indirect_vreg.gather @!p0 [hbm4b:s31+s19], $0x80, v2, vm1, $0xb8;
	[tilespmem:$0x18800] =	vst v63  }
0x59c: {  	_ =	swait.ge [sflag:s18], $0x4000  }
0x59d: {  	[sflag:s18] =	ssyncset.done $0x0  }
0x59e: {  	s19 =	simm.s32 $0x0;
	[sflag:s18] =	ssyncadd.s32 $0xFFFFC000  }
0x59f: {  	v2 =	vld [tilespmem:s19+$0xC870]  }
0x5a0: {  	v3 =	vld [tilespmem:s19+$0xC800]  }
0x5a1: {  	v63 =	vld [tilespmem:s19+$0xC810]  }
0x5a2: {  	v5 =	vld [tilespmem:s19+$0xC820]  }
0x5a3: {  	v6 =	vld [tilespmem:s19+$0xC830]  }
0x5a4: {  	v7 =	vld [tilespmem:s19+$0xC840]  }
0x5a5: {  	v8 =	vld [tilespmem:s19+$0xC850]  }
0x5a6: {  	[tilespmem:s19+$0x14870] =	vst.add.f32.msk $0xffff, v2  }
0x5a7: {  	v2 =	vld [tilespmem:s19+$0xC860]  }
0x5a8: {  	[tilespmem:s19+$0x14800] =	vst.add.f32.msk $0xffff, v3  }
0x5a9: {  	[tilespmem:s19+$0x14810] =	vst.add.f32.msk $0xffff, v63  }
0x5aa: {  	[tilespmem:s19+$0x14820] =	vst.add.f32.msk $0xffff, v5  }
0x5ab: {  	[tilespmem:s19+$0x14830] =	vst.add.f32.msk $0xffff, v6  }
0x5ac: {  	[tilespmem:s19+$0x14840] =	vst.add.f32.msk $0xffff, v7  }
0x5ad: {  	s24 =	simm.s32 $0x1000;
	s20 =	simm.s32 $0x0;
	[tilespmem:s19+$0x14850] =	vst.add.f32.msk $0xffff, v8  }
.LBB2_51:
0x5ae: {  	s20 =	sadd.s32 $0x8, s20;
	[tilespmem:s19+$0x14860] =	vst.add.f32.msk $0xffff, v2;
	s19 =	sshra.s32 s24, $0x2  }
0x5af: {  	v2 =	vld [tilespmem:s19+$0xC870];
	p0 =	slt.u32 s20, $0x78  }
0x5b0: {  	v3 =	vld [tilespmem:s19+$0xC800]  }
0x5b1: {  	v4 =	vld [tilespmem:s19+$0xC810]  }
0x5b2: {  	v5 =	vld [tilespmem:s19+$0xC820]  }
0x5b3: {  	v6 =	vld [tilespmem:s19+$0xC830]  }
0x5b4: {  	[tilespmem:s19+$0x14870] =	vst.add.f32.msk $0xffff, v2  }
0x5b5: {  	v7 =	vld [tilespmem:s19+$0xC840]  }
0x5b6: {  	v8 =	vld [tilespmem:s19+$0xC850]  }
0x5b7: {  	v2 =	vld [tilespmem:s19+$0xC860]  }
0x5b8: {  	[tilespmem:s19+$0x14800] =	vst.add.f32.msk $0xffff, v3  }
.Ltmp24:
0x5b9: {  	[tilespmem:s19+$0x14810] =	vst.add.f32.msk $0xffff, v4;
	(pc) =	sbr.rel @p0 .LBB2_51-.Ltmp24, $4  }
0x5ba: {  	[tilespmem:s19+$0x14820] =	vst.add.f32.msk $0xffff, v5  }
0x5bb: {  	[tilespmem:s19+$0x14830] =	vst.add.f32.msk $0xffff, v6  }
0x5bc: {  	[tilespmem:s19+$0x14840] =	vst.add.f32.msk $0xffff, v7  }
0x5bd: {  	s24 =	sadd.s32 $0x1000, s24;
	[tilespmem:s19+$0x14850] =	vst.add.f32.msk $0xffff, v8  }
0x5be: {  	[tilespmem:s19+$0x14860] =	vst.add.f32.msk $0xffff, v2;
	s19 =	simm.s32 $0x0  }
0x5bf: {  	v2 =	vld [tilespmem:s19+$0xC8F0]  }
0x5c0: {  	v3 =	vld [tilespmem:s19+$0xC880]  }
0x5c1: {  	v4 =	vld [tilespmem:s19+$0xC890]  }
0x5c2: {  	v5 =	vld [tilespmem:s19+$0xC8A0]  }
0x5c3: {  	v6 =	vld [tilespmem:s19+$0xC8B0]  }
0x5c4: {  	v7 =	vld [tilespmem:s19+$0xC8C0]  }
0x5c5: {  	v8 =	vld [tilespmem:s19+$0xC8D0]  }
0x5c6: {  	[tilespmem:s19+$0x148F0] =	vst.add.f32.msk $0xffff, v2  }
0x5c7: {  	v2 =	vld [tilespmem:s19+$0xC8E0]  }
0x5c8: {  	[tilespmem:s19+$0x14880] =	vst.add.f32.msk $0xffff, v3  }
0x5c9: {  	[tilespmem:s19+$0x14890] =	vst.add.f32.msk $0xffff, v4  }
0x5ca: {  	[tilespmem:s19+$0x148A0] =	vst.add.f32.msk $0xffff, v5  }
0x5cb: {  	[tilespmem:s19+$0x148B0] =	vst.add.f32.msk $0xffff, v6  }
0x5cc: {  	[tilespmem:s19+$0x148C0] =	vst.add.f32.msk $0xffff, v7  }
0x5cd: {  	s20 =	simm.s32 $0x0;
	s24 =	simm.s32 $0x1000;
	[tilespmem:s19+$0x148D0] =	vst.add.f32.msk $0xffff, v8  }
.LBB2_53:
0x5ce: {  	s20 =	sadd.s32 $0x8, s20;
	[tilespmem:s19+$0x148E0] =	vst.add.f32.msk $0xffff, v2;
	s19 =	sshra.s32 s24, $0x2  }
0x5cf: {  	v2 =	vld [tilespmem:s19+$0xC8F0];
	p0 =	slt.u32 s20, $0x78  }
0x5d0: {  	v3 =	vld [tilespmem:s19+$0xC880]  }
0x5d1: {  	v4 =	vld [tilespmem:s19+$0xC890]  }
0x5d2: {  	v5 =	vld [tilespmem:s19+$0xC8A0]  }
0x5d3: {  	v6 =	vld [tilespmem:s19+$0xC8B0]  }
0x5d4: {  	[tilespmem:s19+$0x148F0] =	vst.add.f32.msk $0xffff, v2  }
0x5d5: {  	v7 =	vld [tilespmem:s19+$0xC8C0]  }
0x5d6: {  	v8 =	vld [tilespmem:s19+$0xC8D0]  }
0x5d7: {  	v2 =	vld [tilespmem:s19+$0xC8E0]  }
0x5d8: {  	[tilespmem:s19+$0x14880] =	vst.add.f32.msk $0xffff, v3  }
.Ltmp25:
0x5d9: {  	[tilespmem:s19+$0x14890] =	vst.add.f32.msk $0xffff, v4;
	(pc) =	sbr.rel @p0 .LBB2_53-.Ltmp25, $4  }
0x5da: {  	[tilespmem:s19+$0x148A0] =	vst.add.f32.msk $0xffff, v5  }
0x5db: {  	[tilespmem:s19+$0x148B0] =	vst.add.f32.msk $0xffff, v6  }
0x5dc: {  	[tilespmem:s19+$0x148C0] =	vst.add.f32.msk $0xffff, v7  }
0x5dd: {  	s24 =	sadd.s32 $0x1000, s24;
	[tilespmem:s19+$0x148D0] =	vst.add.f32.msk $0xffff, v8  }
0x5de: {  	[tilespmem:s19+$0x148E0] =	vst.add.f32.msk $0xffff, v2  }
0x5df: {  	s19 =	sld [smem:$0x7FA];
	_ =	sdelay $0x2  }
0x5e0: {  	s20 =	simm.s32 $0x0;
	s19 =	sadd.s32 s16, s19  }
0x5e1: {  	[hbm4b:s19+s20] =	stream.linear.scatter [tilespmem:s5], [sflag:$0x4], $0x100, $0x38;
	[tilespmem:$0x18800] =	vst v63  }
0x5e2: {  	s3 =	simm.s32 $0x14C00;
	s24 =	sadd.s32 $0x80, s19  }
0x5e3: {  	[hbm4b:s24+s20] =	stream.linear.scatter [tilespmem:s3], [sflag:$0x4], $0x100, $0x38;
	[tilespmem:$0x18800] =	vst v63  }
0x5e4: {  	s25 =	sadd.s32 $0x100, s19  }
0x5e5: {  	[hbm4b:s25+s20] =	stream.linear.scatter [tilespmem:s6], [sflag:$0x4], $0x100, $0x38;
	[tilespmem:$0x18800] =	vst v63  }
0x5e6: {  	s3 =	sadd.s32 $0x180, s19;
	s25 =	simm.s32 $0x15400  }
0x5e7: {  	[hbm4b:s3+s20] =	stream.linear.scatter [tilespmem:s25], [sflag:$0x4], $0x100, $0x38;
	[tilespmem:$0x18800] =	vst v63  }
0x5e8: {  	s25 =	sadd.s32 $0x200, s19  }
0x5e9: {  	[hbm4b:s25+s20] =	stream.linear.scatter [tilespmem:s7], [sflag:$0x4], $0x100, $0x38;
	[tilespmem:$0x18800] =	vst v63  }
0x5ea: {  	s3 =	sadd.s32 $0x280, s19;
	s25 =	simm.s32 $0x15C00  }
0x5eb: {  	[hbm4b:s3+s20] =	stream.linear.scatter [tilespmem:s25], [sflag:$0x4], $0x100, $0x38;
	[tilespmem:$0x18800] =	vst v63  }
0x5ec: {  	s25 =	sadd.s32 $0x300, s19  }
0x5ed: {  	[hbm4b:s25+s20] =	stream.linear.scatter [tilespmem:s8], [sflag:$0x4], $0x100, $0x38;
	[tilespmem:$0x18800] =	vst v63  }
0x5ee: {  	s3 =	sadd.s32 $0x380, s19;
	s25 =	simm.s32 $0x16400  }
0x5ef: {  	[hbm4b:s3+s20] =	stream.linear.scatter [tilespmem:s25], [sflag:$0x4], $0x100, $0x38;
	[tilespmem:$0x18800] =	vst v63  }
0x5f0: {  	s25 =	sadd.s32 $0x400, s19  }
0x5f1: {  	[hbm4b:s25+s20] =	stream.linear.scatter [tilespmem:s9], [sflag:$0x4], $0x100, $0x38;
	[tilespmem:$0x18800] =	vst v63  }
0x5f2: {  	s3 =	sadd.s32 $0x480, s19;
	s25 =	simm.s32 $0x16C00  }
0x5f3: {  	[hbm4b:s3+s20] =	stream.linear.scatter [tilespmem:s25], [sflag:$0x4], $0x100, $0x38;
	[tilespmem:$0x18800] =	vst v63  }
0x5f4: {  	s25 =	sadd.s32 $0x500, s19  }
0x5f5: {  	[hbm4b:s25+s20] =	stream.linear.scatter [tilespmem:s10], [sflag:$0x4], $0x100, $0x38;
	[tilespmem:$0x18800] =	vst v63  }
0x5f6: {  	s3 =	sadd.s32 $0x580, s19;
	s25 =	simm.s32 $0x17400  }
0x5f7: {  	[hbm4b:s3+s20] =	stream.linear.scatter [tilespmem:s25], [sflag:$0x4], $0x100, $0x38;
	[tilespmem:$0x18800] =	vst v63  }
0x5f8: {  	s25 =	sadd.s32 $0x600, s19  }
0x5f9: {  	[hbm4b:s25+s20] =	stream.linear.scatter [tilespmem:s11], [sflag:$0x4], $0x100, $0x38;
	[tilespmem:$0x18800] =	vst v63  }
0x5fa: {  	s3 =	sadd.s32 $0x680, s19;
	s25 =	simm.s32 $0x17C00  }
0x5fb: {  	[hbm4b:s3+s20] =	stream.linear.scatter [tilespmem:s25], [sflag:$0x4], $0x100, $0x38;
	[tilespmem:$0x18800] =	vst v63  }
0x5fc: {  	s3 =	sadd.s32 $0x700, s19  }
0x5fd: {  	[hbm4b:s3+s20] =	stream.linear.scatter [tilespmem:s12], [sflag:$0x4], $0x100, $0x38;
	[tilespmem:$0x18800] =	vst v63  }
0x5fe: {  	s19 =	sadd.s32 $0x780, s19;
	s25 =	simm.s32 $0x18400  }
0x5ff: {  	[hbm4b:s19+s20] =	stream.linear.scatter [tilespmem:s25], [sflag:$0x4], $0x100, $0x38;
	[tilespmem:$0x18800] =	vst v63  }
0x600: {  	s19 =	simm.s32 $0x0  }
0x601: {  	v2 =	vld [tilespmem:s19+$0xC970]  }
0x602: {  	v3 =	vld [tilespmem:s19+$0xC900]  }
0x603: {  	v4 =	vld [tilespmem:s19+$0xC910]  }
0x604: {  	v5 =	vld [tilespmem:s19+$0xC920]  }
0x605: {  	v6 =	vld [tilespmem:s19+$0xC930]  }
0x606: {  	v7 =	vld [tilespmem:s19+$0xC940]  }
0x607: {  	v8 =	vld [tilespmem:s19+$0xC950]  }
0x608: {  	[tilespmem:s19+$0x14970] =	vst.add.f32.msk $0xffff, v2  }
0x609: {  	v2 =	vld [tilespmem:s19+$0xC960]  }
0x60a: {  	[tilespmem:s19+$0x14900] =	vst.add.f32.msk $0xffff, v3  }
0x60b: {  	[tilespmem:s19+$0x14910] =	vst.add.f32.msk $0xffff, v4  }
0x60c: {  	[tilespmem:s19+$0x14920] =	vst.add.f32.msk $0xffff, v5  }
0x60d: {  	[tilespmem:s19+$0x14930] =	vst.add.f32.msk $0xffff, v6  }
0x60e: {  	[tilespmem:s19+$0x14940] =	vst.add.f32.msk $0xffff, v7  }
0x60f: {  	s24 =	simm.s32 $0x1000;
	s20 =	simm.s32 $0x0;
	[tilespmem:s19+$0x14950] =	vst.add.f32.msk $0xffff, v8  }
.LBB2_55:
0x610: {  	s20 =	sadd.s32 $0x8, s20;
	[tilespmem:s19+$0x14960] =	vst.add.f32.msk $0xffff, v2;
	s19 =	sshra.s32 s24, $0x2  }
0x611: {  	v2 =	vld [tilespmem:s19+$0xC970];
	p0 =	slt.u32 s20, $0x78  }
0x612: {  	v3 =	vld [tilespmem:s19+$0xC900]  }
0x613: {  	v4 =	vld [tilespmem:s19+$0xC910]  }
0x614: {  	v5 =	vld [tilespmem:s19+$0xC920]  }
0x615: {  	v6 =	vld [tilespmem:s19+$0xC930]  }
0x616: {  	[tilespmem:s19+$0x14970] =	vst.add.f32.msk $0xffff, v2  }
0x617: {  	v7 =	vld [tilespmem:s19+$0xC940]  }
0x618: {  	v8 =	vld [tilespmem:s19+$0xC950]  }
0x619: {  	v2 =	vld [tilespmem:s19+$0xC960]  }
0x61a: {  	[tilespmem:s19+$0x14900] =	vst.add.f32.msk $0xffff, v3  }
.Ltmp26:
0x61b: {  	[tilespmem:s19+$0x14910] =	vst.add.f32.msk $0xffff, v4;
	(pc) =	sbr.rel @p0 .LBB2_55-.Ltmp26, $4  }
0x61c: {  	[tilespmem:s19+$0x14920] =	vst.add.f32.msk $0xffff, v5  }
0x61d: {  	[tilespmem:s19+$0x14930] =	vst.add.f32.msk $0xffff, v6  }
0x61e: {  	[tilespmem:s19+$0x14940] =	vst.add.f32.msk $0xffff, v7  }
0x61f: {  	s24 =	sadd.s32 $0x1000, s24;
	[tilespmem:s19+$0x14950] =	vst.add.f32.msk $0xffff, v8  }
0x620: {  	[tilespmem:s19+$0x14960] =	vst.add.f32.msk $0xffff, v2;
	s19 =	simm.s32 $0x0  }
0x621: {  	v2 =	vld [tilespmem:s19+$0xC9F0]  }
0x622: {  	v3 =	vld [tilespmem:s19+$0xC980]  }
0x623: {  	v4 =	vld [tilespmem:s19+$0xC990]  }
0x624: {  	v5 =	vld [tilespmem:s19+$0xC9A0]  }
0x625: {  	v6 =	vld [tilespmem:s19+$0xC9B0]  }
0x626: {  	v7 =	vld [tilespmem:s19+$0xC9C0]  }
0x627: {  	v8 =	vld [tilespmem:s19+$0xC9D0]  }
0x628: {  	[tilespmem:s19+$0x149F0] =	vst.add.f32.msk $0xffff, v2  }
0x629: {  	v2 =	vld [tilespmem:s19+$0xC9E0]  }
0x62a: {  	[tilespmem:s19+$0x14980] =	vst.add.f32.msk $0xffff, v3  }
0x62b: {  	[tilespmem:s19+$0x14990] =	vst.add.f32.msk $0xffff, v4  }
0x62c: {  	[tilespmem:s19+$0x149A0] =	vst.add.f32.msk $0xffff, v5  }
0x62d: {  	[tilespmem:s19+$0x149B0] =	vst.add.f32.msk $0xffff, v6  }
0x62e: {  	[tilespmem:s19+$0x149C0] =	vst.add.f32.msk $0xffff, v7  }
0x62f: {  	s20 =	simm.s32 $0x0;
	s24 =	simm.s32 $0x1000;
	[tilespmem:s19+$0x149D0] =	vst.add.f32.msk $0xffff, v8  }
.LBB2_57:
0x630: {  	s20 =	sadd.s32 $0x8, s20;
	[tilespmem:s19+$0x149E0] =	vst.add.f32.msk $0xffff, v2;
	s19 =	sshra.s32 s24, $0x2  }
0x631: {  	v2 =	vld [tilespmem:s19+$0xC9F0];
	p0 =	slt.u32 s20, $0x78  }
0x632: {  	v3 =	vld [tilespmem:s19+$0xC980]  }
0x633: {  	v4 =	vld [tilespmem:s19+$0xC990]  }
0x634: {  	v5 =	vld [tilespmem:s19+$0xC9A0]  }
0x635: {  	v6 =	vld [tilespmem:s19+$0xC9B0]  }
0x636: {  	[tilespmem:s19+$0x149F0] =	vst.add.f32.msk $0xffff, v2  }
0x637: {  	v7 =	vld [tilespmem:s19+$0xC9C0]  }
0x638: {  	v8 =	vld [tilespmem:s19+$0xC9D0]  }
0x639: {  	v2 =	vld [tilespmem:s19+$0xC9E0]  }
0x63a: {  	[tilespmem:s19+$0x14980] =	vst.add.f32.msk $0xffff, v3  }
.Ltmp27:
0x63b: {  	[tilespmem:s19+$0x14990] =	vst.add.f32.msk $0xffff, v4;
	(pc) =	sbr.rel @p0 .LBB2_57-.Ltmp27, $4  }
0x63c: {  	[tilespmem:s19+$0x149A0] =	vst.add.f32.msk $0xffff, v5  }
0x63d: {  	[tilespmem:s19+$0x149B0] =	vst.add.f32.msk $0xffff, v6  }
0x63e: {  	[tilespmem:s19+$0x149C0] =	vst.add.f32.msk $0xffff, v7  }
0x63f: {  	s24 =	sadd.s32 $0x1000, s24;
	[tilespmem:s19+$0x149D0] =	vst.add.f32.msk $0xffff, v8  }
0x640: {  	[tilespmem:s19+$0x149E0] =	vst.add.f32.msk $0xffff, v2  }
0x641: {  	s19 =	sld [smem:$0x7FB];
	_ =	sdelay $0x2  }
0x642: {  	s20 =	simm.s32 $0x0;
	s3 =	simm.s32 $0x14900;
	s19 =	sadd.s32 s16, s19  }
0x643: {  	[hbm4b:s19+s20] =	stream.linear.scatter [tilespmem:s3], [sflag:$0x4], $0x100, $0x38;
	[tilespmem:$0x18800] =	vst v63  }
0x644: {  	s25 =	simm.s32 $0x14D00;
	s24 =	sadd.s32 $0x80, s19  }
0x645: {  	[hbm4b:s24+s20] =	stream.linear.scatter [tilespmem:s25], [sflag:$0x4], $0x100, $0x38;
	[tilespmem:$0x18800] =	vst v63  }
0x646: {  	s3 =	sadd.s32 $0x100, s19;
	s25 =	simm.s32 $0x15100  }
0x647: {  	[hbm4b:s3+s20] =	stream.linear.scatter [tilespmem:s25], [sflag:$0x4], $0x100, $0x38;
	[tilespmem:$0x18800] =	vst v63  }
0x648: {  	s3 =	sadd.s32 $0x180, s19;
	s25 =	simm.s32 $0x15500  }
0x649: {  	[hbm4b:s3+s20] =	stream.linear.scatter [tilespmem:s25], [sflag:$0x4], $0x100, $0x38;
	[tilespmem:$0x18800] =	vst v63  }
0x64a: {  	s3 =	sadd.s32 $0x200, s19;
	s25 =	simm.s32 $0x15900  }
0x64b: {  	[hbm4b:s3+s20] =	stream.linear.scatter [tilespmem:s25], [sflag:$0x4], $0x100, $0x38;
	[tilespmem:$0x18800] =	vst v63  }
0x64c: {  	s3 =	sadd.s32 $0x280, s19;
	s25 =	simm.s32 $0x15D00  }
0x64d: {  	[hbm4b:s3+s20] =	stream.linear.scatter [tilespmem:s25], [sflag:$0x4], $0x100, $0x38;
	[tilespmem:$0x18800] =	vst v63  }
0x64e: {  	s3 =	sadd.s32 $0x300, s19;
	s25 =	simm.s32 $0x16100  }
0x64f: {  	[hbm4b:s3+s20] =	stream.linear.scatter [tilespmem:s25], [sflag:$0x4], $0x100, $0x38;
	[tilespmem:$0x18800] =	vst v63  }
0x650: {  	s3 =	sadd.s32 $0x380, s19;
	s25 =	simm.s32 $0x16500  }
0x651: {  	[hbm4b:s3+s20] =	stream.linear.scatter [tilespmem:s25], [sflag:$0x4], $0x100, $0x38;
	[tilespmem:$0x18800] =	vst v63  }
0x652: {  	s3 =	sadd.s32 $0x400, s19;
	s25 =	simm.s32 $0x16900  }
0x653: {  	[hbm4b:s3+s20] =	stream.linear.scatter [tilespmem:s25], [sflag:$0x4], $0x100, $0x38;
	[tilespmem:$0x18800] =	vst v63  }
0x654: {  	s3 =	sadd.s32 $0x480, s19;
	s25 =	simm.s32 $0x16D00  }
0x655: {  	[hbm4b:s3+s20] =	stream.linear.scatter [tilespmem:s25], [sflag:$0x4], $0x100, $0x38;
	[tilespmem:$0x18800] =	vst v63  }
0x656: {  	s3 =	sadd.s32 $0x500, s19;
	s25 =	simm.s32 $0x17100  }
0x657: {  	[hbm4b:s3+s20] =	stream.linear.scatter [tilespmem:s25], [sflag:$0x4], $0x100, $0x38;
	[tilespmem:$0x18800] =	vst v63  }
0x658: {  	s3 =	sadd.s32 $0x580, s19;
	s25 =	simm.s32 $0x17500  }
0x659: {  	[hbm4b:s3+s20] =	stream.linear.scatter [tilespmem:s25], [sflag:$0x4], $0x100, $0x38;
	[tilespmem:$0x18800] =	vst v63  }
0x65a: {  	s3 =	sadd.s32 $0x600, s19;
	s25 =	simm.s32 $0x17900  }
0x65b: {  	[hbm4b:s3+s20] =	stream.linear.scatter [tilespmem:s25], [sflag:$0x4], $0x100, $0x38;
	[tilespmem:$0x18800] =	vst v63  }
0x65c: {  	s3 =	sadd.s32 $0x680, s19;
	s25 =	simm.s32 $0x17D00  }
0x65d: {  	[hbm4b:s3+s20] =	stream.linear.scatter [tilespmem:s25], [sflag:$0x4], $0x100, $0x38;
	[tilespmem:$0x18800] =	vst v63  }
0x65e: {  	s3 =	sadd.s32 $0x700, s19;
	s25 =	simm.s32 $0x18100  }
0x65f: {  	[hbm4b:s3+s20] =	stream.linear.scatter [tilespmem:s25], [sflag:$0x4], $0x100, $0x38;
	[tilespmem:$0x18800] =	vst v63  }
0x660: {  	s19 =	sadd.s32 $0x780, s19;
	s25 =	simm.s32 $0x18500  }
0x661: {  	[hbm4b:s19+s20] =	stream.linear.scatter [tilespmem:s25], [sflag:$0x4], $0x100, $0x38;
	[tilespmem:$0x18800] =	vst v63  }
0x662: {  	s19 =	simm.s32 $0x0  }
0x663: {  	v2 =	vld [tilespmem:s19+$0xCA70]  }
0x664: {  	v3 =	vld [tilespmem:s19+$0xCA00]  }
0x665: {  	v4 =	vld [tilespmem:s19+$0xCA10]  }
0x666: {  	v5 =	vld [tilespmem:s19+$0xCA20]  }
0x667: {  	v6 =	vld [tilespmem:s19+$0xCA30]  }
0x668: {  	v7 =	vld [tilespmem:s19+$0xCA40]  }
0x669: {  	v8 =	vld [tilespmem:s19+$0xCA50]  }
0x66a: {  	[tilespmem:s19+$0x14A70] =	vst.add.f32.msk $0xffff, v2  }
0x66b: {  	v2 =	vld [tilespmem:s19+$0xCA60]  }
0x66c: {  	[tilespmem:s19+$0x14A00] =	vst.add.f32.msk $0xffff, v3  }
0x66d: {  	[tilespmem:s19+$0x14A10] =	vst.add.f32.msk $0xffff, v4  }
0x66e: {  	[tilespmem:s19+$0x14A20] =	vst.add.f32.msk $0xffff, v5  }
0x66f: {  	[tilespmem:s19+$0x14A30] =	vst.add.f32.msk $0xffff, v6  }
0x670: {  	[tilespmem:s19+$0x14A40] =	vst.add.f32.msk $0xffff, v7  }
0x671: {  	s24 =	simm.s32 $0x1000;
	s20 =	simm.s32 $0x0;
	[tilespmem:s19+$0x14A50] =	vst.add.f32.msk $0xffff, v8  }
.LBB2_59:
0x672: {  	s20 =	sadd.s32 $0x8, s20;
	[tilespmem:s19+$0x14A60] =	vst.add.f32.msk $0xffff, v2;
	s19 =	sshra.s32 s24, $0x2  }
0x673: {  	v2 =	vld [tilespmem:s19+$0xCA70];
	p0 =	slt.u32 s20, $0x78  }
0x674: {  	v3 =	vld [tilespmem:s19+$0xCA00]  }
0x675: {  	v4 =	vld [tilespmem:s19+$0xCA10]  }
0x676: {  	v5 =	vld [tilespmem:s19+$0xCA20]  }
0x677: {  	v6 =	vld [tilespmem:s19+$0xCA30]  }
0x678: {  	[tilespmem:s19+$0x14A70] =	vst.add.f32.msk $0xffff, v2  }
0x679: {  	v7 =	vld [tilespmem:s19+$0xCA40]  }
0x67a: {  	v8 =	vld [tilespmem:s19+$0xCA50]  }
0x67b: {  	v2 =	vld [tilespmem:s19+$0xCA60]  }
0x67c: {  	[tilespmem:s19+$0x14A00] =	vst.add.f32.msk $0xffff, v3  }
.Ltmp28:
0x67d: {  	[tilespmem:s19+$0x14A10] =	vst.add.f32.msk $0xffff, v4;
	(pc) =	sbr.rel @p0 .LBB2_59-.Ltmp28, $4  }
0x67e: {  	[tilespmem:s19+$0x14A20] =	vst.add.f32.msk $0xffff, v5  }
0x67f: {  	[tilespmem:s19+$0x14A30] =	vst.add.f32.msk $0xffff, v6  }
0x680: {  	[tilespmem:s19+$0x14A40] =	vst.add.f32.msk $0xffff, v7  }
0x681: {  	s24 =	sadd.s32 $0x1000, s24;
	[tilespmem:s19+$0x14A50] =	vst.add.f32.msk $0xffff, v8  }
0x682: {  	[tilespmem:s19+$0x14A60] =	vst.add.f32.msk $0xffff, v2;
	s19 =	simm.s32 $0x0  }
0x683: {  	v2 =	vld [tilespmem:s19+$0xCAF0]  }
0x684: {  	v3 =	vld [tilespmem:s19+$0xCA80]  }
0x685: {  	v4 =	vld [tilespmem:s19+$0xCA90]  }
0x686: {  	v5 =	vld [tilespmem:s19+$0xCAA0]  }
0x687: {  	v6 =	vld [tilespmem:s19+$0xCAB0]  }
0x688: {  	v7 =	vld [tilespmem:s19+$0xCAC0]  }
0x689: {  	v8 =	vld [tilespmem:s19+$0xCAD0]  }
0x68a: {  	[tilespmem:s19+$0x14AF0] =	vst.add.f32.msk $0xffff, v2  }
0x68b: {  	v2 =	vld [tilespmem:s19+$0xCAE0]  }
0x68c: {  	[tilespmem:s19+$0x14A80] =	vst.add.f32.msk $0xffff, v3  }
0x68d: {  	[tilespmem:s19+$0x14A90] =	vst.add.f32.msk $0xffff, v4  }
0x68e: {  	[tilespmem:s19+$0x14AA0] =	vst.add.f32.msk $0xffff, v5  }
0x68f: {  	[tilespmem:s19+$0x14AB0] =	vst.add.f32.msk $0xffff, v6  }
0x690: {  	[tilespmem:s19+$0x14AC0] =	vst.add.f32.msk $0xffff, v7  }
0x691: {  	s20 =	simm.s32 $0x0;
	s24 =	simm.s32 $0x1000;
	[tilespmem:s19+$0x14AD0] =	vst.add.f32.msk $0xffff, v8  }
.LBB2_61:
0x692: {  	s20 =	sadd.s32 $0x8, s20;
	[tilespmem:s19+$0x14AE0] =	vst.add.f32.msk $0xffff, v2;
	s19 =	sshra.s32 s24, $0x2  }
0x693: {  	v2 =	vld [tilespmem:s19+$0xCAF0];
	p0 =	slt.u32 s20, $0x78  }
0x694: {  	v3 =	vld [tilespmem:s19+$0xCA80]  }
0x695: {  	v4 =	vld [tilespmem:s19+$0xCA90]  }
0x696: {  	v5 =	vld [tilespmem:s19+$0xCAA0]  }
0x697: {  	v6 =	vld [tilespmem:s19+$0xCAB0]  }
0x698: {  	[tilespmem:s19+$0x14AF0] =	vst.add.f32.msk $0xffff, v2  }
0x699: {  	v7 =	vld [tilespmem:s19+$0xCAC0]  }
0x69a: {  	v8 =	vld [tilespmem:s19+$0xCAD0]  }
0x69b: {  	v2 =	vld [tilespmem:s19+$0xCAE0]  }
0x69c: {  	[tilespmem:s19+$0x14A80] =	vst.add.f32.msk $0xffff, v3  }
.Ltmp29:
0x69d: {  	[tilespmem:s19+$0x14A90] =	vst.add.f32.msk $0xffff, v4;
	(pc) =	sbr.rel @p0 .LBB2_61-.Ltmp29, $4  }
0x69e: {  	[tilespmem:s19+$0x14AA0] =	vst.add.f32.msk $0xffff, v5  }
0x69f: {  	[tilespmem:s19+$0x14AB0] =	vst.add.f32.msk $0xffff, v6  }
0x6a0: {  	[tilespmem:s19+$0x14AC0] =	vst.add.f32.msk $0xffff, v7  }
0x6a1: {  	s24 =	sadd.s32 $0x1000, s24;
	[tilespmem:s19+$0x14AD0] =	vst.add.f32.msk $0xffff, v8  }
0x6a2: {  	[tilespmem:s19+$0x14AE0] =	vst.add.f32.msk $0xffff, v2  }
0x6a3: {  	s19 =	sld [smem:$0x7FC];
	_ =	sdelay $0x2  }
0x6a4: {  	s20 =	simm.s32 $0x0;
	s3 =	simm.s32 $0x14A00;
	s19 =	sadd.s32 s16, s19  }
0x6a5: {  	[hbm4b:s19+s20] =	stream.linear.scatter [tilespmem:s3], [sflag:$0x4], $0x100, $0x38;
	[tilespmem:$0x18800] =	vst v63  }
0x6a6: {  	s25 =	simm.s32 $0x14E00;
	s24 =	sadd.s32 $0x80, s19  }
0x6a7: {  	[hbm4b:s24+s20] =	stream.linear.scatter [tilespmem:s25], [sflag:$0x4], $0x100, $0x38;
	[tilespmem:$0x18800] =	vst v63  }
0x6a8: {  	s3 =	sadd.s32 $0x100, s19;
	s25 =	simm.s32 $0x15200  }
0x6a9: {  	[hbm4b:s3+s20] =	stream.linear.scatter [tilespmem:s25], [sflag:$0x4], $0x100, $0x38;
	[tilespmem:$0x18800] =	vst v63  }
0x6aa: {  	s3 =	sadd.s32 $0x180, s19;
	s25 =	simm.s32 $0x15600  }
0x6ab: {  	[hbm4b:s3+s20] =	stream.linear.scatter [tilespmem:s25], [sflag:$0x4], $0x100, $0x38;
	[tilespmem:$0x18800] =	vst v63  }
0x6ac: {  	s3 =	sadd.s32 $0x200, s19;
	s25 =	simm.s32 $0x15A00  }
0x6ad: {  	[hbm4b:s3+s20] =	stream.linear.scatter [tilespmem:s25], [sflag:$0x4], $0x100, $0x38;
	[tilespmem:$0x18800] =	vst v63  }
0x6ae: {  	s3 =	sadd.s32 $0x280, s19;
	s25 =	simm.s32 $0x15E00  }
0x6af: {  	[hbm4b:s3+s20] =	stream.linear.scatter [tilespmem:s25], [sflag:$0x4], $0x100, $0x38;
	[tilespmem:$0x18800] =	vst v63  }
0x6b0: {  	s3 =	sadd.s32 $0x300, s19;
	s25 =	simm.s32 $0x16200  }
0x6b1: {  	[hbm4b:s3+s20] =	stream.linear.scatter [tilespmem:s25], [sflag:$0x4], $0x100, $0x38;
	[tilespmem:$0x18800] =	vst v63  }
0x6b2: {  	s3 =	sadd.s32 $0x380, s19;
	s25 =	simm.s32 $0x16600  }
0x6b3: {  	[hbm4b:s3+s20] =	stream.linear.scatter [tilespmem:s25], [sflag:$0x4], $0x100, $0x38;
	[tilespmem:$0x18800] =	vst v63  }
0x6b4: {  	s3 =	sadd.s32 $0x400, s19;
	s25 =	simm.s32 $0x16A00  }
0x6b5: {  	[hbm4b:s3+s20] =	stream.linear.scatter [tilespmem:s25], [sflag:$0x4], $0x100, $0x38;
	[tilespmem:$0x18800] =	vst v63  }
0x6b6: {  	s3 =	sadd.s32 $0x480, s19;
	s25 =	simm.s32 $0x16E00  }
0x6b7: {  	[hbm4b:s3+s20] =	stream.linear.scatter [tilespmem:s25], [sflag:$0x4], $0x100, $0x38;
	[tilespmem:$0x18800] =	vst v63  }
0x6b8: {  	s3 =	sadd.s32 $0x500, s19;
	s25 =	simm.s32 $0x17200  }
0x6b9: {  	[hbm4b:s3+s20] =	stream.linear.scatter [tilespmem:s25], [sflag:$0x4], $0x100, $0x38;
	[tilespmem:$0x18800] =	vst v63  }
0x6ba: {  	s3 =	sadd.s32 $0x580, s19;
	s25 =	simm.s32 $0x17600  }
0x6bb: {  	[hbm4b:s3+s20] =	stream.linear.scatter [tilespmem:s25], [sflag:$0x4], $0x100, $0x38;
	[tilespmem:$0x18800] =	vst v63  }
0x6bc: {  	s3 =	sadd.s32 $0x600, s19;
	s25 =	simm.s32 $0x17A00  }
0x6bd: {  	[hbm4b:s3+s20] =	stream.linear.scatter [tilespmem:s25], [sflag:$0x4], $0x100, $0x38;
	[tilespmem:$0x18800] =	vst v63  }
0x6be: {  	s3 =	sadd.s32 $0x680, s19;
	s25 =	simm.s32 $0x17E00  }
0x6bf: {  	[hbm4b:s3+s20] =	stream.linear.scatter [tilespmem:s25], [sflag:$0x4], $0x100, $0x38;
	[tilespmem:$0x18800] =	vst v63  }
0x6c0: {  	s3 =	sadd.s32 $0x700, s19;
	s25 =	simm.s32 $0x18200  }
0x6c1: {  	[hbm4b:s3+s20] =	stream.linear.scatter [tilespmem:s25], [sflag:$0x4], $0x100, $0x38;
	[tilespmem:$0x18800] =	vst v63  }
0x6c2: {  	s19 =	sadd.s32 $0x780, s19;
	s25 =	simm.s32 $0x18600  }
0x6c3: {  	[hbm4b:s19+s20] =	stream.linear.scatter [tilespmem:s25], [sflag:$0x4], $0x100, $0x38;
	[tilespmem:$0x18800] =	vst v63  }
0x6c4: {  	s19 =	simm.s32 $0x0  }
0x6c5: {  	v2 =	vld [tilespmem:s19+$0xCB70]  }
0x6c6: {  	v3 =	vld [tilespmem:s19+$0xCB00]  }
0x6c7: {  	v4 =	vld [tilespmem:s19+$0xCB10]  }
0x6c8: {  	v5 =	vld [tilespmem:s19+$0xCB20]  }
0x6c9: {  	v6 =	vld [tilespmem:s19+$0xCB30]  }
0x6ca: {  	v7 =	vld [tilespmem:s19+$0xCB40]  }
0x6cb: {  	v8 =	vld [tilespmem:s19+$0xCB50]  }
0x6cc: {  	[tilespmem:s19+$0x14B70] =	vst.add.f32.msk $0xffff, v2  }
0x6cd: {  	v2 =	vld [tilespmem:s19+$0xCB60]  }
0x6ce: {  	[tilespmem:s19+$0x14B00] =	vst.add.f32.msk $0xffff, v3  }
0x6cf: {  	[tilespmem:s19+$0x14B10] =	vst.add.f32.msk $0xffff, v4  }
0x6d0: {  	[tilespmem:s19+$0x14B20] =	vst.add.f32.msk $0xffff, v5  }
0x6d1: {  	[tilespmem:s19+$0x14B30] =	vst.add.f32.msk $0xffff, v6  }
0x6d2: {  	[tilespmem:s19+$0x14B40] =	vst.add.f32.msk $0xffff, v7  }
0x6d3: {  	s24 =	simm.s32 $0x1000;
	s20 =	simm.s32 $0x0;
	[tilespmem:s19+$0x14B50] =	vst.add.f32.msk $0xffff, v8  }
.LBB2_63:
0x6d4: {  	s20 =	sadd.s32 $0x8, s20;
	[tilespmem:s19+$0x14B60] =	vst.add.f32.msk $0xffff, v2;
	s19 =	sshra.s32 s24, $0x2  }
0x6d5: {  	v2 =	vld [tilespmem:s19+$0xCB70];
	p0 =	slt.u32 s20, $0x78  }
0x6d6: {  	v3 =	vld [tilespmem:s19+$0xCB00]  }
0x6d7: {  	v4 =	vld [tilespmem:s19+$0xCB10]  }
0x6d8: {  	v5 =	vld [tilespmem:s19+$0xCB20]  }
0x6d9: {  	v6 =	vld [tilespmem:s19+$0xCB30]  }
0x6da: {  	[tilespmem:s19+$0x14B70] =	vst.add.f32.msk $0xffff, v2  }
0x6db: {  	v7 =	vld [tilespmem:s19+$0xCB40]  }
0x6dc: {  	v8 =	vld [tilespmem:s19+$0xCB50]  }
0x6dd: {  	v2 =	vld [tilespmem:s19+$0xCB60]  }
0x6de: {  	[tilespmem:s19+$0x14B00] =	vst.add.f32.msk $0xffff, v3  }
.Ltmp30:
0x6df: {  	[tilespmem:s19+$0x14B10] =	vst.add.f32.msk $0xffff, v4;
	(pc) =	sbr.rel @p0 .LBB2_63-.Ltmp30, $4  }
0x6e0: {  	[tilespmem:s19+$0x14B20] =	vst.add.f32.msk $0xffff, v5  }
0x6e1: {  	[tilespmem:s19+$0x14B30] =	vst.add.f32.msk $0xffff, v6  }
0x6e2: {  	[tilespmem:s19+$0x14B40] =	vst.add.f32.msk $0xffff, v7  }
0x6e3: {  	s24 =	sadd.s32 $0x1000, s24;
	[tilespmem:s19+$0x14B50] =	vst.add.f32.msk $0xffff, v8  }
0x6e4: {  	[tilespmem:s19+$0x14B60] =	vst.add.f32.msk $0xffff, v2;
	s19 =	simm.s32 $0x0  }
0x6e5: {  	v2 =	vld [tilespmem:s19+$0xCBF0]  }
0x6e6: {  	v3 =	vld [tilespmem:s19+$0xCB80]  }
0x6e7: {  	v4 =	vld [tilespmem:s19+$0xCB90]  }
0x6e8: {  	v5 =	vld [tilespmem:s19+$0xCBA0]  }
0x6e9: {  	v6 =	vld [tilespmem:s19+$0xCBB0]  }
0x6ea: {  	v7 =	vld [tilespmem:s19+$0xCBC0]  }
0x6eb: {  	v8 =	vld [tilespmem:s19+$0xCBD0]  }
0x6ec: {  	[tilespmem:s19+$0x14BF0] =	vst.add.f32.msk $0xffff, v2  }
0x6ed: {  	v2 =	vld [tilespmem:s19+$0xCBE0]  }
0x6ee: {  	[tilespmem:s19+$0x14B80] =	vst.add.f32.msk $0xffff, v3  }
0x6ef: {  	[tilespmem:s19+$0x14B90] =	vst.add.f32.msk $0xffff, v4  }
0x6f0: {  	[tilespmem:s19+$0x14BA0] =	vst.add.f32.msk $0xffff, v5  }
0x6f1: {  	[tilespmem:s19+$0x14BB0] =	vst.add.f32.msk $0xffff, v6  }
0x6f2: {  	[tilespmem:s19+$0x14BC0] =	vst.add.f32.msk $0xffff, v7  }
0x6f3: {  	s20 =	simm.s32 $0x0;
	s24 =	simm.s32 $0x1000;
	[tilespmem:s19+$0x14BD0] =	vst.add.f32.msk $0xffff, v8  }
.LBB2_65:
0x6f4: {  	s20 =	sadd.s32 $0x8, s20;
	[tilespmem:s19+$0x14BE0] =	vst.add.f32.msk $0xffff, v2;
	s19 =	sshra.s32 s24, $0x2  }
0x6f5: {  	v2 =	vld [tilespmem:s19+$0xCBF0];
	p0 =	slt.u32 s20, $0x78  }
0x6f6: {  	v3 =	vld [tilespmem:s19+$0xCB80]  }
0x6f7: {  	v4 =	vld [tilespmem:s19+$0xCB90]  }
0x6f8: {  	v5 =	vld [tilespmem:s19+$0xCBA0]  }
0x6f9: {  	v6 =	vld [tilespmem:s19+$0xCBB0]  }
0x6fa: {  	[tilespmem:s19+$0x14BF0] =	vst.add.f32.msk $0xffff, v2  }
0x6fb: {  	v7 =	vld [tilespmem:s19+$0xCBC0]  }
0x6fc: {  	v8 =	vld [tilespmem:s19+$0xCBD0]  }
0x6fd: {  	v2 =	vld [tilespmem:s19+$0xCBE0]  }
0x6fe: {  	[tilespmem:s19+$0x14B80] =	vst.add.f32.msk $0xffff, v3  }
.Ltmp31:
0x6ff: {  	[tilespmem:s19+$0x14B90] =	vst.add.f32.msk $0xffff, v4;
	(pc) =	sbr.rel @p0 .LBB2_65-.Ltmp31, $4  }
0x700: {  	[tilespmem:s19+$0x14BA0] =	vst.add.f32.msk $0xffff, v5  }
0x701: {  	[tilespmem:s19+$0x14BB0] =	vst.add.f32.msk $0xffff, v6  }
0x702: {  	[tilespmem:s19+$0x14BC0] =	vst.add.f32.msk $0xffff, v7  }
0x703: {  	s24 =	sadd.s32 $0x1000, s24;
	[tilespmem:s19+$0x14BD0] =	vst.add.f32.msk $0xffff, v8  }
0x704: {  	[tilespmem:s19+$0x14BE0] =	vst.add.f32.msk $0xffff, v2  }
0x705: {  	s19 =	sld [smem:$0x7FD];
	_ =	sdelay $0x2  }
0x706: {  	s3 =	simm.s32 $0x14B00;
	s16 =	sadd.s32 s16, s19  }
0x707: {  	[hbm4b:s16+s4] =	stream.linear.scatter [tilespmem:s3], [sflag:$0x4], $0x100, $0x38;
	[tilespmem:$0x18800] =	vst v63  }
0x708: {  	s25 =	simm.s32 $0x14F00;
	s19 =	sadd.s32 $0x80, s16  }
0x709: {  	[hbm4b:s19+s4] =	stream.linear.scatter [tilespmem:s25], [sflag:$0x4], $0x100, $0x38;
	[tilespmem:$0x18800] =	vst v63  }
0x70a: {  	s20 =	simm.s32 $0x15300;
	s3 =	sadd.s32 $0x100, s16  }
0x70b: {  	[hbm4b:s3+s4] =	stream.linear.scatter [tilespmem:s20], [sflag:$0x4], $0x100, $0x38;
	[tilespmem:$0x18800] =	vst v63  }
0x70c: {  	s24 =	sadd.s32 $0x180, s16;
	s25 =	simm.s32 $0x15700  }
0x70d: {  	[hbm4b:s24+s4] =	stream.linear.scatter [tilespmem:s25], [sflag:$0x4], $0x100, $0x38;
	[tilespmem:$0x18800] =	vst v63  }
0x70e: {  	s3 =	sadd.s32 $0x200, s16;
	s20 =	simm.s32 $0x15B00  }
0x70f: {  	[hbm4b:s3+s4] =	stream.linear.scatter [tilespmem:s20], [sflag:$0x4], $0x100, $0x38;
	[tilespmem:$0x18800] =	vst v63  }
0x710: {  	s24 =	sadd.s32 $0x280, s16;
	s25 =	simm.s32 $0x15F00  }
0x711: {  	[hbm4b:s24+s4] =	stream.linear.scatter [tilespmem:s25], [sflag:$0x4], $0x100, $0x38;
	[tilespmem:$0x18800] =	vst v63  }
0x712: {  	s3 =	sadd.s32 $0x300, s16;
	s20 =	simm.s32 $0x16300  }
0x713: {  	[hbm4b:s3+s4] =	stream.linear.scatter [tilespmem:s20], [sflag:$0x4], $0x100, $0x38;
	[tilespmem:$0x18800] =	vst v63  }
0x714: {  	s24 =	sadd.s32 $0x380, s16;
	s25 =	simm.s32 $0x16700  }
0x715: {  	[hbm4b:s24+s4] =	stream.linear.scatter [tilespmem:s25], [sflag:$0x4], $0x100, $0x38;
	[tilespmem:$0x18800] =	vst v63  }
0x716: {  	s3 =	sadd.s32 $0x400, s16;
	s20 =	simm.s32 $0x16B00  }
0x717: {  	[hbm4b:s3+s4] =	stream.linear.scatter [tilespmem:s20], [sflag:$0x4], $0x100, $0x38;
	[tilespmem:$0x18800] =	vst v63  }
0x718: {  	s24 =	sadd.s32 $0x480, s16;
	s25 =	simm.s32 $0x16F00  }
0x719: {  	[hbm4b:s24+s4] =	stream.linear.scatter [tilespmem:s25], [sflag:$0x4], $0x100, $0x38;
	[tilespmem:$0x18800] =	vst v63  }
0x71a: {  	s3 =	sadd.s32 $0x500, s16;
	s20 =	simm.s32 $0x17300  }
0x71b: {  	[hbm4b:s3+s4] =	stream.linear.scatter [tilespmem:s20], [sflag:$0x4], $0x100, $0x38;
	[tilespmem:$0x18800] =	vst v63  }
0x71c: {  	s24 =	sadd.s32 $0x580, s16;
	s25 =	simm.s32 $0x17700  }
0x71d: {  	[hbm4b:s24+s4] =	stream.linear.scatter [tilespmem:s25], [sflag:$0x4], $0x100, $0x38;
	[tilespmem:$0x18800] =	vst v63  }
0x71e: {  	s15 =	sadd.s32 $0x1, s15;
	s3 =	sadd.s32 $0x600, s16;
	s20 =	simm.s32 $0x17B00  }
0x71f: {  	[hbm4b:s3+s4] =	stream.linear.scatter [tilespmem:s20], [sflag:$0x4], $0x100, $0x38;
	[tilespmem:$0x18800] =	vst v63  }
0x720: {  	p0 =	sne.s32 s15, $0x10;
	s24 =	sadd.s32 $0x680, s16;
	s25 =	simm.s32 $0x17F00  }
0x721: {  	[hbm4b:s24+s4] =	stream.linear.scatter [tilespmem:s25], [sflag:$0x4], $0x100, $0x38;
	[tilespmem:$0x18800] =	vst v63  }
.Ltmp32:
0x722: {  	_ = 	snop;
	(pc) =	sbr.rel @p0 .LBB2_2-.Ltmp32, $4  }
0x723: {  	s20 =	sadd.s32 $0x700, s16;
	s24 =	simm.s32 $0x18300  }
0x724: {  	[hbm4b:s20+s4] =	stream.linear.scatter [tilespmem:s24], [sflag:$0x4], $0x100, $0x38;
	[tilespmem:$0x18800] =	vst v63  }
0x725: {  	s16 =	sadd.s32 $0x780, s16;
	s25 =	simm.s32 $0x18700  }
0x726: {  	[hbm4b:s16+s4] =	stream.linear.scatter [tilespmem:s25], [sflag:$0x4], $0x100, $0x38;
	[tilespmem:$0x18800] =	vst v63  }
0x727: {  	_ =	swait.ge [sflag:s14], $0x4000  }
0x728: {  	[sflag:s14] =	ssyncset.done $0x0  }
0x729: {  	[sflag:s14] =	ssyncadd.s32 $0xFFFFC000  }
0x72a: {  	_ =	swait.ge [sflag:s17], $0x4000  }
0x72b: {  	s3 =	sld [smem:$0x7F6];
	_ =	sdelay $0x2  }
0x72c: {  	s15 =	rddreg [dreg:$0x17];
	s3 =	sadd.s32 $0x1, s3  }
0x72d: {  	p0 =	sne.s32 s3, s15  }
.Ltmp33:
0x72e: {  	_ = 	snop;
	(pc) =	sbr.rel @p0 .LBB2_1-.Ltmp33, $3  }
0x72f: {  	_ =	sdelay $0x1  }
0x730: {  	[sflag:s17] =	ssyncset.done $0x0  }
0x731: {  	[sflag:s17] =	ssyncadd.s32 $0xFFFFC000  }
0x732: {  	_ =	sfence.sel $0x180000  }
0x733: {  	[bflag:$0x0] =	sbarrier.arrive $0xFFFF  }
0x734: {  	_ =	strace $0x90000047  }
0x735: {  	s0 =	stileid.u32;
	[bflag:$0x2] =	sbarrier.arrive $0xFFFF  }
0x736: {  	p0 =	sne.s32 s0, $0x0;
	s0 =	rddreg [dreg:$0x4]  }
0x737: {  	s0 =	sadd.s32 @!p0 $0x100000, s0  }
0x738: {  	[sflag:s0] =	ssyncadd.tile.s32 @!p0 $0x1;
	_ =	shalt  }
.Lfunc_end2:
_tile_overlayer_lowered:
.L_overlay_start_2:
0x739: {  	(tag) =	ssettag $0x2  }
0x73a: {  	s0 =	rddreg [dreg:$0x0];
	s2 =	stileid.u32  }
0x73b: {  	s1 =	rddreg [dreg:$0x1];
	p0 =	sne.s32 s2, $0x0  }
0x73c: {  	s3 =	rddreg [dreg:$0x2];
	[bflag:$0x3] =	sbarrier.arrive $0xFFFF;
	s2 =	simm.s32 @!p0 $0x1C05  }
0x73d: {  	[timem:s3], [sflag:s2] =	dma.local @!p0 [hbm:s0], s1  }
0x73e: {  	s0 =	simm.s32 @!p0 $0x5  }
0x73f: {  	_ =	swait.ge @!p0 [sflag:s0], s1  }
0x740: {  	s1 =	ssub.s32 @!p0 $0x0, s1;
	[sflag:s0] =	ssyncset.done @!p0 $0x0  }
0x741: {  	[sflag:s0] =	ssyncadd.s32 @!p0 s1  }
0x742: {  	[bflag:$0x3] =	sbarrier.arrive $0xFFFF  }
0x743: {  	_ =	shalt  }

</sc_bundles>
